<compile_context>
chip_gen: v7x
topology: tpu7x:2x2x1
jax: 0.10.2.dev20260603
libtpu: 0.0.44.dev20260713+nightly
codegen_flags: <defaults>
</compile_context>

<pallas_src>
import functools

import jax
import jax.numpy as jnp
from jax import lax
from jax.experimental import pallas as pl
from jax.experimental.pallas import tpu as pltpu
from jax.experimental.pallas import tpu_sc as plsc

BATCH = 4096
D = 256
K = 64
N1 = K * K
CHUNK = 512
NTILES = 32
SCB = 2048
TCB = BATCH - SCB
PER = SCB // NTILES
LANES = 16
G = 8


def _tc01_body(e_ref, c0_ref, c1_ref, p0_ref, d0_ref, p1_ref, d1_ref, ridx_ref):
    e = e_ref[...]
    norme = jnp.sum(e * e, axis=1)
    lhs = jnp.concatenate([-2.0 * e, jnp.ones((CHUNK, 1), jnp.float32)], axis=1)

    c0 = c0_ref[...]
    normc0 = jnp.sum(c0 * c0, axis=1)
    rhs0 = jnp.concatenate([c0, normc0[:, None]], axis=1)
    scores0 = lax.dot_general(lhs, rhs0, (((1,), (1,)), ((), ())),
                              preferred_element_type=jnp.float32,
                              precision=lax.Precision.HIGHEST)
    col64 = lax.broadcasted_iota(jnp.int32, (CHUNK, K), 1)
    best0 = jnp.full((CHUNK,), jnp.inf, jnp.float32)
    bestj0 = jnp.zeros((CHUNK,), jnp.int32)
    cur = scores0
    for k in range(4):
        jk = jnp.argmin(cur, axis=1).astype(jnp.int32)
        sel = col64 == jk[:, None]
        oh = sel.astype(jnp.float32)
        ck = lax.dot_general(oh, c0, (((1,), (0,)), ((), ())),
                             preferred_element_type=jnp.float32,
                             precision=lax.Precision.HIGHEST)
        nk = jnp.sqrt(jnp.sum((e - ck) ** 2, axis=1))
        upd = (nk < best0) | ((nk == best0) & (jk < bestj0))
        best0 = jnp.where(upd, nk, best0)
        bestj0 = jnp.where(upd, jk, bestj0)
        if k < 3:
            cur = jnp.where(sel, jnp.inf, cur)
    p0_ref[...] = bestj0
    d0_ref[...] = best0

    lo = bestj0 * K
    norme = jnp.sum(e * e, axis=1)
    lhs = jnp.concatenate([-2.0 * e, jnp.ones((CHUNK, 1), jnp.float32)], axis=1)
    CC = 512

    def l1_body(q, carry):
        best, bestj = carry
        c1q = c1_ref[pl.ds(q * CC, CC), :]
        normq = jnp.sum(c1q * c1q, axis=1)
        rhs = jnp.concatenate([c1q, normq[:, None]], axis=1)
        scores = lax.dot_general(lhs, rhs, (((1,), (1,)), ((), ())),
                                 preferred_element_type=jnp.float32,
                                 precision=lax.Precision.HIGHEST)
        col = q * CC + lax.broadcasted_iota(jnp.int32, (CHUNK, CC), 1)
        inwin = (col >= lo[:, None]) & (col < lo[:, None] + K)
        masked = jnp.where(inwin, scores, jnp.inf)
        m = jnp.min(masked, axis=1)
        am = jnp.argmin(masked, axis=1).astype(jnp.int32) + q * CC
        upd = m < best
        return jnp.where(upd, m, best), jnp.where(upd, am, bestj)

    best1 = jnp.full((CHUNK,), jnp.inf, jnp.float32)
    bestc1 = jnp.zeros((CHUNK,), jnp.int32)
    best1, p1 = lax.fori_loop(0, N1 // CC, l1_body, (best1, bestc1))
    d1 = jnp.sqrt(jnp.maximum(best1 + norme, 0.0))
    p1_ref[...] = p1
    d1_ref[...] = d1
    ridx_ref[...] = p1[:, None] * K + lax.broadcasted_iota(jnp.int32, (CHUNK, K), 1)


_tc01 = pl.pallas_call(
    _tc01_body,
    grid=(BATCH // CHUNK,),
    in_specs=[
        pl.BlockSpec((CHUNK, D), lambda i: (i, 0)),
        pl.BlockSpec((K, D), lambda i: (0, 0)),
        pl.BlockSpec((N1, D), lambda i: (0, 0)),
    ],
    out_specs=[
        pl.BlockSpec((CHUNK,), lambda i: (i,)),
        pl.BlockSpec((CHUNK,), lambda i: (i,)),
        pl.BlockSpec((CHUNK,), lambda i: (i,)),
        pl.BlockSpec((CHUNK,), lambda i: (i,)),
        pl.BlockSpec((CHUNK, K), lambda i: (i, 0)),
    ],
    out_shape=[
        jax.ShapeDtypeStruct((BATCH,), jnp.int32),
        jax.ShapeDtypeStruct((BATCH,), jnp.float32),
        jax.ShapeDtypeStruct((BATCH,), jnp.int32),
        jax.ShapeDtypeStruct((BATCH,), jnp.float32),
        jax.ShapeDtypeStruct((BATCH, K), jnp.int32),
    ],
)


def _tc2_body(p1s_ref, *refs):
    c2refs = refs[:G]
    e_ref, p1_ref = refs[G], refs[G + 1]
    leaf_ref, d_ref = refs[G + 2], refs[G + 3]

    e = e_ref[...]
    blocks = jnp.concatenate([c2refs[k][...] for k in range(G)], axis=0)
    sq = blocks * blocks
    normc = jnp.sum(sq, axis=1, keepdims=True)
    rhs = jnp.concatenate([blocks, normc], axis=1)
    lhs = jnp.concatenate([-2.0 * e, jnp.ones((G, 1), jnp.float32)], axis=1)
    scores = lax.dot_general(lhs, rhs, (((1,), (1,)), ((), ())),
                             preferred_element_type=jnp.float32,
                             precision=lax.Precision.HIGHEST)
    row = lax.broadcasted_iota(jnp.int32, (G, G * K), 0)
    col = lax.broadcasted_iota(jnp.int32, (G, G * K), 1)
    inwin = (col >= row * K) & (col < row * K + K)
    masked = jnp.where(inwin, scores, jnp.inf)
    am = jnp.argmin(masked, axis=1).astype(jnp.int32)
    oh = (col == am[:, None]).astype(jnp.float32)
    ck = lax.dot_general(oh, blocks, (((1,), (0,)), ((), ())),
                         preferred_element_type=jnp.float32,
                         precision=lax.Precision.HIGHEST)
    d = jnp.sqrt(jnp.sum((e - ck) ** 2, axis=1))
    jloc = am - lax.iota(jnp.int32, G) * K
    p1v = p1_ref[...][:, 0]
    leaf_ref[...] = jnp.broadcast_to((p1v * K + jloc)[:, None], (G, 128))
    d_ref[...] = jnp.broadcast_to(d[:, None], (G, 128))


_tc2 = pl.pallas_call(
    _tc2_body,
    grid_spec=pltpu.PrefetchScalarGridSpec(
        num_scalar_prefetch=1,
        grid=(TCB // G,),
        in_specs=(
            [pl.BlockSpec((K, D), functools.partial(
                lambda k, i, pref: (pref[i * G + k], 0), k)) for k in range(G)]
            + [pl.BlockSpec((G, D), lambda i, pref: (i, 0)),
               pl.BlockSpec((G, 128), lambda i, pref: (i, 0))]
        ),
        out_specs=[
            pl.BlockSpec((G, 128), lambda i, pref: (i, 0)),
            pl.BlockSpec((G, 128), lambda i, pref: (i, 0)),
        ],
    ),
    out_shape=[
        jax.ShapeDtypeStruct((TCB, 128), jnp.int32),
        jax.ShapeDtypeStruct((TCB, 128), jnp.float32),
    ],
)


def _sc2_body(c2_hbm, emb_hbm, ridx_hbm, oi_hbm, od_hbm,
              idx_v, emb_v, rows_v, part_v, oi_v, od_v, sem0, sem1):
    cid = lax.axis_index("c")
    sid = lax.axis_index("s")
    wid = sid * 2 + cid
    base = wid * PER
    pltpu.sync_copy(ridx_hbm.at[pl.ds(base, PER)], idx_v)
    pltpu.sync_copy(emb_hbm.at[pl.ds(base, PER)], emb_v)

    sems = (sem0, sem1)
    lanes = lax.iota(jnp.int32, LANES)
    onelane = lanes == 0
    zeros16 = jnp.zeros((LANES,), jnp.int32)

    pltpu.async_copy(c2_hbm.at[idx_v.at[0]], rows_v.at[0], sem0)

    def do_embedding(b, p):
        pltpu.make_async_copy(c2_hbm.at[pl.ds(0, K)], rows_v.at[p], sems[p]).wait()

        @pl.when(b + 1 < PER)
        def _():
            pltpu.async_copy(c2_hbm.at[idx_v.at[b + 1]], rows_v.at[1 - p],
                             sems[1 - p])

        rows = rows_v.at[p]
        ev = [emb_v[b, pl.ds(LANES * c, LANES)] for c in range(D // LANES)]

        best = jnp.full((LANES,), jnp.inf, jnp.float32)
        bestj = zeros16
        for g in range(K // LANES):
            def row_body(r, carry):
                acc = jnp.zeros((LANES,), jnp.float32)
                j = g * LANES + r
                for c in range(D // LANES):
                    dd = rows[j, pl.ds(LANES * c, LANES)] - ev[c]
                    acc = dd * dd + acc
                part_v[pl.ds(r * LANES, LANES)] = acc
                return carry

            lax.fori_loop(0, LANES, row_body, jnp.asarray(0, jnp.int32))
            tot = jnp.zeros((LANES,), jnp.float32)
            for t in range(LANES):
                tot = tot + plsc.load_gather(part_v, [lanes * LANES + t])
            jidx = lanes + g * LANES
            upd = tot < best
            best = jnp.where(upd, tot, best)
            bestj = jnp.where(upd, jidx, bestj)

        sk, sv = plsc.sort_key_val(best, bestj)
        bvec = jnp.full((LANES,), b, jnp.int32)
        winbase = plsc.load_gather(idx_v, [bvec, zeros16])
        plsc.store_scatter(oi_v, [bvec], winbase + sv, mask=onelane)
        plsc.store_scatter(od_v, [bvec], sk, mask=onelane)

    def loop_body(i, carry):
        for p in range(2):
            do_embedding(2 * i + p, p)
        return carry

    lax.fori_loop(0, PER // 2, loop_body, jnp.asarray(0, jnp.int32))
    pltpu.sync_copy(oi_v, oi_hbm.at[pl.ds(base, PER)])
    pltpu.sync_copy(od_v, od_hbm.at[pl.ds(base, PER)])


@functools.lru_cache(maxsize=None)
def _make_sc2():
    return functools.partial(
        pl.kernel,
        out_type=(jax.ShapeDtypeStruct((SCB,), jnp.int32),
                  jax.ShapeDtypeStruct((SCB,), jnp.float32)),
        mesh=plsc.VectorSubcoreMesh(core_axis_name="c", subcore_axis_name="s"),
        compiler_params=pltpu.CompilerParams(needs_layout_passes=False),
        scratch_types=[
            pltpu.VMEM((PER, K), jnp.int32),
            pltpu.VMEM((PER, D), jnp.float32),
            pltpu.VMEM((2, K, D), jnp.float32),
            pltpu.VMEM((LANES * LANES,), jnp.float32),
            pltpu.VMEM((PER,), jnp.int32),
            pltpu.VMEM((PER,), jnp.float32),
            pltpu.SemaphoreType.DMA,
            pltpu.SemaphoreType.DMA,
        ],
    )(_sc2_body)


def kernel(embedding, centroids_0, centroids_1, centroids_2):
    p0, d0, p1, d1, ridx = _tc01(embedding, centroids_0, centroids_1)
    leaf_sc, d2sq = _make_sc2()(centroids_2, embedding[:SCB], ridx[:SCB])
    p1_tc = p1[SCB:]
    leaf_tc, d2_tc = _tc2(p1_tc, *([centroids_2] * G), embedding[SCB:],
                          jnp.broadcast_to(p1_tc[:, None], (TCB, 128)))
    leaf = jnp.concatenate([leaf_sc, leaf_tc[:, 0]])
    d2 = jnp.concatenate([jnp.sqrt(d2sq), d2_tc[:, 0]])
    paths = jnp.stack([p0, p1, leaf], axis=1)
    dists = jnp.stack([d0, d1, d2], axis=1)
    return leaf, paths, dists

# --- scband reference (transcript-rebuilt; emitter-appended) ---
"""Pipeline reference for scband-hierarchical-clusterer-45681272160869 (READ-ONLY COPY).

The authoritative reference and input builder live on the scoring server;
editing this copy changes nothing except your own understanding.
"""

import jax, jax.numpy as jnp
import numpy as np

PATTERN_DIM = 256
NUM_LEVELS = 3
BRANCHING = 64
BATCH = 4096


def setup_inputs(seed: int = 0) -> dict:
    key = jax.random.key(seed)
    k1, k2, k3, k4 = jax.random.split(key, 4)
    embedding = jax.random.normal(k1, (BATCH, PATTERN_DIM), dtype=jnp.float32)
    # learned parameters: per-level centroid tables, sized branching_factor**(level+1)
    centroids_0 = jax.random.normal(k2, (BRANCHING ** 1, PATTERN_DIM), dtype=jnp.float32) * 0.1
    centroids_1 = jax.random.normal(k3, (BRANCHING ** 2, PATTERN_DIM), dtype=jnp.float32) * 0.1
    centroids_2 = jax.random.normal(k4, (BRANCHING ** 3, PATTERN_DIM), dtype=jnp.float32) * 0.1
    return {
        "embedding": embedding,
        "centroids_0": centroids_0,
        "centroids_1": centroids_1,
        "centroids_2": centroids_2,
    }


def _assign_one(emb, centroids_list):
    """Faithful port of HierarchicalClusterer.assign_cluster for one embedding.

    At each level, look at the block of `branching_factor` children of the
    current node (rows [current_idx*bf : current_idx*bf + bf]), pick the
    nearest centroid by L2 norm, descend.
    Returns (leaf_id, path[num_levels], min_dist_per_level[num_levels]).
    """
    path = []
    min_ds = []
    current_idx = jnp.asarray(0, dtype=jnp.int32)
    for level, cent in enumerate(centroids_list):
        start_idx = current_idx * BRANCHING
        # end_idx = start_idx + BRANCHING always <= len(cent) for these sizes,
        # so the original's early-break never triggers.
        level_centroids = jax.lax.dynamic_slice(
            cent, (start_idx, jnp.asarray(0, dtype=jnp.int32)), (BRANCHING, PATTERN_DIM)
        )
        distances = jnp.linalg.norm(level_centroids - emb[None, :], axis=-1)
        nearest = jnp.argmin(distances).astype(jnp.int32)
        path.append(start_idx + nearest)
        min_ds.append(jnp.min(distances))
        current_idx = start_idx + nearest
    leaf_id = path[-1]
    return leaf_id, jnp.stack(path), jnp.stack(min_ds)


def reference(embedding, centroids_0, centroids_1, centroids_2):
    cents = (centroids_0, centroids_1, centroids_2)
    leaf_ids, paths, min_dists = jax.vmap(lambda e: _assign_one(e, cents))(embedding)
    return leaf_ids, paths, min_dists

if __name__ == "__main__":
    import jax
    _d = setup_inputs()
    print(jax.jit(kernel)(*tuple(_d.values())))

</pallas_src>

<mosaic_0001>
#map = affine_map<(d0, d1) -> (0, 0)>
#map1 = affine_map<(d0, d1) -> (0)>
module attributes {stable_mosaic.version = 14 : i64} {
  func.func @_sc2_body(%arg0: i32, %arg1: i32, %arg2: memref<262144x256xf32, #tpu.memory_space<hbm>>, %arg3: memref<2048x256xf32, #tpu.memory_space<hbm>>, %arg4: memref<2048x64xi32, #tpu.memory_space<hbm>>, %arg5: memref<2048xi32, #tpu.memory_space<hbm>>, %arg6: memref<2048xf32, #tpu.memory_space<hbm>>, %arg7: memref<64x64xi32, #tpu.memory_space<vmem>>, %arg8: memref<64x256xf32, #tpu.memory_space<vmem>>, %arg9: memref<2x64x256xf32, #tpu.memory_space<vmem>>, %arg10: memref<256xf32, #tpu.memory_space<vmem>>, %arg11: memref<64xi32, #tpu.memory_space<vmem>>, %arg12: memref<64xf32, #tpu.memory_space<vmem>>, %arg13: memref<!tpu.dma_semaphore, #tpu.memory_space<semaphore_mem>>, %arg14: memref<!tpu.dma_semaphore, #tpu.memory_space<semaphore_mem>>) attributes {dimension_semantics = [#tpu.dimension_semantics<core_parallel>, #tpu.dimension_semantics<subcore_parallel>], iteration_bounds = array<i64: 2, 16>, scalar_prefetch = 0 : i64, scratch_operands = 8 : i64, tpu.core_type = #tpu.core_type<sc_vector_subcore>, window_params = [{transform_indices = #map}, {transform_indices = #map}, {transform_indices = #map}, {transform_indices = #map1}, {transform_indices = #map1}]} {
    %mul3A = arith.constant 2 : i32
    %mul3A_0 = arith.muli %arg1, %mul3A : i32
    %add3A = arith.addi %mul3A_0, %arg0 : i32
    %mul3A_1 = arith.constant 64 : i32
    %mul3A_2 = arith.muli %add3A, %mul3A_1 : i32
    "tpu.region"() ({
      %run_scoped3A = tpu.sem_alloc : memref<!tpu.dma_semaphore, #tpu.memory_space<semaphore_mem>>
      %dma_start3A_22 = arith.constant 0 : i32
      %dma_start3A_23 = tpu.memref_slice %arg4[%mul3A_2, %dma_start3A_22] : memref<2048x64xi32, #tpu.memory_space<hbm>> -> memref<64x64xi32, #tpu.memory_space<hbm>>
      %dma_start3A_24 = arith.constant 0 : i32
      %dma_start3A_25 = tpu.memref_slice %arg4[%mul3A_2, %dma_start3A_24] : memref<2048x64xi32, #tpu.memory_space<hbm>> -> memref<64x64xi32, #tpu.memory_space<hbm>>
      tpu.enqueue_dma source(%dma_start3A_25 : memref<64x64xi32, #tpu.memory_space<hbm>>) target(%arg7 : memref<64x64xi32, #tpu.memory_space<vmem>>) target_semaphore(%run_scoped3A : memref<!tpu.dma_semaphore, #tpu.memory_space<semaphore_mem>>)
      %dma_wait3A = arith.constant 0 : i32
      %dma_wait3A_26 = tpu.memref_slice %arg4[%mul3A_2, %dma_wait3A] : memref<2048x64xi32, #tpu.memory_space<hbm>> -> memref<64x64xi32, #tpu.memory_space<hbm>>
      %dma_wait3A_27 = arith.constant 0 : i32
      %dma_wait3A_28 = tpu.memref_slice %arg4[%mul3A_2, %dma_wait3A_27] : memref<2048x64xi32, #tpu.memory_space<hbm>> -> memref<64x64xi32, #tpu.memory_space<hbm>>
      tpu.wait_dma2 semaphore(%run_scoped3A : memref<!tpu.dma_semaphore, #tpu.memory_space<semaphore_mem>>) src(%dma_wait3A_28 : memref<64x64xi32, #tpu.memory_space<hbm>>) dst(%arg7 : memref<64x64xi32, #tpu.memory_space<vmem>>)
      tpu.yield
    }) : () -> ()
    "tpu.region"() ({
      %run_scoped3A = tpu.sem_alloc : memref<!tpu.dma_semaphore, #tpu.memory_space<semaphore_mem>>
      %dma_start3A_22 = arith.constant 0 : i32
      %dma_start3A_23 = tpu.memref_slice %arg3[%mul3A_2, %dma_start3A_22] : memref<2048x256xf32, #tpu.memory_space<hbm>> -> memref<64x256xf32, #tpu.memory_space<hbm>>
      %dma_start3A_24 = arith.constant 0 : i32
      %dma_start3A_25 = tpu.memref_slice %arg3[%mul3A_2, %dma_start3A_24] : memref<2048x256xf32, #tpu.memory_space<hbm>> -> memref<64x256xf32, #tpu.memory_space<hbm>>
      tpu.enqueue_dma source(%dma_start3A_25 : memref<64x256xf32, #tpu.memory_space<hbm>>) target(%arg8 : memref<64x256xf32, #tpu.memory_space<vmem>>) target_semaphore(%run_scoped3A : memref<!tpu.dma_semaphore, #tpu.memory_space<semaphore_mem>>)
      %dma_wait3A = arith.constant 0 : i32
      %dma_wait3A_26 = tpu.memref_slice %arg3[%mul3A_2, %dma_wait3A] : memref<2048x256xf32, #tpu.memory_space<hbm>> -> memref<64x256xf32, #tpu.memory_space<hbm>>
      %dma_wait3A_27 = arith.constant 0 : i32
      %dma_wait3A_28 = tpu.memref_slice %arg3[%mul3A_2, %dma_wait3A_27] : memref<2048x256xf32, #tpu.memory_space<hbm>> -> memref<64x256xf32, #tpu.memory_space<hbm>>
      tpu.wait_dma2 semaphore(%run_scoped3A : memref<!tpu.dma_semaphore, #tpu.memory_space<semaphore_mem>>) src(%dma_wait3A_28 : memref<64x256xf32, #tpu.memory_space<hbm>>) dst(%arg8 : memref<64x256xf32, #tpu.memory_space<vmem>>)
      tpu.yield
    }) : () -> ()
    %iota3A = tpu.iota {dimensions = array<i32: 0>} : vector<16xi32>
    %eq3A = arith.constant 0 : i32
    %eq3A_3 = vector.broadcast %eq3A : i32 to vector<16xi32>
    %eq3A_4 = arith.cmpi eq, %iota3A, %eq3A_3 : vector<16xi32>
    %broadcast_in_dim3A = arith.constant 0 : i32
    %broadcast_in_dim3A_5 = vector.broadcast %broadcast_in_dim3A : i32 to vector<16xi32>
    %dma_start3A = arith.constant 0 : i32
    %dma_start3A_6 = arith.constant 0 : i32
    %dma_start3A_7 = arith.constant 0 : i32
    %dma_start3A_8 = arith.constant 0 : i32
    %dma_start3A_9 = tpu.memref_slice %arg9[%dma_start3A_6, %dma_start3A_7, %dma_start3A_8] : memref<2x64x256xf32, #tpu.memory_space<vmem>> -> memref<1x64x256xf32, #tpu.memory_space<vmem>>
    %dma_start3A_10 = tpu.memref_squeeze %dma_start3A_9 : memref<1x64x256xf32, #tpu.memory_space<vmem>> -> memref<64x256xf32, #tpu.memory_space<vmem>>
    %dma_start3A_11 = arith.constant 0 : i32
    %dma_start3A_12 = tpu.memref_slice %arg7[%dma_start3A, %dma_start3A_11] : memref<64x64xi32, #tpu.memory_space<vmem>> -> memref<1x64xi32, #tpu.memory_space<vmem>>
    %dma_start3A_13 = tpu.memref_squeeze %dma_start3A_12 : memref<1x64xi32, #tpu.memory_space<vmem>> -> memref<64xi32, #tpu.memory_space<vmem>>
    %dma_start3A_14 = arith.constant 0 : i32
    %dma_start3A_15 = arith.constant 0 : i32
    %dma_start3A_16 = tpu.memref_slice %arg2[%dma_start3A_14, %dma_start3A_15] : memref<262144x256xf32, #tpu.memory_space<hbm>> -> memref<262144x256xf32, #tpu.memory_space<hbm>>
    tpu.enqueue_indirect_dma source(%dma_start3A_16 : memref<262144x256xf32, #tpu.memory_space<hbm>>) target(%dma_start3A_10 : memref<64x256xf32, #tpu.memory_space<vmem>>) offsets(%dma_start3A_13 : memref<64xi32, #tpu.memory_space<vmem>>) semaphore(%arg13 : memref<!tpu.dma_semaphore, #tpu.memory_space<semaphore_mem>>)
    %scan3A = arith.constant 0 : i32
    %scan3A_17 = arith.constant 0 : i32
    %scan3A_18 = arith.constant 32 : i32
    %scan3A_19 = arith.addi %scan3A_17, %scan3A_18 : i32
    %scan3A_20 = arith.constant 1 : i32
    scf.for %scan3A_22 = %scan3A_17 to %scan3A_19 step %scan3A_20  : i32 {
      %mul3A_23 = arith.constant 2 : i32
      %mul3A_24 = arith.muli %mul3A_23, %scan3A_22 : i32
      %add3A_25 = arith.constant 0 : i32
      %add3A_26 = arith.addi %mul3A_24, %add3A_25 : i32
      %dma_wait3A = arith.constant 0 : i32
      %dma_wait3A_27 = arith.constant 0 : i32
      %dma_wait3A_28 = arith.constant 0 : i32
      %dma_wait3A_29 = tpu.memref_slice %arg9[%dma_wait3A, %dma_wait3A_27, %dma_wait3A_28] : memref<2x64x256xf32, #tpu.memory_space<vmem>> -> memref<1x64x256xf32, #tpu.memory_space<vmem>>
      %dma_wait3A_30 = tpu.memref_squeeze %dma_wait3A_29 : memref<1x64x256xf32, #tpu.memory_space<vmem>> -> memref<64x256xf32, #tpu.memory_space<vmem>>
      %dma_wait3A_31 = arith.constant 0 : i32
      %dma_wait3A_32 = arith.constant 0 : i32
      %dma_wait3A_33 = tpu.memref_slice %arg2[%dma_wait3A_31, %dma_wait3A_32] : memref<262144x256xf32, #tpu.memory_space<hbm>> -> memref<64x256xf32, #tpu.memory_space<hbm>>
      %dma_wait3A_34 = arith.constant 0 : i32
      %dma_wait3A_35 = arith.constant 0 : i32
      %dma_wait3A_36 = tpu.memref_slice %arg9[%dma_wait3A, %dma_wait3A_34, %dma_wait3A_35] : memref<2x64x256xf32, #tpu.memory_space<vmem>> -> memref<1x64x256xf32, #tpu.memory_space<vmem>>
      %dma_wait3A_37 = tpu.memref_squeeze %dma_wait3A_36 : memref<1x64x256xf32, #tpu.memory_space<vmem>> -> memref<64x256xf32, #tpu.memory_space<vmem>>
      %dma_wait3A_38 = arith.constant 0 : i32
      %dma_wait3A_39 = arith.constant 0 : i32
      %dma_wait3A_40 = tpu.memref_slice %arg2[%dma_wait3A_38, %dma_wait3A_39] : memref<262144x256xf32, #tpu.memory_space<hbm>> -> memref<64x256xf32, #tpu.memory_space<hbm>>
      tpu.wait_dma2 semaphore(%arg13 : memref<!tpu.dma_semaphore, #tpu.memory_space<semaphore_mem>>) src(%dma_wait3A_40 : memref<64x256xf32, #tpu.memory_space<hbm>>) dst(%dma_wait3A_37 : memref<64x256xf32, #tpu.memory_space<vmem>>)
      %add3A_41 = arith.constant 1 : i32
      %add3A_42 = arith.addi %add3A_26, %add3A_41 : i32
      %lt3A = arith.constant 64 : i32
      %lt3A_43 = arith.cmpi slt, %add3A_42, %lt3A : i32
      %convert_element_type3A = arith.extui %lt3A_43 : i1 to i32
      %cond3A = arith.constant 0 : i32
      %cond3A_44 = arith.cmpi ne, %convert_element_type3A, %cond3A : i32
      scf.if %cond3A_44 {
        %add3A_1325 = arith.constant 1 : i32
        %add3A_1326 = arith.addi %add3A_26, %add3A_1325 : i32
        %dma_start3A_1327 = arith.constant 1 : i32
        %dma_start3A_1328 = arith.constant 0 : i32
        %dma_start3A_1329 = arith.constant 0 : i32
        %dma_start3A_1330 = tpu.memref_slice %arg9[%dma_start3A_1327, %dma_start3A_1328, %dma_start3A_1329] : memref<2x64x256xf32, #tpu.memory_space<vmem>> -> memref<1x64x256xf32, #tpu.memory_space<vmem>>
        %dma_start3A_1331 = tpu.memref_squeeze %dma_start3A_1330 : memref<1x64x256xf32, #tpu.memory_space<vmem>> -> memref<64x256xf32, #tpu.memory_space<vmem>>
        %dma_start3A_1332 = arith.constant 0 : i32
        %dma_start3A_1333 = tpu.memref_slice %arg7[%add3A_1326, %dma_start3A_1332] : memref<64x64xi32, #tpu.memory_space<vmem>> -> memref<1x64xi32, #tpu.memory_space<vmem>>
        %dma_start3A_1334 = tpu.memref_squeeze %dma_start3A_1333 : memref<1x64xi32, #tpu.memory_space<vmem>> -> memref<64xi32, #tpu.memory_space<vmem>>
        %dma_start3A_1335 = arith.constant 0 : i32
        %dma_start3A_1336 = arith.constant 0 : i32
        %dma_start3A_1337 = tpu.memref_slice %arg2[%dma_start3A_1335, %dma_start3A_1336] : memref<262144x256xf32, #tpu.memory_space<hbm>> -> memref<262144x256xf32, #tpu.memory_space<hbm>>
        tpu.enqueue_indirect_dma source(%dma_start3A_1337 : memref<262144x256xf32, #tpu.memory_space<hbm>>) target(%dma_start3A_1331 : memref<64x256xf32, #tpu.memory_space<vmem>>) offsets(%dma_start3A_1334 : memref<64xi32, #tpu.memory_space<vmem>>) semaphore(%arg14 : memref<!tpu.dma_semaphore, #tpu.memory_space<semaphore_mem>>)
      } else {
      }
      %get3A = arith.index_cast %add3A_26 : i32 to index
      %get3A_45 = arith.constant 0 : index
      %get3A_46 = tpu.vector_load %arg8[%get3A, %get3A_45] {strides = array<i32>} : memref<64x256xf32, #tpu.memory_space<vmem>>, vector<16xf32>,
      %get3A_47 = arith.index_cast %add3A_26 : i32 to index
      %get3A_48 = arith.constant 16 : index
      %get3A_49 = tpu.vector_load %arg8[%get3A_47, %get3A_48] {strides = array<i32>} : memref<64x256xf32, #tpu.memory_space<vmem>>, vector<16xf32>,
      %get3A_50 = arith.index_cast %add3A_26 : i32 to index
      %get3A_51 = arith.constant 32 : index
      %get3A_52 = tpu.vector_load %arg8[%get3A_50, %get3A_51] {strides = array<i32>} : memref<64x256xf32, #tpu.memory_space<vmem>>, vector<16xf32>,
      %get3A_53 = arith.index_cast %add3A_26 : i32 to index
      %get3A_54 = arith.constant 48 : index
      %get3A_55 = tpu.vector_load %arg8[%get3A_53, %get3A_54] {strides = array<i32>} : memref<64x256xf32, #tpu.memory_space<vmem>>, vector<16xf32>,
      %get3A_56 = arith.index_cast %add3A_26 : i32 to index
      %get3A_57 = arith.constant 64 : index
      %get3A_58 = tpu.vector_load %arg8[%get3A_56, %get3A_57] {strides = array<i32>} : memref<64x256xf32, #tpu.memory_space<vmem>>, vector<16xf32>,
      %get3A_59 = arith.index_cast %add3A_26 : i32 to index
      %get3A_60 = arith.constant 80 : index
      %get3A_61 = tpu.vector_load %arg8[%get3A_59, %get3A_60] {strides = array<i32>} : memref<64x256xf32, #tpu.memory_space<vmem>>, vector<16xf32>,
      %get3A_62 = arith.index_cast %add3A_26 : i32 to index
      %get3A_63 = arith.constant 96 : index
      %get3A_64 = tpu.vector_load %arg8[%get3A_62, %get3A_63] {strides = array<i32>} : memref<64x256xf32, #tpu.memory_space<vmem>>, vector<16xf32>,
      %get3A_65 = arith.index_cast %add3A_26 : i32 to index
      %get3A_66 = arith.constant 112 : index
      %get3A_67 = tpu.vector_load %arg8[%get3A_65, %get3A_66] {strides = array<i32>} : memref<64x256xf32, #tpu.memory_space<vmem>>, vector<16xf32>,
      %get3A_68 = arith.index_cast %add3A_26 : i32 to index
      %get3A_69 = arith.constant 128 : index
      %get3A_70 = tpu.vector_load %arg8[%get3A_68, %get3A_69] {strides = array<i32>} : memref<64x256xf32, #tpu.memory_space<vmem>>, vector<16xf32>,
      %get3A_71 = arith.index_cast %add3A_26 : i32 to index
      %get3A_72 = arith.constant 144 : index
      %get3A_73 = tpu.vector_load %arg8[%get3A_71, %get3A_72] {strides = array<i32>} : memref<64x256xf32, #tpu.memory_space<vmem>>, vector<16xf32>,
      %get3A_74 = arith.index_cast %add3A_26 : i32 to index
      %get3A_75 = arith.constant 160 : index
      %get3A_76 = tpu.vector_load %arg8[%get3A_74, %get3A_75] {strides = array<i32>} : memref<64x256xf32, #tpu.memory_space<vmem>>, vector<16xf32>,
      %get3A_77 = arith.index_cast %add3A_26 : i32 to index
      %get3A_78 = arith.constant 176 : index
      %get3A_79 = tpu.vector_load %arg8[%get3A_77, %get3A_78] {strides = array<i32>} : memref<64x256xf32, #tpu.memory_space<vmem>>, vector<16xf32>,
      %get3A_80 = arith.index_cast %add3A_26 : i32 to index
      %get3A_81 = arith.constant 192 : index
      %get3A_82 = tpu.vector_load %arg8[%get3A_80, %get3A_81] {strides = array<i32>} : memref<64x256xf32, #tpu.memory_space<vmem>>, vector<16xf32>,
      %get3A_83 = arith.index_cast %add3A_26 : i32 to index
      %get3A_84 = arith.constant 208 : index
      %get3A_85 = tpu.vector_load %arg8[%get3A_83, %get3A_84] {strides = array<i32>} : memref<64x256xf32, #tpu.memory_space<vmem>>, vector<16xf32>,
      %get3A_86 = arith.index_cast %add3A_26 : i32 to index
      %get3A_87 = arith.constant 224 : index
      %get3A_88 = tpu.vector_load %arg8[%get3A_86, %get3A_87] {strides = array<i32>} : memref<64x256xf32, #tpu.memory_space<vmem>>, vector<16xf32>,
      %get3A_89 = arith.index_cast %add3A_26 : i32 to index
      %get3A_90 = arith.constant 240 : index
      %get3A_91 = tpu.vector_load %arg8[%get3A_89, %get3A_90] {strides = array<i32>} : memref<64x256xf32, #tpu.memory_space<vmem>>, vector<16xf32>,
      %broadcast_in_dim3A_92 = arith.constant 0x7F800000 : f32
      %broadcast_in_dim3A_93 = vector.broadcast %broadcast_in_dim3A_92 : f32 to vector<16xf32>
      %scan3A_94 = arith.constant 0 : i32
      %scan3A_95 = arith.constant 0 : i32
      %scan3A_96 = arith.constant 0 : i32
      %scan3A_97 = arith.constant 16 : i32
      %scan3A_98 = arith.addi %scan3A_96, %scan3A_97 : i32
      %scan3A_99 = arith.constant 1 : i32
      scf.for %scan3A_1325 = %scan3A_96 to %scan3A_98 step %scan3A_99  : i32 {
        %broadcast_in_dim3A_1326 = arith.constant 0.000000e+00 : f32
        %broadcast_in_dim3A_1327 = vector.broadcast %broadcast_in_dim3A_1326 : f32 to vector<16xf32>
        %add3A_1328 = arith.constant 0 : i32
        %add3A_1329 = arith.addi %add3A_1328, %scan3A_1325 : i32
        %get3A_1330 = arith.constant 0 : i32
        %get3A_1331 = arith.constant 0 : i32
        %get3A_1332 = tpu.memref_slice %arg9[%scan3A_95, %get3A_1330, %get3A_1331] : memref<2x64x256xf32, #tpu.memory_space<vmem>> -> memref<1x64x256xf32, #tpu.memory_space<vmem>>
        %get3A_1333 = tpu.memref_squeeze %get3A_1332 : memref<1x64x256xf32, #tpu.memory_space<vmem>> -> memref<64x256xf32, #tpu.memory_space<vmem>>
        %get3A_1334 = arith.index_cast %add3A_1329 : i32 to index
        %get3A_1335 = arith.constant 0 : index
        %get3A_1336 = tpu.vector_load %get3A_1333[%get3A_1334, %get3A_1335] {strides = array<i32>} : memref<64x256xf32, #tpu.memory_space<vmem>>, vector<16xf32>,
        %sub3A = arith.subf %get3A_1336, %get3A_46 : vector<16xf32>
        %mul3A_1337 = arith.mulf %sub3A, %sub3A : vector<16xf32>
        %add3A_1338 = arith.addf %mul3A_1337, %broadcast_in_dim3A_1327 : vector<16xf32>
        %get3A_1339 = arith.constant 0 : i32
        %get3A_1340 = arith.constant 0 : i32
        %get3A_1341 = tpu.memref_slice %arg9[%scan3A_95, %get3A_1339, %get3A_1340] : memref<2x64x256xf32, #tpu.memory_space<vmem>> -> memref<1x64x256xf32, #tpu.memory_space<vmem>>
        %get3A_1342 = tpu.memref_squeeze %get3A_1341 : memref<1x64x256xf32, #tpu.memory_space<vmem>> -> memref<64x256xf32, #tpu.memory_space<vmem>>
        %get3A_1343 = arith.index_cast %add3A_1329 : i32 to index
        %get3A_1344 = arith.constant 16 : index
        %get3A_1345 = tpu.vector_load %get3A_1342[%get3A_1343, %get3A_1344] {strides = array<i32>} : memref<64x256xf32, #tpu.memory_space<vmem>>, vector<16xf32>,
        %sub3A_1346 = arith.subf %get3A_1345, %get3A_49 : vector<16xf32>
        %mul3A_1347 = arith.mulf %sub3A_1346, %sub3A_1346 : vector<16xf32>
        %add3A_1348 = arith.addf %mul3A_1347, %add3A_1338 : vector<16xf32>
        %get3A_1349 = arith.constant 0 : i32
        %get3A_1350 = arith.constant 0 : i32
        %get3A_1351 = tpu.memref_slice %arg9[%scan3A_95, %get3A_1349, %get3A_1350] : memref<2x64x256xf32, #tpu.memory_space<vmem>> -> memref<1x64x256xf32, #tpu.memory_space<vmem>>
        %get3A_1352 = tpu.memref_squeeze %get3A_1351 : memref<1x64x256xf32, #tpu.memory_space<vmem>> -> memref<64x256xf32, #tpu.memory_space<vmem>>
        %get3A_1353 = arith.index_cast %add3A_1329 : i32 to index
        %get3A_1354 = arith.constant 32 : index
        %get3A_1355 = tpu.vector_load %get3A_1352[%get3A_1353, %get3A_1354] {strides = array<i32>} : memref<64x256xf32, #tpu.memory_space<vmem>>, vector<16xf32>,
        %sub3A_1356 = arith.subf %get3A_1355, %get3A_52 : vector<16xf32>
        %mul3A_1357 = arith.mulf %sub3A_1356, %sub3A_1356 : vector<16xf32>
        %add3A_1358 = arith.addf %mul3A_1357, %add3A_1348 : vector<16xf32>
        %get3A_1359 = arith.constant 0 : i32
        %get3A_1360 = arith.constant 0 : i32
        %get3A_1361 = tpu.memref_slice %arg9[%scan3A_95, %get3A_1359, %get3A_1360] : memref<2x64x256xf32, #tpu.memory_space<vmem>> -> memref<1x64x256xf32, #tpu.memory_space<vmem>>
        %get3A_1362 = tpu.memref_squeeze %get3A_1361 : memref<1x64x256xf32, #tpu.memory_space<vmem>> -> memref<64x256xf32, #tpu.memory_space<vmem>>
        %get3A_1363 = arith.index_cast %add3A_1329 : i32 to index
        %get3A_1364 = arith.constant 48 : index
        %get3A_1365 = tpu.vector_load %get3A_1362[%get3A_1363, %get3A_1364] {strides = array<i32>} : memref<64x256xf32, #tpu.memory_space<vmem>>, vector<16xf32>,
        %sub3A_1366 = arith.subf %get3A_1365, %get3A_55 : vector<16xf32>
        %mul3A_1367 = arith.mulf %sub3A_1366, %sub3A_1366 : vector<16xf32>
        %add3A_1368 = arith.addf %mul3A_1367, %add3A_1358 : vector<16xf32>
        %get3A_1369 = arith.constant 0 : i32
        %get3A_1370 = arith.constant 0 : i32
        %get3A_1371 = tpu.memref_slice %arg9[%scan3A_95, %get3A_1369, %get3A_1370] : memref<2x64x256xf32, #tpu.memory_space<vmem>> -> memref<1x64x256xf32, #tpu.memory_space<vmem>>
        %get3A_1372 = tpu.memref_squeeze %get3A_1371 : memref<1x64x256xf32, #tpu.memory_space<vmem>> -> memref<64x256xf32, #tpu.memory_space<vmem>>
        %get3A_1373 = arith.index_cast %add3A_1329 : i32 to index
        %get3A_1374 = arith.constant 64 : index
        %get3A_1375 = tpu.vector_load %get3A_1372[%get3A_1373, %get3A_1374] {strides = array<i32>} : memref<64x256xf32, #tpu.memory_space<vmem>>, vector<16xf32>,
        %sub3A_1376 = arith.subf %get3A_1375, %get3A_58 : vector<16xf32>
        %mul3A_1377 = arith.mulf %sub3A_1376, %sub3A_1376 : vector<16xf32>
        %add3A_1378 = arith.addf %mul3A_1377, %add3A_1368 : vector<16xf32>
        %get3A_1379 = arith.constant 0 : i32
        %get3A_1380 = arith.constant 0 : i32
        %get3A_1381 = tpu.memref_slice %arg9[%scan3A_95, %get3A_1379, %get3A_1380] : memref<2x64x256xf32, #tpu.memory_space<vmem>> -> memref<1x64x256xf32, #tpu.memory_space<vmem>>
        %get3A_1382 = tpu.memref_squeeze %get3A_1381 : memref<1x64x256xf32, #tpu.memory_space<vmem>> -> memref<64x256xf32, #tpu.memory_space<vmem>>
        %get3A_1383 = arith.index_cast %add3A_1329 : i32 to index
        %get3A_1384 = arith.constant 80 : index
        %get3A_1385 = tpu.vector_load %get3A_1382[%get3A_1383, %get3A_1384] {strides = array<i32>} : memref<64x256xf32, #tpu.memory_space<vmem>>, vector<16xf32>,
        %sub3A_1386 = arith.subf %get3A_1385, %get3A_61 : vector<16xf32>
        %mul3A_1387 = arith.mulf %sub3A_1386, %sub3A_1386 : vector<16xf32>
        %add3A_1388 = arith.addf %mul3A_1387, %add3A_1378 : vector<16xf32>
        %get3A_1389 = arith.constant 0 : i32
        %get3A_1390 = arith.constant 0 : i32
        %get3A_1391 = tpu.memref_slice %arg9[%scan3A_95, %get3A_1389, %get3A_1390] : memref<2x64x256xf32, #tpu.memory_space<vmem>> -> memref<1x64x256xf32, #tpu.memory_space<vmem>>
        %get3A_1392 = tpu.memref_squeeze %get3A_1391 : memref<1x64x256xf32, #tpu.memory_space<vmem>> -> memref<64x256xf32, #tpu.memory_space<vmem>>
        %get3A_1393 = arith.index_cast %add3A_1329 : i32 to index
        %get3A_1394 = arith.constant 96 : index
        %get3A_1395 = tpu.vector_load %get3A_1392[%get3A_1393, %get3A_1394] {strides = array<i32>} : memref<64x256xf32, #tpu.memory_space<vmem>>, vector<16xf32>,
        %sub3A_1396 = arith.subf %get3A_1395, %get3A_64 : vector<16xf32>
        %mul3A_1397 = arith.mulf %sub3A_1396, %sub3A_1396 : vector<16xf32>
        %add3A_1398 = arith.addf %mul3A_1397, %add3A_1388 : vector<16xf32>
        %get3A_1399 = arith.constant 0 : i32
        %get3A_1400 = arith.constant 0 : i32
        %get3A_1401 = tpu.memref_slice %arg9[%scan3A_95, %get3A_1399, %get3A_1400] : memref<2x64x256xf32, #tpu.memory_space<vmem>> -> memref<1x64x256xf32, #tpu.memory_space<vmem>>
        %get3A_1402 = tpu.memref_squeeze %get3A_1401 : memref<1x64x256xf32, #tpu.memory_space<vmem>> -> memref<64x256xf32, #tpu.memory_space<vmem>>
        %get3A_1403 = arith.index_cast %add3A_1329 : i32 to index
        %get3A_1404 = arith.constant 112 : index
        %get3A_1405 = tpu.vector_load %get3A_1402[%get3A_1403, %get3A_1404] {strides = array<i32>} : memref<64x256xf32, #tpu.memory_space<vmem>>, vector<16xf32>,
        %sub3A_1406 = arith.subf %get3A_1405, %get3A_67 : vector<16xf32>
        %mul3A_1407 = arith.mulf %sub3A_1406, %sub3A_1406 : vector<16xf32>
        %add3A_1408 = arith.addf %mul3A_1407, %add3A_1398 : vector<16xf32>
        %get3A_1409 = arith.constant 0 : i32
        %get3A_1410 = arith.constant 0 : i32
        %get3A_1411 = tpu.memref_slice %arg9[%scan3A_95, %get3A_1409, %get3A_1410] : memref<2x64x256xf32, #tpu.memory_space<vmem>> -> memref<1x64x256xf32, #tpu.memory_space<vmem>>
        %get3A_1412 = tpu.memref_squeeze %get3A_1411 : memref<1x64x256xf32, #tpu.memory_space<vmem>> -> memref<64x256xf32, #tpu.memory_space<vmem>>
        %get3A_1413 = arith.index_cast %add3A_1329 : i32 to index
        %get3A_1414 = arith.constant 128 : index
        %get3A_1415 = tpu.vector_load %get3A_1412[%get3A_1413, %get3A_1414] {strides = array<i32>} : memref<64x256xf32, #tpu.memory_space<vmem>>, vector<16xf32>,
        %sub3A_1416 = arith.subf %get3A_1415, %get3A_70 : vector<16xf32>
        %mul3A_1417 = arith.mulf %sub3A_1416, %sub3A_1416 : vector<16xf32>
        %add3A_1418 = arith.addf %mul3A_1417, %add3A_1408 : vector<16xf32>
        %get3A_1419 = arith.constant 0 : i32
        %get3A_1420 = arith.constant 0 : i32
        %get3A_1421 = tpu.memref_slice %arg9[%scan3A_95, %get3A_1419, %get3A_1420] : memref<2x64x256xf32, #tpu.memory_space<vmem>> -> memref<1x64x256xf32, #tpu.memory_space<vmem>>
        %get3A_1422 = tpu.memref_squeeze %get3A_1421 : memref<1x64x256xf32, #tpu.memory_space<vmem>> -> memref<64x256xf32, #tpu.memory_space<vmem>>
        %get3A_1423 = arith.index_cast %add3A_1329 : i32 to index
        %get3A_1424 = arith.constant 144 : index
        %get3A_1425 = tpu.vector_load %get3A_1422[%get3A_1423, %get3A_1424] {strides = array<i32>} : memref<64x256xf32, #tpu.memory_space<vmem>>, vector<16xf32>,
        %sub3A_1426 = arith.subf %get3A_1425, %get3A_73 : vector<16xf32>
        %mul3A_1427 = arith.mulf %sub3A_1426, %sub3A_1426 : vector<16xf32>
        %add3A_1428 = arith.addf %mul3A_1427, %add3A_1418 : vector<16xf32>
        %get3A_1429 = arith.constant 0 : i32
        %get3A_1430 = arith.constant 0 : i32
        %get3A_1431 = tpu.memref_slice %arg9[%scan3A_95, %get3A_1429, %get3A_1430] : memref<2x64x256xf32, #tpu.memory_space<vmem>> -> memref<1x64x256xf32, #tpu.memory_space<vmem>>
        %get3A_1432 = tpu.memref_squeeze %get3A_1431 : memref<1x64x256xf32, #tpu.memory_space<vmem>> -> memref<64x256xf32, #tpu.memory_space<vmem>>
        %get3A_1433 = arith.index_cast %add3A_1329 : i32 to index
        %get3A_1434 = arith.constant 160 : index
        %get3A_1435 = tpu.vector_load %get3A_1432[%get3A_1433, %get3A_1434] {strides = array<i32>} : memref<64x256xf32, #tpu.memory_space<vmem>>, vector<16xf32>,
        %sub3A_1436 = arith.subf %get3A_1435, %get3A_76 : vector<16xf32>
        %mul3A_1437 = arith.mulf %sub3A_1436, %sub3A_1436 : vector<16xf32>
        %add3A_1438 = arith.addf %mul3A_1437, %add3A_1428 : vector<16xf32>
        %get3A_1439 = arith.constant 0 : i32
        %get3A_1440 = arith.constant 0 : i32
        %get3A_1441 = tpu.memref_slice %arg9[%scan3A_95, %get3A_1439, %get3A_1440] : memref<2x64x256xf32, #tpu.memory_space<vmem>> -> memref<1x64x256xf32, #tpu.memory_space<vmem>>
        %get3A_1442 = tpu.memref_squeeze %get3A_1441 : memref<1x64x256xf32, #tpu.memory_space<vmem>> -> memref<64x256xf32, #tpu.memory_space<vmem>>
        %get3A_1443 = arith.index_cast %add3A_1329 : i32 to index
        %get3A_1444 = arith.constant 176 : index
        %get3A_1445 = tpu.vector_load %get3A_1442[%get3A_1443, %get3A_1444] {strides = array<i32>} : memref<64x256xf32, #tpu.memory_space<vmem>>, vector<16xf32>,
        %sub3A_1446 = arith.subf %get3A_1445, %get3A_79 : vector<16xf32>
        %mul3A_1447 = arith.mulf %sub3A_1446, %sub3A_1446 : vector<16xf32>
        %add3A_1448 = arith.addf %mul3A_1447, %add3A_1438 : vector<16xf32>
        %get3A_1449 = arith.constant 0 : i32
        %get3A_1450 = arith.constant 0 : i32
        %get3A_1451 = tpu.memref_slice %arg9[%scan3A_95, %get3A_1449, %get3A_1450] : memref<2x64x256xf32, #tpu.memory_space<vmem>> -> memref<1x64x256xf32, #tpu.memory_space<vmem>>
        %get3A_1452 = tpu.memref_squeeze %get3A_1451 : memref<1x64x256xf32, #tpu.memory_space<vmem>> -> memref<64x256xf32, #tpu.memory_space<vmem>>
        %get3A_1453 = arith.index_cast %add3A_1329 : i32 to index
        %get3A_1454 = arith.constant 192 : index
        %get3A_1455 = tpu.vector_load %get3A_1452[%get3A_1453, %get3A_1454] {strides = array<i32>} : memref<64x256xf32, #tpu.memory_space<vmem>>, vector<16xf32>,
        %sub3A_1456 = arith.subf %get3A_1455, %get3A_82 : vector<16xf32>
        %mul3A_1457 = arith.mulf %sub3A_1456, %sub3A_1456 : vector<16xf32>
        %add3A_1458 = arith.addf %mul3A_1457, %add3A_1448 : vector<16xf32>
        %get3A_1459 = arith.constant 0 : i32
        %get3A_1460 = arith.constant 0 : i32
        %get3A_1461 = tpu.memref_slice %arg9[%scan3A_95, %get3A_1459, %get3A_1460] : memref<2x64x256xf32, #tpu.memory_space<vmem>> -> memref<1x64x256xf32, #tpu.memory_space<vmem>>
        %get3A_1462 = tpu.memref_squeeze %get3A_1461 : memref<1x64x256xf32, #tpu.memory_space<vmem>> -> memref<64x256xf32, #tpu.memory_space<vmem>>
        %get3A_1463 = arith.index_cast %add3A_1329 : i32 to index
        %get3A_1464 = arith.constant 208 : index
        %get3A_1465 = tpu.vector_load %get3A_1462[%get3A_1463, %get3A_1464] {strides = array<i32>} : memref<64x256xf32, #tpu.memory_space<vmem>>, vector<16xf32>,
        %sub3A_1466 = arith.subf %get3A_1465, %get3A_85 : vector<16xf32>
        %mul3A_1467 = arith.mulf %sub3A_1466, %sub3A_1466 : vector<16xf32>
        %add3A_1468 = arith.addf %mul3A_1467, %add3A_1458 : vector<16xf32>
        %get3A_1469 = arith.constant 0 : i32
        %get3A_1470 = arith.constant 0 : i32
        %get3A_1471 = tpu.memref_slice %arg9[%scan3A_95, %get3A_1469, %get3A_1470] : memref<2x64x256xf32, #tpu.memory_space<vmem>> -> memref<1x64x256xf32, #tpu.memory_space<vmem>>
        %get3A_1472 = tpu.memref_squeeze %get3A_1471 : memref<1x64x256xf32, #tpu.memory_space<vmem>> -> memref<64x256xf32, #tpu.memory_space<vmem>>
        %get3A_1473 = arith.index_cast %add3A_1329 : i32 to index
        %get3A_1474 = arith.constant 224 : index
        %get3A_1475 = tpu.vector_load %get3A_1472[%get3A_1473, %get3A_1474] {strides = array<i32>} : memref<64x256xf32, #tpu.memory_space<vmem>>, vector<16xf32>,
        %sub3A_1476 = arith.subf %get3A_1475, %get3A_88 : vector<16xf32>
        %mul3A_1477 = arith.mulf %sub3A_1476, %sub3A_1476 : vector<16xf32>
        %add3A_1478 = arith.addf %mul3A_1477, %add3A_1468 : vector<16xf32>
        %get3A_1479 = arith.constant 0 : i32
        %get3A_1480 = arith.constant 0 : i32
        %get3A_1481 = tpu.memref_slice %arg9[%scan3A_95, %get3A_1479, %get3A_1480] : memref<2x64x256xf32, #tpu.memory_space<vmem>> -> memref<1x64x256xf32, #tpu.memory_space<vmem>>
        %get3A_1482 = tpu.memref_squeeze %get3A_1481 : memref<1x64x256xf32, #tpu.memory_space<vmem>> -> memref<64x256xf32, #tpu.memory_space<vmem>>
        %get3A_1483 = arith.index_cast %add3A_1329 : i32 to index
        %get3A_1484 = arith.constant 240 : index
        %get3A_1485 = tpu.vector_load %get3A_1482[%get3A_1483, %get3A_1484] {strides = array<i32>} : memref<64x256xf32, #tpu.memory_space<vmem>>, vector<16xf32>,
        %sub3A_1486 = arith.subf %get3A_1485, %get3A_91 : vector<16xf32>
        %mul3A_1487 = arith.mulf %sub3A_1486, %sub3A_1486 : vector<16xf32>
        %add3A_1488 = arith.addf %mul3A_1487, %add3A_1478 : vector<16xf32>
        %mul3A_1489 = arith.constant 16 : i32
        %mul3A_1490 = arith.muli %scan3A_1325, %mul3A_1489 : i32
        %swap3A = arith.index_cast %mul3A_1490 : i32 to index
        %swap3A_1491 = tpu.vector_load %arg10[%swap3A] {strides = array<i32>} : memref<256xf32, #tpu.memory_space<vmem>>, vector<16xf32>,
        tpu.vector_store %arg10[%swap3A], %add3A_1488 {strides = array<i32>} : memref<256xf32, #tpu.memory_space<vmem>>, vector<16xf32>,
      }
      %scan3A_100 = arith.constant 16 : i32
      %broadcast_in_dim3A_101 = arith.constant 0.000000e+00 : f32
      %broadcast_in_dim3A_102 = vector.broadcast %broadcast_in_dim3A_101 : f32 to vector<16xf32>
      %mul3A_103 = arith.constant 16 : i32
      %mul3A_104 = vector.broadcast %mul3A_103 : i32 to vector<16xi32>
      %mul3A_105 = arith.muli %iota3A, %mul3A_104 : vector<16xi32>
      %add3A_106 = arith.constant 0 : i32
      %add3A_107 = vector.broadcast %add3A_106 : i32 to vector<16xi32>
      %add3A_108 = arith.addi %mul3A_105, %add3A_107 : vector<16xi32>
      %gather3A = tpu.vector_load_idx %arg10[%add3A_108] : memref<256xf32, #tpu.memory_space<vmem>>[vector<16xi32>], vector<16xf32>,
      %add3A_109 = arith.addf %broadcast_in_dim3A_102, %gather3A : vector<16xf32>
      %mul3A_110 = arith.constant 16 : i32
      %mul3A_111 = vector.broadcast %mul3A_110 : i32 to vector<16xi32>
      %mul3A_112 = arith.muli %iota3A, %mul3A_111 : vector<16xi32>
      %add3A_113 = arith.constant 1 : i32
      %add3A_114 = vector.broadcast %add3A_113 : i32 to vector<16xi32>
      %add3A_115 = arith.addi %mul3A_112, %add3A_114 : vector<16xi32>
      %gather3A_116 = tpu.vector_load_idx %arg10[%add3A_115] : memref<256xf32, #tpu.memory_space<vmem>>[vector<16xi32>], vector<16xf32>,
      %add3A_117 = arith.addf %add3A_109, %gather3A_116 : vector<16xf32>
      %mul3A_118 = arith.constant 16 : i32
      %mul3A_119 = vector.broadcast %mul3A_118 : i32 to vector<16xi32>
      %mul3A_120 = arith.muli %iota3A, %mul3A_119 : vector<16xi32>
      %add3A_121 = arith.constant 2 : i32
      %add3A_122 = vector.broadcast %add3A_121 : i32 to vector<16xi32>
      %add3A_123 = arith.addi %mul3A_120, %add3A_122 : vector<16xi32>
      %gather3A_124 = tpu.vector_load_idx %arg10[%add3A_123] : memref<256xf32, #tpu.memory_space<vmem>>[vector<16xi32>], vector<16xf32>,
      %add3A_125 = arith.addf %add3A_117, %gather3A_124 : vector<16xf32>
      %mul3A_126 = arith.constant 16 : i32
      %mul3A_127 = vector.broadcast %mul3A_126 : i32 to vector<16xi32>
      %mul3A_128 = arith.muli %iota3A, %mul3A_127 : vector<16xi32>
      %add3A_129 = arith.constant 3 : i32
      %add3A_130 = vector.broadcast %add3A_129 : i32 to vector<16xi32>
      %add3A_131 = arith.addi %mul3A_128, %add3A_130 : vector<16xi32>
      %gather3A_132 = tpu.vector_load_idx %arg10[%add3A_131] : memref<256xf32, #tpu.memory_space<vmem>>[vector<16xi32>], vector<16xf32>,
      %add3A_133 = arith.addf %add3A_125, %gather3A_132 : vector<16xf32>
      %mul3A_134 = arith.constant 16 : i32
      %mul3A_135 = vector.broadcast %mul3A_134 : i32 to vector<16xi32>
      %mul3A_136 = arith.muli %iota3A, %mul3A_135 : vector<16xi32>
      %add3A_137 = arith.constant 4 : i32
      %add3A_138 = vector.broadcast %add3A_137 : i32 to vector<16xi32>
      %add3A_139 = arith.addi %mul3A_136, %add3A_138 : vector<16xi32>
      %gather3A_140 = tpu.vector_load_idx %arg10[%add3A_139] : memref<256xf32, #tpu.memory_space<vmem>>[vector<16xi32>], vector<16xf32>,
      %add3A_141 = arith.addf %add3A_133, %gather3A_140 : vector<16xf32>
      %mul3A_142 = arith.constant 16 : i32
      %mul3A_143 = vector.broadcast %mul3A_142 : i32 to vector<16xi32>
      %mul3A_144 = arith.muli %iota3A, %mul3A_143 : vector<16xi32>
      %add3A_145 = arith.constant 5 : i32
      %add3A_146 = vector.broadcast %add3A_145 : i32 to vector<16xi32>
      %add3A_147 = arith.addi %mul3A_144, %add3A_146 : vector<16xi32>
      %gather3A_148 = tpu.vector_load_idx %arg10[%add3A_147] : memref<256xf32, #tpu.memory_space<vmem>>[vector<16xi32>], vector<16xf32>,
      %add3A_149 = arith.addf %add3A_141, %gather3A_148 : vector<16xf32>
      %mul3A_150 = arith.constant 16 : i32
      %mul3A_151 = vector.broadcast %mul3A_150 : i32 to vector<16xi32>
      %mul3A_152 = arith.muli %iota3A, %mul3A_151 : vector<16xi32>
      %add3A_153 = arith.constant 6 : i32
      %add3A_154 = vector.broadcast %add3A_153 : i32 to vector<16xi32>
      %add3A_155 = arith.addi %mul3A_152, %add3A_154 : vector<16xi32>
      %gather3A_156 = tpu.vector_load_idx %arg10[%add3A_155] : memref<256xf32, #tpu.memory_space<vmem>>[vector<16xi32>], vector<16xf32>,
      %add3A_157 = arith.addf %add3A_149, %gather3A_156 : vector<16xf32>
      %mul3A_158 = arith.constant 16 : i32
      %mul3A_159 = vector.broadcast %mul3A_158 : i32 to vector<16xi32>
      %mul3A_160 = arith.muli %iota3A, %mul3A_159 : vector<16xi32>
      %add3A_161 = arith.constant 7 : i32
      %add3A_162 = vector.broadcast %add3A_161 : i32 to vector<16xi32>
      %add3A_163 = arith.addi %mul3A_160, %add3A_162 : vector<16xi32>
      %gather3A_164 = tpu.vector_load_idx %arg10[%add3A_163] : memref<256xf32, #tpu.memory_space<vmem>>[vector<16xi32>], vector<16xf32>,
      %add3A_165 = arith.addf %add3A_157, %gather3A_164 : vector<16xf32>
      %mul3A_166 = arith.constant 16 : i32
      %mul3A_167 = vector.broadcast %mul3A_166 : i32 to vector<16xi32>
      %mul3A_168 = arith.muli %iota3A, %mul3A_167 : vector<16xi32>
      %add3A_169 = arith.constant 8 : i32
      %add3A_170 = vector.broadcast %add3A_169 : i32 to vector<16xi32>
      %add3A_171 = arith.addi %mul3A_168, %add3A_170 : vector<16xi32>
      %gather3A_172 = tpu.vector_load_idx %arg10[%add3A_171] : memref<256xf32, #tpu.memory_space<vmem>>[vector<16xi32>], vector<16xf32>,
      %add3A_173 = arith.addf %add3A_165, %gather3A_172 : vector<16xf32>
      %mul3A_174 = arith.constant 16 : i32
      %mul3A_175 = vector.broadcast %mul3A_174 : i32 to vector<16xi32>
      %mul3A_176 = arith.muli %iota3A, %mul3A_175 : vector<16xi32>
      %add3A_177 = arith.constant 9 : i32
      %add3A_178 = vector.broadcast %add3A_177 : i32 to vector<16xi32>
      %add3A_179 = arith.addi %mul3A_176, %add3A_178 : vector<16xi32>
      %gather3A_180 = tpu.vector_load_idx %arg10[%add3A_179] : memref<256xf32, #tpu.memory_space<vmem>>[vector<16xi32>], vector<16xf32>,
      %add3A_181 = arith.addf %add3A_173, %gather3A_180 : vector<16xf32>
      %mul3A_182 = arith.constant 16 : i32
      %mul3A_183 = vector.broadcast %mul3A_182 : i32 to vector<16xi32>
      %mul3A_184 = arith.muli %iota3A, %mul3A_183 : vector<16xi32>
      %add3A_185 = arith.constant 10 : i32
      %add3A_186 = vector.broadcast %add3A_185 : i32 to vector<16xi32>
      %add3A_187 = arith.addi %mul3A_184, %add3A_186 : vector<16xi32>
      %gather3A_188 = tpu.vector_load_idx %arg10[%add3A_187] : memref<256xf32, #tpu.memory_space<vmem>>[vector<16xi32>], vector<16xf32>,
      %add3A_189 = arith.addf %add3A_181, %gather3A_188 : vector<16xf32>
      %mul3A_190 = arith.constant 16 : i32
      %mul3A_191 = vector.broadcast %mul3A_190 : i32 to vector<16xi32>
      %mul3A_192 = arith.muli %iota3A, %mul3A_191 : vector<16xi32>
      %add3A_193 = arith.constant 11 : i32
      %add3A_194 = vector.broadcast %add3A_193 : i32 to vector<16xi32>
      %add3A_195 = arith.addi %mul3A_192, %add3A_194 : vector<16xi32>
      %gather3A_196 = tpu.vector_load_idx %arg10[%add3A_195] : memref<256xf32, #tpu.memory_space<vmem>>[vector<16xi32>], vector<16xf32>,
      %add3A_197 = arith.addf %add3A_189, %gather3A_196 : vector<16xf32>
      %mul3A_198 = arith.constant 16 : i32
      %mul3A_199 = vector.broadcast %mul3A_198 : i32 to vector<16xi32>
      %mul3A_200 = arith.muli %iota3A, %mul3A_199 : vector<16xi32>
      %add3A_201 = arith.constant 12 : i32
      %add3A_202 = vector.broadcast %add3A_201 : i32 to vector<16xi32>
      %add3A_203 = arith.addi %mul3A_200, %add3A_202 : vector<16xi32>
      %gather3A_204 = tpu.vector_load_idx %arg10[%add3A_203] : memref<256xf32, #tpu.memory_space<vmem>>[vector<16xi32>], vector<16xf32>,
      %add3A_205 = arith.addf %add3A_197, %gather3A_204 : vector<16xf32>
      %mul3A_206 = arith.constant 16 : i32
      %mul3A_207 = vector.broadcast %mul3A_206 : i32 to vector<16xi32>
      %mul3A_208 = arith.muli %iota3A, %mul3A_207 : vector<16xi32>
      %add3A_209 = arith.constant 13 : i32
      %add3A_210 = vector.broadcast %add3A_209 : i32 to vector<16xi32>
      %add3A_211 = arith.addi %mul3A_208, %add3A_210 : vector<16xi32>
      %gather3A_212 = tpu.vector_load_idx %arg10[%add3A_211] : memref<256xf32, #tpu.memory_space<vmem>>[vector<16xi32>], vector<16xf32>,
      %add3A_213 = arith.addf %add3A_205, %gather3A_212 : vector<16xf32>
      %mul3A_214 = arith.constant 16 : i32
      %mul3A_215 = vector.broadcast %mul3A_214 : i32 to vector<16xi32>
      %mul3A_216 = arith.muli %iota3A, %mul3A_215 : vector<16xi32>
      %add3A_217 = arith.constant 14 : i32
      %add3A_218 = vector.broadcast %add3A_217 : i32 to vector<16xi32>
      %add3A_219 = arith.addi %mul3A_216, %add3A_218 : vector<16xi32>
      %gather3A_220 = tpu.vector_load_idx %arg10[%add3A_219] : memref<256xf32, #tpu.memory_space<vmem>>[vector<16xi32>], vector<16xf32>,
      %add3A_221 = arith.addf %add3A_213, %gather3A_220 : vector<16xf32>
      %mul3A_222 = arith.constant 16 : i32
      %mul3A_223 = vector.broadcast %mul3A_222 : i32 to vector<16xi32>
      %mul3A_224 = arith.muli %iota3A, %mul3A_223 : vector<16xi32>
      %add3A_225 = arith.constant 15 : i32
      %add3A_226 = vector.broadcast %add3A_225 : i32 to vector<16xi32>
      %add3A_227 = arith.addi %mul3A_224, %add3A_226 : vector<16xi32>
      %gather3A_228 = tpu.vector_load_idx %arg10[%add3A_227] : memref<256xf32, #tpu.memory_space<vmem>>[vector<16xi32>], vector<16xf32>,
      %add3A_229 = arith.addf %add3A_221, %gather3A_228 : vector<16xf32>
      %add3A_230 = arith.constant 0 : i32
      %add3A_231 = vector.broadcast %add3A_230 : i32 to vector<16xi32>
      %add3A_232 = arith.addi %iota3A, %add3A_231 : vector<16xi32>
      %lt3A_233 = arith.cmpf olt, %add3A_229, %broadcast_in_dim3A_93 : vector<16xf32>
      %select_n3A = arith.select %lt3A_233, %add3A_229, %broadcast_in_dim3A_93 : vector<16xi1>, vector<16xf32>
      %select_n3A_234 = arith.select %lt3A_233, %add3A_232, %broadcast_in_dim3A_5 : vector<16xi1>, vector<16xi32>
      %scan3A_235 = arith.constant 0 : i32
      %scan3A_236 = arith.constant 0 : i32
      %scan3A_237 = arith.constant 0 : i32
      %scan3A_238 = arith.constant 16 : i32
      %scan3A_239 = arith.addi %scan3A_237, %scan3A_238 : i32
      %scan3A_240 = arith.constant 1 : i32
      scf.for %scan3A_1325 = %scan3A_237 to %scan3A_239 step %scan3A_240  : i32 {
        %broadcast_in_dim3A_1326 = arith.constant 0.000000e+00 : f32
        %broadcast_in_dim3A_1327 = vector.broadcast %broadcast_in_dim3A_1326 : f32 to vector<16xf32>
        %add3A_1328 = arith.constant 16 : i32
        %add3A_1329 = arith.addi %add3A_1328, %scan3A_1325 : i32
        %get3A_1330 = arith.constant 0 : i32
        %get3A_1331 = arith.constant 0 : i32
        %get3A_1332 = tpu.memref_slice %arg9[%scan3A_236, %get3A_1330, %get3A_1331] : memref<2x64x256xf32, #tpu.memory_space<vmem>> -> memref<1x64x256xf32, #tpu.memory_space<vmem>>
        %get3A_1333 = tpu.memref_squeeze %get3A_1332 : memref<1x64x256xf32, #tpu.memory_space<vmem>> -> memref<64x256xf32, #tpu.memory_space<vmem>>
        %get3A_1334 = arith.index_cast %add3A_1329 : i32 to index
        %get3A_1335 = arith.constant 0 : index
        %get3A_1336 = tpu.vector_load %get3A_1333[%get3A_1334, %get3A_1335] {strides = array<i32>} : memref<64x256xf32, #tpu.memory_space<vmem>>, vector<16xf32>,
        %sub3A = arith.subf %get3A_1336, %get3A_46 : vector<16xf32>
        %mul3A_1337 = arith.mulf %sub3A, %sub3A : vector<16xf32>
        %add3A_1338 = arith.addf %mul3A_1337, %broadcast_in_dim3A_1327 : vector<16xf32>
        %get3A_1339 = arith.constant 0 : i32
        %get3A_1340 = arith.constant 0 : i32
        %get3A_1341 = tpu.memref_slice %arg9[%scan3A_236, %get3A_1339, %get3A_1340] : memref<2x64x256xf32, #tpu.memory_space<vmem>> -> memref<1x64x256xf32, #tpu.memory_space<vmem>>
        %get3A_1342 = tpu.memref_squeeze %get3A_1341 : memref<1x64x256xf32, #tpu.memory_space<vmem>> -> memref<64x256xf32, #tpu.memory_space<vmem>>
        %get3A_1343 = arith.index_cast %add3A_1329 : i32 to index
        %get3A_1344 = arith.constant 16 : index
        %get3A_1345 = tpu.vector_load %get3A_1342[%get3A_1343, %get3A_1344] {strides = array<i32>} : memref<64x256xf32, #tpu.memory_space<vmem>>, vector<16xf32>,
        %sub3A_1346 = arith.subf %get3A_1345, %get3A_49 : vector<16xf32>
        %mul3A_1347 = arith.mulf %sub3A_1346, %sub3A_1346 : vector<16xf32>
        %add3A_1348 = arith.addf %mul3A_1347, %add3A_1338 : vector<16xf32>
        %get3A_1349 = arith.constant 0 : i32
        %get3A_1350 = arith.constant 0 : i32
        %get3A_1351 = tpu.memref_slice %arg9[%scan3A_236, %get3A_1349, %get3A_1350] : memref<2x64x256xf32, #tpu.memory_space<vmem>> -> memref<1x64x256xf32, #tpu.memory_space<vmem>>
        %get3A_1352 = tpu.memref_squeeze %get3A_1351 : memref<1x64x256xf32, #tpu.memory_space<vmem>> -> memref<64x256xf32, #tpu.memory_space<vmem>>
        %get3A_1353 = arith.index_cast %add3A_1329 : i32 to index
        %get3A_1354 = arith.constant 32 : index
        %get3A_1355 = tpu.vector_load %get3A_1352[%get3A_1353, %get3A_1354] {strides = array<i32>} : memref<64x256xf32, #tpu.memory_space<vmem>>, vector<16xf32>,
        %sub3A_1356 = arith.subf %get3A_1355, %get3A_52 : vector<16xf32>
        %mul3A_1357 = arith.mulf %sub3A_1356, %sub3A_1356 : vector<16xf32>
        %add3A_1358 = arith.addf %mul3A_1357, %add3A_1348 : vector<16xf32>
        %get3A_1359 = arith.constant 0 : i32
        %get3A_1360 = arith.constant 0 : i32
        %get3A_1361 = tpu.memref_slice %arg9[%scan3A_236, %get3A_1359, %get3A_1360] : memref<2x64x256xf32, #tpu.memory_space<vmem>> -> memref<1x64x256xf32, #tpu.memory_space<vmem>>
        %get3A_1362 = tpu.memref_squeeze %get3A_1361 : memref<1x64x256xf32, #tpu.memory_space<vmem>> -> memref<64x256xf32, #tpu.memory_space<vmem>>
        %get3A_1363 = arith.index_cast %add3A_1329 : i32 to index
        %get3A_1364 = arith.constant 48 : index
        %get3A_1365 = tpu.vector_load %get3A_1362[%get3A_1363, %get3A_1364] {strides = array<i32>} : memref<64x256xf32, #tpu.memory_space<vmem>>, vector<16xf32>,
        %sub3A_1366 = arith.subf %get3A_1365, %get3A_55 : vector<16xf32>
        %mul3A_1367 = arith.mulf %sub3A_1366, %sub3A_1366 : vector<16xf32>
        %add3A_1368 = arith.addf %mul3A_1367, %add3A_1358 : vector<16xf32>
        %get3A_1369 = arith.constant 0 : i32
        %get3A_1370 = arith.constant 0 : i32
        %get3A_1371 = tpu.memref_slice %arg9[%scan3A_236, %get3A_1369, %get3A_1370] : memref<2x64x256xf32, #tpu.memory_space<vmem>> -> memref<1x64x256xf32, #tpu.memory_space<vmem>>
        %get3A_1372 = tpu.memref_squeeze %get3A_1371 : memref<1x64x256xf32, #tpu.memory_space<vmem>> -> memref<64x256xf32, #tpu.memory_space<vmem>>
        %get3A_1373 = arith.index_cast %add3A_1329 : i32 to index
        %get3A_1374 = arith.constant 64 : index
        %get3A_1375 = tpu.vector_load %get3A_1372[%get3A_1373, %get3A_1374] {strides = array<i32>} : memref<64x256xf32, #tpu.memory_space<vmem>>, vector<16xf32>,
        %sub3A_1376 = arith.subf %get3A_1375, %get3A_58 : vector<16xf32>
        %mul3A_1377 = arith.mulf %sub3A_1376, %sub3A_1376 : vector<16xf32>
        %add3A_1378 = arith.addf %mul3A_1377, %add3A_1368 : vector<16xf32>
        %get3A_1379 = arith.constant 0 : i32
        %get3A_1380 = arith.constant 0 : i32
        %get3A_1381 = tpu.memref_slice %arg9[%scan3A_236, %get3A_1379, %get3A_1380] : memref<2x64x256xf32, #tpu.memory_space<vmem>> -> memref<1x64x256xf32, #tpu.memory_space<vmem>>
        %get3A_1382 = tpu.memref_squeeze %get3A_1381 : memref<1x64x256xf32, #tpu.memory_space<vmem>> -> memref<64x256xf32, #tpu.memory_space<vmem>>
        %get3A_1383 = arith.index_cast %add3A_1329 : i32 to index
        %get3A_1384 = arith.constant 80 : index
        %get3A_1385 = tpu.vector_load %get3A_1382[%get3A_1383, %get3A_1384] {strides = array<i32>} : memref<64x256xf32, #tpu.memory_space<vmem>>, vector<16xf32>,
        %sub3A_1386 = arith.subf %get3A_1385, %get3A_61 : vector<16xf32>
        %mul3A_1387 = arith.mulf %sub3A_1386, %sub3A_1386 : vector<16xf32>
        %add3A_1388 = arith.addf %mul3A_1387, %add3A_1378 : vector<16xf32>
        %get3A_1389 = arith.constant 0 : i32
        %get3A_1390 = arith.constant 0 : i32
        %get3A_1391 = tpu.memref_slice %arg9[%scan3A_236, %get3A_1389, %get3A_1390] : memref<2x64x256xf32, #tpu.memory_space<vmem>> -> memref<1x64x256xf32, #tpu.memory_space<vmem>>
        %get3A_1392 = tpu.memref_squeeze %get3A_1391 : memref<1x64x256xf32, #tpu.memory_space<vmem>> -> memref<64x256xf32, #tpu.memory_space<vmem>>
        %get3A_1393 = arith.index_cast %add3A_1329 : i32 to index
        %get3A_1394 = arith.constant 96 : index
        %get3A_1395 = tpu.vector_load %get3A_1392[%get3A_1393, %get3A_1394] {strides = array<i32>} : memref<64x256xf32, #tpu.memory_space<vmem>>, vector<16xf32>,
        %sub3A_1396 = arith.subf %get3A_1395, %get3A_64 : vector<16xf32>
        %mul3A_1397 = arith.mulf %sub3A_1396, %sub3A_1396 : vector<16xf32>
        %add3A_1398 = arith.addf %mul3A_1397, %add3A_1388 : vector<16xf32>
        %get3A_1399 = arith.constant 0 : i32
        %get3A_1400 = arith.constant 0 : i32
        %get3A_1401 = tpu.memref_slice %arg9[%scan3A_236, %get3A_1399, %get3A_1400] : memref<2x64x256xf32, #tpu.memory_space<vmem>> -> memref<1x64x256xf32, #tpu.memory_space<vmem>>
        %get3A_1402 = tpu.memref_squeeze %get3A_1401 : memref<1x64x256xf32, #tpu.memory_space<vmem>> -> memref<64x256xf32, #tpu.memory_space<vmem>>
        %get3A_1403 = arith.index_cast %add3A_1329 : i32 to index
        %get3A_1404 = arith.constant 112 : index
        %get3A_1405 = tpu.vector_load %get3A_1402[%get3A_1403, %get3A_1404] {strides = array<i32>} : memref<64x256xf32, #tpu.memory_space<vmem>>, vector<16xf32>,
        %sub3A_1406 = arith.subf %get3A_1405, %get3A_67 : vector<16xf32>
        %mul3A_1407 = arith.mulf %sub3A_1406, %sub3A_1406 : vector<16xf32>
        %add3A_1408 = arith.addf %mul3A_1407, %add3A_1398 : vector<16xf32>
        %get3A_1409 = arith.constant 0 : i32
        %get3A_1410 = arith.constant 0 : i32
        %get3A_1411 = tpu.memref_slice %arg9[%scan3A_236, %get3A_1409, %get3A_1410] : memref<2x64x256xf32, #tpu.memory_space<vmem>> -> memref<1x64x256xf32, #tpu.memory_space<vmem>>
        %get3A_1412 = tpu.memref_squeeze %get3A_1411 : memref<1x64x256xf32, #tpu.memory_space<vmem>> -> memref<64x256xf32, #tpu.memory_space<vmem>>
        %get3A_1413 = arith.index_cast %add3A_1329 : i32 to index
        %get3A_1414 = arith.constant 128 : index
        %get3A_1415 = tpu.vector_load %get3A_1412[%get3A_1413, %get3A_1414] {strides = array<i32>} : memref<64x256xf32, #tpu.memory_space<vmem>>, vector<16xf32>,
        %sub3A_1416 = arith.subf %get3A_1415, %get3A_70 : vector<16xf32>
        %mul3A_1417 = arith.mulf %sub3A_1416, %sub3A_1416 : vector<16xf32>
        %add3A_1418 = arith.addf %mul3A_1417, %add3A_1408 : vector<16xf32>
        %get3A_1419 = arith.constant 0 : i32
        %get3A_1420 = arith.constant 0 : i32
        %get3A_1421 = tpu.memref_slice %arg9[%scan3A_236, %get3A_1419, %get3A_1420] : memref<2x64x256xf32, #tpu.memory_space<vmem>> -> memref<1x64x256xf32, #tpu.memory_space<vmem>>
        %get3A_1422 = tpu.memref_squeeze %get3A_1421 : memref<1x64x256xf32, #tpu.memory_space<vmem>> -> memref<64x256xf32, #tpu.memory_space<vmem>>
        %get3A_1423 = arith.index_cast %add3A_1329 : i32 to index
        %get3A_1424 = arith.constant 144 : index
        %get3A_1425 = tpu.vector_load %get3A_1422[%get3A_1423, %get3A_1424] {strides = array<i32>} : memref<64x256xf32, #tpu.memory_space<vmem>>, vector<16xf32>,
        %sub3A_1426 = arith.subf %get3A_1425, %get3A_73 : vector<16xf32>
        %mul3A_1427 = arith.mulf %sub3A_1426, %sub3A_1426 : vector<16xf32>
        %add3A_1428 = arith.addf %mul3A_1427, %add3A_1418 : vector<16xf32>
        %get3A_1429 = arith.constant 0 : i32
        %get3A_1430 = arith.constant 0 : i32
        %get3A_1431 = tpu.memref_slice %arg9[%scan3A_236, %get3A_1429, %get3A_1430] : memref<2x64x256xf32, #tpu.memory_space<vmem>> -> memref<1x64x256xf32, #tpu.memory_space<vmem>>
        %get3A_1432 = tpu.memref_squeeze %get3A_1431 : memref<1x64x256xf32, #tpu.memory_space<vmem>> -> memref<64x256xf32, #tpu.memory_space<vmem>>
        %get3A_1433 = arith.index_cast %add3A_1329 : i32 to index
        %get3A_1434 = arith.constant 160 : index
        %get3A_1435 = tpu.vector_load %get3A_1432[%get3A_1433, %get3A_1434] {strides = array<i32>} : memref<64x256xf32, #tpu.memory_space<vmem>>, vector<16xf32>,
        %sub3A_1436 = arith.subf %get3A_1435, %get3A_76 : vector<16xf32>
        %mul3A_1437 = arith.mulf %sub3A_1436, %sub3A_1436 : vector<16xf32>
        %add3A_1438 = arith.addf %mul3A_1437, %add3A_1428 : vector<16xf32>
        %get3A_1439 = arith.constant 0 : i32
        %get3A_1440 = arith.constant 0 : i32
        %get3A_1441 = tpu.memref_slice %arg9[%scan3A_236, %get3A_1439, %get3A_1440] : memref<2x64x256xf32, #tpu.memory_space<vmem>> -> memref<1x64x256xf32, #tpu.memory_space<vmem>>
        %get3A_1442 = tpu.memref_squeeze %get3A_1441 : memref<1x64x256xf32, #tpu.memory_space<vmem>> -> memref<64x256xf32, #tpu.memory_space<vmem>>
        %get3A_1443 = arith.index_cast %add3A_1329 : i32 to index
        %get3A_1444 = arith.constant 176 : index
        %get3A_1445 = tpu.vector_load %get3A_1442[%get3A_1443, %get3A_1444] {strides = array<i32>} : memref<64x256xf32, #tpu.memory_space<vmem>>, vector<16xf32>,
        %sub3A_1446 = arith.subf %get3A_1445, %get3A_79 : vector<16xf32>
        %mul3A_1447 = arith.mulf %sub3A_1446, %sub3A_1446 : vector<16xf32>
        %add3A_1448 = arith.addf %mul3A_1447, %add3A_1438 : vector<16xf32>
        %get3A_1449 = arith.constant 0 : i32
        %get3A_1450 = arith.constant 0 : i32
        %get3A_1451 = tpu.memref_slice %arg9[%scan3A_236, %get3A_1449, %get3A_1450] : memref<2x64x256xf32, #tpu.memory_space<vmem>> -> memref<1x64x256xf32, #tpu.memory_space<vmem>>
        %get3A_1452 = tpu.memref_squeeze %get3A_1451 : memref<1x64x256xf32, #tpu.memory_space<vmem>> -> memref<64x256xf32, #tpu.memory_space<vmem>>
        %get3A_1453 = arith.index_cast %add3A_1329 : i32 to index
        %get3A_1454 = arith.constant 192 : index
        %get3A_1455 = tpu.vector_load %get3A_1452[%get3A_1453, %get3A_1454] {strides = array<i32>} : memref<64x256xf32, #tpu.memory_space<vmem>>, vector<16xf32>,
        %sub3A_1456 = arith.subf %get3A_1455, %get3A_82 : vector<16xf32>
        %mul3A_1457 = arith.mulf %sub3A_1456, %sub3A_1456 : vector<16xf32>
        %add3A_1458 = arith.addf %mul3A_1457, %add3A_1448 : vector<16xf32>
        %get3A_1459 = arith.constant 0 : i32
        %get3A_1460 = arith.constant 0 : i32
        %get3A_1461 = tpu.memref_slice %arg9[%scan3A_236, %get3A_1459, %get3A_1460] : memref<2x64x256xf32, #tpu.memory_space<vmem>> -> memref<1x64x256xf32, #tpu.memory_space<vmem>>
        %get3A_1462 = tpu.memref_squeeze %get3A_1461 : memref<1x64x256xf32, #tpu.memory_space<vmem>> -> memref<64x256xf32, #tpu.memory_space<vmem>>
        %get3A_1463 = arith.index_cast %add3A_1329 : i32 to index
        %get3A_1464 = arith.constant 208 : index
        %get3A_1465 = tpu.vector_load %get3A_1462[%get3A_1463, %get3A_1464] {strides = array<i32>} : memref<64x256xf32, #tpu.memory_space<vmem>>, vector<16xf32>,
        %sub3A_1466 = arith.subf %get3A_1465, %get3A_85 : vector<16xf32>
        %mul3A_1467 = arith.mulf %sub3A_1466, %sub3A_1466 : vector<16xf32>
        %add3A_1468 = arith.addf %mul3A_1467, %add3A_1458 : vector<16xf32>
        %get3A_1469 = arith.constant 0 : i32
        %get3A_1470 = arith.constant 0 : i32
        %get3A_1471 = tpu.memref_slice %arg9[%scan3A_236, %get3A_1469, %get3A_1470] : memref<2x64x256xf32, #tpu.memory_space<vmem>> -> memref<1x64x256xf32, #tpu.memory_space<vmem>>
        %get3A_1472 = tpu.memref_squeeze %get3A_1471 : memref<1x64x256xf32, #tpu.memory_space<vmem>> -> memref<64x256xf32, #tpu.memory_space<vmem>>
        %get3A_1473 = arith.index_cast %add3A_1329 : i32 to index
        %get3A_1474 = arith.constant 224 : index
        %get3A_1475 = tpu.vector_load %get3A_1472[%get3A_1473, %get3A_1474] {strides = array<i32>} : memref<64x256xf32, #tpu.memory_space<vmem>>, vector<16xf32>,
        %sub3A_1476 = arith.subf %get3A_1475, %get3A_88 : vector<16xf32>
        %mul3A_1477 = arith.mulf %sub3A_1476, %sub3A_1476 : vector<16xf32>
        %add3A_1478 = arith.addf %mul3A_1477, %add3A_1468 : vector<16xf32>
        %get3A_1479 = arith.constant 0 : i32
        %get3A_1480 = arith.constant 0 : i32
        %get3A_1481 = tpu.memref_slice %arg9[%scan3A_236, %get3A_1479, %get3A_1480] : memref<2x64x256xf32, #tpu.memory_space<vmem>> -> memref<1x64x256xf32, #tpu.memory_space<vmem>>
        %get3A_1482 = tpu.memref_squeeze %get3A_1481 : memref<1x64x256xf32, #tpu.memory_space<vmem>> -> memref<64x256xf32, #tpu.memory_space<vmem>>
        %get3A_1483 = arith.index_cast %add3A_1329 : i32 to index
        %get3A_1484 = arith.constant 240 : index
        %get3A_1485 = tpu.vector_load %get3A_1482[%get3A_1483, %get3A_1484] {strides = array<i32>} : memref<64x256xf32, #tpu.memory_space<vmem>>, vector<16xf32>,
        %sub3A_1486 = arith.subf %get3A_1485, %get3A_91 : vector<16xf32>
        %mul3A_1487 = arith.mulf %sub3A_1486, %sub3A_1486 : vector<16xf32>
        %add3A_1488 = arith.addf %mul3A_1487, %add3A_1478 : vector<16xf32>
        %mul3A_1489 = arith.constant 16 : i32
        %mul3A_1490 = arith.muli %scan3A_1325, %mul3A_1489 : i32
        %swap3A = arith.index_cast %mul3A_1490 : i32 to index
        %swap3A_1491 = tpu.vector_load %arg10[%swap3A] {strides = array<i32>} : memref<256xf32, #tpu.memory_space<vmem>>, vector<16xf32>,
        tpu.vector_store %arg10[%swap3A], %add3A_1488 {strides = array<i32>} : memref<256xf32, #tpu.memory_space<vmem>>, vector<16xf32>,
      }
      %scan3A_241 = arith.constant 16 : i32
      %broadcast_in_dim3A_242 = arith.constant 0.000000e+00 : f32
      %broadcast_in_dim3A_243 = vector.broadcast %broadcast_in_dim3A_242 : f32 to vector<16xf32>
      %mul3A_244 = arith.constant 16 : i32
      %mul3A_245 = vector.broadcast %mul3A_244 : i32 to vector<16xi32>
      %mul3A_246 = arith.muli %iota3A, %mul3A_245 : vector<16xi32>
      %add3A_247 = arith.constant 0 : i32
      %add3A_248 = vector.broadcast %add3A_247 : i32 to vector<16xi32>
      %add3A_249 = arith.addi %mul3A_246, %add3A_248 : vector<16xi32>
      %gather3A_250 = tpu.vector_load_idx %arg10[%add3A_249] : memref<256xf32, #tpu.memory_space<vmem>>[vector<16xi32>], vector<16xf32>,
      %add3A_251 = arith.addf %broadcast_in_dim3A_243, %gather3A_250 : vector<16xf32>
      %mul3A_252 = arith.constant 16 : i32
      %mul3A_253 = vector.broadcast %mul3A_252 : i32 to vector<16xi32>
      %mul3A_254 = arith.muli %iota3A, %mul3A_253 : vector<16xi32>
      %add3A_255 = arith.constant 1 : i32
      %add3A_256 = vector.broadcast %add3A_255 : i32 to vector<16xi32>
      %add3A_257 = arith.addi %mul3A_254, %add3A_256 : vector<16xi32>
      %gather3A_258 = tpu.vector_load_idx %arg10[%add3A_257] : memref<256xf32, #tpu.memory_space<vmem>>[vector<16xi32>], vector<16xf32>,
      %add3A_259 = arith.addf %add3A_251, %gather3A_258 : vector<16xf32>
      %mul3A_260 = arith.constant 16 : i32
      %mul3A_261 = vector.broadcast %mul3A_260 : i32 to vector<16xi32>
      %mul3A_262 = arith.muli %iota3A, %mul3A_261 : vector<16xi32>
      %add3A_263 = arith.constant 2 : i32
      %add3A_264 = vector.broadcast %add3A_263 : i32 to vector<16xi32>
      %add3A_265 = arith.addi %mul3A_262, %add3A_264 : vector<16xi32>
      %gather3A_266 = tpu.vector_load_idx %arg10[%add3A_265] : memref<256xf32, #tpu.memory_space<vmem>>[vector<16xi32>], vector<16xf32>,
      %add3A_267 = arith.addf %add3A_259, %gather3A_266 : vector<16xf32>
      %mul3A_268 = arith.constant 16 : i32
      %mul3A_269 = vector.broadcast %mul3A_268 : i32 to vector<16xi32>
      %mul3A_270 = arith.muli %iota3A, %mul3A_269 : vector<16xi32>
      %add3A_271 = arith.constant 3 : i32
      %add3A_272 = vector.broadcast %add3A_271 : i32 to vector<16xi32>
      %add3A_273 = arith.addi %mul3A_270, %add3A_272 : vector<16xi32>
      %gather3A_274 = tpu.vector_load_idx %arg10[%add3A_273] : memref<256xf32, #tpu.memory_space<vmem>>[vector<16xi32>], vector<16xf32>,
      %add3A_275 = arith.addf %add3A_267, %gather3A_274 : vector<16xf32>
      %mul3A_276 = arith.constant 16 : i32
      %mul3A_277 = vector.broadcast %mul3A_276 : i32 to vector<16xi32>
      %mul3A_278 = arith.muli %iota3A, %mul3A_277 : vector<16xi32>
      %add3A_279 = arith.constant 4 : i32
      %add3A_280 = vector.broadcast %add3A_279 : i32 to vector<16xi32>
      %add3A_281 = arith.addi %mul3A_278, %add3A_280 : vector<16xi32>
      %gather3A_282 = tpu.vector_load_idx %arg10[%add3A_281] : memref<256xf32, #tpu.memory_space<vmem>>[vector<16xi32>], vector<16xf32>,
      %add3A_283 = arith.addf %add3A_275, %gather3A_282 : vector<16xf32>
      %mul3A_284 = arith.constant 16 : i32
      %mul3A_285 = vector.broadcast %mul3A_284 : i32 to vector<16xi32>
      %mul3A_286 = arith.muli %iota3A, %mul3A_285 : vector<16xi32>
      %add3A_287 = arith.constant 5 : i32
      %add3A_288 = vector.broadcast %add3A_287 : i32 to vector<16xi32>
      %add3A_289 = arith.addi %mul3A_286, %add3A_288 : vector<16xi32>
      %gather3A_290 = tpu.vector_load_idx %arg10[%add3A_289] : memref<256xf32, #tpu.memory_space<vmem>>[vector<16xi32>], vector<16xf32>,
      %add3A_291 = arith.addf %add3A_283, %gather3A_290 : vector<16xf32>
      %mul3A_292 = arith.constant 16 : i32
      %mul3A_293 = vector.broadcast %mul3A_292 : i32 to vector<16xi32>
      %mul3A_294 = arith.muli %iota3A, %mul3A_293 : vector<16xi32>
      %add3A_295 = arith.constant 6 : i32
      %add3A_296 = vector.broadcast %add3A_295 : i32 to vector<16xi32>
      %add3A_297 = arith.addi %mul3A_294, %add3A_296 : vector<16xi32>
      %gather3A_298 = tpu.vector_load_idx %arg10[%add3A_297] : memref<256xf32, #tpu.memory_space<vmem>>[vector<16xi32>], vector<16xf32>,
      %add3A_299 = arith.addf %add3A_291, %gather3A_298 : vector<16xf32>
      %mul3A_300 = arith.constant 16 : i32
      %mul3A_301 = vector.broadcast %mul3A_300 : i32 to vector<16xi32>
      %mul3A_302 = arith.muli %iota3A, %mul3A_301 : vector<16xi32>
      %add3A_303 = arith.constant 7 : i32
      %add3A_304 = vector.broadcast %add3A_303 : i32 to vector<16xi32>
      %add3A_305 = arith.addi %mul3A_302, %add3A_304 : vector<16xi32>
      %gather3A_306 = tpu.vector_load_idx %arg10[%add3A_305] : memref<256xf32, #tpu.memory_space<vmem>>[vector<16xi32>], vector<16xf32>,
      %add3A_307 = arith.addf %add3A_299, %gather3A_306 : vector<16xf32>
      %mul3A_308 = arith.constant 16 : i32
      %mul3A_309 = vector.broadcast %mul3A_308 : i32 to vector<16xi32>
      %mul3A_310 = arith.muli %iota3A, %mul3A_309 : vector<16xi32>
      %add3A_311 = arith.constant 8 : i32
      %add3A_312 = vector.broadcast %add3A_311 : i32 to vector<16xi32>
      %add3A_313 = arith.addi %mul3A_310, %add3A_312 : vector<16xi32>
      %gather3A_314 = tpu.vector_load_idx %arg10[%add3A_313] : memref<256xf32, #tpu.memory_space<vmem>>[vector<16xi32>], vector<16xf32>,
      %add3A_315 = arith.addf %add3A_307, %gather3A_314 : vector<16xf32>
      %mul3A_316 = arith.constant 16 : i32
      %mul3A_317 = vector.broadcast %mul3A_316 : i32 to vector<16xi32>
      %mul3A_318 = arith.muli %iota3A, %mul3A_317 : vector<16xi32>
      %add3A_319 = arith.constant 9 : i32
      %add3A_320 = vector.broadcast %add3A_319 : i32 to vector<16xi32>
      %add3A_321 = arith.addi %mul3A_318, %add3A_320 : vector<16xi32>
      %gather3A_322 = tpu.vector_load_idx %arg10[%add3A_321] : memref<256xf32, #tpu.memory_space<vmem>>[vector<16xi32>], vector<16xf32>,
      %add3A_323 = arith.addf %add3A_315, %gather3A_322 : vector<16xf32>
      %mul3A_324 = arith.constant 16 : i32
      %mul3A_325 = vector.broadcast %mul3A_324 : i32 to vector<16xi32>
      %mul3A_326 = arith.muli %iota3A, %mul3A_325 : vector<16xi32>
      %add3A_327 = arith.constant 10 : i32
      %add3A_328 = vector.broadcast %add3A_327 : i32 to vector<16xi32>
      %add3A_329 = arith.addi %mul3A_326, %add3A_328 : vector<16xi32>
      %gather3A_330 = tpu.vector_load_idx %arg10[%add3A_329] : memref<256xf32, #tpu.memory_space<vmem>>[vector<16xi32>], vector<16xf32>,
      %add3A_331 = arith.addf %add3A_323, %gather3A_330 : vector<16xf32>
      %mul3A_332 = arith.constant 16 : i32
      %mul3A_333 = vector.broadcast %mul3A_332 : i32 to vector<16xi32>
      %mul3A_334 = arith.muli %iota3A, %mul3A_333 : vector<16xi32>
      %add3A_335 = arith.constant 11 : i32
      %add3A_336 = vector.broadcast %add3A_335 : i32 to vector<16xi32>
      %add3A_337 = arith.addi %mul3A_334, %add3A_336 : vector<16xi32>
      %gather3A_338 = tpu.vector_load_idx %arg10[%add3A_337] : memref<256xf32, #tpu.memory_space<vmem>>[vector<16xi32>], vector<16xf32>,
      %add3A_339 = arith.addf %add3A_331, %gather3A_338 : vector<16xf32>
      %mul3A_340 = arith.constant 16 : i32
      %mul3A_341 = vector.broadcast %mul3A_340 : i32 to vector<16xi32>
      %mul3A_342 = arith.muli %iota3A, %mul3A_341 : vector<16xi32>
      %add3A_343 = arith.constant 12 : i32
      %add3A_344 = vector.broadcast %add3A_343 : i32 to vector<16xi32>
      %add3A_345 = arith.addi %mul3A_342, %add3A_344 : vector<16xi32>
      %gather3A_346 = tpu.vector_load_idx %arg10[%add3A_345] : memref<256xf32, #tpu.memory_space<vmem>>[vector<16xi32>], vector<16xf32>,
      %add3A_347 = arith.addf %add3A_339, %gather3A_346 : vector<16xf32>
      %mul3A_348 = arith.constant 16 : i32
      %mul3A_349 = vector.broadcast %mul3A_348 : i32 to vector<16xi32>
      %mul3A_350 = arith.muli %iota3A, %mul3A_349 : vector<16xi32>
      %add3A_351 = arith.constant 13 : i32
      %add3A_352 = vector.broadcast %add3A_351 : i32 to vector<16xi32>
      %add3A_353 = arith.addi %mul3A_350, %add3A_352 : vector<16xi32>
      %gather3A_354 = tpu.vector_load_idx %arg10[%add3A_353] : memref<256xf32, #tpu.memory_space<vmem>>[vector<16xi32>], vector<16xf32>,
      %add3A_355 = arith.addf %add3A_347, %gather3A_354 : vector<16xf32>
      %mul3A_356 = arith.constant 16 : i32
      %mul3A_357 = vector.broadcast %mul3A_356 : i32 to vector<16xi32>
      %mul3A_358 = arith.muli %iota3A, %mul3A_357 : vector<16xi32>
      %add3A_359 = arith.constant 14 : i32
      %add3A_360 = vector.broadcast %add3A_359 : i32 to vector<16xi32>
      %add3A_361 = arith.addi %mul3A_358, %add3A_360 : vector<16xi32>
      %gather3A_362 = tpu.vector_load_idx %arg10[%add3A_361] : memref<256xf32, #tpu.memory_space<vmem>>[vector<16xi32>], vector<16xf32>,
      %add3A_363 = arith.addf %add3A_355, %gather3A_362 : vector<16xf32>
      %mul3A_364 = arith.constant 16 : i32
      %mul3A_365 = vector.broadcast %mul3A_364 : i32 to vector<16xi32>
      %mul3A_366 = arith.muli %iota3A, %mul3A_365 : vector<16xi32>
      %add3A_367 = arith.constant 15 : i32
      %add3A_368 = vector.broadcast %add3A_367 : i32 to vector<16xi32>
      %add3A_369 = arith.addi %mul3A_366, %add3A_368 : vector<16xi32>
      %gather3A_370 = tpu.vector_load_idx %arg10[%add3A_369] : memref<256xf32, #tpu.memory_space<vmem>>[vector<16xi32>], vector<16xf32>,
      %add3A_371 = arith.addf %add3A_363, %gather3A_370 : vector<16xf32>
      %add3A_372 = arith.constant 16 : i32
      %add3A_373 = vector.broadcast %add3A_372 : i32 to vector<16xi32>
      %add3A_374 = arith.addi %iota3A, %add3A_373 : vector<16xi32>
      %lt3A_375 = arith.cmpf olt, %add3A_371, %select_n3A : vector<16xf32>
      %select_n3A_376 = arith.select %lt3A_375, %add3A_371, %select_n3A : vector<16xi1>, vector<16xf32>
      %select_n3A_377 = arith.select %lt3A_375, %add3A_374, %select_n3A_234 : vector<16xi1>, vector<16xi32>
      %scan3A_378 = arith.constant 0 : i32
      %scan3A_379 = arith.constant 0 : i32
      %scan3A_380 = arith.constant 0 : i32
      %scan3A_381 = arith.constant 16 : i32
      %scan3A_382 = arith.addi %scan3A_380, %scan3A_381 : i32
      %scan3A_383 = arith.constant 1 : i32
      scf.for %scan3A_1325 = %scan3A_380 to %scan3A_382 step %scan3A_383  : i32 {
        %broadcast_in_dim3A_1326 = arith.constant 0.000000e+00 : f32
        %broadcast_in_dim3A_1327 = vector.broadcast %broadcast_in_dim3A_1326 : f32 to vector<16xf32>
        %add3A_1328 = arith.constant 32 : i32
        %add3A_1329 = arith.addi %add3A_1328, %scan3A_1325 : i32
        %get3A_1330 = arith.constant 0 : i32
        %get3A_1331 = arith.constant 0 : i32
        %get3A_1332 = tpu.memref_slice %arg9[%scan3A_379, %get3A_1330, %get3A_1331] : memref<2x64x256xf32, #tpu.memory_space<vmem>> -> memref<1x64x256xf32, #tpu.memory_space<vmem>>
        %get3A_1333 = tpu.memref_squeeze %get3A_1332 : memref<1x64x256xf32, #tpu.memory_space<vmem>> -> memref<64x256xf32, #tpu.memory_space<vmem>>
        %get3A_1334 = arith.index_cast %add3A_1329 : i32 to index
        %get3A_1335 = arith.constant 0 : index
        %get3A_1336 = tpu.vector_load %get3A_1333[%get3A_1334, %get3A_1335] {strides = array<i32>} : memref<64x256xf32, #tpu.memory_space<vmem>>, vector<16xf32>,
        %sub3A = arith.subf %get3A_1336, %get3A_46 : vector<16xf32>
        %mul3A_1337 = arith.mulf %sub3A, %sub3A : vector<16xf32>
        %add3A_1338 = arith.addf %mul3A_1337, %broadcast_in_dim3A_1327 : vector<16xf32>
        %get3A_1339 = arith.constant 0 : i32
        %get3A_1340 = arith.constant 0 : i32
        %get3A_1341 = tpu.memref_slice %arg9[%scan3A_379, %get3A_1339, %get3A_1340] : memref<2x64x256xf32, #tpu.memory_space<vmem>> -> memref<1x64x256xf32, #tpu.memory_space<vmem>>
        %get3A_1342 = tpu.memref_squeeze %get3A_1341 : memref<1x64x256xf32, #tpu.memory_space<vmem>> -> memref<64x256xf32, #tpu.memory_space<vmem>>
        %get3A_1343 = arith.index_cast %add3A_1329 : i32 to index
        %get3A_1344 = arith.constant 16 : index
        %get3A_1345 = tpu.vector_load %get3A_1342[%get3A_1343, %get3A_1344] {strides = array<i32>} : memref<64x256xf32, #tpu.memory_space<vmem>>, vector<16xf32>,
        %sub3A_1346 = arith.subf %get3A_1345, %get3A_49 : vector<16xf32>
        %mul3A_1347 = arith.mulf %sub3A_1346, %sub3A_1346 : vector<16xf32>
        %add3A_1348 = arith.addf %mul3A_1347, %add3A_1338 : vector<16xf32>
        %get3A_1349 = arith.constant 0 : i32
        %get3A_1350 = arith.constant 0 : i32
        %get3A_1351 = tpu.memref_slice %arg9[%scan3A_379, %get3A_1349, %get3A_1350] : memref<2x64x256xf32, #tpu.memory_space<vmem>> -> memref<1x64x256xf32, #tpu.memory_space<vmem>>
        %get3A_1352 = tpu.memref_squeeze %get3A_1351 : memref<1x64x256xf32, #tpu.memory_space<vmem>> -> memref<64x256xf32, #tpu.memory_space<vmem>>
        %get3A_1353 = arith.index_cast %add3A_1329 : i32 to index
        %get3A_1354 = arith.constant 32 : index
        %get3A_1355 = tpu.vector_load %get3A_1352[%get3A_1353, %get3A_1354] {strides = array<i32>} : memref<64x256xf32, #tpu.memory_space<vmem>>, vector<16xf32>,
        %sub3A_1356 = arith.subf %get3A_1355, %get3A_52 : vector<16xf32>
        %mul3A_1357 = arith.mulf %sub3A_1356, %sub3A_1356 : vector<16xf32>
        %add3A_1358 = arith.addf %mul3A_1357, %add3A_1348 : vector<16xf32>
        %get3A_1359 = arith.constant 0 : i32
        %get3A_1360 = arith.constant 0 : i32
        %get3A_1361 = tpu.memref_slice %arg9[%scan3A_379, %get3A_1359, %get3A_1360] : memref<2x64x256xf32, #tpu.memory_space<vmem>> -> memref<1x64x256xf32, #tpu.memory_space<vmem>>
        %get3A_1362 = tpu.memref_squeeze %get3A_1361 : memref<1x64x256xf32, #tpu.memory_space<vmem>> -> memref<64x256xf32, #tpu.memory_space<vmem>>
        %get3A_1363 = arith.index_cast %add3A_1329 : i32 to index
        %get3A_1364 = arith.constant 48 : index
        %get3A_1365 = tpu.vector_load %get3A_1362[%get3A_1363, %get3A_1364] {strides = array<i32>} : memref<64x256xf32, #tpu.memory_space<vmem>>, vector<16xf32>,
        %sub3A_1366 = arith.subf %get3A_1365, %get3A_55 : vector<16xf32>
        %mul3A_1367 = arith.mulf %sub3A_1366, %sub3A_1366 : vector<16xf32>
        %add3A_1368 = arith.addf %mul3A_1367, %add3A_1358 : vector<16xf32>
        %get3A_1369 = arith.constant 0 : i32
        %get3A_1370 = arith.constant 0 : i32
        %get3A_1371 = tpu.memref_slice %arg9[%scan3A_379, %get3A_1369, %get3A_1370] : memref<2x64x256xf32, #tpu.memory_space<vmem>> -> memref<1x64x256xf32, #tpu.memory_space<vmem>>
        %get3A_1372 = tpu.memref_squeeze %get3A_1371 : memref<1x64x256xf32, #tpu.memory_space<vmem>> -> memref<64x256xf32, #tpu.memory_space<vmem>>
        %get3A_1373 = arith.index_cast %add3A_1329 : i32 to index
        %get3A_1374 = arith.constant 64 : index
        %get3A_1375 = tpu.vector_load %get3A_1372[%get3A_1373, %get3A_1374] {strides = array<i32>} : memref<64x256xf32, #tpu.memory_space<vmem>>, vector<16xf32>,
        %sub3A_1376 = arith.subf %get3A_1375, %get3A_58 : vector<16xf32>
        %mul3A_1377 = arith.mulf %sub3A_1376, %sub3A_1376 : vector<16xf32>
        %add3A_1378 = arith.addf %mul3A_1377, %add3A_1368 : vector<16xf32>
        %get3A_1379 = arith.constant 0 : i32
        %get3A_1380 = arith.constant 0 : i32
        %get3A_1381 = tpu.memref_slice %arg9[%scan3A_379, %get3A_1379, %get3A_1380] : memref<2x64x256xf32, #tpu.memory_space<vmem>> -> memref<1x64x256xf32, #tpu.memory_space<vmem>>
        %get3A_1382 = tpu.memref_squeeze %get3A_1381 : memref<1x64x256xf32, #tpu.memory_space<vmem>> -> memref<64x256xf32, #tpu.memory_space<vmem>>
        %get3A_1383 = arith.index_cast %add3A_1329 : i32 to index
        %get3A_1384 = arith.constant 80 : index
        %get3A_1385 = tpu.vector_load %get3A_1382[%get3A_1383, %get3A_1384] {strides = array<i32>} : memref<64x256xf32, #tpu.memory_space<vmem>>, vector<16xf32>,
        %sub3A_1386 = arith.subf %get3A_1385, %get3A_61 : vector<16xf32>
        %mul3A_1387 = arith.mulf %sub3A_1386, %sub3A_1386 : vector<16xf32>
        %add3A_1388 = arith.addf %mul3A_1387, %add3A_1378 : vector<16xf32>
        %get3A_1389 = arith.constant 0 : i32
        %get3A_1390 = arith.constant 0 : i32
        %get3A_1391 = tpu.memref_slice %arg9[%scan3A_379, %get3A_1389, %get3A_1390] : memref<2x64x256xf32, #tpu.memory_space<vmem>> -> memref<1x64x256xf32, #tpu.memory_space<vmem>>
        %get3A_1392 = tpu.memref_squeeze %get3A_1391 : memref<1x64x256xf32, #tpu.memory_space<vmem>> -> memref<64x256xf32, #tpu.memory_space<vmem>>
        %get3A_1393 = arith.index_cast %add3A_1329 : i32 to index
        %get3A_1394 = arith.constant 96 : index
        %get3A_1395 = tpu.vector_load %get3A_1392[%get3A_1393, %get3A_1394] {strides = array<i32>} : memref<64x256xf32, #tpu.memory_space<vmem>>, vector<16xf32>,
        %sub3A_1396 = arith.subf %get3A_1395, %get3A_64 : vector<16xf32>
        %mul3A_1397 = arith.mulf %sub3A_1396, %sub3A_1396 : vector<16xf32>
        %add3A_1398 = arith.addf %mul3A_1397, %add3A_1388 : vector<16xf32>
        %get3A_1399 = arith.constant 0 : i32
        %get3A_1400 = arith.constant 0 : i32
        %get3A_1401 = tpu.memref_slice %arg9[%scan3A_379, %get3A_1399, %get3A_1400] : memref<2x64x256xf32, #tpu.memory_space<vmem>> -> memref<1x64x256xf32, #tpu.memory_space<vmem>>
        %get3A_1402 = tpu.memref_squeeze %get3A_1401 : memref<1x64x256xf32, #tpu.memory_space<vmem>> -> memref<64x256xf32, #tpu.memory_space<vmem>>
        %get3A_1403 = arith.index_cast %add3A_1329 : i32 to index
        %get3A_1404 = arith.constant 112 : index
        %get3A_1405 = tpu.vector_load %get3A_1402[%get3A_1403, %get3A_1404] {strides = array<i32>} : memref<64x256xf32, #tpu.memory_space<vmem>>, vector<16xf32>,
        %sub3A_1406 = arith.subf %get3A_1405, %get3A_67 : vector<16xf32>
        %mul3A_1407 = arith.mulf %sub3A_1406, %sub3A_1406 : vector<16xf32>
        %add3A_1408 = arith.addf %mul3A_1407, %add3A_1398 : vector<16xf32>
        %get3A_1409 = arith.constant 0 : i32
        %get3A_1410 = arith.constant 0 : i32
        %get3A_1411 = tpu.memref_slice %arg9[%scan3A_379, %get3A_1409, %get3A_1410] : memref<2x64x256xf32, #tpu.memory_space<vmem>> -> memref<1x64x256xf32, #tpu.memory_space<vmem>>
        %get3A_1412 = tpu.memref_squeeze %get3A_1411 : memref<1x64x256xf32, #tpu.memory_space<vmem>> -> memref<64x256xf32, #tpu.memory_space<vmem>>
        %get3A_1413 = arith.index_cast %add3A_1329 : i32 to index
        %get3A_1414 = arith.constant 128 : index
        %get3A_1415 = tpu.vector_load %get3A_1412[%get3A_1413, %get3A_1414] {strides = array<i32>} : memref<64x256xf32, #tpu.memory_space<vmem>>, vector<16xf32>,
        %sub3A_1416 = arith.subf %get3A_1415, %get3A_70 : vector<16xf32>
        %mul3A_1417 = arith.mulf %sub3A_1416, %sub3A_1416 : vector<16xf32>
        %add3A_1418 = arith.addf %mul3A_1417, %add3A_1408 : vector<16xf32>
        %get3A_1419 = arith.constant 0 : i32
        %get3A_1420 = arith.constant 0 : i32
        %get3A_1421 = tpu.memref_slice %arg9[%scan3A_379, %get3A_1419, %get3A_1420] : memref<2x64x256xf32, #tpu.memory_space<vmem>> -> memref<1x64x256xf32, #tpu.memory_space<vmem>>
        %get3A_1422 = tpu.memref_squeeze %get3A_1421 : memref<1x64x256xf32, #tpu.memory_space<vmem>> -> memref<64x256xf32, #tpu.memory_space<vmem>>
        %get3A_1423 = arith.index_cast %add3A_1329 : i32 to index
        %get3A_1424 = arith.constant 144 : index
        %get3A_1425 = tpu.vector_load %get3A_1422[%get3A_1423, %get3A_1424] {strides = array<i32>} : memref<64x256xf32, #tpu.memory_space<vmem>>, vector<16xf32>,
        %sub3A_1426 = arith.subf %get3A_1425, %get3A_73 : vector<16xf32>
        %mul3A_1427 = arith.mulf %sub3A_1426, %sub3A_1426 : vector<16xf32>
        %add3A_1428 = arith.addf %mul3A_1427, %add3A_1418 : vector<16xf32>
        %get3A_1429 = arith.constant 0 : i32
        %get3A_1430 = arith.constant 0 : i32
        %get3A_1431 = tpu.memref_slice %arg9[%scan3A_379, %get3A_1429, %get3A_1430] : memref<2x64x256xf32, #tpu.memory_space<vmem>> -> memref<1x64x256xf32, #tpu.memory_space<vmem>>
        %get3A_1432 = tpu.memref_squeeze %get3A_1431 : memref<1x64x256xf32, #tpu.memory_space<vmem>> -> memref<64x256xf32, #tpu.memory_space<vmem>>
        %get3A_1433 = arith.index_cast %add3A_1329 : i32 to index
        %get3A_1434 = arith.constant 160 : index
        %get3A_1435 = tpu.vector_load %get3A_1432[%get3A_1433, %get3A_1434] {strides = array<i32>} : memref<64x256xf32, #tpu.memory_space<vmem>>, vector<16xf32>,
        %sub3A_1436 = arith.subf %get3A_1435, %get3A_76 : vector<16xf32>
        %mul3A_1437 = arith.mulf %sub3A_1436, %sub3A_1436 : vector<16xf32>
        %add3A_1438 = arith.addf %mul3A_1437, %add3A_1428 : vector<16xf32>
        %get3A_1439 = arith.constant 0 : i32
        %get3A_1440 = arith.constant 0 : i32
        %get3A_1441 = tpu.memref_slice %arg9[%scan3A_379, %get3A_1439, %get3A_1440] : memref<2x64x256xf32, #tpu.memory_space<vmem>> -> memref<1x64x256xf32, #tpu.memory_space<vmem>>
        %get3A_1442 = tpu.memref_squeeze %get3A_1441 : memref<1x64x256xf32, #tpu.memory_space<vmem>> -> memref<64x256xf32, #tpu.memory_space<vmem>>
        %get3A_1443 = arith.index_cast %add3A_1329 : i32 to index
        %get3A_1444 = arith.constant 176 : index
        %get3A_1445 = tpu.vector_load %get3A_1442[%get3A_1443, %get3A_1444] {strides = array<i32>} : memref<64x256xf32, #tpu.memory_space<vmem>>, vector<16xf32>,
        %sub3A_1446 = arith.subf %get3A_1445, %get3A_79 : vector<16xf32>
        %mul3A_1447 = arith.mulf %sub3A_1446, %sub3A_1446 : vector<16xf32>
        %add3A_1448 = arith.addf %mul3A_1447, %add3A_1438 : vector<16xf32>
        %get3A_1449 = arith.constant 0 : i32
        %get3A_1450 = arith.constant 0 : i32
        %get3A_1451 = tpu.memref_slice %arg9[%scan3A_379, %get3A_1449, %get3A_1450] : memref<2x64x256xf32, #tpu.memory_space<vmem>> -> memref<1x64x256xf32, #tpu.memory_space<vmem>>
        %get3A_1452 = tpu.memref_squeeze %get3A_1451 : memref<1x64x256xf32, #tpu.memory_space<vmem>> -> memref<64x256xf32, #tpu.memory_space<vmem>>
        %get3A_1453 = arith.index_cast %add3A_1329 : i32 to index
        %get3A_1454 = arith.constant 192 : index
        %get3A_1455 = tpu.vector_load %get3A_1452[%get3A_1453, %get3A_1454] {strides = array<i32>} : memref<64x256xf32, #tpu.memory_space<vmem>>, vector<16xf32>,
        %sub3A_1456 = arith.subf %get3A_1455, %get3A_82 : vector<16xf32>
        %mul3A_1457 = arith.mulf %sub3A_1456, %sub3A_1456 : vector<16xf32>
        %add3A_1458 = arith.addf %mul3A_1457, %add3A_1448 : vector<16xf32>
        %get3A_1459 = arith.constant 0 : i32
        %get3A_1460 = arith.constant 0 : i32
        %get3A_1461 = tpu.memref_slice %arg9[%scan3A_379, %get3A_1459, %get3A_1460] : memref<2x64x256xf32, #tpu.memory_space<vmem>> -> memref<1x64x256xf32, #tpu.memory_space<vmem>>
        %get3A_1462 = tpu.memref_squeeze %get3A_1461 : memref<1x64x256xf32, #tpu.memory_space<vmem>> -> memref<64x256xf32, #tpu.memory_space<vmem>>
        %get3A_1463 = arith.index_cast %add3A_1329 : i32 to index
        %get3A_1464 = arith.constant 208 : index
        %get3A_1465 = tpu.vector_load %get3A_1462[%get3A_1463, %get3A_1464] {strides = array<i32>} : memref<64x256xf32, #tpu.memory_space<vmem>>, vector<16xf32>,
        %sub3A_1466 = arith.subf %get3A_1465, %get3A_85 : vector<16xf32>
        %mul3A_1467 = arith.mulf %sub3A_1466, %sub3A_1466 : vector<16xf32>
        %add3A_1468 = arith.addf %mul3A_1467, %add3A_1458 : vector<16xf32>
        %get3A_1469 = arith.constant 0 : i32
        %get3A_1470 = arith.constant 0 : i32
        %get3A_1471 = tpu.memref_slice %arg9[%scan3A_379, %get3A_1469, %get3A_1470] : memref<2x64x256xf32, #tpu.memory_space<vmem>> -> memref<1x64x256xf32, #tpu.memory_space<vmem>>
        %get3A_1472 = tpu.memref_squeeze %get3A_1471 : memref<1x64x256xf32, #tpu.memory_space<vmem>> -> memref<64x256xf32, #tpu.memory_space<vmem>>
        %get3A_1473 = arith.index_cast %add3A_1329 : i32 to index
        %get3A_1474 = arith.constant 224 : index
        %get3A_1475 = tpu.vector_load %get3A_1472[%get3A_1473, %get3A_1474] {strides = array<i32>} : memref<64x256xf32, #tpu.memory_space<vmem>>, vector<16xf32>,
        %sub3A_1476 = arith.subf %get3A_1475, %get3A_88 : vector<16xf32>
        %mul3A_1477 = arith.mulf %sub3A_1476, %sub3A_1476 : vector<16xf32>
        %add3A_1478 = arith.addf %mul3A_1477, %add3A_1468 : vector<16xf32>
        %get3A_1479 = arith.constant 0 : i32
        %get3A_1480 = arith.constant 0 : i32
        %get3A_1481 = tpu.memref_slice %arg9[%scan3A_379, %get3A_1479, %get3A_1480] : memref<2x64x256xf32, #tpu.memory_space<vmem>> -> memref<1x64x256xf32, #tpu.memory_space<vmem>>
        %get3A_1482 = tpu.memref_squeeze %get3A_1481 : memref<1x64x256xf32, #tpu.memory_space<vmem>> -> memref<64x256xf32, #tpu.memory_space<vmem>>
        %get3A_1483 = arith.index_cast %add3A_1329 : i32 to index
        %get3A_1484 = arith.constant 240 : index
        %get3A_1485 = tpu.vector_load %get3A_1482[%get3A_1483, %get3A_1484] {strides = array<i32>} : memref<64x256xf32, #tpu.memory_space<vmem>>, vector<16xf32>,
        %sub3A_1486 = arith.subf %get3A_1485, %get3A_91 : vector<16xf32>
        %mul3A_1487 = arith.mulf %sub3A_1486, %sub3A_1486 : vector<16xf32>
        %add3A_1488 = arith.addf %mul3A_1487, %add3A_1478 : vector<16xf32>
        %mul3A_1489 = arith.constant 16 : i32
        %mul3A_1490 = arith.muli %scan3A_1325, %mul3A_1489 : i32
        %swap3A = arith.index_cast %mul3A_1490 : i32 to index
        %swap3A_1491 = tpu.vector_load %arg10[%swap3A] {strides = array<i32>} : memref<256xf32, #tpu.memory_space<vmem>>, vector<16xf32>,
        tpu.vector_store %arg10[%swap3A], %add3A_1488 {strides = array<i32>} : memref<256xf32, #tpu.memory_space<vmem>>, vector<16xf32>,
      }
      %scan3A_384 = arith.constant 16 : i32
      %broadcast_in_dim3A_385 = arith.constant 0.000000e+00 : f32
      %broadcast_in_dim3A_386 = vector.broadcast %broadcast_in_dim3A_385 : f32 to vector<16xf32>
      %mul3A_387 = arith.constant 16 : i32
      %mul3A_388 = vector.broadcast %mul3A_387 : i32 to vector<16xi32>
      %mul3A_389 = arith.muli %iota3A, %mul3A_388 : vector<16xi32>
      %add3A_390 = arith.constant 0 : i32
      %add3A_391 = vector.broadcast %add3A_390 : i32 to vector<16xi32>
      %add3A_392 = arith.addi %mul3A_389, %add3A_391 : vector<16xi32>
      %gather3A_393 = tpu.vector_load_idx %arg10[%add3A_392] : memref<256xf32, #tpu.memory_space<vmem>>[vector<16xi32>], vector<16xf32>,
      %add3A_394 = arith.addf %broadcast_in_dim3A_386, %gather3A_393 : vector<16xf32>
      %mul3A_395 = arith.constant 16 : i32
      %mul3A_396 = vector.broadcast %mul3A_395 : i32 to vector<16xi32>
      %mul3A_397 = arith.muli %iota3A, %mul3A_396 : vector<16xi32>
      %add3A_398 = arith.constant 1 : i32
      %add3A_399 = vector.broadcast %add3A_398 : i32 to vector<16xi32>
      %add3A_400 = arith.addi %mul3A_397, %add3A_399 : vector<16xi32>
      %gather3A_401 = tpu.vector_load_idx %arg10[%add3A_400] : memref<256xf32, #tpu.memory_space<vmem>>[vector<16xi32>], vector<16xf32>,
      %add3A_402 = arith.addf %add3A_394, %gather3A_401 : vector<16xf32>
      %mul3A_403 = arith.constant 16 : i32
      %mul3A_404 = vector.broadcast %mul3A_403 : i32 to vector<16xi32>
      %mul3A_405 = arith.muli %iota3A, %mul3A_404 : vector<16xi32>
      %add3A_406 = arith.constant 2 : i32
      %add3A_407 = vector.broadcast %add3A_406 : i32 to vector<16xi32>
      %add3A_408 = arith.addi %mul3A_405, %add3A_407 : vector<16xi32>
      %gather3A_409 = tpu.vector_load_idx %arg10[%add3A_408] : memref<256xf32, #tpu.memory_space<vmem>>[vector<16xi32>], vector<16xf32>,
      %add3A_410 = arith.addf %add3A_402, %gather3A_409 : vector<16xf32>
      %mul3A_411 = arith.constant 16 : i32
      %mul3A_412 = vector.broadcast %mul3A_411 : i32 to vector<16xi32>
      %mul3A_413 = arith.muli %iota3A, %mul3A_412 : vector<16xi32>
      %add3A_414 = arith.constant 3 : i32
      %add3A_415 = vector.broadcast %add3A_414 : i32 to vector<16xi32>
      %add3A_416 = arith.addi %mul3A_413, %add3A_415 : vector<16xi32>
      %gather3A_417 = tpu.vector_load_idx %arg10[%add3A_416] : memref<256xf32, #tpu.memory_space<vmem>>[vector<16xi32>], vector<16xf32>,
      %add3A_418 = arith.addf %add3A_410, %gather3A_417 : vector<16xf32>
      %mul3A_419 = arith.constant 16 : i32
      %mul3A_420 = vector.broadcast %mul3A_419 : i32 to vector<16xi32>
      %mul3A_421 = arith.muli %iota3A, %mul3A_420 : vector<16xi32>
      %add3A_422 = arith.constant 4 : i32
      %add3A_423 = vector.broadcast %add3A_422 : i32 to vector<16xi32>
      %add3A_424 = arith.addi %mul3A_421, %add3A_423 : vector<16xi32>
      %gather3A_425 = tpu.vector_load_idx %arg10[%add3A_424] : memref<256xf32, #tpu.memory_space<vmem>>[vector<16xi32>], vector<16xf32>,
      %add3A_426 = arith.addf %add3A_418, %gather3A_425 : vector<16xf32>
      %mul3A_427 = arith.constant 16 : i32
      %mul3A_428 = vector.broadcast %mul3A_427 : i32 to vector<16xi32>
      %mul3A_429 = arith.muli %iota3A, %mul3A_428 : vector<16xi32>
      %add3A_430 = arith.constant 5 : i32
      %add3A_431 = vector.broadcast %add3A_430 : i32 to vector<16xi32>
      %add3A_432 = arith.addi %mul3A_429, %add3A_431 : vector<16xi32>
      %gather3A_433 = tpu.vector_load_idx %arg10[%add3A_432] : memref<256xf32, #tpu.memory_space<vmem>>[vector<16xi32>], vector<16xf32>,
      %add3A_434 = arith.addf %add3A_426, %gather3A_433 : vector<16xf32>
      %mul3A_435 = arith.constant 16 : i32
      %mul3A_436 = vector.broadcast %mul3A_435 : i32 to vector<16xi32>
      %mul3A_437 = arith.muli %iota3A, %mul3A_436 : vector<16xi32>
      %add3A_438 = arith.constant 6 : i32
      %add3A_439 = vector.broadcast %add3A_438 : i32 to vector<16xi32>
      %add3A_440 = arith.addi %mul3A_437, %add3A_439 : vector<16xi32>
      %gather3A_441 = tpu.vector_load_idx %arg10[%add3A_440] : memref<256xf32, #tpu.memory_space<vmem>>[vector<16xi32>], vector<16xf32>,
      %add3A_442 = arith.addf %add3A_434, %gather3A_441 : vector<16xf32>
      %mul3A_443 = arith.constant 16 : i32
      %mul3A_444 = vector.broadcast %mul3A_443 : i32 to vector<16xi32>
      %mul3A_445 = arith.muli %iota3A, %mul3A_444 : vector<16xi32>
      %add3A_446 = arith.constant 7 : i32
      %add3A_447 = vector.broadcast %add3A_446 : i32 to vector<16xi32>
      %add3A_448 = arith.addi %mul3A_445, %add3A_447 : vector<16xi32>
      %gather3A_449 = tpu.vector_load_idx %arg10[%add3A_448] : memref<256xf32, #tpu.memory_space<vmem>>[vector<16xi32>], vector<16xf32>,
      %add3A_450 = arith.addf %add3A_442, %gather3A_449 : vector<16xf32>
      %mul3A_451 = arith.constant 16 : i32
      %mul3A_452 = vector.broadcast %mul3A_451 : i32 to vector<16xi32>
      %mul3A_453 = arith.muli %iota3A, %mul3A_452 : vector<16xi32>
      %add3A_454 = arith.constant 8 : i32
      %add3A_455 = vector.broadcast %add3A_454 : i32 to vector<16xi32>
      %add3A_456 = arith.addi %mul3A_453, %add3A_455 : vector<16xi32>
      %gather3A_457 = tpu.vector_load_idx %arg10[%add3A_456] : memref<256xf32, #tpu.memory_space<vmem>>[vector<16xi32>], vector<16xf32>,
      %add3A_458 = arith.addf %add3A_450, %gather3A_457 : vector<16xf32>
      %mul3A_459 = arith.constant 16 : i32
      %mul3A_460 = vector.broadcast %mul3A_459 : i32 to vector<16xi32>
      %mul3A_461 = arith.muli %iota3A, %mul3A_460 : vector<16xi32>
      %add3A_462 = arith.constant 9 : i32
      %add3A_463 = vector.broadcast %add3A_462 : i32 to vector<16xi32>
      %add3A_464 = arith.addi %mul3A_461, %add3A_463 : vector<16xi32>
      %gather3A_465 = tpu.vector_load_idx %arg10[%add3A_464] : memref<256xf32, #tpu.memory_space<vmem>>[vector<16xi32>], vector<16xf32>,
      %add3A_466 = arith.addf %add3A_458, %gather3A_465 : vector<16xf32>
      %mul3A_467 = arith.constant 16 : i32
      %mul3A_468 = vector.broadcast %mul3A_467 : i32 to vector<16xi32>
      %mul3A_469 = arith.muli %iota3A, %mul3A_468 : vector<16xi32>
      %add3A_470 = arith.constant 10 : i32
      %add3A_471 = vector.broadcast %add3A_470 : i32 to vector<16xi32>
      %add3A_472 = arith.addi %mul3A_469, %add3A_471 : vector<16xi32>
      %gather3A_473 = tpu.vector_load_idx %arg10[%add3A_472] : memref<256xf32, #tpu.memory_space<vmem>>[vector<16xi32>], vector<16xf32>,
      %add3A_474 = arith.addf %add3A_466, %gather3A_473 : vector<16xf32>
      %mul3A_475 = arith.constant 16 : i32
      %mul3A_476 = vector.broadcast %mul3A_475 : i32 to vector<16xi32>
      %mul3A_477 = arith.muli %iota3A, %mul3A_476 : vector<16xi32>
      %add3A_478 = arith.constant 11 : i32
      %add3A_479 = vector.broadcast %add3A_478 : i32 to vector<16xi32>
      %add3A_480 = arith.addi %mul3A_477, %add3A_479 : vector<16xi32>
      %gather3A_481 = tpu.vector_load_idx %arg10[%add3A_480] : memref<256xf32, #tpu.memory_space<vmem>>[vector<16xi32>], vector<16xf32>,
      %add3A_482 = arith.addf %add3A_474, %gather3A_481 : vector<16xf32>
      %mul3A_483 = arith.constant 16 : i32
      %mul3A_484 = vector.broadcast %mul3A_483 : i32 to vector<16xi32>
      %mul3A_485 = arith.muli %iota3A, %mul3A_484 : vector<16xi32>
      %add3A_486 = arith.constant 12 : i32
      %add3A_487 = vector.broadcast %add3A_486 : i32 to vector<16xi32>
      %add3A_488 = arith.addi %mul3A_485, %add3A_487 : vector<16xi32>
      %gather3A_489 = tpu.vector_load_idx %arg10[%add3A_488] : memref<256xf32, #tpu.memory_space<vmem>>[vector<16xi32>], vector<16xf32>,
      %add3A_490 = arith.addf %add3A_482, %gather3A_489 : vector<16xf32>
      %mul3A_491 = arith.constant 16 : i32
      %mul3A_492 = vector.broadcast %mul3A_491 : i32 to vector<16xi32>
      %mul3A_493 = arith.muli %iota3A, %mul3A_492 : vector<16xi32>
      %add3A_494 = arith.constant 13 : i32
      %add3A_495 = vector.broadcast %add3A_494 : i32 to vector<16xi32>
      %add3A_496 = arith.addi %mul3A_493, %add3A_495 : vector<16xi32>
      %gather3A_497 = tpu.vector_load_idx %arg10[%add3A_496] : memref<256xf32, #tpu.memory_space<vmem>>[vector<16xi32>], vector<16xf32>,
      %add3A_498 = arith.addf %add3A_490, %gather3A_497 : vector<16xf32>
      %mul3A_499 = arith.constant 16 : i32
      %mul3A_500 = vector.broadcast %mul3A_499 : i32 to vector<16xi32>
      %mul3A_501 = arith.muli %iota3A, %mul3A_500 : vector<16xi32>
      %add3A_502 = arith.constant 14 : i32
      %add3A_503 = vector.broadcast %add3A_502 : i32 to vector<16xi32>
      %add3A_504 = arith.addi %mul3A_501, %add3A_503 : vector<16xi32>
      %gather3A_505 = tpu.vector_load_idx %arg10[%add3A_504] : memref<256xf32, #tpu.memory_space<vmem>>[vector<16xi32>], vector<16xf32>,
      %add3A_506 = arith.addf %add3A_498, %gather3A_505 : vector<16xf32>
      %mul3A_507 = arith.constant 16 : i32
      %mul3A_508 = vector.broadcast %mul3A_507 : i32 to vector<16xi32>
      %mul3A_509 = arith.muli %iota3A, %mul3A_508 : vector<16xi32>
      %add3A_510 = arith.constant 15 : i32
      %add3A_511 = vector.broadcast %add3A_510 : i32 to vector<16xi32>
      %add3A_512 = arith.addi %mul3A_509, %add3A_511 : vector<16xi32>
      %gather3A_513 = tpu.vector_load_idx %arg10[%add3A_512] : memref<256xf32, #tpu.memory_space<vmem>>[vector<16xi32>], vector<16xf32>,
      %add3A_514 = arith.addf %add3A_506, %gather3A_513 : vector<16xf32>
      %add3A_515 = arith.constant 32 : i32
      %add3A_516 = vector.broadcast %add3A_515 : i32 to vector<16xi32>
      %add3A_517 = arith.addi %iota3A, %add3A_516 : vector<16xi32>
      %lt3A_518 = arith.cmpf olt, %add3A_514, %select_n3A_376 : vector<16xf32>
      %select_n3A_519 = arith.select %lt3A_518, %add3A_514, %select_n3A_376 : vector<16xi1>, vector<16xf32>
      %select_n3A_520 = arith.select %lt3A_518, %add3A_517, %select_n3A_377 : vector<16xi1>, vector<16xi32>
      %scan3A_521 = arith.constant 0 : i32
      %scan3A_522 = arith.constant 0 : i32
      %scan3A_523 = arith.constant 0 : i32
      %scan3A_524 = arith.constant 16 : i32
      %scan3A_525 = arith.addi %scan3A_523, %scan3A_524 : i32
      %scan3A_526 = arith.constant 1 : i32
      scf.for %scan3A_1325 = %scan3A_523 to %scan3A_525 step %scan3A_526  : i32 {
        %broadcast_in_dim3A_1326 = arith.constant 0.000000e+00 : f32
        %broadcast_in_dim3A_1327 = vector.broadcast %broadcast_in_dim3A_1326 : f32 to vector<16xf32>
        %add3A_1328 = arith.constant 48 : i32
        %add3A_1329 = arith.addi %add3A_1328, %scan3A_1325 : i32
        %get3A_1330 = arith.constant 0 : i32
        %get3A_1331 = arith.constant 0 : i32
        %get3A_1332 = tpu.memref_slice %arg9[%scan3A_522, %get3A_1330, %get3A_1331] : memref<2x64x256xf32, #tpu.memory_space<vmem>> -> memref<1x64x256xf32, #tpu.memory_space<vmem>>
        %get3A_1333 = tpu.memref_squeeze %get3A_1332 : memref<1x64x256xf32, #tpu.memory_space<vmem>> -> memref<64x256xf32, #tpu.memory_space<vmem>>
        %get3A_1334 = arith.index_cast %add3A_1329 : i32 to index
        %get3A_1335 = arith.constant 0 : index
        %get3A_1336 = tpu.vector_load %get3A_1333[%get3A_1334, %get3A_1335] {strides = array<i32>} : memref<64x256xf32, #tpu.memory_space<vmem>>, vector<16xf32>,
        %sub3A = arith.subf %get3A_1336, %get3A_46 : vector<16xf32>
        %mul3A_1337 = arith.mulf %sub3A, %sub3A : vector<16xf32>
        %add3A_1338 = arith.addf %mul3A_1337, %broadcast_in_dim3A_1327 : vector<16xf32>
        %get3A_1339 = arith.constant 0 : i32
        %get3A_1340 = arith.constant 0 : i32
        %get3A_1341 = tpu.memref_slice %arg9[%scan3A_522, %get3A_1339, %get3A_1340] : memref<2x64x256xf32, #tpu.memory_space<vmem>> -> memref<1x64x256xf32, #tpu.memory_space<vmem>>
        %get3A_1342 = tpu.memref_squeeze %get3A_1341 : memref<1x64x256xf32, #tpu.memory_space<vmem>> -> memref<64x256xf32, #tpu.memory_space<vmem>>
        %get3A_1343 = arith.index_cast %add3A_1329 : i32 to index
        %get3A_1344 = arith.constant 16 : index
        %get3A_1345 = tpu.vector_load %get3A_1342[%get3A_1343, %get3A_1344] {strides = array<i32>} : memref<64x256xf32, #tpu.memory_space<vmem>>, vector<16xf32>,
        %sub3A_1346 = arith.subf %get3A_1345, %get3A_49 : vector<16xf32>
        %mul3A_1347 = arith.mulf %sub3A_1346, %sub3A_1346 : vector<16xf32>
        %add3A_1348 = arith.addf %mul3A_1347, %add3A_1338 : vector<16xf32>
        %get3A_1349 = arith.constant 0 : i32
        %get3A_1350 = arith.constant 0 : i32
        %get3A_1351 = tpu.memref_slice %arg9[%scan3A_522, %get3A_1349, %get3A_1350] : memref<2x64x256xf32, #tpu.memory_space<vmem>> -> memref<1x64x256xf32, #tpu.memory_space<vmem>>
        %get3A_1352 = tpu.memref_squeeze %get3A_1351 : memref<1x64x256xf32, #tpu.memory_space<vmem>> -> memref<64x256xf32, #tpu.memory_space<vmem>>
        %get3A_1353 = arith.index_cast %add3A_1329 : i32 to index
        %get3A_1354 = arith.constant 32 : index
        %get3A_1355 = tpu.vector_load %get3A_1352[%get3A_1353, %get3A_1354] {strides = array<i32>} : memref<64x256xf32, #tpu.memory_space<vmem>>, vector<16xf32>,
        %sub3A_1356 = arith.subf %get3A_1355, %get3A_52 : vector<16xf32>
        %mul3A_1357 = arith.mulf %sub3A_1356, %sub3A_1356 : vector<16xf32>
        %add3A_1358 = arith.addf %mul3A_1357, %add3A_1348 : vector<16xf32>
        %get3A_1359 = arith.constant 0 : i32
        %get3A_1360 = arith.constant 0 : i32
        %get3A_1361 = tpu.memref_slice %arg9[%scan3A_522, %get3A_1359, %get3A_1360] : memref<2x64x256xf32, #tpu.memory_space<vmem>> -> memref<1x64x256xf32, #tpu.memory_space<vmem>>
        %get3A_1362 = tpu.memref_squeeze %get3A_1361 : memref<1x64x256xf32, #tpu.memory_space<vmem>> -> memref<64x256xf32, #tpu.memory_space<vmem>>
        %get3A_1363 = arith.index_cast %add3A_1329 : i32 to index
        %get3A_1364 = arith.constant 48 : index
        %get3A_1365 = tpu.vector_load %get3A_1362[%get3A_1363, %get3A_1364] {strides = array<i32>} : memref<64x256xf32, #tpu.memory_space<vmem>>, vector<16xf32>,
        %sub3A_1366 = arith.subf %get3A_1365, %get3A_55 : vector<16xf32>
        %mul3A_1367 = arith.mulf %sub3A_1366, %sub3A_1366 : vector<16xf32>
        %add3A_1368 = arith.addf %mul3A_1367, %add3A_1358 : vector<16xf32>
        %get3A_1369 = arith.constant 0 : i32
        %get3A_1370 = arith.constant 0 : i32
        %get3A_1371 = tpu.memref_slice %arg9[%scan3A_522, %get3A_1369, %get3A_1370] : memref<2x64x256xf32, #tpu.memory_space<vmem>> -> memref<1x64x256xf32, #tpu.memory_space<vmem>>
        %get3A_1372 = tpu.memref_squeeze %get3A_1371 : memref<1x64x256xf32, #tpu.memory_space<vmem>> -> memref<64x256xf32, #tpu.memory_space<vmem>>
        %get3A_1373 = arith.index_cast %add3A_1329 : i32 to index
        %get3A_1374 = arith.constant 64 : index
        %get3A_1375 = tpu.vector_load %get3A_1372[%get3A_1373, %get3A_1374] {strides = array<i32>} : memref<64x256xf32, #tpu.memory_space<vmem>>, vector<16xf32>,
        %sub3A_1376 = arith.subf %get3A_1375, %get3A_58 : vector<16xf32>
        %mul3A_1377 = arith.mulf %sub3A_1376, %sub3A_1376 : vector<16xf32>
        %add3A_1378 = arith.addf %mul3A_1377, %add3A_1368 : vector<16xf32>
        %get3A_1379 = arith.constant 0 : i32
        %get3A_1380 = arith.constant 0 : i32
        %get3A_1381 = tpu.memref_slice %arg9[%scan3A_522, %get3A_1379, %get3A_1380] : memref<2x64x256xf32, #tpu.memory_space<vmem>> -> memref<1x64x256xf32, #tpu.memory_space<vmem>>
        %get3A_1382 = tpu.memref_squeeze %get3A_1381 : memref<1x64x256xf32, #tpu.memory_space<vmem>> -> memref<64x256xf32, #tpu.memory_space<vmem>>
        %get3A_1383 = arith.index_cast %add3A_1329 : i32 to index
        %get3A_1384 = arith.constant 80 : index
        %get3A_1385 = tpu.vector_load %get3A_1382[%get3A_1383, %get3A_1384] {strides = array<i32>} : memref<64x256xf32, #tpu.memory_space<vmem>>, vector<16xf32>,
        %sub3A_1386 = arith.subf %get3A_1385, %get3A_61 : vector<16xf32>
        %mul3A_1387 = arith.mulf %sub3A_1386, %sub3A_1386 : vector<16xf32>
        %add3A_1388 = arith.addf %mul3A_1387, %add3A_1378 : vector<16xf32>
        %get3A_1389 = arith.constant 0 : i32
        %get3A_1390 = arith.constant 0 : i32
        %get3A_1391 = tpu.memref_slice %arg9[%scan3A_522, %get3A_1389, %get3A_1390] : memref<2x64x256xf32, #tpu.memory_space<vmem>> -> memref<1x64x256xf32, #tpu.memory_space<vmem>>
        %get3A_1392 = tpu.memref_squeeze %get3A_1391 : memref<1x64x256xf32, #tpu.memory_space<vmem>> -> memref<64x256xf32, #tpu.memory_space<vmem>>
        %get3A_1393 = arith.index_cast %add3A_1329 : i32 to index
        %get3A_1394 = arith.constant 96 : index
        %get3A_1395 = tpu.vector_load %get3A_1392[%get3A_1393, %get3A_1394] {strides = array<i32>} : memref<64x256xf32, #tpu.memory_space<vmem>>, vector<16xf32>,
        %sub3A_1396 = arith.subf %get3A_1395, %get3A_64 : vector<16xf32>
        %mul3A_1397 = arith.mulf %sub3A_1396, %sub3A_1396 : vector<16xf32>
        %add3A_1398 = arith.addf %mul3A_1397, %add3A_1388 : vector<16xf32>
        %get3A_1399 = arith.constant 0 : i32
        %get3A_1400 = arith.constant 0 : i32
        %get3A_1401 = tpu.memref_slice %arg9[%scan3A_522, %get3A_1399, %get3A_1400] : memref<2x64x256xf32, #tpu.memory_space<vmem>> -> memref<1x64x256xf32, #tpu.memory_space<vmem>>
        %get3A_1402 = tpu.memref_squeeze %get3A_1401 : memref<1x64x256xf32, #tpu.memory_space<vmem>> -> memref<64x256xf32, #tpu.memory_space<vmem>>
        %get3A_1403 = arith.index_cast %add3A_1329 : i32 to index
        %get3A_1404 = arith.constant 112 : index
        %get3A_1405 = tpu.vector_load %get3A_1402[%get3A_1403, %get3A_1404] {strides = array<i32>} : memref<64x256xf32, #tpu.memory_space<vmem>>, vector<16xf32>,
        %sub3A_1406 = arith.subf %get3A_1405, %get3A_67 : vector<16xf32>
        %mul3A_1407 = arith.mulf %sub3A_1406, %sub3A_1406 : vector<16xf32>
        %add3A_1408 = arith.addf %mul3A_1407, %add3A_1398 : vector<16xf32>
        %get3A_1409 = arith.constant 0 : i32
        %get3A_1410 = arith.constant 0 : i32
        %get3A_1411 = tpu.memref_slice %arg9[%scan3A_522, %get3A_1409, %get3A_1410] : memref<2x64x256xf32, #tpu.memory_space<vmem>> -> memref<1x64x256xf32, #tpu.memory_space<vmem>>
        %get3A_1412 = tpu.memref_squeeze %get3A_1411 : memref<1x64x256xf32, #tpu.memory_space<vmem>> -> memref<64x256xf32, #tpu.memory_space<vmem>>
        %get3A_1413 = arith.index_cast %add3A_1329 : i32 to index
        %get3A_1414 = arith.constant 128 : index
        %get3A_1415 = tpu.vector_load %get3A_1412[%get3A_1413, %get3A_1414] {strides = array<i32>} : memref<64x256xf32, #tpu.memory_space<vmem>>, vector<16xf32>,
        %sub3A_1416 = arith.subf %get3A_1415, %get3A_70 : vector<16xf32>
        %mul3A_1417 = arith.mulf %sub3A_1416, %sub3A_1416 : vector<16xf32>
        %add3A_1418 = arith.addf %mul3A_1417, %add3A_1408 : vector<16xf32>
        %get3A_1419 = arith.constant 0 : i32
        %get3A_1420 = arith.constant 0 : i32
        %get3A_1421 = tpu.memref_slice %arg9[%scan3A_522, %get3A_1419, %get3A_1420] : memref<2x64x256xf32, #tpu.memory_space<vmem>> -> memref<1x64x256xf32, #tpu.memory_space<vmem>>
        %get3A_1422 = tpu.memref_squeeze %get3A_1421 : memref<1x64x256xf32, #tpu.memory_space<vmem>> -> memref<64x256xf32, #tpu.memory_space<vmem>>
        %get3A_1423 = arith.index_cast %add3A_1329 : i32 to index
        %get3A_1424 = arith.constant 144 : index
        %get3A_1425 = tpu.vector_load %get3A_1422[%get3A_1423, %get3A_1424] {strides = array<i32>} : memref<64x256xf32, #tpu.memory_space<vmem>>, vector<16xf32>,
        %sub3A_1426 = arith.subf %get3A_1425, %get3A_73 : vector<16xf32>
        %mul3A_1427 = arith.mulf %sub3A_1426, %sub3A_1426 : vector<16xf32>
        %add3A_1428 = arith.addf %mul3A_1427, %add3A_1418 : vector<16xf32>
        %get3A_1429 = arith.constant 0 : i32
        %get3A_1430 = arith.constant 0 : i32
        %get3A_1431 = tpu.memref_slice %arg9[%scan3A_522, %get3A_1429, %get3A_1430] : memref<2x64x256xf32, #tpu.memory_space<vmem>> -> memref<1x64x256xf32, #tpu.memory_space<vmem>>
        %get3A_1432 = tpu.memref_squeeze %get3A_1431 : memref<1x64x256xf32, #tpu.memory_space<vmem>> -> memref<64x256xf32, #tpu.memory_space<vmem>>
        %get3A_1433 = arith.index_cast %add3A_1329 : i32 to index
        %get3A_1434 = arith.constant 160 : index
        %get3A_1435 = tpu.vector_load %get3A_1432[%get3A_1433, %get3A_1434] {strides = array<i32>} : memref<64x256xf32, #tpu.memory_space<vmem>>, vector<16xf32>,
        %sub3A_1436 = arith.subf %get3A_1435, %get3A_76 : vector<16xf32>
        %mul3A_1437 = arith.mulf %sub3A_1436, %sub3A_1436 : vector<16xf32>
        %add3A_1438 = arith.addf %mul3A_1437, %add3A_1428 : vector<16xf32>
        %get3A_1439 = arith.constant 0 : i32
        %get3A_1440 = arith.constant 0 : i32
        %get3A_1441 = tpu.memref_slice %arg9[%scan3A_522, %get3A_1439, %get3A_1440] : memref<2x64x256xf32, #tpu.memory_space<vmem>> -> memref<1x64x256xf32, #tpu.memory_space<vmem>>
        %get3A_1442 = tpu.memref_squeeze %get3A_1441 : memref<1x64x256xf32, #tpu.memory_space<vmem>> -> memref<64x256xf32, #tpu.memory_space<vmem>>
        %get3A_1443 = arith.index_cast %add3A_1329 : i32 to index
        %get3A_1444 = arith.constant 176 : index
        %get3A_1445 = tpu.vector_load %get3A_1442[%get3A_1443, %get3A_1444] {strides = array<i32>} : memref<64x256xf32, #tpu.memory_space<vmem>>, vector<16xf32>,
        %sub3A_1446 = arith.subf %get3A_1445, %get3A_79 : vector<16xf32>
        %mul3A_1447 = arith.mulf %sub3A_1446, %sub3A_1446 : vector<16xf32>
        %add3A_1448 = arith.addf %mul3A_1447, %add3A_1438 : vector<16xf32>
        %get3A_1449 = arith.constant 0 : i32
        %get3A_1450 = arith.constant 0 : i32
        %get3A_1451 = tpu.memref_slice %arg9[%scan3A_522, %get3A_1449, %get3A_1450] : memref<2x64x256xf32, #tpu.memory_space<vmem>> -> memref<1x64x256xf32, #tpu.memory_space<vmem>>
        %get3A_1452 = tpu.memref_squeeze %get3A_1451 : memref<1x64x256xf32, #tpu.memory_space<vmem>> -> memref<64x256xf32, #tpu.memory_space<vmem>>
        %get3A_1453 = arith.index_cast %add3A_1329 : i32 to index
        %get3A_1454 = arith.constant 192 : index
        %get3A_1455 = tpu.vector_load %get3A_1452[%get3A_1453, %get3A_1454] {strides = array<i32>} : memref<64x256xf32, #tpu.memory_space<vmem>>, vector<16xf32>,
        %sub3A_1456 = arith.subf %get3A_1455, %get3A_82 : vector<16xf32>
        %mul3A_1457 = arith.mulf %sub3A_1456, %sub3A_1456 : vector<16xf32>
        %add3A_1458 = arith.addf %mul3A_1457, %add3A_1448 : vector<16xf32>
        %get3A_1459 = arith.constant 0 : i32
        %get3A_1460 = arith.constant 0 : i32
        %get3A_1461 = tpu.memref_slice %arg9[%scan3A_522, %get3A_1459, %get3A_1460] : memref<2x64x256xf32, #tpu.memory_space<vmem>> -> memref<1x64x256xf32, #tpu.memory_space<vmem>>
        %get3A_1462 = tpu.memref_squeeze %get3A_1461 : memref<1x64x256xf32, #tpu.memory_space<vmem>> -> memref<64x256xf32, #tpu.memory_space<vmem>>
        %get3A_1463 = arith.index_cast %add3A_1329 : i32 to index
        %get3A_1464 = arith.constant 208 : index
        %get3A_1465 = tpu.vector_load %get3A_1462[%get3A_1463, %get3A_1464] {strides = array<i32>} : memref<64x256xf32, #tpu.memory_space<vmem>>, vector<16xf32>,
        %sub3A_1466 = arith.subf %get3A_1465, %get3A_85 : vector<16xf32>
        %mul3A_1467 = arith.mulf %sub3A_1466, %sub3A_1466 : vector<16xf32>
        %add3A_1468 = arith.addf %mul3A_1467, %add3A_1458 : vector<16xf32>
        %get3A_1469 = arith.constant 0 : i32
        %get3A_1470 = arith.constant 0 : i32
        %get3A_1471 = tpu.memref_slice %arg9[%scan3A_522, %get3A_1469, %get3A_1470] : memref<2x64x256xf32, #tpu.memory_space<vmem>> -> memref<1x64x256xf32, #tpu.memory_space<vmem>>
        %get3A_1472 = tpu.memref_squeeze %get3A_1471 : memref<1x64x256xf32, #tpu.memory_space<vmem>> -> memref<64x256xf32, #tpu.memory_space<vmem>>
        %get3A_1473 = arith.index_cast %add3A_1329 : i32 to index
        %get3A_1474 = arith.constant 224 : index
        %get3A_1475 = tpu.vector_load %get3A_1472[%get3A_1473, %get3A_1474] {strides = array<i32>} : memref<64x256xf32, #tpu.memory_space<vmem>>, vector<16xf32>,
        %sub3A_1476 = arith.subf %get3A_1475, %get3A_88 : vector<16xf32>
        %mul3A_1477 = arith.mulf %sub3A_1476, %sub3A_1476 : vector<16xf32>
        %add3A_1478 = arith.addf %mul3A_1477, %add3A_1468 : vector<16xf32>
        %get3A_1479 = arith.constant 0 : i32
        %get3A_1480 = arith.constant 0 : i32
        %get3A_1481 = tpu.memref_slice %arg9[%scan3A_522, %get3A_1479, %get3A_1480] : memref<2x64x256xf32, #tpu.memory_space<vmem>> -> memref<1x64x256xf32, #tpu.memory_space<vmem>>
        %get3A_1482 = tpu.memref_squeeze %get3A_1481 : memref<1x64x256xf32, #tpu.memory_space<vmem>> -> memref<64x256xf32, #tpu.memory_space<vmem>>
        %get3A_1483 = arith.index_cast %add3A_1329 : i32 to index
        %get3A_1484 = arith.constant 240 : index
        %get3A_1485 = tpu.vector_load %get3A_1482[%get3A_1483, %get3A_1484] {strides = array<i32>} : memref<64x256xf32, #tpu.memory_space<vmem>>, vector<16xf32>,
        %sub3A_1486 = arith.subf %get3A_1485, %get3A_91 : vector<16xf32>
        %mul3A_1487 = arith.mulf %sub3A_1486, %sub3A_1486 : vector<16xf32>
        %add3A_1488 = arith.addf %mul3A_1487, %add3A_1478 : vector<16xf32>
        %mul3A_1489 = arith.constant 16 : i32
        %mul3A_1490 = arith.muli %scan3A_1325, %mul3A_1489 : i32
        %swap3A = arith.index_cast %mul3A_1490 : i32 to index
        %swap3A_1491 = tpu.vector_load %arg10[%swap3A] {strides = array<i32>} : memref<256xf32, #tpu.memory_space<vmem>>, vector<16xf32>,
        tpu.vector_store %arg10[%swap3A], %add3A_1488 {strides = array<i32>} : memref<256xf32, #tpu.memory_space<vmem>>, vector<16xf32>,
      }
      %scan3A_527 = arith.constant 16 : i32
      %broadcast_in_dim3A_528 = arith.constant 0.000000e+00 : f32
      %broadcast_in_dim3A_529 = vector.broadcast %broadcast_in_dim3A_528 : f32 to vector<16xf32>
      %mul3A_530 = arith.constant 16 : i32
      %mul3A_531 = vector.broadcast %mul3A_530 : i32 to vector<16xi32>
      %mul3A_532 = arith.muli %iota3A, %mul3A_531 : vector<16xi32>
      %add3A_533 = arith.constant 0 : i32
      %add3A_534 = vector.broadcast %add3A_533 : i32 to vector<16xi32>
      %add3A_535 = arith.addi %mul3A_532, %add3A_534 : vector<16xi32>
      %gather3A_536 = tpu.vector_load_idx %arg10[%add3A_535] : memref<256xf32, #tpu.memory_space<vmem>>[vector<16xi32>], vector<16xf32>,
      %add3A_537 = arith.addf %broadcast_in_dim3A_529, %gather3A_536 : vector<16xf32>
      %mul3A_538 = arith.constant 16 : i32
      %mul3A_539 = vector.broadcast %mul3A_538 : i32 to vector<16xi32>
      %mul3A_540 = arith.muli %iota3A, %mul3A_539 : vector<16xi32>
      %add3A_541 = arith.constant 1 : i32
      %add3A_542 = vector.broadcast %add3A_541 : i32 to vector<16xi32>
      %add3A_543 = arith.addi %mul3A_540, %add3A_542 : vector<16xi32>
      %gather3A_544 = tpu.vector_load_idx %arg10[%add3A_543] : memref<256xf32, #tpu.memory_space<vmem>>[vector<16xi32>], vector<16xf32>,
      %add3A_545 = arith.addf %add3A_537, %gather3A_544 : vector<16xf32>
      %mul3A_546 = arith.constant 16 : i32
      %mul3A_547 = vector.broadcast %mul3A_546 : i32 to vector<16xi32>
      %mul3A_548 = arith.muli %iota3A, %mul3A_547 : vector<16xi32>
      %add3A_549 = arith.constant 2 : i32
      %add3A_550 = vector.broadcast %add3A_549 : i32 to vector<16xi32>
      %add3A_551 = arith.addi %mul3A_548, %add3A_550 : vector<16xi32>
      %gather3A_552 = tpu.vector_load_idx %arg10[%add3A_551] : memref<256xf32, #tpu.memory_space<vmem>>[vector<16xi32>], vector<16xf32>,
      %add3A_553 = arith.addf %add3A_545, %gather3A_552 : vector<16xf32>
      %mul3A_554 = arith.constant 16 : i32
      %mul3A_555 = vector.broadcast %mul3A_554 : i32 to vector<16xi32>
      %mul3A_556 = arith.muli %iota3A, %mul3A_555 : vector<16xi32>
      %add3A_557 = arith.constant 3 : i32
      %add3A_558 = vector.broadcast %add3A_557 : i32 to vector<16xi32>
      %add3A_559 = arith.addi %mul3A_556, %add3A_558 : vector<16xi32>
      %gather3A_560 = tpu.vector_load_idx %arg10[%add3A_559] : memref<256xf32, #tpu.memory_space<vmem>>[vector<16xi32>], vector<16xf32>,
      %add3A_561 = arith.addf %add3A_553, %gather3A_560 : vector<16xf32>
      %mul3A_562 = arith.constant 16 : i32
      %mul3A_563 = vector.broadcast %mul3A_562 : i32 to vector<16xi32>
      %mul3A_564 = arith.muli %iota3A, %mul3A_563 : vector<16xi32>
      %add3A_565 = arith.constant 4 : i32
      %add3A_566 = vector.broadcast %add3A_565 : i32 to vector<16xi32>
      %add3A_567 = arith.addi %mul3A_564, %add3A_566 : vector<16xi32>
      %gather3A_568 = tpu.vector_load_idx %arg10[%add3A_567] : memref<256xf32, #tpu.memory_space<vmem>>[vector<16xi32>], vector<16xf32>,
      %add3A_569 = arith.addf %add3A_561, %gather3A_568 : vector<16xf32>
      %mul3A_570 = arith.constant 16 : i32
      %mul3A_571 = vector.broadcast %mul3A_570 : i32 to vector<16xi32>
      %mul3A_572 = arith.muli %iota3A, %mul3A_571 : vector<16xi32>
      %add3A_573 = arith.constant 5 : i32
      %add3A_574 = vector.broadcast %add3A_573 : i32 to vector<16xi32>
      %add3A_575 = arith.addi %mul3A_572, %add3A_574 : vector<16xi32>
      %gather3A_576 = tpu.vector_load_idx %arg10[%add3A_575] : memref<256xf32, #tpu.memory_space<vmem>>[vector<16xi32>], vector<16xf32>,
      %add3A_577 = arith.addf %add3A_569, %gather3A_576 : vector<16xf32>
      %mul3A_578 = arith.constant 16 : i32
      %mul3A_579 = vector.broadcast %mul3A_578 : i32 to vector<16xi32>
      %mul3A_580 = arith.muli %iota3A, %mul3A_579 : vector<16xi32>
      %add3A_581 = arith.constant 6 : i32
      %add3A_582 = vector.broadcast %add3A_581 : i32 to vector<16xi32>
      %add3A_583 = arith.addi %mul3A_580, %add3A_582 : vector<16xi32>
      %gather3A_584 = tpu.vector_load_idx %arg10[%add3A_583] : memref<256xf32, #tpu.memory_space<vmem>>[vector<16xi32>], vector<16xf32>,
      %add3A_585 = arith.addf %add3A_577, %gather3A_584 : vector<16xf32>
      %mul3A_586 = arith.constant 16 : i32
      %mul3A_587 = vector.broadcast %mul3A_586 : i32 to vector<16xi32>
      %mul3A_588 = arith.muli %iota3A, %mul3A_587 : vector<16xi32>
      %add3A_589 = arith.constant 7 : i32
      %add3A_590 = vector.broadcast %add3A_589 : i32 to vector<16xi32>
      %add3A_591 = arith.addi %mul3A_588, %add3A_590 : vector<16xi32>
      %gather3A_592 = tpu.vector_load_idx %arg10[%add3A_591] : memref<256xf32, #tpu.memory_space<vmem>>[vector<16xi32>], vector<16xf32>,
      %add3A_593 = arith.addf %add3A_585, %gather3A_592 : vector<16xf32>
      %mul3A_594 = arith.constant 16 : i32
      %mul3A_595 = vector.broadcast %mul3A_594 : i32 to vector<16xi32>
      %mul3A_596 = arith.muli %iota3A, %mul3A_595 : vector<16xi32>
      %add3A_597 = arith.constant 8 : i32
      %add3A_598 = vector.broadcast %add3A_597 : i32 to vector<16xi32>
      %add3A_599 = arith.addi %mul3A_596, %add3A_598 : vector<16xi32>
      %gather3A_600 = tpu.vector_load_idx %arg10[%add3A_599] : memref<256xf32, #tpu.memory_space<vmem>>[vector<16xi32>], vector<16xf32>,
      %add3A_601 = arith.addf %add3A_593, %gather3A_600 : vector<16xf32>
      %mul3A_602 = arith.constant 16 : i32
      %mul3A_603 = vector.broadcast %mul3A_602 : i32 to vector<16xi32>
      %mul3A_604 = arith.muli %iota3A, %mul3A_603 : vector<16xi32>
      %add3A_605 = arith.constant 9 : i32
      %add3A_606 = vector.broadcast %add3A_605 : i32 to vector<16xi32>
      %add3A_607 = arith.addi %mul3A_604, %add3A_606 : vector<16xi32>
      %gather3A_608 = tpu.vector_load_idx %arg10[%add3A_607] : memref<256xf32, #tpu.memory_space<vmem>>[vector<16xi32>], vector<16xf32>,
      %add3A_609 = arith.addf %add3A_601, %gather3A_608 : vector<16xf32>
      %mul3A_610 = arith.constant 16 : i32
      %mul3A_611 = vector.broadcast %mul3A_610 : i32 to vector<16xi32>
      %mul3A_612 = arith.muli %iota3A, %mul3A_611 : vector<16xi32>
      %add3A_613 = arith.constant 10 : i32
      %add3A_614 = vector.broadcast %add3A_613 : i32 to vector<16xi32>
      %add3A_615 = arith.addi %mul3A_612, %add3A_614 : vector<16xi32>
      %gather3A_616 = tpu.vector_load_idx %arg10[%add3A_615] : memref<256xf32, #tpu.memory_space<vmem>>[vector<16xi32>], vector<16xf32>,
      %add3A_617 = arith.addf %add3A_609, %gather3A_616 : vector<16xf32>
      %mul3A_618 = arith.constant 16 : i32
      %mul3A_619 = vector.broadcast %mul3A_618 : i32 to vector<16xi32>
      %mul3A_620 = arith.muli %iota3A, %mul3A_619 : vector<16xi32>
      %add3A_621 = arith.constant 11 : i32
      %add3A_622 = vector.broadcast %add3A_621 : i32 to vector<16xi32>
      %add3A_623 = arith.addi %mul3A_620, %add3A_622 : vector<16xi32>
      %gather3A_624 = tpu.vector_load_idx %arg10[%add3A_623] : memref<256xf32, #tpu.memory_space<vmem>>[vector<16xi32>], vector<16xf32>,
      %add3A_625 = arith.addf %add3A_617, %gather3A_624 : vector<16xf32>
      %mul3A_626 = arith.constant 16 : i32
      %mul3A_627 = vector.broadcast %mul3A_626 : i32 to vector<16xi32>
      %mul3A_628 = arith.muli %iota3A, %mul3A_627 : vector<16xi32>
      %add3A_629 = arith.constant 12 : i32
      %add3A_630 = vector.broadcast %add3A_629 : i32 to vector<16xi32>
      %add3A_631 = arith.addi %mul3A_628, %add3A_630 : vector<16xi32>
      %gather3A_632 = tpu.vector_load_idx %arg10[%add3A_631] : memref<256xf32, #tpu.memory_space<vmem>>[vector<16xi32>], vector<16xf32>,
      %add3A_633 = arith.addf %add3A_625, %gather3A_632 : vector<16xf32>
      %mul3A_634 = arith.constant 16 : i32
      %mul3A_635 = vector.broadcast %mul3A_634 : i32 to vector<16xi32>
      %mul3A_636 = arith.muli %iota3A, %mul3A_635 : vector<16xi32>
      %add3A_637 = arith.constant 13 : i32
      %add3A_638 = vector.broadcast %add3A_637 : i32 to vector<16xi32>
      %add3A_639 = arith.addi %mul3A_636, %add3A_638 : vector<16xi32>
      %gather3A_640 = tpu.vector_load_idx %arg10[%add3A_639] : memref<256xf32, #tpu.memory_space<vmem>>[vector<16xi32>], vector<16xf32>,
      %add3A_641 = arith.addf %add3A_633, %gather3A_640 : vector<16xf32>
      %mul3A_642 = arith.constant 16 : i32
      %mul3A_643 = vector.broadcast %mul3A_642 : i32 to vector<16xi32>
      %mul3A_644 = arith.muli %iota3A, %mul3A_643 : vector<16xi32>
      %add3A_645 = arith.constant 14 : i32
      %add3A_646 = vector.broadcast %add3A_645 : i32 to vector<16xi32>
      %add3A_647 = arith.addi %mul3A_644, %add3A_646 : vector<16xi32>
      %gather3A_648 = tpu.vector_load_idx %arg10[%add3A_647] : memref<256xf32, #tpu.memory_space<vmem>>[vector<16xi32>], vector<16xf32>,
      %add3A_649 = arith.addf %add3A_641, %gather3A_648 : vector<16xf32>
      %mul3A_650 = arith.constant 16 : i32
      %mul3A_651 = vector.broadcast %mul3A_650 : i32 to vector<16xi32>
      %mul3A_652 = arith.muli %iota3A, %mul3A_651 : vector<16xi32>
      %add3A_653 = arith.constant 15 : i32
      %add3A_654 = vector.broadcast %add3A_653 : i32 to vector<16xi32>
      %add3A_655 = arith.addi %mul3A_652, %add3A_654 : vector<16xi32>
      %gather3A_656 = tpu.vector_load_idx %arg10[%add3A_655] : memref<256xf32, #tpu.memory_space<vmem>>[vector<16xi32>], vector<16xf32>,
      %add3A_657 = arith.addf %add3A_649, %gather3A_656 : vector<16xf32>
      %add3A_658 = arith.constant 48 : i32
      %add3A_659 = vector.broadcast %add3A_658 : i32 to vector<16xi32>
      %add3A_660 = arith.addi %iota3A, %add3A_659 : vector<16xi32>
      %lt3A_661 = arith.cmpf olt, %add3A_657, %select_n3A_519 : vector<16xf32>
      %select_n3A_662 = arith.select %lt3A_661, %add3A_657, %select_n3A_519 : vector<16xi1>, vector<16xf32>
      %select_n3A_663 = arith.select %lt3A_661, %add3A_660, %select_n3A_520 : vector<16xi1>, vector<16xi32>
      %masked_sort3A = arith.constant dense<true> : vector<16xi1>
      %masked_sort3A_664, %masked_sort3A_665, %masked_sort3A_666 = tpu.sort %select_n3A_662, %select_n3A_663 masked %masked_sort3A : (vector<16xf32>, vector<16xi32>, vector<16xi1>) -> (vector<16xi1>, vector<16xf32>, vector<16xi32>)
      %broadcast_in_dim3A_667 = vector.broadcast %add3A_26 : i32 to vector<16xi32>
      %gather3A_668 = tpu.vector_load_idx %arg7[%broadcast_in_dim3A_667, %broadcast_in_dim3A_5] : memref<64x64xi32, #tpu.memory_space<vmem>>[vector<16xi32>, vector<16xi32>], vector<16xi32>,
      %add3A_669 = arith.addi %gather3A_668, %masked_sort3A_666 : vector<16xi32>
      tpu.vector_store_idx %arg11[%broadcast_in_dim3A_667], %add3A_669 masked %eq3A_4 : memref<64xi32, #tpu.memory_space<vmem>>[vector<16xi32>], vector<16xi32>, vector<16xi1>
      tpu.vector_store_idx %arg12[%broadcast_in_dim3A_667], %masked_sort3A_665 masked %eq3A_4 : memref<64xf32, #tpu.memory_space<vmem>>[vector<16xi32>], vector<16xf32>, vector<16xi1>
      %mul3A_670 = arith.constant 2 : i32
      %mul3A_671 = arith.muli %mul3A_670, %scan3A_22 : i32
      %add3A_672 = arith.constant 1 : i32
      %add3A_673 = arith.addi %mul3A_671, %add3A_672 : i32
      %dma_wait3A_674 = arith.constant 1 : i32
      %dma_wait3A_675 = arith.constant 0 : i32
      %dma_wait3A_676 = arith.constant 0 : i32
      %dma_wait3A_677 = tpu.memref_slice %arg9[%dma_wait3A_674, %dma_wait3A_675, %dma_wait3A_676] : memref<2x64x256xf32, #tpu.memory_space<vmem>> -> memref<1x64x256xf32, #tpu.memory_space<vmem>>
      %dma_wait3A_678 = tpu.memref_squeeze %dma_wait3A_677 : memref<1x64x256xf32, #tpu.memory_space<vmem>> -> memref<64x256xf32, #tpu.memory_space<vmem>>
      %dma_wait3A_679 = arith.constant 0 : i32
      %dma_wait3A_680 = arith.constant 0 : i32
      %dma_wait3A_681 = tpu.memref_slice %arg2[%dma_wait3A_679, %dma_wait3A_680] : memref<262144x256xf32, #tpu.memory_space<hbm>> -> memref<64x256xf32, #tpu.memory_space<hbm>>
      %dma_wait3A_682 = arith.constant 0 : i32
      %dma_wait3A_683 = arith.constant 0 : i32
      %dma_wait3A_684 = tpu.memref_slice %arg9[%dma_wait3A_674, %dma_wait3A_682, %dma_wait3A_683] : memref<2x64x256xf32, #tpu.memory_space<vmem>> -> memref<1x64x256xf32, #tpu.memory_space<vmem>>
      %dma_wait3A_685 = tpu.memref_squeeze %dma_wait3A_684 : memref<1x64x256xf32, #tpu.memory_space<vmem>> -> memref<64x256xf32, #tpu.memory_space<vmem>>
      %dma_wait3A_686 = arith.constant 0 : i32
      %dma_wait3A_687 = arith.constant 0 : i32
      %dma_wait3A_688 = tpu.memref_slice %arg2[%dma_wait3A_686, %dma_wait3A_687] : memref<262144x256xf32, #tpu.memory_space<hbm>> -> memref<64x256xf32, #tpu.memory_space<hbm>>
      tpu.wait_dma2 semaphore(%arg14 : memref<!tpu.dma_semaphore, #tpu.memory_space<semaphore_mem>>) src(%dma_wait3A_688 : memref<64x256xf32, #tpu.memory_space<hbm>>) dst(%dma_wait3A_685 : memref<64x256xf32, #tpu.memory_space<vmem>>)
      %add3A_689 = arith.constant 1 : i32
      %add3A_690 = arith.addi %add3A_673, %add3A_689 : i32
      %lt3A_691 = arith.constant 64 : i32
      %lt3A_692 = arith.cmpi slt, %add3A_690, %lt3A_691 : i32
      %convert_element_type3A_693 = arith.extui %lt3A_692 : i1 to i32
      %cond3A_694 = arith.constant 0 : i32
      %cond3A_695 = arith.cmpi ne, %convert_element_type3A_693, %cond3A_694 : i32
      scf.if %cond3A_695 {
        %add3A_1325 = arith.constant 1 : i32
        %add3A_1326 = arith.addi %add3A_673, %add3A_1325 : i32
        %dma_start3A_1327 = arith.constant 0 : i32
        %dma_start3A_1328 = arith.constant 0 : i32
        %dma_start3A_1329 = arith.constant 0 : i32
        %dma_start3A_1330 = tpu.memref_slice %arg9[%dma_start3A_1327, %dma_start3A_1328, %dma_start3A_1329] : memref<2x64x256xf32, #tpu.memory_space<vmem>> -> memref<1x64x256xf32, #tpu.memory_space<vmem>>
        %dma_start3A_1331 = tpu.memref_squeeze %dma_start3A_1330 : memref<1x64x256xf32, #tpu.memory_space<vmem>> -> memref<64x256xf32, #tpu.memory_space<vmem>>
        %dma_start3A_1332 = arith.constant 0 : i32
        %dma_start3A_1333 = tpu.memref_slice %arg7[%add3A_1326, %dma_start3A_1332] : memref<64x64xi32, #tpu.memory_space<vmem>> -> memref<1x64xi32, #tpu.memory_space<vmem>>
        %dma_start3A_1334 = tpu.memref_squeeze %dma_start3A_1333 : memref<1x64xi32, #tpu.memory_space<vmem>> -> memref<64xi32, #tpu.memory_space<vmem>>
        %dma_start3A_1335 = arith.constant 0 : i32
        %dma_start3A_1336 = arith.constant 0 : i32
        %dma_start3A_1337 = tpu.memref_slice %arg2[%dma_start3A_1335, %dma_start3A_1336] : memref<262144x256xf32, #tpu.memory_space<hbm>> -> memref<262144x256xf32, #tpu.memory_space<hbm>>
        tpu.enqueue_indirect_dma source(%dma_start3A_1337 : memref<262144x256xf32, #tpu.memory_space<hbm>>) target(%dma_start3A_1331 : memref<64x256xf32, #tpu.memory_space<vmem>>) offsets(%dma_start3A_1334 : memref<64xi32, #tpu.memory_space<vmem>>) semaphore(%arg13 : memref<!tpu.dma_semaphore, #tpu.memory_space<semaphore_mem>>)
      } else {
      }
      %get3A_696 = arith.index_cast %add3A_673 : i32 to index
      %get3A_697 = arith.constant 0 : index
      %get3A_698 = tpu.vector_load %arg8[%get3A_696, %get3A_697] {strides = array<i32>} : memref<64x256xf32, #tpu.memory_space<vmem>>, vector<16xf32>,
      %get3A_699 = arith.index_cast %add3A_673 : i32 to index
      %get3A_700 = arith.constant 16 : index
      %get3A_701 = tpu.vector_load %arg8[%get3A_699, %get3A_700] {strides = array<i32>} : memref<64x256xf32, #tpu.memory_space<vmem>>, vector<16xf32>,
      %get3A_702 = arith.index_cast %add3A_673 : i32 to index
      %get3A_703 = arith.constant 32 : index
      %get3A_704 = tpu.vector_load %arg8[%get3A_702, %get3A_703] {strides = array<i32>} : memref<64x256xf32, #tpu.memory_space<vmem>>, vector<16xf32>,
      %get3A_705 = arith.index_cast %add3A_673 : i32 to index
      %get3A_706 = arith.constant 48 : index
      %get3A_707 = tpu.vector_load %arg8[%get3A_705, %get3A_706] {strides = array<i32>} : memref<64x256xf32, #tpu.memory_space<vmem>>, vector<16xf32>,
      %get3A_708 = arith.index_cast %add3A_673 : i32 to index
      %get3A_709 = arith.constant 64 : index
      %get3A_710 = tpu.vector_load %arg8[%get3A_708, %get3A_709] {strides = array<i32>} : memref<64x256xf32, #tpu.memory_space<vmem>>, vector<16xf32>,
      %get3A_711 = arith.index_cast %add3A_673 : i32 to index
      %get3A_712 = arith.constant 80 : index
      %get3A_713 = tpu.vector_load %arg8[%get3A_711, %get3A_712] {strides = array<i32>} : memref<64x256xf32, #tpu.memory_space<vmem>>, vector<16xf32>,
      %get3A_714 = arith.index_cast %add3A_673 : i32 to index
      %get3A_715 = arith.constant 96 : index
      %get3A_716 = tpu.vector_load %arg8[%get3A_714, %get3A_715] {strides = array<i32>} : memref<64x256xf32, #tpu.memory_space<vmem>>, vector<16xf32>,
      %get3A_717 = arith.index_cast %add3A_673 : i32 to index
      %get3A_718 = arith.constant 112 : index
      %get3A_719 = tpu.vector_load %arg8[%get3A_717, %get3A_718] {strides = array<i32>} : memref<64x256xf32, #tpu.memory_space<vmem>>, vector<16xf32>,
      %get3A_720 = arith.index_cast %add3A_673 : i32 to index
      %get3A_721 = arith.constant 128 : index
      %get3A_722 = tpu.vector_load %arg8[%get3A_720, %get3A_721] {strides = array<i32>} : memref<64x256xf32, #tpu.memory_space<vmem>>, vector<16xf32>,
      %get3A_723 = arith.index_cast %add3A_673 : i32 to index
      %get3A_724 = arith.constant 144 : index
      %get3A_725 = tpu.vector_load %arg8[%get3A_723, %get3A_724] {strides = array<i32>} : memref<64x256xf32, #tpu.memory_space<vmem>>, vector<16xf32>,
      %get3A_726 = arith.index_cast %add3A_673 : i32 to index
      %get3A_727 = arith.constant 160 : index
      %get3A_728 = tpu.vector_load %arg8[%get3A_726, %get3A_727] {strides = array<i32>} : memref<64x256xf32, #tpu.memory_space<vmem>>, vector<16xf32>,
      %get3A_729 = arith.index_cast %add3A_673 : i32 to index
      %get3A_730 = arith.constant 176 : index
      %get3A_731 = tpu.vector_load %arg8[%get3A_729, %get3A_730] {strides = array<i32>} : memref<64x256xf32, #tpu.memory_space<vmem>>, vector<16xf32>,
      %get3A_732 = arith.index_cast %add3A_673 : i32 to index
      %get3A_733 = arith.constant 192 : index
      %get3A_734 = tpu.vector_load %arg8[%get3A_732, %get3A_733] {strides = array<i32>} : memref<64x256xf32, #tpu.memory_space<vmem>>, vector<16xf32>,
      %get3A_735 = arith.index_cast %add3A_673 : i32 to index
      %get3A_736 = arith.constant 208 : index
      %get3A_737 = tpu.vector_load %arg8[%get3A_735, %get3A_736] {strides = array<i32>} : memref<64x256xf32, #tpu.memory_space<vmem>>, vector<16xf32>,
      %get3A_738 = arith.index_cast %add3A_673 : i32 to index
      %get3A_739 = arith.constant 224 : index
      %get3A_740 = tpu.vector_load %arg8[%get3A_738, %get3A_739] {strides = array<i32>} : memref<64x256xf32, #tpu.memory_space<vmem>>, vector<16xf32>,
      %get3A_741 = arith.index_cast %add3A_673 : i32 to index
      %get3A_742 = arith.constant 240 : index
      %get3A_743 = tpu.vector_load %arg8[%get3A_741, %get3A_742] {strides = array<i32>} : memref<64x256xf32, #tpu.memory_space<vmem>>, vector<16xf32>,
      %broadcast_in_dim3A_744 = arith.constant 0x7F800000 : f32
      %broadcast_in_dim3A_745 = vector.broadcast %broadcast_in_dim3A_744 : f32 to vector<16xf32>
      %scan3A_746 = arith.constant 0 : i32
      %scan3A_747 = arith.constant 1 : i32
      %scan3A_748 = arith.constant 0 : i32
      %scan3A_749 = arith.constant 16 : i32
      %scan3A_750 = arith.addi %scan3A_748, %scan3A_749 : i32
      %scan3A_751 = arith.constant 1 : i32
      scf.for %scan3A_1325 = %scan3A_748 to %scan3A_750 step %scan3A_751  : i32 {
        %broadcast_in_dim3A_1326 = arith.constant 0.000000e+00 : f32
        %broadcast_in_dim3A_1327 = vector.broadcast %broadcast_in_dim3A_1326 : f32 to vector<16xf32>
        %add3A_1328 = arith.constant 0 : i32
        %add3A_1329 = arith.addi %add3A_1328, %scan3A_1325 : i32
        %get3A_1330 = arith.constant 0 : i32
        %get3A_1331 = arith.constant 0 : i32
        %get3A_1332 = tpu.memref_slice %arg9[%scan3A_747, %get3A_1330, %get3A_1331] : memref<2x64x256xf32, #tpu.memory_space<vmem>> -> memref<1x64x256xf32, #tpu.memory_space<vmem>>
        %get3A_1333 = tpu.memref_squeeze %get3A_1332 : memref<1x64x256xf32, #tpu.memory_space<vmem>> -> memref<64x256xf32, #tpu.memory_space<vmem>>
        %get3A_1334 = arith.index_cast %add3A_1329 : i32 to index
        %get3A_1335 = arith.constant 0 : index
        %get3A_1336 = tpu.vector_load %get3A_1333[%get3A_1334, %get3A_1335] {strides = array<i32>} : memref<64x256xf32, #tpu.memory_space<vmem>>, vector<16xf32>,
        %sub3A = arith.subf %get3A_1336, %get3A_698 : vector<16xf32>
        %mul3A_1337 = arith.mulf %sub3A, %sub3A : vector<16xf32>
        %add3A_1338 = arith.addf %mul3A_1337, %broadcast_in_dim3A_1327 : vector<16xf32>
        %get3A_1339 = arith.constant 0 : i32
        %get3A_1340 = arith.constant 0 : i32
        %get3A_1341 = tpu.memref_slice %arg9[%scan3A_747, %get3A_1339, %get3A_1340] : memref<2x64x256xf32, #tpu.memory_space<vmem>> -> memref<1x64x256xf32, #tpu.memory_space<vmem>>
        %get3A_1342 = tpu.memref_squeeze %get3A_1341 : memref<1x64x256xf32, #tpu.memory_space<vmem>> -> memref<64x256xf32, #tpu.memory_space<vmem>>
        %get3A_1343 = arith.index_cast %add3A_1329 : i32 to index
        %get3A_1344 = arith.constant 16 : index
        %get3A_1345 = tpu.vector_load %get3A_1342[%get3A_1343, %get3A_1344] {strides = array<i32>} : memref<64x256xf32, #tpu.memory_space<vmem>>, vector<16xf32>,
        %sub3A_1346 = arith.subf %get3A_1345, %get3A_701 : vector<16xf32>
        %mul3A_1347 = arith.mulf %sub3A_1346, %sub3A_1346 : vector<16xf32>
        %add3A_1348 = arith.addf %mul3A_1347, %add3A_1338 : vector<16xf32>
        %get3A_1349 = arith.constant 0 : i32
        %get3A_1350 = arith.constant 0 : i32
        %get3A_1351 = tpu.memref_slice %arg9[%scan3A_747, %get3A_1349, %get3A_1350] : memref<2x64x256xf32, #tpu.memory_space<vmem>> -> memref<1x64x256xf32, #tpu.memory_space<vmem>>
        %get3A_1352 = tpu.memref_squeeze %get3A_1351 : memref<1x64x256xf32, #tpu.memory_space<vmem>> -> memref<64x256xf32, #tpu.memory_space<vmem>>
        %get3A_1353 = arith.index_cast %add3A_1329 : i32 to index
        %get3A_1354 = arith.constant 32 : index
        %get3A_1355 = tpu.vector_load %get3A_1352[%get3A_1353, %get3A_1354] {strides = array<i32>} : memref<64x256xf32, #tpu.memory_space<vmem>>, vector<16xf32>,
        %sub3A_1356 = arith.subf %get3A_1355, %get3A_704 : vector<16xf32>
        %mul3A_1357 = arith.mulf %sub3A_1356, %sub3A_1356 : vector<16xf32>
        %add3A_1358 = arith.addf %mul3A_1357, %add3A_1348 : vector<16xf32>
        %get3A_1359 = arith.constant 0 : i32
        %get3A_1360 = arith.constant 0 : i32
        %get3A_1361 = tpu.memref_slice %arg9[%scan3A_747, %get3A_1359, %get3A_1360] : memref<2x64x256xf32, #tpu.memory_space<vmem>> -> memref<1x64x256xf32, #tpu.memory_space<vmem>>
        %get3A_1362 = tpu.memref_squeeze %get3A_1361 : memref<1x64x256xf32, #tpu.memory_space<vmem>> -> memref<64x256xf32, #tpu.memory_space<vmem>>
        %get3A_1363 = arith.index_cast %add3A_1329 : i32 to index
        %get3A_1364 = arith.constant 48 : index
        %get3A_1365 = tpu.vector_load %get3A_1362[%get3A_1363, %get3A_1364] {strides = array<i32>} : memref<64x256xf32, #tpu.memory_space<vmem>>, vector<16xf32>,
        %sub3A_1366 = arith.subf %get3A_1365, %get3A_707 : vector<16xf32>
        %mul3A_1367 = arith.mulf %sub3A_1366, %sub3A_1366 : vector<16xf32>
        %add3A_1368 = arith.addf %mul3A_1367, %add3A_1358 : vector<16xf32>
        %get3A_1369 = arith.constant 0 : i32
        %get3A_1370 = arith.constant 0 : i32
        %get3A_1371 = tpu.memref_slice %arg9[%scan3A_747, %get3A_1369, %get3A_1370] : memref<2x64x256xf32, #tpu.memory_space<vmem>> -> memref<1x64x256xf32, #tpu.memory_space<vmem>>
        %get3A_1372 = tpu.memref_squeeze %get3A_1371 : memref<1x64x256xf32, #tpu.memory_space<vmem>> -> memref<64x256xf32, #tpu.memory_space<vmem>>
        %get3A_1373 = arith.index_cast %add3A_1329 : i32 to index
        %get3A_1374 = arith.constant 64 : index
        %get3A_1375 = tpu.vector_load %get3A_1372[%get3A_1373, %get3A_1374] {strides = array<i32>} : memref<64x256xf32, #tpu.memory_space<vmem>>, vector<16xf32>,
        %sub3A_1376 = arith.subf %get3A_1375, %get3A_710 : vector<16xf32>
        %mul3A_1377 = arith.mulf %sub3A_1376, %sub3A_1376 : vector<16xf32>
        %add3A_1378 = arith.addf %mul3A_1377, %add3A_1368 : vector<16xf32>
        %get3A_1379 = arith.constant 0 : i32
        %get3A_1380 = arith.constant 0 : i32
        %get3A_1381 = tpu.memref_slice %arg9[%scan3A_747, %get3A_1379, %get3A_1380] : memref<2x64x256xf32, #tpu.memory_space<vmem>> -> memref<1x64x256xf32, #tpu.memory_space<vmem>>
        %get3A_1382 = tpu.memref_squeeze %get3A_1381 : memref<1x64x256xf32, #tpu.memory_space<vmem>> -> memref<64x256xf32, #tpu.memory_space<vmem>>
        %get3A_1383 = arith.index_cast %add3A_1329 : i32 to index
        %get3A_1384 = arith.constant 80 : index
        %get3A_1385 = tpu.vector_load %get3A_1382[%get3A_1383, %get3A_1384] {strides = array<i32>} : memref<64x256xf32, #tpu.memory_space<vmem>>, vector<16xf32>,
        %sub3A_1386 = arith.subf %get3A_1385, %get3A_713 : vector<16xf32>
        %mul3A_1387 = arith.mulf %sub3A_1386, %sub3A_1386 : vector<16xf32>
        %add3A_1388 = arith.addf %mul3A_1387, %add3A_1378 : vector<16xf32>
        %get3A_1389 = arith.constant 0 : i32
        %get3A_1390 = arith.constant 0 : i32
        %get3A_1391 = tpu.memref_slice %arg9[%scan3A_747, %get3A_1389, %get3A_1390] : memref<2x64x256xf32, #tpu.memory_space<vmem>> -> memref<1x64x256xf32, #tpu.memory_space<vmem>>
        %get3A_1392 = tpu.memref_squeeze %get3A_1391 : memref<1x64x256xf32, #tpu.memory_space<vmem>> -> memref<64x256xf32, #tpu.memory_space<vmem>>
        %get3A_1393 = arith.index_cast %add3A_1329 : i32 to index
        %get3A_1394 = arith.constant 96 : index
        %get3A_1395 = tpu.vector_load %get3A_1392[%get3A_1393, %get3A_1394] {strides = array<i32>} : memref<64x256xf32, #tpu.memory_space<vmem>>, vector<16xf32>,
        %sub3A_1396 = arith.subf %get3A_1395, %get3A_716 : vector<16xf32>
        %mul3A_1397 = arith.mulf %sub3A_1396, %sub3A_1396 : vector<16xf32>
        %add3A_1398 = arith.addf %mul3A_1397, %add3A_1388 : vector<16xf32>
        %get3A_1399 = arith.constant 0 : i32
        %get3A_1400 = arith.constant 0 : i32
        %get3A_1401 = tpu.memref_slice %arg9[%scan3A_747, %get3A_1399, %get3A_1400] : memref<2x64x256xf32, #tpu.memory_space<vmem>> -> memref<1x64x256xf32, #tpu.memory_space<vmem>>
        %get3A_1402 = tpu.memref_squeeze %get3A_1401 : memref<1x64x256xf32, #tpu.memory_space<vmem>> -> memref<64x256xf32, #tpu.memory_space<vmem>>
        %get3A_1403 = arith.index_cast %add3A_1329 : i32 to index
        %get3A_1404 = arith.constant 112 : index
        %get3A_1405 = tpu.vector_load %get3A_1402[%get3A_1403, %get3A_1404] {strides = array<i32>} : memref<64x256xf32, #tpu.memory_space<vmem>>, vector<16xf32>,
        %sub3A_1406 = arith.subf %get3A_1405, %get3A_719 : vector<16xf32>
        %mul3A_1407 = arith.mulf %sub3A_1406, %sub3A_1406 : vector<16xf32>
        %add3A_1408 = arith.addf %mul3A_1407, %add3A_1398 : vector<16xf32>
        %get3A_1409 = arith.constant 0 : i32
        %get3A_1410 = arith.constant 0 : i32
        %get3A_1411 = tpu.memref_slice %arg9[%scan3A_747, %get3A_1409, %get3A_1410] : memref<2x64x256xf32, #tpu.memory_space<vmem>> -> memref<1x64x256xf32, #tpu.memory_space<vmem>>
        %get3A_1412 = tpu.memref_squeeze %get3A_1411 : memref<1x64x256xf32, #tpu.memory_space<vmem>> -> memref<64x256xf32, #tpu.memory_space<vmem>>
        %get3A_1413 = arith.index_cast %add3A_1329 : i32 to index
        %get3A_1414 = arith.constant 128 : index
        %get3A_1415 = tpu.vector_load %get3A_1412[%get3A_1413, %get3A_1414] {strides = array<i32>} : memref<64x256xf32, #tpu.memory_space<vmem>>, vector<16xf32>,
        %sub3A_1416 = arith.subf %get3A_1415, %get3A_722 : vector<16xf32>
        %mul3A_1417 = arith.mulf %sub3A_1416, %sub3A_1416 : vector<16xf32>
        %add3A_1418 = arith.addf %mul3A_1417, %add3A_1408 : vector<16xf32>
        %get3A_1419 = arith.constant 0 : i32
        %get3A_1420 = arith.constant 0 : i32
        %get3A_1421 = tpu.memref_slice %arg9[%scan3A_747, %get3A_1419, %get3A_1420] : memref<2x64x256xf32, #tpu.memory_space<vmem>> -> memref<1x64x256xf32, #tpu.memory_space<vmem>>
        %get3A_1422 = tpu.memref_squeeze %get3A_1421 : memref<1x64x256xf32, #tpu.memory_space<vmem>> -> memref<64x256xf32, #tpu.memory_space<vmem>>
        %get3A_1423 = arith.index_cast %add3A_1329 : i32 to index
        %get3A_1424 = arith.constant 144 : index
        %get3A_1425 = tpu.vector_load %get3A_1422[%get3A_1423, %get3A_1424] {strides = array<i32>} : memref<64x256xf32, #tpu.memory_space<vmem>>, vector<16xf32>,
        %sub3A_1426 = arith.subf %get3A_1425, %get3A_725 : vector<16xf32>
        %mul3A_1427 = arith.mulf %sub3A_1426, %sub3A_1426 : vector<16xf32>
        %add3A_1428 = arith.addf %mul3A_1427, %add3A_1418 : vector<16xf32>
        %get3A_1429 = arith.constant 0 : i32
        %get3A_1430 = arith.constant 0 : i32
        %get3A_1431 = tpu.memref_slice %arg9[%scan3A_747, %get3A_1429, %get3A_1430] : memref<2x64x256xf32, #tpu.memory_space<vmem>> -> memref<1x64x256xf32, #tpu.memory_space<vmem>>
        %get3A_1432 = tpu.memref_squeeze %get3A_1431 : memref<1x64x256xf32, #tpu.memory_space<vmem>> -> memref<64x256xf32, #tpu.memory_space<vmem>>
        %get3A_1433 = arith.index_cast %add3A_1329 : i32 to index
        %get3A_1434 = arith.constant 160 : index
        %get3A_1435 = tpu.vector_load %get3A_1432[%get3A_1433, %get3A_1434] {strides = array<i32>} : memref<64x256xf32, #tpu.memory_space<vmem>>, vector<16xf32>,
        %sub3A_1436 = arith.subf %get3A_1435, %get3A_728 : vector<16xf32>
        %mul3A_1437 = arith.mulf %sub3A_1436, %sub3A_1436 : vector<16xf32>
        %add3A_1438 = arith.addf %mul3A_1437, %add3A_1428 : vector<16xf32>
        %get3A_1439 = arith.constant 0 : i32
        %get3A_1440 = arith.constant 0 : i32
        %get3A_1441 = tpu.memref_slice %arg9[%scan3A_747, %get3A_1439, %get3A_1440] : memref<2x64x256xf32, #tpu.memory_space<vmem>> -> memref<1x64x256xf32, #tpu.memory_space<vmem>>
        %get3A_1442 = tpu.memref_squeeze %get3A_1441 : memref<1x64x256xf32, #tpu.memory_space<vmem>> -> memref<64x256xf32, #tpu.memory_space<vmem>>
        %get3A_1443 = arith.index_cast %add3A_1329 : i32 to index
        %get3A_1444 = arith.constant 176 : index
        %get3A_1445 = tpu.vector_load %get3A_1442[%get3A_1443, %get3A_1444] {strides = array<i32>} : memref<64x256xf32, #tpu.memory_space<vmem>>, vector<16xf32>,
        %sub3A_1446 = arith.subf %get3A_1445, %get3A_731 : vector<16xf32>
        %mul3A_1447 = arith.mulf %sub3A_1446, %sub3A_1446 : vector<16xf32>
        %add3A_1448 = arith.addf %mul3A_1447, %add3A_1438 : vector<16xf32>
        %get3A_1449 = arith.constant 0 : i32
        %get3A_1450 = arith.constant 0 : i32
        %get3A_1451 = tpu.memref_slice %arg9[%scan3A_747, %get3A_1449, %get3A_1450] : memref<2x64x256xf32, #tpu.memory_space<vmem>> -> memref<1x64x256xf32, #tpu.memory_space<vmem>>
        %get3A_1452 = tpu.memref_squeeze %get3A_1451 : memref<1x64x256xf32, #tpu.memory_space<vmem>> -> memref<64x256xf32, #tpu.memory_space<vmem>>
        %get3A_1453 = arith.index_cast %add3A_1329 : i32 to index
        %get3A_1454 = arith.constant 192 : index
        %get3A_1455 = tpu.vector_load %get3A_1452[%get3A_1453, %get3A_1454] {strides = array<i32>} : memref<64x256xf32, #tpu.memory_space<vmem>>, vector<16xf32>,
        %sub3A_1456 = arith.subf %get3A_1455, %get3A_734 : vector<16xf32>
        %mul3A_1457 = arith.mulf %sub3A_1456, %sub3A_1456 : vector<16xf32>
        %add3A_1458 = arith.addf %mul3A_1457, %add3A_1448 : vector<16xf32>
        %get3A_1459 = arith.constant 0 : i32
        %get3A_1460 = arith.constant 0 : i32
        %get3A_1461 = tpu.memref_slice %arg9[%scan3A_747, %get3A_1459, %get3A_1460] : memref<2x64x256xf32, #tpu.memory_space<vmem>> -> memref<1x64x256xf32, #tpu.memory_space<vmem>>
        %get3A_1462 = tpu.memref_squeeze %get3A_1461 : memref<1x64x256xf32, #tpu.memory_space<vmem>> -> memref<64x256xf32, #tpu.memory_space<vmem>>
        %get3A_1463 = arith.index_cast %add3A_1329 : i32 to index
        %get3A_1464 = arith.constant 208 : index
        %get3A_1465 = tpu.vector_load %get3A_1462[%get3A_1463, %get3A_1464] {strides = array<i32>} : memref<64x256xf32, #tpu.memory_space<vmem>>, vector<16xf32>,
        %sub3A_1466 = arith.subf %get3A_1465, %get3A_737 : vector<16xf32>
        %mul3A_1467 = arith.mulf %sub3A_1466, %sub3A_1466 : vector<16xf32>
        %add3A_1468 = arith.addf %mul3A_1467, %add3A_1458 : vector<16xf32>
        %get3A_1469 = arith.constant 0 : i32
        %get3A_1470 = arith.constant 0 : i32
        %get3A_1471 = tpu.memref_slice %arg9[%scan3A_747, %get3A_1469, %get3A_1470] : memref<2x64x256xf32, #tpu.memory_space<vmem>> -> memref<1x64x256xf32, #tpu.memory_space<vmem>>
        %get3A_1472 = tpu.memref_squeeze %get3A_1471 : memref<1x64x256xf32, #tpu.memory_space<vmem>> -> memref<64x256xf32, #tpu.memory_space<vmem>>
        %get3A_1473 = arith.index_cast %add3A_1329 : i32 to index
        %get3A_1474 = arith.constant 224 : index
        %get3A_1475 = tpu.vector_load %get3A_1472[%get3A_1473, %get3A_1474] {strides = array<i32>} : memref<64x256xf32, #tpu.memory_space<vmem>>, vector<16xf32>,
        %sub3A_1476 = arith.subf %get3A_1475, %get3A_740 : vector<16xf32>
        %mul3A_1477 = arith.mulf %sub3A_1476, %sub3A_1476 : vector<16xf32>
        %add3A_1478 = arith.addf %mul3A_1477, %add3A_1468 : vector<16xf32>
        %get3A_1479 = arith.constant 0 : i32
        %get3A_1480 = arith.constant 0 : i32
        %get3A_1481 = tpu.memref_slice %arg9[%scan3A_747, %get3A_1479, %get3A_1480] : memref<2x64x256xf32, #tpu.memory_space<vmem>> -> memref<1x64x256xf32, #tpu.memory_space<vmem>>
        %get3A_1482 = tpu.memref_squeeze %get3A_1481 : memref<1x64x256xf32, #tpu.memory_space<vmem>> -> memref<64x256xf32, #tpu.memory_space<vmem>>
        %get3A_1483 = arith.index_cast %add3A_1329 : i32 to index
        %get3A_1484 = arith.constant 240 : index
        %get3A_1485 = tpu.vector_load %get3A_1482[%get3A_1483, %get3A_1484] {strides = array<i32>} : memref<64x256xf32, #tpu.memory_space<vmem>>, vector<16xf32>,
        %sub3A_1486 = arith.subf %get3A_1485, %get3A_743 : vector<16xf32>
        %mul3A_1487 = arith.mulf %sub3A_1486, %sub3A_1486 : vector<16xf32>
        %add3A_1488 = arith.addf %mul3A_1487, %add3A_1478 : vector<16xf32>
        %mul3A_1489 = arith.constant 16 : i32
        %mul3A_1490 = arith.muli %scan3A_1325, %mul3A_1489 : i32
        %swap3A = arith.index_cast %mul3A_1490 : i32 to index
        %swap3A_1491 = tpu.vector_load %arg10[%swap3A] {strides = array<i32>} : memref<256xf32, #tpu.memory_space<vmem>>, vector<16xf32>,
        tpu.vector_store %arg10[%swap3A], %add3A_1488 {strides = array<i32>} : memref<256xf32, #tpu.memory_space<vmem>>, vector<16xf32>,
      }
      %scan3A_752 = arith.constant 16 : i32
      %broadcast_in_dim3A_753 = arith.constant 0.000000e+00 : f32
      %broadcast_in_dim3A_754 = vector.broadcast %broadcast_in_dim3A_753 : f32 to vector<16xf32>
      %mul3A_755 = arith.constant 16 : i32
      %mul3A_756 = vector.broadcast %mul3A_755 : i32 to vector<16xi32>
      %mul3A_757 = arith.muli %iota3A, %mul3A_756 : vector<16xi32>
      %add3A_758 = arith.constant 0 : i32
      %add3A_759 = vector.broadcast %add3A_758 : i32 to vector<16xi32>
      %add3A_760 = arith.addi %mul3A_757, %add3A_759 : vector<16xi32>
      %gather3A_761 = tpu.vector_load_idx %arg10[%add3A_760] : memref<256xf32, #tpu.memory_space<vmem>>[vector<16xi32>], vector<16xf32>,
      %add3A_762 = arith.addf %broadcast_in_dim3A_754, %gather3A_761 : vector<16xf32>
      %mul3A_763 = arith.constant 16 : i32
      %mul3A_764 = vector.broadcast %mul3A_763 : i32 to vector<16xi32>
      %mul3A_765 = arith.muli %iota3A, %mul3A_764 : vector<16xi32>
      %add3A_766 = arith.constant 1 : i32
      %add3A_767 = vector.broadcast %add3A_766 : i32 to vector<16xi32>
      %add3A_768 = arith.addi %mul3A_765, %add3A_767 : vector<16xi32>
      %gather3A_769 = tpu.vector_load_idx %arg10[%add3A_768] : memref<256xf32, #tpu.memory_space<vmem>>[vector<16xi32>], vector<16xf32>,
      %add3A_770 = arith.addf %add3A_762, %gather3A_769 : vector<16xf32>
      %mul3A_771 = arith.constant 16 : i32
      %mul3A_772 = vector.broadcast %mul3A_771 : i32 to vector<16xi32>
      %mul3A_773 = arith.muli %iota3A, %mul3A_772 : vector<16xi32>
      %add3A_774 = arith.constant 2 : i32
      %add3A_775 = vector.broadcast %add3A_774 : i32 to vector<16xi32>
      %add3A_776 = arith.addi %mul3A_773, %add3A_775 : vector<16xi32>
      %gather3A_777 = tpu.vector_load_idx %arg10[%add3A_776] : memref<256xf32, #tpu.memory_space<vmem>>[vector<16xi32>], vector<16xf32>,
      %add3A_778 = arith.addf %add3A_770, %gather3A_777 : vector<16xf32>
      %mul3A_779 = arith.constant 16 : i32
      %mul3A_780 = vector.broadcast %mul3A_779 : i32 to vector<16xi32>
      %mul3A_781 = arith.muli %iota3A, %mul3A_780 : vector<16xi32>
      %add3A_782 = arith.constant 3 : i32
      %add3A_783 = vector.broadcast %add3A_782 : i32 to vector<16xi32>
      %add3A_784 = arith.addi %mul3A_781, %add3A_783 : vector<16xi32>
      %gather3A_785 = tpu.vector_load_idx %arg10[%add3A_784] : memref<256xf32, #tpu.memory_space<vmem>>[vector<16xi32>], vector<16xf32>,
      %add3A_786 = arith.addf %add3A_778, %gather3A_785 : vector<16xf32>
      %mul3A_787 = arith.constant 16 : i32
      %mul3A_788 = vector.broadcast %mul3A_787 : i32 to vector<16xi32>
      %mul3A_789 = arith.muli %iota3A, %mul3A_788 : vector<16xi32>
      %add3A_790 = arith.constant 4 : i32
      %add3A_791 = vector.broadcast %add3A_790 : i32 to vector<16xi32>
      %add3A_792 = arith.addi %mul3A_789, %add3A_791 : vector<16xi32>
      %gather3A_793 = tpu.vector_load_idx %arg10[%add3A_792] : memref<256xf32, #tpu.memory_space<vmem>>[vector<16xi32>], vector<16xf32>,
      %add3A_794 = arith.addf %add3A_786, %gather3A_793 : vector<16xf32>
      %mul3A_795 = arith.constant 16 : i32
      %mul3A_796 = vector.broadcast %mul3A_795 : i32 to vector<16xi32>
      %mul3A_797 = arith.muli %iota3A, %mul3A_796 : vector<16xi32>
      %add3A_798 = arith.constant 5 : i32
      %add3A_799 = vector.broadcast %add3A_798 : i32 to vector<16xi32>
      %add3A_800 = arith.addi %mul3A_797, %add3A_799 : vector<16xi32>
      %gather3A_801 = tpu.vector_load_idx %arg10[%add3A_800] : memref<256xf32, #tpu.memory_space<vmem>>[vector<16xi32>], vector<16xf32>,
      %add3A_802 = arith.addf %add3A_794, %gather3A_801 : vector<16xf32>
      %mul3A_803 = arith.constant 16 : i32
      %mul3A_804 = vector.broadcast %mul3A_803 : i32 to vector<16xi32>
      %mul3A_805 = arith.muli %iota3A, %mul3A_804 : vector<16xi32>
      %add3A_806 = arith.constant 6 : i32
      %add3A_807 = vector.broadcast %add3A_806 : i32 to vector<16xi32>
      %add3A_808 = arith.addi %mul3A_805, %add3A_807 : vector<16xi32>
      %gather3A_809 = tpu.vector_load_idx %arg10[%add3A_808] : memref<256xf32, #tpu.memory_space<vmem>>[vector<16xi32>], vector<16xf32>,
      %add3A_810 = arith.addf %add3A_802, %gather3A_809 : vector<16xf32>
      %mul3A_811 = arith.constant 16 : i32
      %mul3A_812 = vector.broadcast %mul3A_811 : i32 to vector<16xi32>
      %mul3A_813 = arith.muli %iota3A, %mul3A_812 : vector<16xi32>
      %add3A_814 = arith.constant 7 : i32
      %add3A_815 = vector.broadcast %add3A_814 : i32 to vector<16xi32>
      %add3A_816 = arith.addi %mul3A_813, %add3A_815 : vector<16xi32>
      %gather3A_817 = tpu.vector_load_idx %arg10[%add3A_816] : memref<256xf32, #tpu.memory_space<vmem>>[vector<16xi32>], vector<16xf32>,
      %add3A_818 = arith.addf %add3A_810, %gather3A_817 : vector<16xf32>
      %mul3A_819 = arith.constant 16 : i32
      %mul3A_820 = vector.broadcast %mul3A_819 : i32 to vector<16xi32>
      %mul3A_821 = arith.muli %iota3A, %mul3A_820 : vector<16xi32>
      %add3A_822 = arith.constant 8 : i32
      %add3A_823 = vector.broadcast %add3A_822 : i32 to vector<16xi32>
      %add3A_824 = arith.addi %mul3A_821, %add3A_823 : vector<16xi32>
      %gather3A_825 = tpu.vector_load_idx %arg10[%add3A_824] : memref<256xf32, #tpu.memory_space<vmem>>[vector<16xi32>], vector<16xf32>,
      %add3A_826 = arith.addf %add3A_818, %gather3A_825 : vector<16xf32>
      %mul3A_827 = arith.constant 16 : i32
      %mul3A_828 = vector.broadcast %mul3A_827 : i32 to vector<16xi32>
      %mul3A_829 = arith.muli %iota3A, %mul3A_828 : vector<16xi32>
      %add3A_830 = arith.constant 9 : i32
      %add3A_831 = vector.broadcast %add3A_830 : i32 to vector<16xi32>
      %add3A_832 = arith.addi %mul3A_829, %add3A_831 : vector<16xi32>
      %gather3A_833 = tpu.vector_load_idx %arg10[%add3A_832] : memref<256xf32, #tpu.memory_space<vmem>>[vector<16xi32>], vector<16xf32>,
      %add3A_834 = arith.addf %add3A_826, %gather3A_833 : vector<16xf32>
      %mul3A_835 = arith.constant 16 : i32
      %mul3A_836 = vector.broadcast %mul3A_835 : i32 to vector<16xi32>
      %mul3A_837 = arith.muli %iota3A, %mul3A_836 : vector<16xi32>
      %add3A_838 = arith.constant 10 : i32
      %add3A_839 = vector.broadcast %add3A_838 : i32 to vector<16xi32>
      %add3A_840 = arith.addi %mul3A_837, %add3A_839 : vector<16xi32>
      %gather3A_841 = tpu.vector_load_idx %arg10[%add3A_840] : memref<256xf32, #tpu.memory_space<vmem>>[vector<16xi32>], vector<16xf32>,
      %add3A_842 = arith.addf %add3A_834, %gather3A_841 : vector<16xf32>
      %mul3A_843 = arith.constant 16 : i32
      %mul3A_844 = vector.broadcast %mul3A_843 : i32 to vector<16xi32>
      %mul3A_845 = arith.muli %iota3A, %mul3A_844 : vector<16xi32>
      %add3A_846 = arith.constant 11 : i32
      %add3A_847 = vector.broadcast %add3A_846 : i32 to vector<16xi32>
      %add3A_848 = arith.addi %mul3A_845, %add3A_847 : vector<16xi32>
      %gather3A_849 = tpu.vector_load_idx %arg10[%add3A_848] : memref<256xf32, #tpu.memory_space<vmem>>[vector<16xi32>], vector<16xf32>,
      %add3A_850 = arith.addf %add3A_842, %gather3A_849 : vector<16xf32>
      %mul3A_851 = arith.constant 16 : i32
      %mul3A_852 = vector.broadcast %mul3A_851 : i32 to vector<16xi32>
      %mul3A_853 = arith.muli %iota3A, %mul3A_852 : vector<16xi32>
      %add3A_854 = arith.constant 12 : i32
      %add3A_855 = vector.broadcast %add3A_854 : i32 to vector<16xi32>
      %add3A_856 = arith.addi %mul3A_853, %add3A_855 : vector<16xi32>
      %gather3A_857 = tpu.vector_load_idx %arg10[%add3A_856] : memref<256xf32, #tpu.memory_space<vmem>>[vector<16xi32>], vector<16xf32>,
      %add3A_858 = arith.addf %add3A_850, %gather3A_857 : vector<16xf32>
      %mul3A_859 = arith.constant 16 : i32
      %mul3A_860 = vector.broadcast %mul3A_859 : i32 to vector<16xi32>
      %mul3A_861 = arith.muli %iota3A, %mul3A_860 : vector<16xi32>
      %add3A_862 = arith.constant 13 : i32
      %add3A_863 = vector.broadcast %add3A_862 : i32 to vector<16xi32>
      %add3A_864 = arith.addi %mul3A_861, %add3A_863 : vector<16xi32>
      %gather3A_865 = tpu.vector_load_idx %arg10[%add3A_864] : memref<256xf32, #tpu.memory_space<vmem>>[vector<16xi32>], vector<16xf32>,
      %add3A_866 = arith.addf %add3A_858, %gather3A_865 : vector<16xf32>
      %mul3A_867 = arith.constant 16 : i32
      %mul3A_868 = vector.broadcast %mul3A_867 : i32 to vector<16xi32>
      %mul3A_869 = arith.muli %iota3A, %mul3A_868 : vector<16xi32>
      %add3A_870 = arith.constant 14 : i32
      %add3A_871 = vector.broadcast %add3A_870 : i32 to vector<16xi32>
      %add3A_872 = arith.addi %mul3A_869, %add3A_871 : vector<16xi32>
      %gather3A_873 = tpu.vector_load_idx %arg10[%add3A_872] : memref<256xf32, #tpu.memory_space<vmem>>[vector<16xi32>], vector<16xf32>,
      %add3A_874 = arith.addf %add3A_866, %gather3A_873 : vector<16xf32>
      %mul3A_875 = arith.constant 16 : i32
      %mul3A_876 = vector.broadcast %mul3A_875 : i32 to vector<16xi32>
      %mul3A_877 = arith.muli %iota3A, %mul3A_876 : vector<16xi32>
      %add3A_878 = arith.constant 15 : i32
      %add3A_879 = vector.broadcast %add3A_878 : i32 to vector<16xi32>
      %add3A_880 = arith.addi %mul3A_877, %add3A_879 : vector<16xi32>
      %gather3A_881 = tpu.vector_load_idx %arg10[%add3A_880] : memref<256xf32, #tpu.memory_space<vmem>>[vector<16xi32>], vector<16xf32>,
      %add3A_882 = arith.addf %add3A_874, %gather3A_881 : vector<16xf32>
      %add3A_883 = arith.constant 0 : i32
      %add3A_884 = vector.broadcast %add3A_883 : i32 to vector<16xi32>
      %add3A_885 = arith.addi %iota3A, %add3A_884 : vector<16xi32>
      %lt3A_886 = arith.cmpf olt, %add3A_882, %broadcast_in_dim3A_745 : vector<16xf32>
      %select_n3A_887 = arith.select %lt3A_886, %add3A_882, %broadcast_in_dim3A_745 : vector<16xi1>, vector<16xf32>
      %select_n3A_888 = arith.select %lt3A_886, %add3A_885, %broadcast_in_dim3A_5 : vector<16xi1>, vector<16xi32>
      %scan3A_889 = arith.constant 0 : i32
      %scan3A_890 = arith.constant 1 : i32
      %scan3A_891 = arith.constant 0 : i32
      %scan3A_892 = arith.constant 16 : i32
      %scan3A_893 = arith.addi %scan3A_891, %scan3A_892 : i32
      %scan3A_894 = arith.constant 1 : i32
      scf.for %scan3A_1325 = %scan3A_891 to %scan3A_893 step %scan3A_894  : i32 {
        %broadcast_in_dim3A_1326 = arith.constant 0.000000e+00 : f32
        %broadcast_in_dim3A_1327 = vector.broadcast %broadcast_in_dim3A_1326 : f32 to vector<16xf32>
        %add3A_1328 = arith.constant 16 : i32
        %add3A_1329 = arith.addi %add3A_1328, %scan3A_1325 : i32
        %get3A_1330 = arith.constant 0 : i32
        %get3A_1331 = arith.constant 0 : i32
        %get3A_1332 = tpu.memref_slice %arg9[%scan3A_890, %get3A_1330, %get3A_1331] : memref<2x64x256xf32, #tpu.memory_space<vmem>> -> memref<1x64x256xf32, #tpu.memory_space<vmem>>
        %get3A_1333 = tpu.memref_squeeze %get3A_1332 : memref<1x64x256xf32, #tpu.memory_space<vmem>> -> memref<64x256xf32, #tpu.memory_space<vmem>>
        %get3A_1334 = arith.index_cast %add3A_1329 : i32 to index
        %get3A_1335 = arith.constant 0 : index
        %get3A_1336 = tpu.vector_load %get3A_1333[%get3A_1334, %get3A_1335] {strides = array<i32>} : memref<64x256xf32, #tpu.memory_space<vmem>>, vector<16xf32>,
        %sub3A = arith.subf %get3A_1336, %get3A_698 : vector<16xf32>
        %mul3A_1337 = arith.mulf %sub3A, %sub3A : vector<16xf32>
        %add3A_1338 = arith.addf %mul3A_1337, %broadcast_in_dim3A_1327 : vector<16xf32>
        %get3A_1339 = arith.constant 0 : i32
        %get3A_1340 = arith.constant 0 : i32
        %get3A_1341 = tpu.memref_slice %arg9[%scan3A_890, %get3A_1339, %get3A_1340] : memref<2x64x256xf32, #tpu.memory_space<vmem>> -> memref<1x64x256xf32, #tpu.memory_space<vmem>>
        %get3A_1342 = tpu.memref_squeeze %get3A_1341 : memref<1x64x256xf32, #tpu.memory_space<vmem>> -> memref<64x256xf32, #tpu.memory_space<vmem>>
        %get3A_1343 = arith.index_cast %add3A_1329 : i32 to index
        %get3A_1344 = arith.constant 16 : index
        %get3A_1345 = tpu.vector_load %get3A_1342[%get3A_1343, %get3A_1344] {strides = array<i32>} : memref<64x256xf32, #tpu.memory_space<vmem>>, vector<16xf32>,
        %sub3A_1346 = arith.subf %get3A_1345, %get3A_701 : vector<16xf32>
        %mul3A_1347 = arith.mulf %sub3A_1346, %sub3A_1346 : vector<16xf32>
        %add3A_1348 = arith.addf %mul3A_1347, %add3A_1338 : vector<16xf32>
        %get3A_1349 = arith.constant 0 : i32
        %get3A_1350 = arith.constant 0 : i32
        %get3A_1351 = tpu.memref_slice %arg9[%scan3A_890, %get3A_1349, %get3A_1350] : memref<2x64x256xf32, #tpu.memory_space<vmem>> -> memref<1x64x256xf32, #tpu.memory_space<vmem>>
        %get3A_1352 = tpu.memref_squeeze %get3A_1351 : memref<1x64x256xf32, #tpu.memory_space<vmem>> -> memref<64x256xf32, #tpu.memory_space<vmem>>
        %get3A_1353 = arith.index_cast %add3A_1329 : i32 to index
        %get3A_1354 = arith.constant 32 : index
        %get3A_1355 = tpu.vector_load %get3A_1352[%get3A_1353, %get3A_1354] {strides = array<i32>} : memref<64x256xf32, #tpu.memory_space<vmem>>, vector<16xf32>,
        %sub3A_1356 = arith.subf %get3A_1355, %get3A_704 : vector<16xf32>
        %mul3A_1357 = arith.mulf %sub3A_1356, %sub3A_1356 : vector<16xf32>
        %add3A_1358 = arith.addf %mul3A_1357, %add3A_1348 : vector<16xf32>
        %get3A_1359 = arith.constant 0 : i32
        %get3A_1360 = arith.constant 0 : i32
        %get3A_1361 = tpu.memref_slice %arg9[%scan3A_890, %get3A_1359, %get3A_1360] : memref<2x64x256xf32, #tpu.memory_space<vmem>> -> memref<1x64x256xf32, #tpu.memory_space<vmem>>
        %get3A_1362 = tpu.memref_squeeze %get3A_1361 : memref<1x64x256xf32, #tpu.memory_space<vmem>> -> memref<64x256xf32, #tpu.memory_space<vmem>>
        %get3A_1363 = arith.index_cast %add3A_1329 : i32 to index
        %get3A_1364 = arith.constant 48 : index
        %get3A_1365 = tpu.vector_load %get3A_1362[%get3A_1363, %get3A_1364] {strides = array<i32>} : memref<64x256xf32, #tpu.memory_space<vmem>>, vector<16xf32>,
        %sub3A_1366 = arith.subf %get3A_1365, %get3A_707 : vector<16xf32>
        %mul3A_1367 = arith.mulf %sub3A_1366, %sub3A_1366 : vector<16xf32>
        %add3A_1368 = arith.addf %mul3A_1367, %add3A_1358 : vector<16xf32>
        %get3A_1369 = arith.constant 0 : i32
        %get3A_1370 = arith.constant 0 : i32
        %get3A_1371 = tpu.memref_slice %arg9[%scan3A_890, %get3A_1369, %get3A_1370] : memref<2x64x256xf32, #tpu.memory_space<vmem>> -> memref<1x64x256xf32, #tpu.memory_space<vmem>>
        %get3A_1372 = tpu.memref_squeeze %get3A_1371 : memref<1x64x256xf32, #tpu.memory_space<vmem>> -> memref<64x256xf32, #tpu.memory_space<vmem>>
        %get3A_1373 = arith.index_cast %add3A_1329 : i32 to index
        %get3A_1374 = arith.constant 64 : index
        %get3A_1375 = tpu.vector_load %get3A_1372[%get3A_1373, %get3A_1374] {strides = array<i32>} : memref<64x256xf32, #tpu.memory_space<vmem>>, vector<16xf32>,
        %sub3A_1376 = arith.subf %get3A_1375, %get3A_710 : vector<16xf32>
        %mul3A_1377 = arith.mulf %sub3A_1376, %sub3A_1376 : vector<16xf32>
        %add3A_1378 = arith.addf %mul3A_1377, %add3A_1368 : vector<16xf32>
        %get3A_1379 = arith.constant 0 : i32
        %get3A_1380 = arith.constant 0 : i32
        %get3A_1381 = tpu.memref_slice %arg9[%scan3A_890, %get3A_1379, %get3A_1380] : memref<2x64x256xf32, #tpu.memory_space<vmem>> -> memref<1x64x256xf32, #tpu.memory_space<vmem>>
        %get3A_1382 = tpu.memref_squeeze %get3A_1381 : memref<1x64x256xf32, #tpu.memory_space<vmem>> -> memref<64x256xf32, #tpu.memory_space<vmem>>
        %get3A_1383 = arith.index_cast %add3A_1329 : i32 to index
        %get3A_1384 = arith.constant 80 : index
        %get3A_1385 = tpu.vector_load %get3A_1382[%get3A_1383, %get3A_1384] {strides = array<i32>} : memref<64x256xf32, #tpu.memory_space<vmem>>, vector<16xf32>,
        %sub3A_1386 = arith.subf %get3A_1385, %get3A_713 : vector<16xf32>
        %mul3A_1387 = arith.mulf %sub3A_1386, %sub3A_1386 : vector<16xf32>
        %add3A_1388 = arith.addf %mul3A_1387, %add3A_1378 : vector<16xf32>
        %get3A_1389 = arith.constant 0 : i32
        %get3A_1390 = arith.constant 0 : i32
        %get3A_1391 = tpu.memref_slice %arg9[%scan3A_890, %get3A_1389, %get3A_1390] : memref<2x64x256xf32, #tpu.memory_space<vmem>> -> memref<1x64x256xf32, #tpu.memory_space<vmem>>
        %get3A_1392 = tpu.memref_squeeze %get3A_1391 : memref<1x64x256xf32, #tpu.memory_space<vmem>> -> memref<64x256xf32, #tpu.memory_space<vmem>>
        %get3A_1393 = arith.index_cast %add3A_1329 : i32 to index
        %get3A_1394 = arith.constant 96 : index
        %get3A_1395 = tpu.vector_load %get3A_1392[%get3A_1393, %get3A_1394] {strides = array<i32>} : memref<64x256xf32, #tpu.memory_space<vmem>>, vector<16xf32>,
        %sub3A_1396 = arith.subf %get3A_1395, %get3A_716 : vector<16xf32>
        %mul3A_1397 = arith.mulf %sub3A_1396, %sub3A_1396 : vector<16xf32>
        %add3A_1398 = arith.addf %mul3A_1397, %add3A_1388 : vector<16xf32>
        %get3A_1399 = arith.constant 0 : i32
        %get3A_1400 = arith.constant 0 : i32
        %get3A_1401 = tpu.memref_slice %arg9[%scan3A_890, %get3A_1399, %get3A_1400] : memref<2x64x256xf32, #tpu.memory_space<vmem>> -> memref<1x64x256xf32, #tpu.memory_space<vmem>>
        %get3A_1402 = tpu.memref_squeeze %get3A_1401 : memref<1x64x256xf32, #tpu.memory_space<vmem>> -> memref<64x256xf32, #tpu.memory_space<vmem>>
        %get3A_1403 = arith.index_cast %add3A_1329 : i32 to index
        %get3A_1404 = arith.constant 112 : index
        %get3A_1405 = tpu.vector_load %get3A_1402[%get3A_1403, %get3A_1404] {strides = array<i32>} : memref<64x256xf32, #tpu.memory_space<vmem>>, vector<16xf32>,
        %sub3A_1406 = arith.subf %get3A_1405, %get3A_719 : vector<16xf32>
        %mul3A_1407 = arith.mulf %sub3A_1406, %sub3A_1406 : vector<16xf32>
        %add3A_1408 = arith.addf %mul3A_1407, %add3A_1398 : vector<16xf32>
        %get3A_1409 = arith.constant 0 : i32
        %get3A_1410 = arith.constant 0 : i32
        %get3A_1411 = tpu.memref_slice %arg9[%scan3A_890, %get3A_1409, %get3A_1410] : memref<2x64x256xf32, #tpu.memory_space<vmem>> -> memref<1x64x256xf32, #tpu.memory_space<vmem>>
        %get3A_1412 = tpu.memref_squeeze %get3A_1411 : memref<1x64x256xf32, #tpu.memory_space<vmem>> -> memref<64x256xf32, #tpu.memory_space<vmem>>
        %get3A_1413 = arith.index_cast %add3A_1329 : i32 to index
        %get3A_1414 = arith.constant 128 : index
        %get3A_1415 = tpu.vector_load %get3A_1412[%get3A_1413, %get3A_1414] {strides = array<i32>} : memref<64x256xf32, #tpu.memory_space<vmem>>, vector<16xf32>,
        %sub3A_1416 = arith.subf %get3A_1415, %get3A_722 : vector<16xf32>
        %mul3A_1417 = arith.mulf %sub3A_1416, %sub3A_1416 : vector<16xf32>
        %add3A_1418 = arith.addf %mul3A_1417, %add3A_1408 : vector<16xf32>
        %get3A_1419 = arith.constant 0 : i32
        %get3A_1420 = arith.constant 0 : i32
        %get3A_1421 = tpu.memref_slice %arg9[%scan3A_890, %get3A_1419, %get3A_1420] : memref<2x64x256xf32, #tpu.memory_space<vmem>> -> memref<1x64x256xf32, #tpu.memory_space<vmem>>
        %get3A_1422 = tpu.memref_squeeze %get3A_1421 : memref<1x64x256xf32, #tpu.memory_space<vmem>> -> memref<64x256xf32, #tpu.memory_space<vmem>>
        %get3A_1423 = arith.index_cast %add3A_1329 : i32 to index
        %get3A_1424 = arith.constant 144 : index
        %get3A_1425 = tpu.vector_load %get3A_1422[%get3A_1423, %get3A_1424] {strides = array<i32>} : memref<64x256xf32, #tpu.memory_space<vmem>>, vector<16xf32>,
        %sub3A_1426 = arith.subf %get3A_1425, %get3A_725 : vector<16xf32>
        %mul3A_1427 = arith.mulf %sub3A_1426, %sub3A_1426 : vector<16xf32>
        %add3A_1428 = arith.addf %mul3A_1427, %add3A_1418 : vector<16xf32>
        %get3A_1429 = arith.constant 0 : i32
        %get3A_1430 = arith.constant 0 : i32
        %get3A_1431 = tpu.memref_slice %arg9[%scan3A_890, %get3A_1429, %get3A_1430] : memref<2x64x256xf32, #tpu.memory_space<vmem>> -> memref<1x64x256xf32, #tpu.memory_space<vmem>>
        %get3A_1432 = tpu.memref_squeeze %get3A_1431 : memref<1x64x256xf32, #tpu.memory_space<vmem>> -> memref<64x256xf32, #tpu.memory_space<vmem>>
        %get3A_1433 = arith.index_cast %add3A_1329 : i32 to index
        %get3A_1434 = arith.constant 160 : index
        %get3A_1435 = tpu.vector_load %get3A_1432[%get3A_1433, %get3A_1434] {strides = array<i32>} : memref<64x256xf32, #tpu.memory_space<vmem>>, vector<16xf32>,
        %sub3A_1436 = arith.subf %get3A_1435, %get3A_728 : vector<16xf32>
        %mul3A_1437 = arith.mulf %sub3A_1436, %sub3A_1436 : vector<16xf32>
        %add3A_1438 = arith.addf %mul3A_1437, %add3A_1428 : vector<16xf32>
        %get3A_1439 = arith.constant 0 : i32
        %get3A_1440 = arith.constant 0 : i32
        %get3A_1441 = tpu.memref_slice %arg9[%scan3A_890, %get3A_1439, %get3A_1440] : memref<2x64x256xf32, #tpu.memory_space<vmem>> -> memref<1x64x256xf32, #tpu.memory_space<vmem>>
        %get3A_1442 = tpu.memref_squeeze %get3A_1441 : memref<1x64x256xf32, #tpu.memory_space<vmem>> -> memref<64x256xf32, #tpu.memory_space<vmem>>
        %get3A_1443 = arith.index_cast %add3A_1329 : i32 to index
        %get3A_1444 = arith.constant 176 : index
        %get3A_1445 = tpu.vector_load %get3A_1442[%get3A_1443, %get3A_1444] {strides = array<i32>} : memref<64x256xf32, #tpu.memory_space<vmem>>, vector<16xf32>,
        %sub3A_1446 = arith.subf %get3A_1445, %get3A_731 : vector<16xf32>
        %mul3A_1447 = arith.mulf %sub3A_1446, %sub3A_1446 : vector<16xf32>
        %add3A_1448 = arith.addf %mul3A_1447, %add3A_1438 : vector<16xf32>
        %get3A_1449 = arith.constant 0 : i32
        %get3A_1450 = arith.constant 0 : i32
        %get3A_1451 = tpu.memref_slice %arg9[%scan3A_890, %get3A_1449, %get3A_1450] : memref<2x64x256xf32, #tpu.memory_space<vmem>> -> memref<1x64x256xf32, #tpu.memory_space<vmem>>
        %get3A_1452 = tpu.memref_squeeze %get3A_1451 : memref<1x64x256xf32, #tpu.memory_space<vmem>> -> memref<64x256xf32, #tpu.memory_space<vmem>>
        %get3A_1453 = arith.index_cast %add3A_1329 : i32 to index
        %get3A_1454 = arith.constant 192 : index
        %get3A_1455 = tpu.vector_load %get3A_1452[%get3A_1453, %get3A_1454] {strides = array<i32>} : memref<64x256xf32, #tpu.memory_space<vmem>>, vector<16xf32>,
        %sub3A_1456 = arith.subf %get3A_1455, %get3A_734 : vector<16xf32>
        %mul3A_1457 = arith.mulf %sub3A_1456, %sub3A_1456 : vector<16xf32>
        %add3A_1458 = arith.addf %mul3A_1457, %add3A_1448 : vector<16xf32>
        %get3A_1459 = arith.constant 0 : i32
        %get3A_1460 = arith.constant 0 : i32
        %get3A_1461 = tpu.memref_slice %arg9[%scan3A_890, %get3A_1459, %get3A_1460] : memref<2x64x256xf32, #tpu.memory_space<vmem>> -> memref<1x64x256xf32, #tpu.memory_space<vmem>>
        %get3A_1462 = tpu.memref_squeeze %get3A_1461 : memref<1x64x256xf32, #tpu.memory_space<vmem>> -> memref<64x256xf32, #tpu.memory_space<vmem>>
        %get3A_1463 = arith.index_cast %add3A_1329 : i32 to index
        %get3A_1464 = arith.constant 208 : index
        %get3A_1465 = tpu.vector_load %get3A_1462[%get3A_1463, %get3A_1464] {strides = array<i32>} : memref<64x256xf32, #tpu.memory_space<vmem>>, vector<16xf32>,
        %sub3A_1466 = arith.subf %get3A_1465, %get3A_737 : vector<16xf32>
        %mul3A_1467 = arith.mulf %sub3A_1466, %sub3A_1466 : vector<16xf32>
        %add3A_1468 = arith.addf %mul3A_1467, %add3A_1458 : vector<16xf32>
        %get3A_1469 = arith.constant 0 : i32
        %get3A_1470 = arith.constant 0 : i32
        %get3A_1471 = tpu.memref_slice %arg9[%scan3A_890, %get3A_1469, %get3A_1470] : memref<2x64x256xf32, #tpu.memory_space<vmem>> -> memref<1x64x256xf32, #tpu.memory_space<vmem>>
        %get3A_1472 = tpu.memref_squeeze %get3A_1471 : memref<1x64x256xf32, #tpu.memory_space<vmem>> -> memref<64x256xf32, #tpu.memory_space<vmem>>
        %get3A_1473 = arith.index_cast %add3A_1329 : i32 to index
        %get3A_1474 = arith.constant 224 : index
        %get3A_1475 = tpu.vector_load %get3A_1472[%get3A_1473, %get3A_1474] {strides = array<i32>} : memref<64x256xf32, #tpu.memory_space<vmem>>, vector<16xf32>,
        %sub3A_1476 = arith.subf %get3A_1475, %get3A_740 : vector<16xf32>
        %mul3A_1477 = arith.mulf %sub3A_1476, %sub3A_1476 : vector<16xf32>
        %add3A_1478 = arith.addf %mul3A_1477, %add3A_1468 : vector<16xf32>
        %get3A_1479 = arith.constant 0 : i32
        %get3A_1480 = arith.constant 0 : i32
        %get3A_1481 = tpu.memref_slice %arg9[%scan3A_890, %get3A_1479, %get3A_1480] : memref<2x64x256xf32, #tpu.memory_space<vmem>> -> memref<1x64x256xf32, #tpu.memory_space<vmem>>
        %get3A_1482 = tpu.memref_squeeze %get3A_1481 : memref<1x64x256xf32, #tpu.memory_space<vmem>> -> memref<64x256xf32, #tpu.memory_space<vmem>>
        %get3A_1483 = arith.index_cast %add3A_1329 : i32 to index
        %get3A_1484 = arith.constant 240 : index
        %get3A_1485 = tpu.vector_load %get3A_1482[%get3A_1483, %get3A_1484] {strides = array<i32>} : memref<64x256xf32, #tpu.memory_space<vmem>>, vector<16xf32>,
        %sub3A_1486 = arith.subf %get3A_1485, %get3A_743 : vector<16xf32>
        %mul3A_1487 = arith.mulf %sub3A_1486, %sub3A_1486 : vector<16xf32>
        %add3A_1488 = arith.addf %mul3A_1487, %add3A_1478 : vector<16xf32>
        %mul3A_1489 = arith.constant 16 : i32
        %mul3A_1490 = arith.muli %scan3A_1325, %mul3A_1489 : i32
        %swap3A = arith.index_cast %mul3A_1490 : i32 to index
        %swap3A_1491 = tpu.vector_load %arg10[%swap3A] {strides = array<i32>} : memref<256xf32, #tpu.memory_space<vmem>>, vector<16xf32>,
        tpu.vector_store %arg10[%swap3A], %add3A_1488 {strides = array<i32>} : memref<256xf32, #tpu.memory_space<vmem>>, vector<16xf32>,
      }
      %scan3A_895 = arith.constant 16 : i32
      %broadcast_in_dim3A_896 = arith.constant 0.000000e+00 : f32
      %broadcast_in_dim3A_897 = vector.broadcast %broadcast_in_dim3A_896 : f32 to vector<16xf32>
      %mul3A_898 = arith.constant 16 : i32
      %mul3A_899 = vector.broadcast %mul3A_898 : i32 to vector<16xi32>
      %mul3A_900 = arith.muli %iota3A, %mul3A_899 : vector<16xi32>
      %add3A_901 = arith.constant 0 : i32
      %add3A_902 = vector.broadcast %add3A_901 : i32 to vector<16xi32>
      %add3A_903 = arith.addi %mul3A_900, %add3A_902 : vector<16xi32>
      %gather3A_904 = tpu.vector_load_idx %arg10[%add3A_903] : memref<256xf32, #tpu.memory_space<vmem>>[vector<16xi32>], vector<16xf32>,
      %add3A_905 = arith.addf %broadcast_in_dim3A_897, %gather3A_904 : vector<16xf32>
      %mul3A_906 = arith.constant 16 : i32
      %mul3A_907 = vector.broadcast %mul3A_906 : i32 to vector<16xi32>
      %mul3A_908 = arith.muli %iota3A, %mul3A_907 : vector<16xi32>
      %add3A_909 = arith.constant 1 : i32
      %add3A_910 = vector.broadcast %add3A_909 : i32 to vector<16xi32>
      %add3A_911 = arith.addi %mul3A_908, %add3A_910 : vector<16xi32>
      %gather3A_912 = tpu.vector_load_idx %arg10[%add3A_911] : memref<256xf32, #tpu.memory_space<vmem>>[vector<16xi32>], vector<16xf32>,
      %add3A_913 = arith.addf %add3A_905, %gather3A_912 : vector<16xf32>
      %mul3A_914 = arith.constant 16 : i32
      %mul3A_915 = vector.broadcast %mul3A_914 : i32 to vector<16xi32>
      %mul3A_916 = arith.muli %iota3A, %mul3A_915 : vector<16xi32>
      %add3A_917 = arith.constant 2 : i32
      %add3A_918 = vector.broadcast %add3A_917 : i32 to vector<16xi32>
      %add3A_919 = arith.addi %mul3A_916, %add3A_918 : vector<16xi32>
      %gather3A_920 = tpu.vector_load_idx %arg10[%add3A_919] : memref<256xf32, #tpu.memory_space<vmem>>[vector<16xi32>], vector<16xf32>,
      %add3A_921 = arith.addf %add3A_913, %gather3A_920 : vector<16xf32>
      %mul3A_922 = arith.constant 16 : i32
      %mul3A_923 = vector.broadcast %mul3A_922 : i32 to vector<16xi32>
      %mul3A_924 = arith.muli %iota3A, %mul3A_923 : vector<16xi32>
      %add3A_925 = arith.constant 3 : i32
      %add3A_926 = vector.broadcast %add3A_925 : i32 to vector<16xi32>
      %add3A_927 = arith.addi %mul3A_924, %add3A_926 : vector<16xi32>
      %gather3A_928 = tpu.vector_load_idx %arg10[%add3A_927] : memref<256xf32, #tpu.memory_space<vmem>>[vector<16xi32>], vector<16xf32>,
      %add3A_929 = arith.addf %add3A_921, %gather3A_928 : vector<16xf32>
      %mul3A_930 = arith.constant 16 : i32
      %mul3A_931 = vector.broadcast %mul3A_930 : i32 to vector<16xi32>
      %mul3A_932 = arith.muli %iota3A, %mul3A_931 : vector<16xi32>
      %add3A_933 = arith.constant 4 : i32
      %add3A_934 = vector.broadcast %add3A_933 : i32 to vector<16xi32>
      %add3A_935 = arith.addi %mul3A_932, %add3A_934 : vector<16xi32>
      %gather3A_936 = tpu.vector_load_idx %arg10[%add3A_935] : memref<256xf32, #tpu.memory_space<vmem>>[vector<16xi32>], vector<16xf32>,
      %add3A_937 = arith.addf %add3A_929, %gather3A_936 : vector<16xf32>
      %mul3A_938 = arith.constant 16 : i32
      %mul3A_939 = vector.broadcast %mul3A_938 : i32 to vector<16xi32>
      %mul3A_940 = arith.muli %iota3A, %mul3A_939 : vector<16xi32>
      %add3A_941 = arith.constant 5 : i32
      %add3A_942 = vector.broadcast %add3A_941 : i32 to vector<16xi32>
      %add3A_943 = arith.addi %mul3A_940, %add3A_942 : vector<16xi32>
      %gather3A_944 = tpu.vector_load_idx %arg10[%add3A_943] : memref<256xf32, #tpu.memory_space<vmem>>[vector<16xi32>], vector<16xf32>,
      %add3A_945 = arith.addf %add3A_937, %gather3A_944 : vector<16xf32>
      %mul3A_946 = arith.constant 16 : i32
      %mul3A_947 = vector.broadcast %mul3A_946 : i32 to vector<16xi32>
      %mul3A_948 = arith.muli %iota3A, %mul3A_947 : vector<16xi32>
      %add3A_949 = arith.constant 6 : i32
      %add3A_950 = vector.broadcast %add3A_949 : i32 to vector<16xi32>
      %add3A_951 = arith.addi %mul3A_948, %add3A_950 : vector<16xi32>
      %gather3A_952 = tpu.vector_load_idx %arg10[%add3A_951] : memref<256xf32, #tpu.memory_space<vmem>>[vector<16xi32>], vector<16xf32>,
      %add3A_953 = arith.addf %add3A_945, %gather3A_952 : vector<16xf32>
      %mul3A_954 = arith.constant 16 : i32
      %mul3A_955 = vector.broadcast %mul3A_954 : i32 to vector<16xi32>
      %mul3A_956 = arith.muli %iota3A, %mul3A_955 : vector<16xi32>
      %add3A_957 = arith.constant 7 : i32
      %add3A_958 = vector.broadcast %add3A_957 : i32 to vector<16xi32>
      %add3A_959 = arith.addi %mul3A_956, %add3A_958 : vector<16xi32>
      %gather3A_960 = tpu.vector_load_idx %arg10[%add3A_959] : memref<256xf32, #tpu.memory_space<vmem>>[vector<16xi32>], vector<16xf32>,
      %add3A_961 = arith.addf %add3A_953, %gather3A_960 : vector<16xf32>
      %mul3A_962 = arith.constant 16 : i32
      %mul3A_963 = vector.broadcast %mul3A_962 : i32 to vector<16xi32>
      %mul3A_964 = arith.muli %iota3A, %mul3A_963 : vector<16xi32>
      %add3A_965 = arith.constant 8 : i32
      %add3A_966 = vector.broadcast %add3A_965 : i32 to vector<16xi32>
      %add3A_967 = arith.addi %mul3A_964, %add3A_966 : vector<16xi32>
      %gather3A_968 = tpu.vector_load_idx %arg10[%add3A_967] : memref<256xf32, #tpu.memory_space<vmem>>[vector<16xi32>], vector<16xf32>,
      %add3A_969 = arith.addf %add3A_961, %gather3A_968 : vector<16xf32>
      %mul3A_970 = arith.constant 16 : i32
      %mul3A_971 = vector.broadcast %mul3A_970 : i32 to vector<16xi32>
      %mul3A_972 = arith.muli %iota3A, %mul3A_971 : vector<16xi32>
      %add3A_973 = arith.constant 9 : i32
      %add3A_974 = vector.broadcast %add3A_973 : i32 to vector<16xi32>
      %add3A_975 = arith.addi %mul3A_972, %add3A_974 : vector<16xi32>
      %gather3A_976 = tpu.vector_load_idx %arg10[%add3A_975] : memref<256xf32, #tpu.memory_space<vmem>>[vector<16xi32>], vector<16xf32>,
      %add3A_977 = arith.addf %add3A_969, %gather3A_976 : vector<16xf32>
      %mul3A_978 = arith.constant 16 : i32
      %mul3A_979 = vector.broadcast %mul3A_978 : i32 to vector<16xi32>
      %mul3A_980 = arith.muli %iota3A, %mul3A_979 : vector<16xi32>
      %add3A_981 = arith.constant 10 : i32
      %add3A_982 = vector.broadcast %add3A_981 : i32 to vector<16xi32>
      %add3A_983 = arith.addi %mul3A_980, %add3A_982 : vector<16xi32>
      %gather3A_984 = tpu.vector_load_idx %arg10[%add3A_983] : memref<256xf32, #tpu.memory_space<vmem>>[vector<16xi32>], vector<16xf32>,
      %add3A_985 = arith.addf %add3A_977, %gather3A_984 : vector<16xf32>
      %mul3A_986 = arith.constant 16 : i32
      %mul3A_987 = vector.broadcast %mul3A_986 : i32 to vector<16xi32>
      %mul3A_988 = arith.muli %iota3A, %mul3A_987 : vector<16xi32>
      %add3A_989 = arith.constant 11 : i32
      %add3A_990 = vector.broadcast %add3A_989 : i32 to vector<16xi32>
      %add3A_991 = arith.addi %mul3A_988, %add3A_990 : vector<16xi32>
      %gather3A_992 = tpu.vector_load_idx %arg10[%add3A_991] : memref<256xf32, #tpu.memory_space<vmem>>[vector<16xi32>], vector<16xf32>,
      %add3A_993 = arith.addf %add3A_985, %gather3A_992 : vector<16xf32>
      %mul3A_994 = arith.constant 16 : i32
      %mul3A_995 = vector.broadcast %mul3A_994 : i32 to vector<16xi32>
      %mul3A_996 = arith.muli %iota3A, %mul3A_995 : vector<16xi32>
      %add3A_997 = arith.constant 12 : i32
      %add3A_998 = vector.broadcast %add3A_997 : i32 to vector<16xi32>
      %add3A_999 = arith.addi %mul3A_996, %add3A_998 : vector<16xi32>
      %gather3A_1000 = tpu.vector_load_idx %arg10[%add3A_999] : memref<256xf32, #tpu.memory_space<vmem>>[vector<16xi32>], vector<16xf32>,
      %add3A_1001 = arith.addf %add3A_993, %gather3A_1000 : vector<16xf32>
      %mul3A_1002 = arith.constant 16 : i32
      %mul3A_1003 = vector.broadcast %mul3A_1002 : i32 to vector<16xi32>
      %mul3A_1004 = arith.muli %iota3A, %mul3A_1003 : vector<16xi32>
      %add3A_1005 = arith.constant 13 : i32
      %add3A_1006 = vector.broadcast %add3A_1005 : i32 to vector<16xi32>
      %add3A_1007 = arith.addi %mul3A_1004, %add3A_1006 : vector<16xi32>
      %gather3A_1008 = tpu.vector_load_idx %arg10[%add3A_1007] : memref<256xf32, #tpu.memory_space<vmem>>[vector<16xi32>], vector<16xf32>,
      %add3A_1009 = arith.addf %add3A_1001, %gather3A_1008 : vector<16xf32>
      %mul3A_1010 = arith.constant 16 : i32
      %mul3A_1011 = vector.broadcast %mul3A_1010 : i32 to vector<16xi32>
      %mul3A_1012 = arith.muli %iota3A, %mul3A_1011 : vector<16xi32>
      %add3A_1013 = arith.constant 14 : i32
      %add3A_1014 = vector.broadcast %add3A_1013 : i32 to vector<16xi32>
      %add3A_1015 = arith.addi %mul3A_1012, %add3A_1014 : vector<16xi32>
      %gather3A_1016 = tpu.vector_load_idx %arg10[%add3A_1015] : memref<256xf32, #tpu.memory_space<vmem>>[vector<16xi32>], vector<16xf32>,
      %add3A_1017 = arith.addf %add3A_1009, %gather3A_1016 : vector<16xf32>
      %mul3A_1018 = arith.constant 16 : i32
      %mul3A_1019 = vector.broadcast %mul3A_1018 : i32 to vector<16xi32>
      %mul3A_1020 = arith.muli %iota3A, %mul3A_1019 : vector<16xi32>
      %add3A_1021 = arith.constant 15 : i32
      %add3A_1022 = vector.broadcast %add3A_1021 : i32 to vector<16xi32>
      %add3A_1023 = arith.addi %mul3A_1020, %add3A_1022 : vector<16xi32>
      %gather3A_1024 = tpu.vector_load_idx %arg10[%add3A_1023] : memref<256xf32, #tpu.memory_space<vmem>>[vector<16xi32>], vector<16xf32>,
      %add3A_1025 = arith.addf %add3A_1017, %gather3A_1024 : vector<16xf32>
      %add3A_1026 = arith.constant 16 : i32
      %add3A_1027 = vector.broadcast %add3A_1026 : i32 to vector<16xi32>
      %add3A_1028 = arith.addi %iota3A, %add3A_1027 : vector<16xi32>
      %lt3A_1029 = arith.cmpf olt, %add3A_1025, %select_n3A_887 : vector<16xf32>
      %select_n3A_1030 = arith.select %lt3A_1029, %add3A_1025, %select_n3A_887 : vector<16xi1>, vector<16xf32>
      %select_n3A_1031 = arith.select %lt3A_1029, %add3A_1028, %select_n3A_888 : vector<16xi1>, vector<16xi32>
      %scan3A_1032 = arith.constant 0 : i32
      %scan3A_1033 = arith.constant 1 : i32
      %scan3A_1034 = arith.constant 0 : i32
      %scan3A_1035 = arith.constant 16 : i32
      %scan3A_1036 = arith.addi %scan3A_1034, %scan3A_1035 : i32
      %scan3A_1037 = arith.constant 1 : i32
      scf.for %scan3A_1325 = %scan3A_1034 to %scan3A_1036 step %scan3A_1037  : i32 {
        %broadcast_in_dim3A_1326 = arith.constant 0.000000e+00 : f32
        %broadcast_in_dim3A_1327 = vector.broadcast %broadcast_in_dim3A_1326 : f32 to vector<16xf32>
        %add3A_1328 = arith.constant 32 : i32
        %add3A_1329 = arith.addi %add3A_1328, %scan3A_1325 : i32
        %get3A_1330 = arith.constant 0 : i32
        %get3A_1331 = arith.constant 0 : i32
        %get3A_1332 = tpu.memref_slice %arg9[%scan3A_1033, %get3A_1330, %get3A_1331] : memref<2x64x256xf32, #tpu.memory_space<vmem>> -> memref<1x64x256xf32, #tpu.memory_space<vmem>>
        %get3A_1333 = tpu.memref_squeeze %get3A_1332 : memref<1x64x256xf32, #tpu.memory_space<vmem>> -> memref<64x256xf32, #tpu.memory_space<vmem>>
        %get3A_1334 = arith.index_cast %add3A_1329 : i32 to index
        %get3A_1335 = arith.constant 0 : index
        %get3A_1336 = tpu.vector_load %get3A_1333[%get3A_1334, %get3A_1335] {strides = array<i32>} : memref<64x256xf32, #tpu.memory_space<vmem>>, vector<16xf32>,
        %sub3A = arith.subf %get3A_1336, %get3A_698 : vector<16xf32>
        %mul3A_1337 = arith.mulf %sub3A, %sub3A : vector<16xf32>
        %add3A_1338 = arith.addf %mul3A_1337, %broadcast_in_dim3A_1327 : vector<16xf32>
        %get3A_1339 = arith.constant 0 : i32
        %get3A_1340 = arith.constant 0 : i32
        %get3A_1341 = tpu.memref_slice %arg9[%scan3A_1033, %get3A_1339, %get3A_1340] : memref<2x64x256xf32, #tpu.memory_space<vmem>> -> memref<1x64x256xf32, #tpu.memory_space<vmem>>
        %get3A_1342 = tpu.memref_squeeze %get3A_1341 : memref<1x64x256xf32, #tpu.memory_space<vmem>> -> memref<64x256xf32, #tpu.memory_space<vmem>>
        %get3A_1343 = arith.index_cast %add3A_1329 : i32 to index
        %get3A_1344 = arith.constant 16 : index
        %get3A_1345 = tpu.vector_load %get3A_1342[%get3A_1343, %get3A_1344] {strides = array<i32>} : memref<64x256xf32, #tpu.memory_space<vmem>>, vector<16xf32>,
        %sub3A_1346 = arith.subf %get3A_1345, %get3A_701 : vector<16xf32>
        %mul3A_1347 = arith.mulf %sub3A_1346, %sub3A_1346 : vector<16xf32>
        %add3A_1348 = arith.addf %mul3A_1347, %add3A_1338 : vector<16xf32>
        %get3A_1349 = arith.constant 0 : i32
        %get3A_1350 = arith.constant 0 : i32
        %get3A_1351 = tpu.memref_slice %arg9[%scan3A_1033, %get3A_1349, %get3A_1350] : memref<2x64x256xf32, #tpu.memory_space<vmem>> -> memref<1x64x256xf32, #tpu.memory_space<vmem>>
        %get3A_1352 = tpu.memref_squeeze %get3A_1351 : memref<1x64x256xf32, #tpu.memory_space<vmem>> -> memref<64x256xf32, #tpu.memory_space<vmem>>
        %get3A_1353 = arith.index_cast %add3A_1329 : i32 to index
        %get3A_1354 = arith.constant 32 : index
        %get3A_1355 = tpu.vector_load %get3A_1352[%get3A_1353, %get3A_1354] {strides = array<i32>} : memref<64x256xf32, #tpu.memory_space<vmem>>, vector<16xf32>,
        %sub3A_1356 = arith.subf %get3A_1355, %get3A_704 : vector<16xf32>
        %mul3A_1357 = arith.mulf %sub3A_1356, %sub3A_1356 : vector<16xf32>
        %add3A_1358 = arith.addf %mul3A_1357, %add3A_1348 : vector<16xf32>
        %get3A_1359 = arith.constant 0 : i32
        %get3A_1360 = arith.constant 0 : i32
        %get3A_1361 = tpu.memref_slice %arg9[%scan3A_1033, %get3A_1359, %get3A_1360] : memref<2x64x256xf32, #tpu.memory_space<vmem>> -> memref<1x64x256xf32, #tpu.memory_space<vmem>>
        %get3A_1362 = tpu.memref_squeeze %get3A_1361 : memref<1x64x256xf32, #tpu.memory_space<vmem>> -> memref<64x256xf32, #tpu.memory_space<vmem>>
        %get3A_1363 = arith.index_cast %add3A_1329 : i32 to index
        %get3A_1364 = arith.constant 48 : index
        %get3A_1365 = tpu.vector_load %get3A_1362[%get3A_1363, %get3A_1364] {strides = array<i32>} : memref<64x256xf32, #tpu.memory_space<vmem>>, vector<16xf32>,
        %sub3A_1366 = arith.subf %get3A_1365, %get3A_707 : vector<16xf32>
        %mul3A_1367 = arith.mulf %sub3A_1366, %sub3A_1366 : vector<16xf32>
        %add3A_1368 = arith.addf %mul3A_1367, %add3A_1358 : vector<16xf32>
        %get3A_1369 = arith.constant 0 : i32
        %get3A_1370 = arith.constant 0 : i32
        %get3A_1371 = tpu.memref_slice %arg9[%scan3A_1033, %get3A_1369, %get3A_1370] : memref<2x64x256xf32, #tpu.memory_space<vmem>> -> memref<1x64x256xf32, #tpu.memory_space<vmem>>
        %get3A_1372 = tpu.memref_squeeze %get3A_1371 : memref<1x64x256xf32, #tpu.memory_space<vmem>> -> memref<64x256xf32, #tpu.memory_space<vmem>>
        %get3A_1373 = arith.index_cast %add3A_1329 : i32 to index
        %get3A_1374 = arith.constant 64 : index
        %get3A_1375 = tpu.vector_load %get3A_1372[%get3A_1373, %get3A_1374] {strides = array<i32>} : memref<64x256xf32, #tpu.memory_space<vmem>>, vector<16xf32>,
        %sub3A_1376 = arith.subf %get3A_1375, %get3A_710 : vector<16xf32>
        %mul3A_1377 = arith.mulf %sub3A_1376, %sub3A_1376 : vector<16xf32>
        %add3A_1378 = arith.addf %mul3A_1377, %add3A_1368 : vector<16xf32>
        %get3A_1379 = arith.constant 0 : i32
        %get3A_1380 = arith.constant 0 : i32
        %get3A_1381 = tpu.memref_slice %arg9[%scan3A_1033, %get3A_1379, %get3A_1380] : memref<2x64x256xf32, #tpu.memory_space<vmem>> -> memref<1x64x256xf32, #tpu.memory_space<vmem>>
        %get3A_1382 = tpu.memref_squeeze %get3A_1381 : memref<1x64x256xf32, #tpu.memory_space<vmem>> -> memref<64x256xf32, #tpu.memory_space<vmem>>
        %get3A_1383 = arith.index_cast %add3A_1329 : i32 to index
        %get3A_1384 = arith.constant 80 : index
        %get3A_1385 = tpu.vector_load %get3A_1382[%get3A_1383, %get3A_1384] {strides = array<i32>} : memref<64x256xf32, #tpu.memory_space<vmem>>, vector<16xf32>,
        %sub3A_1386 = arith.subf %get3A_1385, %get3A_713 : vector<16xf32>
        %mul3A_1387 = arith.mulf %sub3A_1386, %sub3A_1386 : vector<16xf32>
        %add3A_1388 = arith.addf %mul3A_1387, %add3A_1378 : vector<16xf32>
        %get3A_1389 = arith.constant 0 : i32
        %get3A_1390 = arith.constant 0 : i32
        %get3A_1391 = tpu.memref_slice %arg9[%scan3A_1033, %get3A_1389, %get3A_1390] : memref<2x64x256xf32, #tpu.memory_space<vmem>> -> memref<1x64x256xf32, #tpu.memory_space<vmem>>
        %get3A_1392 = tpu.memref_squeeze %get3A_1391 : memref<1x64x256xf32, #tpu.memory_space<vmem>> -> memref<64x256xf32, #tpu.memory_space<vmem>>
        %get3A_1393 = arith.index_cast %add3A_1329 : i32 to index
        %get3A_1394 = arith.constant 96 : index
        %get3A_1395 = tpu.vector_load %get3A_1392[%get3A_1393, %get3A_1394] {strides = array<i32>} : memref<64x256xf32, #tpu.memory_space<vmem>>, vector<16xf32>,
        %sub3A_1396 = arith.subf %get3A_1395, %get3A_716 : vector<16xf32>
        %mul3A_1397 = arith.mulf %sub3A_1396, %sub3A_1396 : vector<16xf32>
        %add3A_1398 = arith.addf %mul3A_1397, %add3A_1388 : vector<16xf32>
        %get3A_1399 = arith.constant 0 : i32
        %get3A_1400 = arith.constant 0 : i32
        %get3A_1401 = tpu.memref_slice %arg9[%scan3A_1033, %get3A_1399, %get3A_1400] : memref<2x64x256xf32, #tpu.memory_space<vmem>> -> memref<1x64x256xf32, #tpu.memory_space<vmem>>
        %get3A_1402 = tpu.memref_squeeze %get3A_1401 : memref<1x64x256xf32, #tpu.memory_space<vmem>> -> memref<64x256xf32, #tpu.memory_space<vmem>>
        %get3A_1403 = arith.index_cast %add3A_1329 : i32 to index
        %get3A_1404 = arith.constant 112 : index
        %get3A_1405 = tpu.vector_load %get3A_1402[%get3A_1403, %get3A_1404] {strides = array<i32>} : memref<64x256xf32, #tpu.memory_space<vmem>>, vector<16xf32>,
        %sub3A_1406 = arith.subf %get3A_1405, %get3A_719 : vector<16xf32>
        %mul3A_1407 = arith.mulf %sub3A_1406, %sub3A_1406 : vector<16xf32>
        %add3A_1408 = arith.addf %mul3A_1407, %add3A_1398 : vector<16xf32>
        %get3A_1409 = arith.constant 0 : i32
        %get3A_1410 = arith.constant 0 : i32
        %get3A_1411 = tpu.memref_slice %arg9[%scan3A_1033, %get3A_1409, %get3A_1410] : memref<2x64x256xf32, #tpu.memory_space<vmem>> -> memref<1x64x256xf32, #tpu.memory_space<vmem>>
        %get3A_1412 = tpu.memref_squeeze %get3A_1411 : memref<1x64x256xf32, #tpu.memory_space<vmem>> -> memref<64x256xf32, #tpu.memory_space<vmem>>
        %get3A_1413 = arith.index_cast %add3A_1329 : i32 to index
        %get3A_1414 = arith.constant 128 : index
        %get3A_1415 = tpu.vector_load %get3A_1412[%get3A_1413, %get3A_1414] {strides = array<i32>} : memref<64x256xf32, #tpu.memory_space<vmem>>, vector<16xf32>,
        %sub3A_1416 = arith.subf %get3A_1415, %get3A_722 : vector<16xf32>
        %mul3A_1417 = arith.mulf %sub3A_1416, %sub3A_1416 : vector<16xf32>
        %add3A_1418 = arith.addf %mul3A_1417, %add3A_1408 : vector<16xf32>
        %get3A_1419 = arith.constant 0 : i32
        %get3A_1420 = arith.constant 0 : i32
        %get3A_1421 = tpu.memref_slice %arg9[%scan3A_1033, %get3A_1419, %get3A_1420] : memref<2x64x256xf32, #tpu.memory_space<vmem>> -> memref<1x64x256xf32, #tpu.memory_space<vmem>>
        %get3A_1422 = tpu.memref_squeeze %get3A_1421 : memref<1x64x256xf32, #tpu.memory_space<vmem>> -> memref<64x256xf32, #tpu.memory_space<vmem>>
        %get3A_1423 = arith.index_cast %add3A_1329 : i32 to index
        %get3A_1424 = arith.constant 144 : index
        %get3A_1425 = tpu.vector_load %get3A_1422[%get3A_1423, %get3A_1424] {strides = array<i32>} : memref<64x256xf32, #tpu.memory_space<vmem>>, vector<16xf32>,
        %sub3A_1426 = arith.subf %get3A_1425, %get3A_725 : vector<16xf32>
        %mul3A_1427 = arith.mulf %sub3A_1426, %sub3A_1426 : vector<16xf32>
        %add3A_1428 = arith.addf %mul3A_1427, %add3A_1418 : vector<16xf32>
        %get3A_1429 = arith.constant 0 : i32
        %get3A_1430 = arith.constant 0 : i32
        %get3A_1431 = tpu.memref_slice %arg9[%scan3A_1033, %get3A_1429, %get3A_1430] : memref<2x64x256xf32, #tpu.memory_space<vmem>> -> memref<1x64x256xf32, #tpu.memory_space<vmem>>
        %get3A_1432 = tpu.memref_squeeze %get3A_1431 : memref<1x64x256xf32, #tpu.memory_space<vmem>> -> memref<64x256xf32, #tpu.memory_space<vmem>>
        %get3A_1433 = arith.index_cast %add3A_1329 : i32 to index
        %get3A_1434 = arith.constant 160 : index
        %get3A_1435 = tpu.vector_load %get3A_1432[%get3A_1433, %get3A_1434] {strides = array<i32>} : memref<64x256xf32, #tpu.memory_space<vmem>>, vector<16xf32>,
        %sub3A_1436 = arith.subf %get3A_1435, %get3A_728 : vector<16xf32>
        %mul3A_1437 = arith.mulf %sub3A_1436, %sub3A_1436 : vector<16xf32>
        %add3A_1438 = arith.addf %mul3A_1437, %add3A_1428 : vector<16xf32>
        %get3A_1439 = arith.constant 0 : i32
        %get3A_1440 = arith.constant 0 : i32
        %get3A_1441 = tpu.memref_slice %arg9[%scan3A_1033, %get3A_1439, %get3A_1440] : memref<2x64x256xf32, #tpu.memory_space<vmem>> -> memref<1x64x256xf32, #tpu.memory_space<vmem>>
        %get3A_1442 = tpu.memref_squeeze %get3A_1441 : memref<1x64x256xf32, #tpu.memory_space<vmem>> -> memref<64x256xf32, #tpu.memory_space<vmem>>
        %get3A_1443 = arith.index_cast %add3A_1329 : i32 to index
        %get3A_1444 = arith.constant 176 : index
        %get3A_1445 = tpu.vector_load %get3A_1442[%get3A_1443, %get3A_1444] {strides = array<i32>} : memref<64x256xf32, #tpu.memory_space<vmem>>, vector<16xf32>,
        %sub3A_1446 = arith.subf %get3A_1445, %get3A_731 : vector<16xf32>
        %mul3A_1447 = arith.mulf %sub3A_1446, %sub3A_1446 : vector<16xf32>
        %add3A_1448 = arith.addf %mul3A_1447, %add3A_1438 : vector<16xf32>
        %get3A_1449 = arith.constant 0 : i32
        %get3A_1450 = arith.constant 0 : i32
        %get3A_1451 = tpu.memref_slice %arg9[%scan3A_1033, %get3A_1449, %get3A_1450] : memref<2x64x256xf32, #tpu.memory_space<vmem>> -> memref<1x64x256xf32, #tpu.memory_space<vmem>>
        %get3A_1452 = tpu.memref_squeeze %get3A_1451 : memref<1x64x256xf32, #tpu.memory_space<vmem>> -> memref<64x256xf32, #tpu.memory_space<vmem>>
        %get3A_1453 = arith.index_cast %add3A_1329 : i32 to index
        %get3A_1454 = arith.constant 192 : index
        %get3A_1455 = tpu.vector_load %get3A_1452[%get3A_1453, %get3A_1454] {strides = array<i32>} : memref<64x256xf32, #tpu.memory_space<vmem>>, vector<16xf32>,
        %sub3A_1456 = arith.subf %get3A_1455, %get3A_734 : vector<16xf32>
        %mul3A_1457 = arith.mulf %sub3A_1456, %sub3A_1456 : vector<16xf32>
        %add3A_1458 = arith.addf %mul3A_1457, %add3A_1448 : vector<16xf32>
        %get3A_1459 = arith.constant 0 : i32
        %get3A_1460 = arith.constant 0 : i32
        %get3A_1461 = tpu.memref_slice %arg9[%scan3A_1033, %get3A_1459, %get3A_1460] : memref<2x64x256xf32, #tpu.memory_space<vmem>> -> memref<1x64x256xf32, #tpu.memory_space<vmem>>
        %get3A_1462 = tpu.memref_squeeze %get3A_1461 : memref<1x64x256xf32, #tpu.memory_space<vmem>> -> memref<64x256xf32, #tpu.memory_space<vmem>>
        %get3A_1463 = arith.index_cast %add3A_1329 : i32 to index
        %get3A_1464 = arith.constant 208 : index
        %get3A_1465 = tpu.vector_load %get3A_1462[%get3A_1463, %get3A_1464] {strides = array<i32>} : memref<64x256xf32, #tpu.memory_space<vmem>>, vector<16xf32>,
        %sub3A_1466 = arith.subf %get3A_1465, %get3A_737 : vector<16xf32>
        %mul3A_1467 = arith.mulf %sub3A_1466, %sub3A_1466 : vector<16xf32>
        %add3A_1468 = arith.addf %mul3A_1467, %add3A_1458 : vector<16xf32>
        %get3A_1469 = arith.constant 0 : i32
        %get3A_1470 = arith.constant 0 : i32
        %get3A_1471 = tpu.memref_slice %arg9[%scan3A_1033, %get3A_1469, %get3A_1470] : memref<2x64x256xf32, #tpu.memory_space<vmem>> -> memref<1x64x256xf32, #tpu.memory_space<vmem>>
        %get3A_1472 = tpu.memref_squeeze %get3A_1471 : memref<1x64x256xf32, #tpu.memory_space<vmem>> -> memref<64x256xf32, #tpu.memory_space<vmem>>
        %get3A_1473 = arith.index_cast %add3A_1329 : i32 to index
        %get3A_1474 = arith.constant 224 : index
        %get3A_1475 = tpu.vector_load %get3A_1472[%get3A_1473, %get3A_1474] {strides = array<i32>} : memref<64x256xf32, #tpu.memory_space<vmem>>, vector<16xf32>,
        %sub3A_1476 = arith.subf %get3A_1475, %get3A_740 : vector<16xf32>
        %mul3A_1477 = arith.mulf %sub3A_1476, %sub3A_1476 : vector<16xf32>
        %add3A_1478 = arith.addf %mul3A_1477, %add3A_1468 : vector<16xf32>
        %get3A_1479 = arith.constant 0 : i32
        %get3A_1480 = arith.constant 0 : i32
        %get3A_1481 = tpu.memref_slice %arg9[%scan3A_1033, %get3A_1479, %get3A_1480] : memref<2x64x256xf32, #tpu.memory_space<vmem>> -> memref<1x64x256xf32, #tpu.memory_space<vmem>>
        %get3A_1482 = tpu.memref_squeeze %get3A_1481 : memref<1x64x256xf32, #tpu.memory_space<vmem>> -> memref<64x256xf32, #tpu.memory_space<vmem>>
        %get3A_1483 = arith.index_cast %add3A_1329 : i32 to index
        %get3A_1484 = arith.constant 240 : index
        %get3A_1485 = tpu.vector_load %get3A_1482[%get3A_1483, %get3A_1484] {strides = array<i32>} : memref<64x256xf32, #tpu.memory_space<vmem>>, vector<16xf32>,
        %sub3A_1486 = arith.subf %get3A_1485, %get3A_743 : vector<16xf32>
        %mul3A_1487 = arith.mulf %sub3A_1486, %sub3A_1486 : vector<16xf32>
        %add3A_1488 = arith.addf %mul3A_1487, %add3A_1478 : vector<16xf32>
        %mul3A_1489 = arith.constant 16 : i32
        %mul3A_1490 = arith.muli %scan3A_1325, %mul3A_1489 : i32
        %swap3A = arith.index_cast %mul3A_1490 : i32 to index
        %swap3A_1491 = tpu.vector_load %arg10[%swap3A] {strides = array<i32>} : memref<256xf32, #tpu.memory_space<vmem>>, vector<16xf32>,
        tpu.vector_store %arg10[%swap3A], %add3A_1488 {strides = array<i32>} : memref<256xf32, #tpu.memory_space<vmem>>, vector<16xf32>,
      }
      %scan3A_1038 = arith.constant 16 : i32
      %broadcast_in_dim3A_1039 = arith.constant 0.000000e+00 : f32
      %broadcast_in_dim3A_1040 = vector.broadcast %broadcast_in_dim3A_1039 : f32 to vector<16xf32>
      %mul3A_1041 = arith.constant 16 : i32
      %mul3A_1042 = vector.broadcast %mul3A_1041 : i32 to vector<16xi32>
      %mul3A_1043 = arith.muli %iota3A, %mul3A_1042 : vector<16xi32>
      %add3A_1044 = arith.constant 0 : i32
      %add3A_1045 = vector.broadcast %add3A_1044 : i32 to vector<16xi32>
      %add3A_1046 = arith.addi %mul3A_1043, %add3A_1045 : vector<16xi32>
      %gather3A_1047 = tpu.vector_load_idx %arg10[%add3A_1046] : memref<256xf32, #tpu.memory_space<vmem>>[vector<16xi32>], vector<16xf32>,
      %add3A_1048 = arith.addf %broadcast_in_dim3A_1040, %gather3A_1047 : vector<16xf32>
      %mul3A_1049 = arith.constant 16 : i32
      %mul3A_1050 = vector.broadcast %mul3A_1049 : i32 to vector<16xi32>
      %mul3A_1051 = arith.muli %iota3A, %mul3A_1050 : vector<16xi32>
      %add3A_1052 = arith.constant 1 : i32
      %add3A_1053 = vector.broadcast %add3A_1052 : i32 to vector<16xi32>
      %add3A_1054 = arith.addi %mul3A_1051, %add3A_1053 : vector<16xi32>
      %gather3A_1055 = tpu.vector_load_idx %arg10[%add3A_1054] : memref<256xf32, #tpu.memory_space<vmem>>[vector<16xi32>], vector<16xf32>,
      %add3A_1056 = arith.addf %add3A_1048, %gather3A_1055 : vector<16xf32>
      %mul3A_1057 = arith.constant 16 : i32
      %mul3A_1058 = vector.broadcast %mul3A_1057 : i32 to vector<16xi32>
      %mul3A_1059 = arith.muli %iota3A, %mul3A_1058 : vector<16xi32>
      %add3A_1060 = arith.constant 2 : i32
      %add3A_1061 = vector.broadcast %add3A_1060 : i32 to vector<16xi32>
      %add3A_1062 = arith.addi %mul3A_1059, %add3A_1061 : vector<16xi32>
      %gather3A_1063 = tpu.vector_load_idx %arg10[%add3A_1062] : memref<256xf32, #tpu.memory_space<vmem>>[vector<16xi32>], vector<16xf32>,
      %add3A_1064 = arith.addf %add3A_1056, %gather3A_1063 : vector<16xf32>
      %mul3A_1065 = arith.constant 16 : i32
      %mul3A_1066 = vector.broadcast %mul3A_1065 : i32 to vector<16xi32>
      %mul3A_1067 = arith.muli %iota3A, %mul3A_1066 : vector<16xi32>
      %add3A_1068 = arith.constant 3 : i32
      %add3A_1069 = vector.broadcast %add3A_1068 : i32 to vector<16xi32>
      %add3A_1070 = arith.addi %mul3A_1067, %add3A_1069 : vector<16xi32>
      %gather3A_1071 = tpu.vector_load_idx %arg10[%add3A_1070] : memref<256xf32, #tpu.memory_space<vmem>>[vector<16xi32>], vector<16xf32>,
      %add3A_1072 = arith.addf %add3A_1064, %gather3A_1071 : vector<16xf32>
      %mul3A_1073 = arith.constant 16 : i32
      %mul3A_1074 = vector.broadcast %mul3A_1073 : i32 to vector<16xi32>
      %mul3A_1075 = arith.muli %iota3A, %mul3A_1074 : vector<16xi32>
      %add3A_1076 = arith.constant 4 : i32
      %add3A_1077 = vector.broadcast %add3A_1076 : i32 to vector<16xi32>
      %add3A_1078 = arith.addi %mul3A_1075, %add3A_1077 : vector<16xi32>
      %gather3A_1079 = tpu.vector_load_idx %arg10[%add3A_1078] : memref<256xf32, #tpu.memory_space<vmem>>[vector<16xi32>], vector<16xf32>,
      %add3A_1080 = arith.addf %add3A_1072, %gather3A_1079 : vector<16xf32>
      %mul3A_1081 = arith.constant 16 : i32
      %mul3A_1082 = vector.broadcast %mul3A_1081 : i32 to vector<16xi32>
      %mul3A_1083 = arith.muli %iota3A, %mul3A_1082 : vector<16xi32>
      %add3A_1084 = arith.constant 5 : i32
      %add3A_1085 = vector.broadcast %add3A_1084 : i32 to vector<16xi32>
      %add3A_1086 = arith.addi %mul3A_1083, %add3A_1085 : vector<16xi32>
      %gather3A_1087 = tpu.vector_load_idx %arg10[%add3A_1086] : memref<256xf32, #tpu.memory_space<vmem>>[vector<16xi32>], vector<16xf32>,
      %add3A_1088 = arith.addf %add3A_1080, %gather3A_1087 : vector<16xf32>
      %mul3A_1089 = arith.constant 16 : i32
      %mul3A_1090 = vector.broadcast %mul3A_1089 : i32 to vector<16xi32>
      %mul3A_1091 = arith.muli %iota3A, %mul3A_1090 : vector<16xi32>
      %add3A_1092 = arith.constant 6 : i32
      %add3A_1093 = vector.broadcast %add3A_1092 : i32 to vector<16xi32>
      %add3A_1094 = arith.addi %mul3A_1091, %add3A_1093 : vector<16xi32>
      %gather3A_1095 = tpu.vector_load_idx %arg10[%add3A_1094] : memref<256xf32, #tpu.memory_space<vmem>>[vector<16xi32>], vector<16xf32>,
      %add3A_1096 = arith.addf %add3A_1088, %gather3A_1095 : vector<16xf32>
      %mul3A_1097 = arith.constant 16 : i32
      %mul3A_1098 = vector.broadcast %mul3A_1097 : i32 to vector<16xi32>
      %mul3A_1099 = arith.muli %iota3A, %mul3A_1098 : vector<16xi32>
      %add3A_1100 = arith.constant 7 : i32
      %add3A_1101 = vector.broadcast %add3A_1100 : i32 to vector<16xi32>
      %add3A_1102 = arith.addi %mul3A_1099, %add3A_1101 : vector<16xi32>
      %gather3A_1103 = tpu.vector_load_idx %arg10[%add3A_1102] : memref<256xf32, #tpu.memory_space<vmem>>[vector<16xi32>], vector<16xf32>,
      %add3A_1104 = arith.addf %add3A_1096, %gather3A_1103 : vector<16xf32>
      %mul3A_1105 = arith.constant 16 : i32
      %mul3A_1106 = vector.broadcast %mul3A_1105 : i32 to vector<16xi32>
      %mul3A_1107 = arith.muli %iota3A, %mul3A_1106 : vector<16xi32>
      %add3A_1108 = arith.constant 8 : i32
      %add3A_1109 = vector.broadcast %add3A_1108 : i32 to vector<16xi32>
      %add3A_1110 = arith.addi %mul3A_1107, %add3A_1109 : vector<16xi32>
      %gather3A_1111 = tpu.vector_load_idx %arg10[%add3A_1110] : memref<256xf32, #tpu.memory_space<vmem>>[vector<16xi32>], vector<16xf32>,
      %add3A_1112 = arith.addf %add3A_1104, %gather3A_1111 : vector<16xf32>
      %mul3A_1113 = arith.constant 16 : i32
      %mul3A_1114 = vector.broadcast %mul3A_1113 : i32 to vector<16xi32>
      %mul3A_1115 = arith.muli %iota3A, %mul3A_1114 : vector<16xi32>
      %add3A_1116 = arith.constant 9 : i32
      %add3A_1117 = vector.broadcast %add3A_1116 : i32 to vector<16xi32>
      %add3A_1118 = arith.addi %mul3A_1115, %add3A_1117 : vector<16xi32>
      %gather3A_1119 = tpu.vector_load_idx %arg10[%add3A_1118] : memref<256xf32, #tpu.memory_space<vmem>>[vector<16xi32>], vector<16xf32>,
      %add3A_1120 = arith.addf %add3A_1112, %gather3A_1119 : vector<16xf32>
      %mul3A_1121 = arith.constant 16 : i32
      %mul3A_1122 = vector.broadcast %mul3A_1121 : i32 to vector<16xi32>
      %mul3A_1123 = arith.muli %iota3A, %mul3A_1122 : vector<16xi32>
      %add3A_1124 = arith.constant 10 : i32
      %add3A_1125 = vector.broadcast %add3A_1124 : i32 to vector<16xi32>
      %add3A_1126 = arith.addi %mul3A_1123, %add3A_1125 : vector<16xi32>
      %gather3A_1127 = tpu.vector_load_idx %arg10[%add3A_1126] : memref<256xf32, #tpu.memory_space<vmem>>[vector<16xi32>], vector<16xf32>,
      %add3A_1128 = arith.addf %add3A_1120, %gather3A_1127 : vector<16xf32>
      %mul3A_1129 = arith.constant 16 : i32
      %mul3A_1130 = vector.broadcast %mul3A_1129 : i32 to vector<16xi32>
      %mul3A_1131 = arith.muli %iota3A, %mul3A_1130 : vector<16xi32>
      %add3A_1132 = arith.constant 11 : i32
      %add3A_1133 = vector.broadcast %add3A_1132 : i32 to vector<16xi32>
      %add3A_1134 = arith.addi %mul3A_1131, %add3A_1133 : vector<16xi32>
      %gather3A_1135 = tpu.vector_load_idx %arg10[%add3A_1134] : memref<256xf32, #tpu.memory_space<vmem>>[vector<16xi32>], vector<16xf32>,
      %add3A_1136 = arith.addf %add3A_1128, %gather3A_1135 : vector<16xf32>
      %mul3A_1137 = arith.constant 16 : i32
      %mul3A_1138 = vector.broadcast %mul3A_1137 : i32 to vector<16xi32>
      %mul3A_1139 = arith.muli %iota3A, %mul3A_1138 : vector<16xi32>
      %add3A_1140 = arith.constant 12 : i32
      %add3A_1141 = vector.broadcast %add3A_1140 : i32 to vector<16xi32>
      %add3A_1142 = arith.addi %mul3A_1139, %add3A_1141 : vector<16xi32>
      %gather3A_1143 = tpu.vector_load_idx %arg10[%add3A_1142] : memref<256xf32, #tpu.memory_space<vmem>>[vector<16xi32>], vector<16xf32>,
      %add3A_1144 = arith.addf %add3A_1136, %gather3A_1143 : vector<16xf32>
      %mul3A_1145 = arith.constant 16 : i32
      %mul3A_1146 = vector.broadcast %mul3A_1145 : i32 to vector<16xi32>
      %mul3A_1147 = arith.muli %iota3A, %mul3A_1146 : vector<16xi32>
      %add3A_1148 = arith.constant 13 : i32
      %add3A_1149 = vector.broadcast %add3A_1148 : i32 to vector<16xi32>
      %add3A_1150 = arith.addi %mul3A_1147, %add3A_1149 : vector<16xi32>
      %gather3A_1151 = tpu.vector_load_idx %arg10[%add3A_1150] : memref<256xf32, #tpu.memory_space<vmem>>[vector<16xi32>], vector<16xf32>,
      %add3A_1152 = arith.addf %add3A_1144, %gather3A_1151 : vector<16xf32>
      %mul3A_1153 = arith.constant 16 : i32
      %mul3A_1154 = vector.broadcast %mul3A_1153 : i32 to vector<16xi32>
      %mul3A_1155 = arith.muli %iota3A, %mul3A_1154 : vector<16xi32>
      %add3A_1156 = arith.constant 14 : i32
      %add3A_1157 = vector.broadcast %add3A_1156 : i32 to vector<16xi32>
      %add3A_1158 = arith.addi %mul3A_1155, %add3A_1157 : vector<16xi32>
      %gather3A_1159 = tpu.vector_load_idx %arg10[%add3A_1158] : memref<256xf32, #tpu.memory_space<vmem>>[vector<16xi32>], vector<16xf32>,
      %add3A_1160 = arith.addf %add3A_1152, %gather3A_1159 : vector<16xf32>
      %mul3A_1161 = arith.constant 16 : i32
      %mul3A_1162 = vector.broadcast %mul3A_1161 : i32 to vector<16xi32>
      %mul3A_1163 = arith.muli %iota3A, %mul3A_1162 : vector<16xi32>
      %add3A_1164 = arith.constant 15 : i32
      %add3A_1165 = vector.broadcast %add3A_1164 : i32 to vector<16xi32>
      %add3A_1166 = arith.addi %mul3A_1163, %add3A_1165 : vector<16xi32>
      %gather3A_1167 = tpu.vector_load_idx %arg10[%add3A_1166] : memref<256xf32, #tpu.memory_space<vmem>>[vector<16xi32>], vector<16xf32>,
      %add3A_1168 = arith.addf %add3A_1160, %gather3A_1167 : vector<16xf32>
      %add3A_1169 = arith.constant 32 : i32
      %add3A_1170 = vector.broadcast %add3A_1169 : i32 to vector<16xi32>
      %add3A_1171 = arith.addi %iota3A, %add3A_1170 : vector<16xi32>
      %lt3A_1172 = arith.cmpf olt, %add3A_1168, %select_n3A_1030 : vector<16xf32>
      %select_n3A_1173 = arith.select %lt3A_1172, %add3A_1168, %select_n3A_1030 : vector<16xi1>, vector<16xf32>
      %select_n3A_1174 = arith.select %lt3A_1172, %add3A_1171, %select_n3A_1031 : vector<16xi1>, vector<16xi32>
      %scan3A_1175 = arith.constant 0 : i32
      %scan3A_1176 = arith.constant 1 : i32
      %scan3A_1177 = arith.constant 0 : i32
      %scan3A_1178 = arith.constant 16 : i32
      %scan3A_1179 = arith.addi %scan3A_1177, %scan3A_1178 : i32
      %scan3A_1180 = arith.constant 1 : i32
      scf.for %scan3A_1325 = %scan3A_1177 to %scan3A_1179 step %scan3A_1180  : i32 {
        %broadcast_in_dim3A_1326 = arith.constant 0.000000e+00 : f32
        %broadcast_in_dim3A_1327 = vector.broadcast %broadcast_in_dim3A_1326 : f32 to vector<16xf32>
        %add3A_1328 = arith.constant 48 : i32
        %add3A_1329 = arith.addi %add3A_1328, %scan3A_1325 : i32
        %get3A_1330 = arith.constant 0 : i32
        %get3A_1331 = arith.constant 0 : i32
        %get3A_1332 = tpu.memref_slice %arg9[%scan3A_1176, %get3A_1330, %get3A_1331] : memref<2x64x256xf32, #tpu.memory_space<vmem>> -> memref<1x64x256xf32, #tpu.memory_space<vmem>>
        %get3A_1333 = tpu.memref_squeeze %get3A_1332 : memref<1x64x256xf32, #tpu.memory_space<vmem>> -> memref<64x256xf32, #tpu.memory_space<vmem>>
        %get3A_1334 = arith.index_cast %add3A_1329 : i32 to index
        %get3A_1335 = arith.constant 0 : index
        %get3A_1336 = tpu.vector_load %get3A_1333[%get3A_1334, %get3A_1335] {strides = array<i32>} : memref<64x256xf32, #tpu.memory_space<vmem>>, vector<16xf32>,
        %sub3A = arith.subf %get3A_1336, %get3A_698 : vector<16xf32>
        %mul3A_1337 = arith.mulf %sub3A, %sub3A : vector<16xf32>
        %add3A_1338 = arith.addf %mul3A_1337, %broadcast_in_dim3A_1327 : vector<16xf32>
        %get3A_1339 = arith.constant 0 : i32
        %get3A_1340 = arith.constant 0 : i32
        %get3A_1341 = tpu.memref_slice %arg9[%scan3A_1176, %get3A_1339, %get3A_1340] : memref<2x64x256xf32, #tpu.memory_space<vmem>> -> memref<1x64x256xf32, #tpu.memory_space<vmem>>
        %get3A_1342 = tpu.memref_squeeze %get3A_1341 : memref<1x64x256xf32, #tpu.memory_space<vmem>> -> memref<64x256xf32, #tpu.memory_space<vmem>>
        %get3A_1343 = arith.index_cast %add3A_1329 : i32 to index
        %get3A_1344 = arith.constant 16 : index
        %get3A_1345 = tpu.vector_load %get3A_1342[%get3A_1343, %get3A_1344] {strides = array<i32>} : memref<64x256xf32, #tpu.memory_space<vmem>>, vector<16xf32>,
        %sub3A_1346 = arith.subf %get3A_1345, %get3A_701 : vector<16xf32>
        %mul3A_1347 = arith.mulf %sub3A_1346, %sub3A_1346 : vector<16xf32>
        %add3A_1348 = arith.addf %mul3A_1347, %add3A_1338 : vector<16xf32>
        %get3A_1349 = arith.constant 0 : i32
        %get3A_1350 = arith.constant 0 : i32
        %get3A_1351 = tpu.memref_slice %arg9[%scan3A_1176, %get3A_1349, %get3A_1350] : memref<2x64x256xf32, #tpu.memory_space<vmem>> -> memref<1x64x256xf32, #tpu.memory_space<vmem>>
        %get3A_1352 = tpu.memref_squeeze %get3A_1351 : memref<1x64x256xf32, #tpu.memory_space<vmem>> -> memref<64x256xf32, #tpu.memory_space<vmem>>
        %get3A_1353 = arith.index_cast %add3A_1329 : i32 to index
        %get3A_1354 = arith.constant 32 : index
        %get3A_1355 = tpu.vector_load %get3A_1352[%get3A_1353, %get3A_1354] {strides = array<i32>} : memref<64x256xf32, #tpu.memory_space<vmem>>, vector<16xf32>,
        %sub3A_1356 = arith.subf %get3A_1355, %get3A_704 : vector<16xf32>
        %mul3A_1357 = arith.mulf %sub3A_1356, %sub3A_1356 : vector<16xf32>
        %add3A_1358 = arith.addf %mul3A_1357, %add3A_1348 : vector<16xf32>
        %get3A_1359 = arith.constant 0 : i32
        %get3A_1360 = arith.constant 0 : i32
        %get3A_1361 = tpu.memref_slice %arg9[%scan3A_1176, %get3A_1359, %get3A_1360] : memref<2x64x256xf32, #tpu.memory_space<vmem>> -> memref<1x64x256xf32, #tpu.memory_space<vmem>>
        %get3A_1362 = tpu.memref_squeeze %get3A_1361 : memref<1x64x256xf32, #tpu.memory_space<vmem>> -> memref<64x256xf32, #tpu.memory_space<vmem>>
        %get3A_1363 = arith.index_cast %add3A_1329 : i32 to index
        %get3A_1364 = arith.constant 48 : index
        %get3A_1365 = tpu.vector_load %get3A_1362[%get3A_1363, %get3A_1364] {strides = array<i32>} : memref<64x256xf32, #tpu.memory_space<vmem>>, vector<16xf32>,
        %sub3A_1366 = arith.subf %get3A_1365, %get3A_707 : vector<16xf32>
        %mul3A_1367 = arith.mulf %sub3A_1366, %sub3A_1366 : vector<16xf32>
        %add3A_1368 = arith.addf %mul3A_1367, %add3A_1358 : vector<16xf32>
        %get3A_1369 = arith.constant 0 : i32
        %get3A_1370 = arith.constant 0 : i32
        %get3A_1371 = tpu.memref_slice %arg9[%scan3A_1176, %get3A_1369, %get3A_1370] : memref<2x64x256xf32, #tpu.memory_space<vmem>> -> memref<1x64x256xf32, #tpu.memory_space<vmem>>
        %get3A_1372 = tpu.memref_squeeze %get3A_1371 : memref<1x64x256xf32, #tpu.memory_space<vmem>> -> memref<64x256xf32, #tpu.memory_space<vmem>>
        %get3A_1373 = arith.index_cast %add3A_1329 : i32 to index
        %get3A_1374 = arith.constant 64 : index
        %get3A_1375 = tpu.vector_load %get3A_1372[%get3A_1373, %get3A_1374] {strides = array<i32>} : memref<64x256xf32, #tpu.memory_space<vmem>>, vector<16xf32>,
        %sub3A_1376 = arith.subf %get3A_1375, %get3A_710 : vector<16xf32>
        %mul3A_1377 = arith.mulf %sub3A_1376, %sub3A_1376 : vector<16xf32>
        %add3A_1378 = arith.addf %mul3A_1377, %add3A_1368 : vector<16xf32>
        %get3A_1379 = arith.constant 0 : i32
        %get3A_1380 = arith.constant 0 : i32
        %get3A_1381 = tpu.memref_slice %arg9[%scan3A_1176, %get3A_1379, %get3A_1380] : memref<2x64x256xf32, #tpu.memory_space<vmem>> -> memref<1x64x256xf32, #tpu.memory_space<vmem>>
        %get3A_1382 = tpu.memref_squeeze %get3A_1381 : memref<1x64x256xf32, #tpu.memory_space<vmem>> -> memref<64x256xf32, #tpu.memory_space<vmem>>
        %get3A_1383 = arith.index_cast %add3A_1329 : i32 to index
        %get3A_1384 = arith.constant 80 : index
        %get3A_1385 = tpu.vector_load %get3A_1382[%get3A_1383, %get3A_1384] {strides = array<i32>} : memref<64x256xf32, #tpu.memory_space<vmem>>, vector<16xf32>,
        %sub3A_1386 = arith.subf %get3A_1385, %get3A_713 : vector<16xf32>
        %mul3A_1387 = arith.mulf %sub3A_1386, %sub3A_1386 : vector<16xf32>
        %add3A_1388 = arith.addf %mul3A_1387, %add3A_1378 : vector<16xf32>
        %get3A_1389 = arith.constant 0 : i32
        %get3A_1390 = arith.constant 0 : i32
        %get3A_1391 = tpu.memref_slice %arg9[%scan3A_1176, %get3A_1389, %get3A_1390] : memref<2x64x256xf32, #tpu.memory_space<vmem>> -> memref<1x64x256xf32, #tpu.memory_space<vmem>>
        %get3A_1392 = tpu.memref_squeeze %get3A_1391 : memref<1x64x256xf32, #tpu.memory_space<vmem>> -> memref<64x256xf32, #tpu.memory_space<vmem>>
        %get3A_1393 = arith.index_cast %add3A_1329 : i32 to index
        %get3A_1394 = arith.constant 96 : index
        %get3A_1395 = tpu.vector_load %get3A_1392[%get3A_1393, %get3A_1394] {strides = array<i32>} : memref<64x256xf32, #tpu.memory_space<vmem>>, vector<16xf32>,
        %sub3A_1396 = arith.subf %get3A_1395, %get3A_716 : vector<16xf32>
        %mul3A_1397 = arith.mulf %sub3A_1396, %sub3A_1396 : vector<16xf32>
        %add3A_1398 = arith.addf %mul3A_1397, %add3A_1388 : vector<16xf32>
        %get3A_1399 = arith.constant 0 : i32
        %get3A_1400 = arith.constant 0 : i32
        %get3A_1401 = tpu.memref_slice %arg9[%scan3A_1176, %get3A_1399, %get3A_1400] : memref<2x64x256xf32, #tpu.memory_space<vmem>> -> memref<1x64x256xf32, #tpu.memory_space<vmem>>
        %get3A_1402 = tpu.memref_squeeze %get3A_1401 : memref<1x64x256xf32, #tpu.memory_space<vmem>> -> memref<64x256xf32, #tpu.memory_space<vmem>>
        %get3A_1403 = arith.index_cast %add3A_1329 : i32 to index
        %get3A_1404 = arith.constant 112 : index
        %get3A_1405 = tpu.vector_load %get3A_1402[%get3A_1403, %get3A_1404] {strides = array<i32>} : memref<64x256xf32, #tpu.memory_space<vmem>>, vector<16xf32>,
        %sub3A_1406 = arith.subf %get3A_1405, %get3A_719 : vector<16xf32>
        %mul3A_1407 = arith.mulf %sub3A_1406, %sub3A_1406 : vector<16xf32>
        %add3A_1408 = arith.addf %mul3A_1407, %add3A_1398 : vector<16xf32>
        %get3A_1409 = arith.constant 0 : i32
        %get3A_1410 = arith.constant 0 : i32
        %get3A_1411 = tpu.memref_slice %arg9[%scan3A_1176, %get3A_1409, %get3A_1410] : memref<2x64x256xf32, #tpu.memory_space<vmem>> -> memref<1x64x256xf32, #tpu.memory_space<vmem>>
        %get3A_1412 = tpu.memref_squeeze %get3A_1411 : memref<1x64x256xf32, #tpu.memory_space<vmem>> -> memref<64x256xf32, #tpu.memory_space<vmem>>
        %get3A_1413 = arith.index_cast %add3A_1329 : i32 to index
        %get3A_1414 = arith.constant 128 : index
        %get3A_1415 = tpu.vector_load %get3A_1412[%get3A_1413, %get3A_1414] {strides = array<i32>} : memref<64x256xf32, #tpu.memory_space<vmem>>, vector<16xf32>,
        %sub3A_1416 = arith.subf %get3A_1415, %get3A_722 : vector<16xf32>
        %mul3A_1417 = arith.mulf %sub3A_1416, %sub3A_1416 : vector<16xf32>
        %add3A_1418 = arith.addf %mul3A_1417, %add3A_1408 : vector<16xf32>
        %get3A_1419 = arith.constant 0 : i32
        %get3A_1420 = arith.constant 0 : i32
        %get3A_1421 = tpu.memref_slice %arg9[%scan3A_1176, %get3A_1419, %get3A_1420] : memref<2x64x256xf32, #tpu.memory_space<vmem>> -> memref<1x64x256xf32, #tpu.memory_space<vmem>>
        %get3A_1422 = tpu.memref_squeeze %get3A_1421 : memref<1x64x256xf32, #tpu.memory_space<vmem>> -> memref<64x256xf32, #tpu.memory_space<vmem>>
        %get3A_1423 = arith.index_cast %add3A_1329 : i32 to index
        %get3A_1424 = arith.constant 144 : index
        %get3A_1425 = tpu.vector_load %get3A_1422[%get3A_1423, %get3A_1424] {strides = array<i32>} : memref<64x256xf32, #tpu.memory_space<vmem>>, vector<16xf32>,
        %sub3A_1426 = arith.subf %get3A_1425, %get3A_725 : vector<16xf32>
        %mul3A_1427 = arith.mulf %sub3A_1426, %sub3A_1426 : vector<16xf32>
        %add3A_1428 = arith.addf %mul3A_1427, %add3A_1418 : vector<16xf32>
        %get3A_1429 = arith.constant 0 : i32
        %get3A_1430 = arith.constant 0 : i32
        %get3A_1431 = tpu.memref_slice %arg9[%scan3A_1176, %get3A_1429, %get3A_1430] : memref<2x64x256xf32, #tpu.memory_space<vmem>> -> memref<1x64x256xf32, #tpu.memory_space<vmem>>
        %get3A_1432 = tpu.memref_squeeze %get3A_1431 : memref<1x64x256xf32, #tpu.memory_space<vmem>> -> memref<64x256xf32, #tpu.memory_space<vmem>>
        %get3A_1433 = arith.index_cast %add3A_1329 : i32 to index
        %get3A_1434 = arith.constant 160 : index
        %get3A_1435 = tpu.vector_load %get3A_1432[%get3A_1433, %get3A_1434] {strides = array<i32>} : memref<64x256xf32, #tpu.memory_space<vmem>>, vector<16xf32>,
        %sub3A_1436 = arith.subf %get3A_1435, %get3A_728 : vector<16xf32>
        %mul3A_1437 = arith.mulf %sub3A_1436, %sub3A_1436 : vector<16xf32>
        %add3A_1438 = arith.addf %mul3A_1437, %add3A_1428 : vector<16xf32>
        %get3A_1439 = arith.constant 0 : i32
        %get3A_1440 = arith.constant 0 : i32
        %get3A_1441 = tpu.memref_slice %arg9[%scan3A_1176, %get3A_1439, %get3A_1440] : memref<2x64x256xf32, #tpu.memory_space<vmem>> -> memref<1x64x256xf32, #tpu.memory_space<vmem>>
        %get3A_1442 = tpu.memref_squeeze %get3A_1441 : memref<1x64x256xf32, #tpu.memory_space<vmem>> -> memref<64x256xf32, #tpu.memory_space<vmem>>
        %get3A_1443 = arith.index_cast %add3A_1329 : i32 to index
        %get3A_1444 = arith.constant 176 : index
        %get3A_1445 = tpu.vector_load %get3A_1442[%get3A_1443, %get3A_1444] {strides = array<i32>} : memref<64x256xf32, #tpu.memory_space<vmem>>, vector<16xf32>,
        %sub3A_1446 = arith.subf %get3A_1445, %get3A_731 : vector<16xf32>
        %mul3A_1447 = arith.mulf %sub3A_1446, %sub3A_1446 : vector<16xf32>
        %add3A_1448 = arith.addf %mul3A_1447, %add3A_1438 : vector<16xf32>
        %get3A_1449 = arith.constant 0 : i32
        %get3A_1450 = arith.constant 0 : i32
        %get3A_1451 = tpu.memref_slice %arg9[%scan3A_1176, %get3A_1449, %get3A_1450] : memref<2x64x256xf32, #tpu.memory_space<vmem>> -> memref<1x64x256xf32, #tpu.memory_space<vmem>>
        %get3A_1452 = tpu.memref_squeeze %get3A_1451 : memref<1x64x256xf32, #tpu.memory_space<vmem>> -> memref<64x256xf32, #tpu.memory_space<vmem>>
        %get3A_1453 = arith.index_cast %add3A_1329 : i32 to index
        %get3A_1454 = arith.constant 192 : index
        %get3A_1455 = tpu.vector_load %get3A_1452[%get3A_1453, %get3A_1454] {strides = array<i32>} : memref<64x256xf32, #tpu.memory_space<vmem>>, vector<16xf32>,
        %sub3A_1456 = arith.subf %get3A_1455, %get3A_734 : vector<16xf32>
        %mul3A_1457 = arith.mulf %sub3A_1456, %sub3A_1456 : vector<16xf32>
        %add3A_1458 = arith.addf %mul3A_1457, %add3A_1448 : vector<16xf32>
        %get3A_1459 = arith.constant 0 : i32
        %get3A_1460 = arith.constant 0 : i32
        %get3A_1461 = tpu.memref_slice %arg9[%scan3A_1176, %get3A_1459, %get3A_1460] : memref<2x64x256xf32, #tpu.memory_space<vmem>> -> memref<1x64x256xf32, #tpu.memory_space<vmem>>
        %get3A_1462 = tpu.memref_squeeze %get3A_1461 : memref<1x64x256xf32, #tpu.memory_space<vmem>> -> memref<64x256xf32, #tpu.memory_space<vmem>>
        %get3A_1463 = arith.index_cast %add3A_1329 : i32 to index
        %get3A_1464 = arith.constant 208 : index
        %get3A_1465 = tpu.vector_load %get3A_1462[%get3A_1463, %get3A_1464] {strides = array<i32>} : memref<64x256xf32, #tpu.memory_space<vmem>>, vector<16xf32>,
        %sub3A_1466 = arith.subf %get3A_1465, %get3A_737 : vector<16xf32>
        %mul3A_1467 = arith.mulf %sub3A_1466, %sub3A_1466 : vector<16xf32>
        %add3A_1468 = arith.addf %mul3A_1467, %add3A_1458 : vector<16xf32>
        %get3A_1469 = arith.constant 0 : i32
        %get3A_1470 = arith.constant 0 : i32
        %get3A_1471 = tpu.memref_slice %arg9[%scan3A_1176, %get3A_1469, %get3A_1470] : memref<2x64x256xf32, #tpu.memory_space<vmem>> -> memref<1x64x256xf32, #tpu.memory_space<vmem>>
        %get3A_1472 = tpu.memref_squeeze %get3A_1471 : memref<1x64x256xf32, #tpu.memory_space<vmem>> -> memref<64x256xf32, #tpu.memory_space<vmem>>
        %get3A_1473 = arith.index_cast %add3A_1329 : i32 to index
        %get3A_1474 = arith.constant 224 : index
        %get3A_1475 = tpu.vector_load %get3A_1472[%get3A_1473, %get3A_1474] {strides = array<i32>} : memref<64x256xf32, #tpu.memory_space<vmem>>, vector<16xf32>,
        %sub3A_1476 = arith.subf %get3A_1475, %get3A_740 : vector<16xf32>
        %mul3A_1477 = arith.mulf %sub3A_1476, %sub3A_1476 : vector<16xf32>
        %add3A_1478 = arith.addf %mul3A_1477, %add3A_1468 : vector<16xf32>
        %get3A_1479 = arith.constant 0 : i32
        %get3A_1480 = arith.constant 0 : i32
        %get3A_1481 = tpu.memref_slice %arg9[%scan3A_1176, %get3A_1479, %get3A_1480] : memref<2x64x256xf32, #tpu.memory_space<vmem>> -> memref<1x64x256xf32, #tpu.memory_space<vmem>>
        %get3A_1482 = tpu.memref_squeeze %get3A_1481 : memref<1x64x256xf32, #tpu.memory_space<vmem>> -> memref<64x256xf32, #tpu.memory_space<vmem>>
        %get3A_1483 = arith.index_cast %add3A_1329 : i32 to index
        %get3A_1484 = arith.constant 240 : index
        %get3A_1485 = tpu.vector_load %get3A_1482[%get3A_1483, %get3A_1484] {strides = array<i32>} : memref<64x256xf32, #tpu.memory_space<vmem>>, vector<16xf32>,
        %sub3A_1486 = arith.subf %get3A_1485, %get3A_743 : vector<16xf32>
        %mul3A_1487 = arith.mulf %sub3A_1486, %sub3A_1486 : vector<16xf32>
        %add3A_1488 = arith.addf %mul3A_1487, %add3A_1478 : vector<16xf32>
        %mul3A_1489 = arith.constant 16 : i32
        %mul3A_1490 = arith.muli %scan3A_1325, %mul3A_1489 : i32
        %swap3A = arith.index_cast %mul3A_1490 : i32 to index
        %swap3A_1491 = tpu.vector_load %arg10[%swap3A] {strides = array<i32>} : memref<256xf32, #tpu.memory_space<vmem>>, vector<16xf32>,
        tpu.vector_store %arg10[%swap3A], %add3A_1488 {strides = array<i32>} : memref<256xf32, #tpu.memory_space<vmem>>, vector<16xf32>,
      }
      %scan3A_1181 = arith.constant 16 : i32
      %broadcast_in_dim3A_1182 = arith.constant 0.000000e+00 : f32
      %broadcast_in_dim3A_1183 = vector.broadcast %broadcast_in_dim3A_1182 : f32 to vector<16xf32>
      %mul3A_1184 = arith.constant 16 : i32
      %mul3A_1185 = vector.broadcast %mul3A_1184 : i32 to vector<16xi32>
      %mul3A_1186 = arith.muli %iota3A, %mul3A_1185 : vector<16xi32>
      %add3A_1187 = arith.constant 0 : i32
      %add3A_1188 = vector.broadcast %add3A_1187 : i32 to vector<16xi32>
      %add3A_1189 = arith.addi %mul3A_1186, %add3A_1188 : vector<16xi32>
      %gather3A_1190 = tpu.vector_load_idx %arg10[%add3A_1189] : memref<256xf32, #tpu.memory_space<vmem>>[vector<16xi32>], vector<16xf32>,
      %add3A_1191 = arith.addf %broadcast_in_dim3A_1183, %gather3A_1190 : vector<16xf32>
      %mul3A_1192 = arith.constant 16 : i32
      %mul3A_1193 = vector.broadcast %mul3A_1192 : i32 to vector<16xi32>
      %mul3A_1194 = arith.muli %iota3A, %mul3A_1193 : vector<16xi32>
      %add3A_1195 = arith.constant 1 : i32
      %add3A_1196 = vector.broadcast %add3A_1195 : i32 to vector<16xi32>
      %add3A_1197 = arith.addi %mul3A_1194, %add3A_1196 : vector<16xi32>
      %gather3A_1198 = tpu.vector_load_idx %arg10[%add3A_1197] : memref<256xf32, #tpu.memory_space<vmem>>[vector<16xi32>], vector<16xf32>,
      %add3A_1199 = arith.addf %add3A_1191, %gather3A_1198 : vector<16xf32>
      %mul3A_1200 = arith.constant 16 : i32
      %mul3A_1201 = vector.broadcast %mul3A_1200 : i32 to vector<16xi32>
      %mul3A_1202 = arith.muli %iota3A, %mul3A_1201 : vector<16xi32>
      %add3A_1203 = arith.constant 2 : i32
      %add3A_1204 = vector.broadcast %add3A_1203 : i32 to vector<16xi32>
      %add3A_1205 = arith.addi %mul3A_1202, %add3A_1204 : vector<16xi32>
      %gather3A_1206 = tpu.vector_load_idx %arg10[%add3A_1205] : memref<256xf32, #tpu.memory_space<vmem>>[vector<16xi32>], vector<16xf32>,
      %add3A_1207 = arith.addf %add3A_1199, %gather3A_1206 : vector<16xf32>
      %mul3A_1208 = arith.constant 16 : i32
      %mul3A_1209 = vector.broadcast %mul3A_1208 : i32 to vector<16xi32>
      %mul3A_1210 = arith.muli %iota3A, %mul3A_1209 : vector<16xi32>
      %add3A_1211 = arith.constant 3 : i32
      %add3A_1212 = vector.broadcast %add3A_1211 : i32 to vector<16xi32>
      %add3A_1213 = arith.addi %mul3A_1210, %add3A_1212 : vector<16xi32>
      %gather3A_1214 = tpu.vector_load_idx %arg10[%add3A_1213] : memref<256xf32, #tpu.memory_space<vmem>>[vector<16xi32>], vector<16xf32>,
      %add3A_1215 = arith.addf %add3A_1207, %gather3A_1214 : vector<16xf32>
      %mul3A_1216 = arith.constant 16 : i32
      %mul3A_1217 = vector.broadcast %mul3A_1216 : i32 to vector<16xi32>
      %mul3A_1218 = arith.muli %iota3A, %mul3A_1217 : vector<16xi32>
      %add3A_1219 = arith.constant 4 : i32
      %add3A_1220 = vector.broadcast %add3A_1219 : i32 to vector<16xi32>
      %add3A_1221 = arith.addi %mul3A_1218, %add3A_1220 : vector<16xi32>
      %gather3A_1222 = tpu.vector_load_idx %arg10[%add3A_1221] : memref<256xf32, #tpu.memory_space<vmem>>[vector<16xi32>], vector<16xf32>,
      %add3A_1223 = arith.addf %add3A_1215, %gather3A_1222 : vector<16xf32>
      %mul3A_1224 = arith.constant 16 : i32
      %mul3A_1225 = vector.broadcast %mul3A_1224 : i32 to vector<16xi32>
      %mul3A_1226 = arith.muli %iota3A, %mul3A_1225 : vector<16xi32>
      %add3A_1227 = arith.constant 5 : i32
      %add3A_1228 = vector.broadcast %add3A_1227 : i32 to vector<16xi32>
      %add3A_1229 = arith.addi %mul3A_1226, %add3A_1228 : vector<16xi32>
      %gather3A_1230 = tpu.vector_load_idx %arg10[%add3A_1229] : memref<256xf32, #tpu.memory_space<vmem>>[vector<16xi32>], vector<16xf32>,
      %add3A_1231 = arith.addf %add3A_1223, %gather3A_1230 : vector<16xf32>
      %mul3A_1232 = arith.constant 16 : i32
      %mul3A_1233 = vector.broadcast %mul3A_1232 : i32 to vector<16xi32>
      %mul3A_1234 = arith.muli %iota3A, %mul3A_1233 : vector<16xi32>
      %add3A_1235 = arith.constant 6 : i32
      %add3A_1236 = vector.broadcast %add3A_1235 : i32 to vector<16xi32>
      %add3A_1237 = arith.addi %mul3A_1234, %add3A_1236 : vector<16xi32>
      %gather3A_1238 = tpu.vector_load_idx %arg10[%add3A_1237] : memref<256xf32, #tpu.memory_space<vmem>>[vector<16xi32>], vector<16xf32>,
      %add3A_1239 = arith.addf %add3A_1231, %gather3A_1238 : vector<16xf32>
      %mul3A_1240 = arith.constant 16 : i32
      %mul3A_1241 = vector.broadcast %mul3A_1240 : i32 to vector<16xi32>
      %mul3A_1242 = arith.muli %iota3A, %mul3A_1241 : vector<16xi32>
      %add3A_1243 = arith.constant 7 : i32
      %add3A_1244 = vector.broadcast %add3A_1243 : i32 to vector<16xi32>
      %add3A_1245 = arith.addi %mul3A_1242, %add3A_1244 : vector<16xi32>
      %gather3A_1246 = tpu.vector_load_idx %arg10[%add3A_1245] : memref<256xf32, #tpu.memory_space<vmem>>[vector<16xi32>], vector<16xf32>,
      %add3A_1247 = arith.addf %add3A_1239, %gather3A_1246 : vector<16xf32>
      %mul3A_1248 = arith.constant 16 : i32
      %mul3A_1249 = vector.broadcast %mul3A_1248 : i32 to vector<16xi32>
      %mul3A_1250 = arith.muli %iota3A, %mul3A_1249 : vector<16xi32>
      %add3A_1251 = arith.constant 8 : i32
      %add3A_1252 = vector.broadcast %add3A_1251 : i32 to vector<16xi32>
      %add3A_1253 = arith.addi %mul3A_1250, %add3A_1252 : vector<16xi32>
      %gather3A_1254 = tpu.vector_load_idx %arg10[%add3A_1253] : memref<256xf32, #tpu.memory_space<vmem>>[vector<16xi32>], vector<16xf32>,
      %add3A_1255 = arith.addf %add3A_1247, %gather3A_1254 : vector<16xf32>
      %mul3A_1256 = arith.constant 16 : i32
      %mul3A_1257 = vector.broadcast %mul3A_1256 : i32 to vector<16xi32>
      %mul3A_1258 = arith.muli %iota3A, %mul3A_1257 : vector<16xi32>
      %add3A_1259 = arith.constant 9 : i32
      %add3A_1260 = vector.broadcast %add3A_1259 : i32 to vector<16xi32>
      %add3A_1261 = arith.addi %mul3A_1258, %add3A_1260 : vector<16xi32>
      %gather3A_1262 = tpu.vector_load_idx %arg10[%add3A_1261] : memref<256xf32, #tpu.memory_space<vmem>>[vector<16xi32>], vector<16xf32>,
      %add3A_1263 = arith.addf %add3A_1255, %gather3A_1262 : vector<16xf32>
      %mul3A_1264 = arith.constant 16 : i32
      %mul3A_1265 = vector.broadcast %mul3A_1264 : i32 to vector<16xi32>
      %mul3A_1266 = arith.muli %iota3A, %mul3A_1265 : vector<16xi32>
      %add3A_1267 = arith.constant 10 : i32
      %add3A_1268 = vector.broadcast %add3A_1267 : i32 to vector<16xi32>
      %add3A_1269 = arith.addi %mul3A_1266, %add3A_1268 : vector<16xi32>
      %gather3A_1270 = tpu.vector_load_idx %arg10[%add3A_1269] : memref<256xf32, #tpu.memory_space<vmem>>[vector<16xi32>], vector<16xf32>,
      %add3A_1271 = arith.addf %add3A_1263, %gather3A_1270 : vector<16xf32>
      %mul3A_1272 = arith.constant 16 : i32
      %mul3A_1273 = vector.broadcast %mul3A_1272 : i32 to vector<16xi32>
      %mul3A_1274 = arith.muli %iota3A, %mul3A_1273 : vector<16xi32>
      %add3A_1275 = arith.constant 11 : i32
      %add3A_1276 = vector.broadcast %add3A_1275 : i32 to vector<16xi32>
      %add3A_1277 = arith.addi %mul3A_1274, %add3A_1276 : vector<16xi32>
      %gather3A_1278 = tpu.vector_load_idx %arg10[%add3A_1277] : memref<256xf32, #tpu.memory_space<vmem>>[vector<16xi32>], vector<16xf32>,
      %add3A_1279 = arith.addf %add3A_1271, %gather3A_1278 : vector<16xf32>
      %mul3A_1280 = arith.constant 16 : i32
      %mul3A_1281 = vector.broadcast %mul3A_1280 : i32 to vector<16xi32>
      %mul3A_1282 = arith.muli %iota3A, %mul3A_1281 : vector<16xi32>
      %add3A_1283 = arith.constant 12 : i32
      %add3A_1284 = vector.broadcast %add3A_1283 : i32 to vector<16xi32>
      %add3A_1285 = arith.addi %mul3A_1282, %add3A_1284 : vector<16xi32>
      %gather3A_1286 = tpu.vector_load_idx %arg10[%add3A_1285] : memref<256xf32, #tpu.memory_space<vmem>>[vector<16xi32>], vector<16xf32>,
      %add3A_1287 = arith.addf %add3A_1279, %gather3A_1286 : vector<16xf32>
      %mul3A_1288 = arith.constant 16 : i32
      %mul3A_1289 = vector.broadcast %mul3A_1288 : i32 to vector<16xi32>
      %mul3A_1290 = arith.muli %iota3A, %mul3A_1289 : vector<16xi32>
      %add3A_1291 = arith.constant 13 : i32
      %add3A_1292 = vector.broadcast %add3A_1291 : i32 to vector<16xi32>
      %add3A_1293 = arith.addi %mul3A_1290, %add3A_1292 : vector<16xi32>
      %gather3A_1294 = tpu.vector_load_idx %arg10[%add3A_1293] : memref<256xf32, #tpu.memory_space<vmem>>[vector<16xi32>], vector<16xf32>,
      %add3A_1295 = arith.addf %add3A_1287, %gather3A_1294 : vector<16xf32>
      %mul3A_1296 = arith.constant 16 : i32
      %mul3A_1297 = vector.broadcast %mul3A_1296 : i32 to vector<16xi32>
      %mul3A_1298 = arith.muli %iota3A, %mul3A_1297 : vector<16xi32>
      %add3A_1299 = arith.constant 14 : i32
      %add3A_1300 = vector.broadcast %add3A_1299 : i32 to vector<16xi32>
      %add3A_1301 = arith.addi %mul3A_1298, %add3A_1300 : vector<16xi32>
      %gather3A_1302 = tpu.vector_load_idx %arg10[%add3A_1301] : memref<256xf32, #tpu.memory_space<vmem>>[vector<16xi32>], vector<16xf32>,
      %add3A_1303 = arith.addf %add3A_1295, %gather3A_1302 : vector<16xf32>
      %mul3A_1304 = arith.constant 16 : i32
      %mul3A_1305 = vector.broadcast %mul3A_1304 : i32 to vector<16xi32>
      %mul3A_1306 = arith.muli %iota3A, %mul3A_1305 : vector<16xi32>
      %add3A_1307 = arith.constant 15 : i32
      %add3A_1308 = vector.broadcast %add3A_1307 : i32 to vector<16xi32>
      %add3A_1309 = arith.addi %mul3A_1306, %add3A_1308 : vector<16xi32>
      %gather3A_1310 = tpu.vector_load_idx %arg10[%add3A_1309] : memref<256xf32, #tpu.memory_space<vmem>>[vector<16xi32>], vector<16xf32>,
      %add3A_1311 = arith.addf %add3A_1303, %gather3A_1310 : vector<16xf32>
      %add3A_1312 = arith.constant 48 : i32
      %add3A_1313 = vector.broadcast %add3A_1312 : i32 to vector<16xi32>
      %add3A_1314 = arith.addi %iota3A, %add3A_1313 : vector<16xi32>
      %lt3A_1315 = arith.cmpf olt, %add3A_1311, %select_n3A_1173 : vector<16xf32>
      %select_n3A_1316 = arith.select %lt3A_1315, %add3A_1311, %select_n3A_1173 : vector<16xi1>, vector<16xf32>
      %select_n3A_1317 = arith.select %lt3A_1315, %add3A_1314, %select_n3A_1174 : vector<16xi1>, vector<16xi32>
      %masked_sort3A_1318 = arith.constant dense<true> : vector<16xi1>
      %masked_sort3A_1319, %masked_sort3A_1320, %masked_sort3A_1321 = tpu.sort %select_n3A_1316, %select_n3A_1317 masked %masked_sort3A_1318 : (vector<16xf32>, vector<16xi32>, vector<16xi1>) -> (vector<16xi1>, vector<16xf32>, vector<16xi32>)
      %broadcast_in_dim3A_1322 = vector.broadcast %add3A_673 : i32 to vector<16xi32>
      %gather3A_1323 = tpu.vector_load_idx %arg7[%broadcast_in_dim3A_1322, %broadcast_in_dim3A_5] : memref<64x64xi32, #tpu.memory_space<vmem>>[vector<16xi32>, vector<16xi32>], vector<16xi32>,
      %add3A_1324 = arith.addi %gather3A_1323, %masked_sort3A_1321 : vector<16xi32>
      tpu.vector_store_idx %arg11[%broadcast_in_dim3A_1322], %add3A_1324 masked %eq3A_4 : memref<64xi32, #tpu.memory_space<vmem>>[vector<16xi32>], vector<16xi32>, vector<16xi1>
      tpu.vector_store_idx %arg12[%broadcast_in_dim3A_1322], %masked_sort3A_1320 masked %eq3A_4 : memref<64xf32, #tpu.memory_space<vmem>>[vector<16xi32>], vector<16xf32>, vector<16xi1>
    }
    %scan3A_21 = arith.constant 32 : i32
    "tpu.region"() ({
      %run_scoped3A = tpu.sem_alloc : memref<!tpu.dma_semaphore, #tpu.memory_space<semaphore_mem>>
      %dma_start3A_22 = tpu.memref_slice %arg5[%mul3A_2] : memref<2048xi32, #tpu.memory_space<hbm>> -> memref<64xi32, #tpu.memory_space<hbm>>
      %dma_start3A_23 = tpu.memref_slice %arg5[%mul3A_2] : memref<2048xi32, #tpu.memory_space<hbm>> -> memref<64xi32, #tpu.memory_space<hbm>>
      tpu.enqueue_dma source(%arg11 : memref<64xi32, #tpu.memory_space<vmem>>) target(%dma_start3A_23 : memref<64xi32, #tpu.memory_space<hbm>>) target_semaphore(%run_scoped3A : memref<!tpu.dma_semaphore, #tpu.memory_space<semaphore_mem>>)
      %dma_wait3A = tpu.memref_slice %arg5[%mul3A_2] : memref<2048xi32, #tpu.memory_space<hbm>> -> memref<64xi32, #tpu.memory_space<hbm>>
      %dma_wait3A_24 = tpu.memref_slice %arg5[%mul3A_2] : memref<2048xi32, #tpu.memory_space<hbm>> -> memref<64xi32, #tpu.memory_space<hbm>>
      tpu.wait_dma2 semaphore(%run_scoped3A : memref<!tpu.dma_semaphore, #tpu.memory_space<semaphore_mem>>) src(%arg11 : memref<64xi32, #tpu.memory_space<vmem>>) dst(%dma_wait3A_24 : memref<64xi32, #tpu.memory_space<hbm>>)
      tpu.yield
    }) : () -> ()
    "tpu.region"() ({
      %run_scoped3A = tpu.sem_alloc : memref<!tpu.dma_semaphore, #tpu.memory_space<semaphore_mem>>
      %dma_start3A_22 = tpu.memref_slice %arg6[%mul3A_2] : memref<2048xf32, #tpu.memory_space<hbm>> -> memref<64xf32, #tpu.memory_space<hbm>>
      %dma_start3A_23 = tpu.memref_slice %arg6[%mul3A_2] : memref<2048xf32, #tpu.memory_space<hbm>> -> memref<64xf32, #tpu.memory_space<hbm>>
      tpu.enqueue_dma source(%arg12 : memref<64xf32, #tpu.memory_space<vmem>>) target(%dma_start3A_23 : memref<64xf32, #tpu.memory_space<hbm>>) target_semaphore(%run_scoped3A : memref<!tpu.dma_semaphore, #tpu.memory_space<semaphore_mem>>)
      %dma_wait3A = tpu.memref_slice %arg6[%mul3A_2] : memref<2048xf32, #tpu.memory_space<hbm>> -> memref<64xf32, #tpu.memory_space<hbm>>
      %dma_wait3A_24 = tpu.memref_slice %arg6[%mul3A_2] : memref<2048xf32, #tpu.memory_space<hbm>> -> memref<64xf32, #tpu.memory_space<hbm>>
      tpu.wait_dma2 semaphore(%run_scoped3A : memref<!tpu.dma_semaphore, #tpu.memory_space<semaphore_mem>>) src(%arg12 : memref<64xf32, #tpu.memory_space<vmem>>) dst(%dma_wait3A_24 : memref<64xf32, #tpu.memory_space<hbm>>)
      tpu.yield
    }) : () -> ()
    return
  }
}

module attributes {stable_mosaic.version = 14 : i64} {
  func.func @_tc01_body(%arg0: i32, %arg1: memref<512x256xf32, #tpu.memory_space<vmem>>, %arg2: memref<64x256xf32, #tpu.memory_space<vmem>>, %arg3: memref<4096x256xf32, #tpu.memory_space<vmem>>, %arg4: memref<512xi32, #tpu.memory_space<vmem>>, %arg5: memref<512xf32, #tpu.memory_space<vmem>>, %arg6: memref<512xi32, #tpu.memory_space<vmem>>, %arg7: memref<512xf32, #tpu.memory_space<vmem>>, %arg8: memref<512x64xi32, #tpu.memory_space<vmem>>) attributes {dimension_semantics = [#tpu.dimension_semantics<arbitrary>], iteration_bounds = array<i64: 8>, scalar_prefetch = 0 : i64, scratch_operands = 0 : i64, tpu.core_type = #tpu.core_type<tc>, window_params = [{transform_indices = @transform_0, window_bounds = array<i64: 512, 256>}, {pipeline_mode = #tpu.pipeline_mode<synchronous>, transform_indices = @transform_1, window_bounds = array<i64: 64, 256>}, {pipeline_mode = #tpu.pipeline_mode<synchronous>, transform_indices = @transform_2, window_bounds = array<i64: 4096, 256>}, {transform_indices = @transform_3, window_bounds = array<i64: 512>}, {transform_indices = @transform_4, window_bounds = array<i64: 512>}, {transform_indices = @transform_5, window_bounds = array<i64: 512>}, {transform_indices = @transform_6, window_bounds = array<i64: 512>}, {transform_indices = @transform_7, window_bounds = array<i64: 512, 64>}]} {
    %get3A = arith.constant 0 : index
    %get3A_0 = arith.constant 0 : index
    %get3A_1 = vector.load %arg1[%get3A, %get3A_0] : memref<512x256xf32, #tpu.memory_space<vmem>>, vector<512x256xf32>
    %mul3A = arith.constant -2.000000e+00 : f32
    %mul3A_2 = vector.broadcast %mul3A : f32 to vector<512x256xf32>
    %mul3A_3 = arith.mulf %mul3A_2, %get3A_1 : vector<512x256xf32>
    %broadcast_in_dim3A = arith.constant 1.000000e+00 : f32
    %broadcast_in_dim3A_4 = vector.broadcast %broadcast_in_dim3A : f32 to vector<512x1xf32>
    %concatenate3A = tpu.concatenate %mul3A_3, %broadcast_in_dim3A_4 in 1 : vector<512x256xf32>, vector<512x1xf32> -> vector<512x257xf32>
    %get3A_5 = arith.constant 0 : index
    %get3A_6 = arith.constant 0 : index
    %get3A_7 = vector.load %arg2[%get3A_5, %get3A_6] : memref<64x256xf32, #tpu.memory_space<vmem>>, vector<64x256xf32>
    %mul3A_8 = arith.mulf %get3A_7, %get3A_7 : vector<64x256xf32>
    %reduce_sum3A = arith.constant dense<0.000000e+00> : vector<64xf32>
    %reduce_sum3A_9 = vector.multi_reduction <add>, %mul3A_8, %reduce_sum3A [1] : vector<64x256xf32> to vector<64xf32>
    %broadcast_in_dim3A_10 = vector.shape_cast %reduce_sum3A_9 : vector<64xf32> to vector<64x1xf32>
    %concatenate3A_11 = tpu.concatenate %get3A_7, %broadcast_in_dim3A_10 in 1 : vector<64x256xf32>, vector<64x1xf32> -> vector<64x257xf32>
    %dot_general3A = arith.constant dense<0.000000e+00> : vector<512x64xf32>
    %dot_general3A_12 = tpu.matmul %concatenate3A, %concatenate3A_11, %dot_general3A {dimension_numbers = #tpu.dot_dimension_numbers<[1], [1], [0], [0], [0, 0, 1, 0], [], []>, precision = #tpu.contract_precision<fp32>, transpose_lhs_hint = false} : vector<512x257xf32>, vector<64x257xf32>, vector<512x64xf32> -> vector<512x64xf32>
    %iota3A = tpu.iota {dimensions = array<i32: 1>} : vector<512x64xi32>
    %broadcast_in_dim3A_13 = arith.constant 0x7F800000 : f32
    %broadcast_in_dim3A_14 = vector.broadcast %broadcast_in_dim3A_13 : f32 to vector<512xf32>
    %broadcast_in_dim3A_15 = arith.constant 0 : i32
    %broadcast_in_dim3A_16 = vector.broadcast %broadcast_in_dim3A_15 : i32 to vector<512xi32>
    %argmin3A = tpu.reduce_index %dot_general3A_12 {axis = 1 : i32, kind = #tpu.reduction_kind<arg_min>} : vector<512x64xf32> -> vector<512xi32>
    %broadcast_in_dim3A_17 = vector.shape_cast %argmin3A : vector<512xi32> to vector<512x1xi32>
    %eq3A = vector.broadcast %broadcast_in_dim3A_17 : vector<512x1xi32> to vector<512x64xi32>
    %eq3A_18 = arith.cmpi eq, %iota3A, %eq3A : vector<512x64xi32>
    %convert_element_type3A = arith.extui %eq3A_18 : vector<512x64xi1> to vector<512x64xi32>
    %convert_element_type3A_19 = arith.sitofp %convert_element_type3A : vector<512x64xi32> to vector<512x64xf32>
    %dot_general3A_20 = arith.constant dense<0.000000e+00> : vector<512x256xf32>
    %dot_general3A_21 = tpu.matmul %convert_element_type3A_19, %get3A_7, %dot_general3A_20 {dimension_numbers = #tpu.dot_dimension_numbers<[1], [0], [0], [1], [0, 0, 1, 1], [], []>, precision = #tpu.contract_precision<fp32>, transpose_lhs_hint = false} : vector<512x64xf32>, vector<64x256xf32>, vector<512x256xf32> -> vector<512x256xf32>
    %sub3A = arith.subf %get3A_1, %dot_general3A_21 : vector<512x256xf32>
    %integer_pow3A = arith.mulf %sub3A, %sub3A : vector<512x256xf32>
    %reduce_sum3A_22 = arith.constant dense<0.000000e+00> : vector<512xf32>
    %reduce_sum3A_23 = vector.multi_reduction <add>, %integer_pow3A, %reduce_sum3A_22 [1] : vector<512x256xf32> to vector<512xf32>
    %sqrt3A = math.sqrt %reduce_sum3A_23 : vector<512xf32>
    %lt3A = arith.cmpf olt, %sqrt3A, %broadcast_in_dim3A_14 : vector<512xf32>
    %eq3A_24 = arith.cmpf oeq, %sqrt3A, %broadcast_in_dim3A_14 : vector<512xf32>
    %lt3A_25 = arith.cmpi slt, %argmin3A, %broadcast_in_dim3A_16 : vector<512xi32>
    %and3A = arith.andi %eq3A_24, %lt3A_25 : vector<512xi1>
    %or3A = arith.ori %lt3A, %and3A : vector<512xi1>
    %select_n3A = arith.select %or3A, %sqrt3A, %broadcast_in_dim3A_14 : vector<512xi1>, vector<512xf32>
    %select_n3A_26 = arith.select %or3A, %argmin3A, %broadcast_in_dim3A_16 : vector<512xi1>, vector<512xi32>
    %jit3A = arith.constant 0x7F800000 : f32
    %broadcast_in_dim3A_27 = vector.broadcast %jit3A : f32 to vector<512x64xf32>
    %select_n3A_28 = arith.select %eq3A_18, %broadcast_in_dim3A_27, %dot_general3A_12 : vector<512x64xi1>, vector<512x64xf32>
    %argmin3A_29 = tpu.reduce_index %select_n3A_28 {axis = 1 : i32, kind = #tpu.reduction_kind<arg_min>} : vector<512x64xf32> -> vector<512xi32>
    %broadcast_in_dim3A_30 = vector.shape_cast %argmin3A_29 : vector<512xi32> to vector<512x1xi32>
    %eq3A_31 = vector.broadcast %broadcast_in_dim3A_30 : vector<512x1xi32> to vector<512x64xi32>
    %eq3A_32 = arith.cmpi eq, %iota3A, %eq3A_31 : vector<512x64xi32>
    %convert_element_type3A_33 = arith.extui %eq3A_32 : vector<512x64xi1> to vector<512x64xi32>
    %convert_element_type3A_34 = arith.sitofp %convert_element_type3A_33 : vector<512x64xi32> to vector<512x64xf32>
    %dot_general3A_35 = arith.constant dense<0.000000e+00> : vector<512x256xf32>
    %dot_general3A_36 = tpu.matmul %convert_element_type3A_34, %get3A_7, %dot_general3A_35 {dimension_numbers = #tpu.dot_dimension_numbers<[1], [0], [0], [1], [0, 0, 1, 1], [], []>, precision = #tpu.contract_precision<fp32>, transpose_lhs_hint = false} : vector<512x64xf32>, vector<64x256xf32>, vector<512x256xf32> -> vector<512x256xf32>
    %sub3A_37 = arith.subf %get3A_1, %dot_general3A_36 : vector<512x256xf32>
    %integer_pow3A_38 = arith.mulf %sub3A_37, %sub3A_37 : vector<512x256xf32>
    %reduce_sum3A_39 = arith.constant dense<0.000000e+00> : vector<512xf32>
    %reduce_sum3A_40 = vector.multi_reduction <add>, %integer_pow3A_38, %reduce_sum3A_39 [1] : vector<512x256xf32> to vector<512xf32>
    %sqrt3A_41 = math.sqrt %reduce_sum3A_40 : vector<512xf32>
    %lt3A_42 = arith.cmpf olt, %sqrt3A_41, %select_n3A : vector<512xf32>
    %eq3A_43 = arith.cmpf oeq, %sqrt3A_41, %select_n3A : vector<512xf32>
    %lt3A_44 = arith.cmpi slt, %argmin3A_29, %select_n3A_26 : vector<512xi32>
    %and3A_45 = arith.andi %eq3A_43, %lt3A_44 : vector<512xi1>
    %or3A_46 = arith.ori %lt3A_42, %and3A_45 : vector<512xi1>
    %select_n3A_47 = arith.select %or3A_46, %sqrt3A_41, %select_n3A : vector<512xi1>, vector<512xf32>
    %select_n3A_48 = arith.select %or3A_46, %argmin3A_29, %select_n3A_26 : vector<512xi1>, vector<512xi32>
    %jit3A_49 = arith.constant 0x7F800000 : f32
    %broadcast_in_dim3A_50 = vector.broadcast %jit3A_49 : f32 to vector<512x64xf32>
    %select_n3A_51 = arith.select %eq3A_32, %broadcast_in_dim3A_50, %select_n3A_28 : vector<512x64xi1>, vector<512x64xf32>
    %argmin3A_52 = tpu.reduce_index %select_n3A_51 {axis = 1 : i32, kind = #tpu.reduction_kind<arg_min>} : vector<512x64xf32> -> vector<512xi32>
    %broadcast_in_dim3A_53 = vector.shape_cast %argmin3A_52 : vector<512xi32> to vector<512x1xi32>
    %eq3A_54 = vector.broadcast %broadcast_in_dim3A_53 : vector<512x1xi32> to vector<512x64xi32>
    %eq3A_55 = arith.cmpi eq, %iota3A, %eq3A_54 : vector<512x64xi32>
    %convert_element_type3A_56 = arith.extui %eq3A_55 : vector<512x64xi1> to vector<512x64xi32>
    %convert_element_type3A_57 = arith.sitofp %convert_element_type3A_56 : vector<512x64xi32> to vector<512x64xf32>
    %dot_general3A_58 = arith.constant dense<0.000000e+00> : vector<512x256xf32>
    %dot_general3A_59 = tpu.matmul %convert_element_type3A_57, %get3A_7, %dot_general3A_58 {dimension_numbers = #tpu.dot_dimension_numbers<[1], [0], [0], [1], [0, 0, 1, 1], [], []>, precision = #tpu.contract_precision<fp32>, transpose_lhs_hint = false} : vector<512x64xf32>, vector<64x256xf32>, vector<512x256xf32> -> vector<512x256xf32>
    %sub3A_60 = arith.subf %get3A_1, %dot_general3A_59 : vector<512x256xf32>
    %integer_pow3A_61 = arith.mulf %sub3A_60, %sub3A_60 : vector<512x256xf32>
    %reduce_sum3A_62 = arith.constant dense<0.000000e+00> : vector<512xf32>
    %reduce_sum3A_63 = vector.multi_reduction <add>, %integer_pow3A_61, %reduce_sum3A_62 [1] : vector<512x256xf32> to vector<512xf32>
    %sqrt3A_64 = math.sqrt %reduce_sum3A_63 : vector<512xf32>
    %lt3A_65 = arith.cmpf olt, %sqrt3A_64, %select_n3A_47 : vector<512xf32>
    %eq3A_66 = arith.cmpf oeq, %sqrt3A_64, %select_n3A_47 : vector<512xf32>
    %lt3A_67 = arith.cmpi slt, %argmin3A_52, %select_n3A_48 : vector<512xi32>
    %and3A_68 = arith.andi %eq3A_66, %lt3A_67 : vector<512xi1>
    %or3A_69 = arith.ori %lt3A_65, %and3A_68 : vector<512xi1>
    %select_n3A_70 = arith.select %or3A_69, %sqrt3A_64, %select_n3A_47 : vector<512xi1>, vector<512xf32>
    %select_n3A_71 = arith.select %or3A_69, %argmin3A_52, %select_n3A_48 : vector<512xi1>, vector<512xi32>
    %jit3A_72 = arith.constant 0x7F800000 : f32
    %broadcast_in_dim3A_73 = vector.broadcast %jit3A_72 : f32 to vector<512x64xf32>
    %select_n3A_74 = arith.select %eq3A_55, %broadcast_in_dim3A_73, %select_n3A_51 : vector<512x64xi1>, vector<512x64xf32>
    %argmin3A_75 = tpu.reduce_index %select_n3A_74 {axis = 1 : i32, kind = #tpu.reduction_kind<arg_min>} : vector<512x64xf32> -> vector<512xi32>
    %broadcast_in_dim3A_76 = vector.shape_cast %argmin3A_75 : vector<512xi32> to vector<512x1xi32>
    %eq3A_77 = vector.broadcast %broadcast_in_dim3A_76 : vector<512x1xi32> to vector<512x64xi32>
    %eq3A_78 = arith.cmpi eq, %iota3A, %eq3A_77 : vector<512x64xi32>
    %convert_element_type3A_79 = arith.extui %eq3A_78 : vector<512x64xi1> to vector<512x64xi32>
    %convert_element_type3A_80 = arith.sitofp %convert_element_type3A_79 : vector<512x64xi32> to vector<512x64xf32>
    %dot_general3A_81 = arith.constant dense<0.000000e+00> : vector<512x256xf32>
    %dot_general3A_82 = tpu.matmul %convert_element_type3A_80, %get3A_7, %dot_general3A_81 {dimension_numbers = #tpu.dot_dimension_numbers<[1], [0], [0], [1], [0, 0, 1, 1], [], []>, precision = #tpu.contract_precision<fp32>, transpose_lhs_hint = false} : vector<512x64xf32>, vector<64x256xf32>, vector<512x256xf32> -> vector<512x256xf32>
    %sub3A_83 = arith.subf %get3A_1, %dot_general3A_82 : vector<512x256xf32>
    %integer_pow3A_84 = arith.mulf %sub3A_83, %sub3A_83 : vector<512x256xf32>
    %reduce_sum3A_85 = arith.constant dense<0.000000e+00> : vector<512xf32>
    %reduce_sum3A_86 = vector.multi_reduction <add>, %integer_pow3A_84, %reduce_sum3A_85 [1] : vector<512x256xf32> to vector<512xf32>
    %sqrt3A_87 = math.sqrt %reduce_sum3A_86 : vector<512xf32>
    %lt3A_88 = arith.cmpf olt, %sqrt3A_87, %select_n3A_70 : vector<512xf32>
    %eq3A_89 = arith.cmpf oeq, %sqrt3A_87, %select_n3A_70 : vector<512xf32>
    %lt3A_90 = arith.cmpi slt, %argmin3A_75, %select_n3A_71 : vector<512xi32>
    %and3A_91 = arith.andi %eq3A_89, %lt3A_90 : vector<512xi1>
    %or3A_92 = arith.ori %lt3A_88, %and3A_91 : vector<512xi1>
    %select_n3A_93 = arith.select %or3A_92, %sqrt3A_87, %select_n3A_70 : vector<512xi1>, vector<512xf32>
    %select_n3A_94 = arith.select %or3A_92, %argmin3A_75, %select_n3A_71 : vector<512xi1>, vector<512xi32>
    %swap3A = arith.constant 0 : index
    %swap3A_95 = vector.load %arg4[%swap3A] : memref<512xi32, #tpu.memory_space<vmem>>, vector<512xi32>
    tpu.vector_store %arg4[%swap3A], %select_n3A_94 {strides = array<i32>} : memref<512xi32, #tpu.memory_space<vmem>>, vector<512xi32>,
    %swap3A_96 = arith.constant 0 : index
    %swap3A_97 = vector.load %arg5[%swap3A_96] : memref<512xf32, #tpu.memory_space<vmem>>, vector<512xf32>
    tpu.vector_store %arg5[%swap3A_96], %select_n3A_93 {strides = array<i32>} : memref<512xf32, #tpu.memory_space<vmem>>, vector<512xf32>,
    %mul3A_98 = arith.constant 64 : i32
    %mul3A_99 = vector.broadcast %mul3A_98 : i32 to vector<512xi32>
    %mul3A_100 = arith.muli %select_n3A_94, %mul3A_99 : vector<512xi32>
    %mul3A_101 = arith.mulf %get3A_1, %get3A_1 : vector<512x256xf32>
    %reduce_sum3A_102 = arith.constant dense<0.000000e+00> : vector<512xf32>
    %reduce_sum3A_103 = vector.multi_reduction <add>, %mul3A_101, %reduce_sum3A_102 [1] : vector<512x256xf32> to vector<512xf32>
    %mul3A_104 = arith.constant -2.000000e+00 : f32
    %mul3A_105 = vector.broadcast %mul3A_104 : f32 to vector<512x256xf32>
    %mul3A_106 = arith.mulf %mul3A_105, %get3A_1 : vector<512x256xf32>
    %broadcast_in_dim3A_107 = arith.constant 1.000000e+00 : f32
    %broadcast_in_dim3A_108 = vector.broadcast %broadcast_in_dim3A_107 : f32 to vector<512x1xf32>
    %concatenate3A_109 = tpu.concatenate %mul3A_106, %broadcast_in_dim3A_108 in 1 : vector<512x256xf32>, vector<512x1xf32> -> vector<512x257xf32>
    %broadcast_in_dim3A_110 = arith.constant 0x7F800000 : f32
    %broadcast_in_dim3A_111 = vector.broadcast %broadcast_in_dim3A_110 : f32 to vector<512xf32>
    %broadcast_in_dim3A_112 = arith.constant 0 : i32
    %broadcast_in_dim3A_113 = vector.broadcast %broadcast_in_dim3A_112 : i32 to vector<512xi32>
    %scan3A = arith.constant 0 : i32
    %scan3A_114 = arith.constant 8 : i32
    %scan3A_115 = arith.addi %scan3A, %scan3A_114 : i32
    %scan3A_116 = arith.constant 1 : i32
    %scan3A_117:2 = scf.for %scan3A_136 = %scan3A to %scan3A_115 step %scan3A_116 iter_args(%scan3A_137 = %broadcast_in_dim3A_111, %scan3A_138 = %broadcast_in_dim3A_113) -> (vector<512xf32>, vector<512xi32>)  : i32 {
      %mul3A_139 = arith.constant 512 : i32
      %mul3A_140 = arith.muli %scan3A_136, %mul3A_139 : i32
      %get3A_141 = arith.index_cast %mul3A_140 : i32 to index
      %get3A_142 = arith.constant 0 : index
      %get3A_143 = vector.load %arg3[%get3A_141, %get3A_142] : memref<4096x256xf32, #tpu.memory_space<vmem>>, vector<512x256xf32>
      %mul3A_144 = arith.mulf %get3A_143, %get3A_143 : vector<512x256xf32>
      %reduce_sum3A_145 = arith.constant dense<0.000000e+00> : vector<512xf32>
      %reduce_sum3A_146 = vector.multi_reduction <add>, %mul3A_144, %reduce_sum3A_145 [1] : vector<512x256xf32> to vector<512xf32>
      %broadcast_in_dim3A_147 = vector.shape_cast %reduce_sum3A_146 : vector<512xf32> to vector<512x1xf32>
      %concatenate3A_148 = tpu.concatenate %get3A_143, %broadcast_in_dim3A_147 in 1 : vector<512x256xf32>, vector<512x1xf32> -> vector<512x257xf32>
      %dot_general3A_149 = arith.constant dense<0.000000e+00> : vector<512x512xf32>
      %dot_general3A_150 = tpu.matmul %concatenate3A_109, %concatenate3A_148, %dot_general3A_149 {dimension_numbers = #tpu.dot_dimension_numbers<[1], [1], [0], [0], [0, 0, 1, 0], [], []>, precision = #tpu.contract_precision<fp32>, transpose_lhs_hint = false} : vector<512x257xf32>, vector<512x257xf32>, vector<512x512xf32> -> vector<512x512xf32>
      %mul3A_151 = arith.constant 512 : i32
      %mul3A_152 = arith.muli %scan3A_136, %mul3A_151 : i32
      %iota3A_153 = tpu.iota {dimensions = array<i32: 1>} : vector<512x512xi32>
      %add3A_154 = vector.broadcast %mul3A_152 : i32 to vector<512x512xi32>
      %add3A_155 = arith.addi %add3A_154, %iota3A_153 : vector<512x512xi32>
      %broadcast_in_dim3A_156 = vector.shape_cast %mul3A_100 : vector<512xi32> to vector<512x1xi32>
      %ge3A = vector.broadcast %broadcast_in_dim3A_156 : vector<512x1xi32> to vector<512x512xi32>
      %ge3A_157 = arith.cmpi sge, %add3A_155, %ge3A : vector<512x512xi32>
      %broadcast_in_dim3A_158 = vector.shape_cast %mul3A_100 : vector<512xi32> to vector<512x1xi32>
      %add3A_159 = arith.constant 64 : i32
      %add3A_160 = vector.broadcast %add3A_159 : i32 to vector<512x1xi32>
      %add3A_161 = arith.addi %broadcast_in_dim3A_158, %add3A_160 : vector<512x1xi32>
      %lt3A_162 = vector.broadcast %add3A_161 : vector<512x1xi32> to vector<512x512xi32>
      %lt3A_163 = arith.cmpi slt, %add3A_155, %lt3A_162 : vector<512x512xi32>
      %and3A_164 = arith.andi %ge3A_157, %lt3A_163 : vector<512x512xi1>
      %jit3A_165 = arith.constant 0x7F800000 : f32
      %broadcast_in_dim3A_166 = vector.broadcast %jit3A_165 : f32 to vector<512x512xf32>
      %select_n3A_167 = arith.select %and3A_164, %dot_general3A_150, %broadcast_in_dim3A_166 : vector<512x512xi1>, vector<512x512xf32>
      %reduce_min3A = arith.constant dense<0x7F800000> : vector<512xf32>
      %reduce_min3A_168 = vector.multi_reduction <minimumf>, %select_n3A_167, %reduce_min3A [1] : vector<512x512xf32> to vector<512xf32>
      %argmin3A_169 = tpu.reduce_index %select_n3A_167 {axis = 1 : i32, kind = #tpu.reduction_kind<arg_min>} : vector<512x512xf32> -> vector<512xi32>
      %mul3A_170 = arith.constant 512 : i32
      %mul3A_171 = arith.muli %scan3A_136, %mul3A_170 : i32
      %add3A_172 = vector.broadcast %mul3A_171 : i32 to vector<512xi32>
      %add3A_173 = arith.addi %argmin3A_169, %add3A_172 : vector<512xi32>
      %lt3A_174 = arith.cmpf olt, %reduce_min3A_168, %scan3A_137 : vector<512xf32>
      %select_n3A_175 = arith.select %lt3A_174, %reduce_min3A_168, %scan3A_137 : vector<512xi1>, vector<512xf32>
      %select_n3A_176 = arith.select %lt3A_174, %add3A_173, %scan3A_138 : vector<512xi1>, vector<512xi32>
      scf.yield %select_n3A_175, %select_n3A_176 : vector<512xf32>, vector<512xi32>
    }
    %scan3A_118 = arith.constant 8 : i32
    %add3A = arith.addf %scan3A_117#0, %reduce_sum3A_103 : vector<512xf32>
    %max3A = arith.constant 0.000000e+00 : f32
    %max3A_119 = vector.broadcast %max3A : f32 to vector<512xf32>
    %max3A_120 = arith.maximumf %add3A, %max3A_119 : vector<512xf32>
    %sqrt3A_121 = math.sqrt %max3A_120 : vector<512xf32>
    %swap3A_122 = arith.constant 0 : index
    %swap3A_123 = vector.load %arg6[%swap3A_122] : memref<512xi32, #tpu.memory_space<vmem>>, vector<512xi32>
    tpu.vector_store %arg6[%swap3A_122], %scan3A_117#1 {strides = array<i32>} : memref<512xi32, #tpu.memory_space<vmem>>, vector<512xi32>,
    %swap3A_124 = arith.constant 0 : index
    %swap3A_125 = vector.load %arg7[%swap3A_124] : memref<512xf32, #tpu.memory_space<vmem>>, vector<512xf32>
    tpu.vector_store %arg7[%swap3A_124], %sqrt3A_121 {strides = array<i32>} : memref<512xf32, #tpu.memory_space<vmem>>, vector<512xf32>,
    %broadcast_in_dim3A_126 = vector.shape_cast %scan3A_117#1 : vector<512xi32> to vector<512x1xi32>
    %mul3A_127 = arith.constant 64 : i32
    %mul3A_128 = vector.broadcast %mul3A_127 : i32 to vector<512x1xi32>
    %mul3A_129 = arith.muli %broadcast_in_dim3A_126, %mul3A_128 : vector<512x1xi32>
    %iota3A_130 = tpu.iota {dimensions = array<i32: 1>} : vector<512x64xi32>
    %add3A_131 = vector.broadcast %mul3A_129 : vector<512x1xi32> to vector<512x64xi32>
    %add3A_132 = arith.addi %add3A_131, %iota3A_130 : vector<512x64xi32>
    %swap3A_133 = arith.constant 0 : index
    %swap3A_134 = arith.constant 0 : index
    %swap3A_135 = vector.load %arg8[%swap3A_133, %swap3A_134] : memref<512x64xi32, #tpu.memory_space<vmem>>, vector<512x64xi32>
    tpu.vector_store %arg8[%swap3A_133, %swap3A_134], %add3A_132 {strides = array<i32>} : memref<512x64xi32, #tpu.memory_space<vmem>>, vector<512x64xi32>,
    return
  }
  func.func @transform_0(%arg0: i32) -> (i32, i32) {
    %c0_i32 = arith.constant 0 : i32
    %c0_i32_0 = arith.constant 0 : i32
    return %arg0, %c0_i32 : i32, i32
  }
  func.func @transform_1(%arg0: i32) -> (i32, i32) {
    %c0_i32 = arith.constant 0 : i32
    %c0_i32_0 = arith.constant 0 : i32
    %c0_i32_1 = arith.constant 0 : i32
    return %c0_i32, %c0_i32_0 : i32, i32
  }
  func.func @transform_2(%arg0: i32) -> (i32, i32) {
    %c0_i32 = arith.constant 0 : i32
    %c0_i32_0 = arith.constant 0 : i32
    %c0_i32_1 = arith.constant 0 : i32
    return %c0_i32, %c0_i32_0 : i32, i32
  }
  func.func @transform_3(%arg0: i32) -> i32 {
    %c0_i32 = arith.constant 0 : i32
    return %arg0 : i32
  }
  func.func @transform_4(%arg0: i32) -> i32 {
    %c0_i32 = arith.constant 0 : i32
    return %arg0 : i32
  }
  func.func @transform_5(%arg0: i32) -> i32 {
    %c0_i32 = arith.constant 0 : i32
    return %arg0 : i32
  }
  func.func @transform_6(%arg0: i32) -> i32 {
    %c0_i32 = arith.constant 0 : i32
    return %arg0 : i32
  }
  func.func @transform_7(%arg0: i32) -> (i32, i32) {
    %c0_i32 = arith.constant 0 : i32
    %c0_i32_0 = arith.constant 0 : i32
    return %arg0, %c0_i32 : i32, i32
  }
}

module attributes {stable_mosaic.version = 14 : i64} {
  func.func @_tc2_body(%arg0: i32, %arg1: memref<2048xi32, #tpu.memory_space<smem>>, %arg2: memref<64x256xf32, #tpu.memory_space<vmem>>, %arg3: memref<64x256xf32, #tpu.memory_space<vmem>>, %arg4: memref<64x256xf32, #tpu.memory_space<vmem>>, %arg5: memref<64x256xf32, #tpu.memory_space<vmem>>, %arg6: memref<64x256xf32, #tpu.memory_space<vmem>>, %arg7: memref<64x256xf32, #tpu.memory_space<vmem>>, %arg8: memref<64x256xf32, #tpu.memory_space<vmem>>, %arg9: memref<64x256xf32, #tpu.memory_space<vmem>>, %arg10: memref<8x256xf32, #tpu.memory_space<vmem>>, %arg11: memref<8x128xi32, #tpu.memory_space<vmem>>, %arg12: memref<8x128xi32, #tpu.memory_space<vmem>>, %arg13: memref<8x128xf32, #tpu.memory_space<vmem>>) attributes {dimension_semantics = [#tpu.dimension_semantics<arbitrary>], iteration_bounds = array<i64: 256>, scalar_prefetch = 1 : i64, scratch_operands = 0 : i64, tpu.core_type = #tpu.core_type<tc>, window_params = [{transform_indices = @transform_0, window_bounds = array<i64: 64, 256>}, {transform_indices = @transform_1, window_bounds = array<i64: 64, 256>}, {transform_indices = @transform_2, window_bounds = array<i64: 64, 256>}, {transform_indices = @transform_3, window_bounds = array<i64: 64, 256>}, {transform_indices = @transform_4, window_bounds = array<i64: 64, 256>}, {transform_indices = @transform_5, window_bounds = array<i64: 64, 256>}, {transform_indices = @transform_6, window_bounds = array<i64: 64, 256>}, {transform_indices = @transform_7, window_bounds = array<i64: 64, 256>}, {transform_indices = @transform_8, window_bounds = array<i64: 8, 256>}, {transform_indices = @transform_9, window_bounds = array<i64: 8, 128>}, {transform_indices = @transform_10, window_bounds = array<i64: 8, 128>}, {transform_indices = @transform_11, window_bounds = array<i64: 8, 128>}]} {
    %get3A = arith.constant 0 : index
    %get3A_0 = arith.constant 0 : index
    %get3A_1 = vector.load %arg10[%get3A, %get3A_0] : memref<8x256xf32, #tpu.memory_space<vmem>>, vector<8x256xf32>
    %get3A_2 = arith.constant 0 : index
    %get3A_3 = arith.constant 0 : index
    %get3A_4 = vector.load %arg2[%get3A_2, %get3A_3] : memref<64x256xf32, #tpu.memory_space<vmem>>, vector<64x256xf32>
    %get3A_5 = arith.constant 0 : index
    %get3A_6 = arith.constant 0 : index
    %get3A_7 = vector.load %arg3[%get3A_5, %get3A_6] : memref<64x256xf32, #tpu.memory_space<vmem>>, vector<64x256xf32>
    %get3A_8 = arith.constant 0 : index
    %get3A_9 = arith.constant 0 : index
    %get3A_10 = vector.load %arg4[%get3A_8, %get3A_9] : memref<64x256xf32, #tpu.memory_space<vmem>>, vector<64x256xf32>
    %get3A_11 = arith.constant 0 : index
    %get3A_12 = arith.constant 0 : index
    %get3A_13 = vector.load %arg5[%get3A_11, %get3A_12] : memref<64x256xf32, #tpu.memory_space<vmem>>, vector<64x256xf32>
    %get3A_14 = arith.constant 0 : index
    %get3A_15 = arith.constant 0 : index
    %get3A_16 = vector.load %arg6[%get3A_14, %get3A_15] : memref<64x256xf32, #tpu.memory_space<vmem>>, vector<64x256xf32>
    %get3A_17 = arith.constant 0 : index
    %get3A_18 = arith.constant 0 : index
    %get3A_19 = vector.load %arg7[%get3A_17, %get3A_18] : memref<64x256xf32, #tpu.memory_space<vmem>>, vector<64x256xf32>
    %get3A_20 = arith.constant 0 : index
    %get3A_21 = arith.constant 0 : index
    %get3A_22 = vector.load %arg8[%get3A_20, %get3A_21] : memref<64x256xf32, #tpu.memory_space<vmem>>, vector<64x256xf32>
    %get3A_23 = arith.constant 0 : index
    %get3A_24 = arith.constant 0 : index
    %get3A_25 = vector.load %arg9[%get3A_23, %get3A_24] : memref<64x256xf32, #tpu.memory_space<vmem>>, vector<64x256xf32>
    %concatenate3A = tpu.concatenate %get3A_4, %get3A_7, %get3A_10, %get3A_13, %get3A_16, %get3A_19, %get3A_22, %get3A_25 in 0 : vector<64x256xf32>, vector<64x256xf32>, vector<64x256xf32>, vector<64x256xf32>, vector<64x256xf32>, vector<64x256xf32>, vector<64x256xf32>, vector<64x256xf32> -> vector<512x256xf32>
    %mul3A = arith.mulf %concatenate3A, %concatenate3A : vector<512x256xf32>
    %reduce_sum3A = arith.constant dense<0.000000e+00> : vector<512xf32>
    %reduce_sum3A_26 = vector.multi_reduction <add>, %mul3A, %reduce_sum3A [1] : vector<512x256xf32> to vector<512xf32>
    %broadcast_in_dim3A = vector.shape_cast %reduce_sum3A_26 : vector<512xf32> to vector<512x1xf32>
    %concatenate3A_27 = tpu.concatenate %concatenate3A, %broadcast_in_dim3A in 1 : vector<512x256xf32>, vector<512x1xf32> -> vector<512x257xf32>
    %mul3A_28 = arith.constant -2.000000e+00 : f32
    %mul3A_29 = vector.broadcast %mul3A_28 : f32 to vector<8x256xf32>
    %mul3A_30 = arith.mulf %mul3A_29, %get3A_1 : vector<8x256xf32>
    %broadcast_in_dim3A_31 = arith.constant 1.000000e+00 : f32
    %broadcast_in_dim3A_32 = vector.broadcast %broadcast_in_dim3A_31 : f32 to vector<8x1xf32>
    %concatenate3A_33 = tpu.concatenate %mul3A_30, %broadcast_in_dim3A_32 in 1 : vector<8x256xf32>, vector<8x1xf32> -> vector<8x257xf32>
    %dot_general3A = arith.constant dense<0.000000e+00> : vector<8x512xf32>
    %dot_general3A_34 = tpu.matmul %concatenate3A_33, %concatenate3A_27, %dot_general3A {dimension_numbers = #tpu.dot_dimension_numbers<[1], [1], [0], [0], [0, 0, 1, 0], [], []>, precision = #tpu.contract_precision<fp32>, transpose_lhs_hint = false} : vector<8x257xf32>, vector<512x257xf32>, vector<8x512xf32> -> vector<8x512xf32>
    %iota3A = tpu.iota {dimensions = array<i32: 0>} : vector<8x512xi32>
    %iota3A_35 = tpu.iota {dimensions = array<i32: 1>} : vector<8x512xi32>
    %mul3A_36 = arith.constant 64 : i32
    %mul3A_37 = vector.broadcast %mul3A_36 : i32 to vector<8x512xi32>
    %mul3A_38 = arith.muli %iota3A, %mul3A_37 : vector<8x512xi32>
    %ge3A = arith.cmpi sge, %iota3A_35, %mul3A_38 : vector<8x512xi32>
    %mul3A_39 = arith.constant 64 : i32
    %mul3A_40 = vector.broadcast %mul3A_39 : i32 to vector<8x512xi32>
    %mul3A_41 = arith.muli %iota3A, %mul3A_40 : vector<8x512xi32>
    %add3A = arith.constant 64 : i32
    %add3A_42 = vector.broadcast %add3A : i32 to vector<8x512xi32>
    %add3A_43 = arith.addi %mul3A_41, %add3A_42 : vector<8x512xi32>
    %lt3A = arith.cmpi slt, %iota3A_35, %add3A_43 : vector<8x512xi32>
    %and3A = arith.andi %ge3A, %lt3A : vector<8x512xi1>
    %jit3A = arith.constant 0x7F800000 : f32
    %broadcast_in_dim3A_44 = vector.broadcast %jit3A : f32 to vector<8x512xf32>
    %select_n3A = arith.select %and3A, %dot_general3A_34, %broadcast_in_dim3A_44 : vector<8x512xi1>, vector<8x512xf32>
    %argmin3A = tpu.reduce_index %select_n3A {axis = 1 : i32, kind = #tpu.reduction_kind<arg_min>} : vector<8x512xf32> -> vector<8xi32>
    %broadcast_in_dim3A_45 = vector.shape_cast %argmin3A : vector<8xi32> to vector<8x1xi32>
    %eq3A = vector.broadcast %broadcast_in_dim3A_45 : vector<8x1xi32> to vector<8x512xi32>
    %eq3A_46 = arith.cmpi eq, %iota3A_35, %eq3A : vector<8x512xi32>
    %convert_element_type3A = arith.extui %eq3A_46 : vector<8x512xi1> to vector<8x512xi32>
    %convert_element_type3A_47 = arith.sitofp %convert_element_type3A : vector<8x512xi32> to vector<8x512xf32>
    %dot_general3A_48 = arith.constant dense<0.000000e+00> : vector<8x256xf32>
    %dot_general3A_49 = tpu.matmul %convert_element_type3A_47, %concatenate3A, %dot_general3A_48 {dimension_numbers = #tpu.dot_dimension_numbers<[1], [0], [0], [1], [0, 0, 1, 1], [], []>, precision = #tpu.contract_precision<fp32>, transpose_lhs_hint = false} : vector<8x512xf32>, vector<512x256xf32>, vector<8x256xf32> -> vector<8x256xf32>
    %sub3A = arith.subf %get3A_1, %dot_general3A_49 : vector<8x256xf32>
    %integer_pow3A = arith.mulf %sub3A, %sub3A : vector<8x256xf32>
    %reduce_sum3A_50 = arith.constant dense<0.000000e+00> : vector<8xf32>
    %reduce_sum3A_51 = vector.multi_reduction <add>, %integer_pow3A, %reduce_sum3A_50 [1] : vector<8x256xf32> to vector<8xf32>
    %sqrt3A = math.sqrt %reduce_sum3A_51 : vector<8xf32>
    %iota3A_52 = tpu.iota {dimensions = array<i32: 1>} : vector<1x8xi32>
    %iota3A_53 = vector.shape_cast %iota3A_52 : vector<1x8xi32> to vector<8xi32>
    %mul3A_54 = arith.constant 64 : i32
    %mul3A_55 = vector.broadcast %mul3A_54 : i32 to vector<8xi32>
    %mul3A_56 = arith.muli %iota3A_53, %mul3A_55 : vector<8xi32>
    %sub3A_57 = arith.subi %argmin3A, %mul3A_56 : vector<8xi32>
    %get3A_58 = arith.constant 0 : index
    %get3A_59 = arith.constant 0 : index
    %get3A_60 = vector.load %arg11[%get3A_58, %get3A_59] : memref<8x128xi32, #tpu.memory_space<vmem>>, vector<8x128xi32>
    %slice3A = vector.extract_strided_slice %get3A_60 {offsets = [0, 0], sizes = [8, 1], strides = [1, 1]} : vector<8x128xi32> to vector<8x1xi32>
    %squeeze3A = vector.shape_cast %slice3A : vector<8x1xi32> to vector<8xi32>
    %mul3A_61 = arith.constant 64 : i32
    %mul3A_62 = vector.broadcast %mul3A_61 : i32 to vector<8xi32>
    %mul3A_63 = arith.muli %squeeze3A, %mul3A_62 : vector<8xi32>
    %add3A_64 = arith.addi %mul3A_63, %sub3A_57 : vector<8xi32>
    %broadcast_in_dim3A_65 = vector.shape_cast %add3A_64 : vector<8xi32> to vector<8x1xi32>
    %broadcast_in_dim3A_66 = vector.shape_cast %broadcast_in_dim3A_65 : vector<8x1xi32> to vector<8x1xi32>
    %broadcast_in_dim3A_67 = vector.broadcast %broadcast_in_dim3A_66 : vector<8x1xi32> to vector<8x128xi32>
    %swap3A = arith.constant 0 : index
    %swap3A_68 = arith.constant 0 : index
    %swap3A_69 = vector.load %arg12[%swap3A, %swap3A_68] : memref<8x128xi32, #tpu.memory_space<vmem>>, vector<8x128xi32>
    tpu.vector_store %arg12[%swap3A, %swap3A_68], %broadcast_in_dim3A_67 {strides = array<i32>} : memref<8x128xi32, #tpu.memory_space<vmem>>, vector<8x128xi32>,
    %broadcast_in_dim3A_70 = vector.shape_cast %sqrt3A : vector<8xf32> to vector<8x1xf32>
    %broadcast_in_dim3A_71 = vector.shape_cast %broadcast_in_dim3A_70 : vector<8x1xf32> to vector<8x1xf32>
    %broadcast_in_dim3A_72 = vector.broadcast %broadcast_in_dim3A_71 : vector<8x1xf32> to vector<8x128xf32>
    %swap3A_73 = arith.constant 0 : index
    %swap3A_74 = arith.constant 0 : index
    %swap3A_75 = vector.load %arg13[%swap3A_73, %swap3A_74] : memref<8x128xf32, #tpu.memory_space<vmem>>, vector<8x128xf32>
    tpu.vector_store %arg13[%swap3A_73, %swap3A_74], %broadcast_in_dim3A_72 {strides = array<i32>} : memref<8x128xf32, #tpu.memory_space<vmem>>, vector<8x128xf32>,
    return
  }
  func.func @transform_0(%arg0: i32, %arg1: memref<2048xi32, #tpu.memory_space<smem>>) -> (i32, i32) {
    %mul3A = arith.constant 8 : i32
    %mul3A_0 = arith.muli %arg0, %mul3A : i32
    %add3A = arith.constant 0 : i32
    %add3A_1 = arith.addi %mul3A_0, %add3A : i32
    %get3A = arith.index_cast %add3A_1 : i32 to index
    %get3A_2 = memref.load %arg1[%get3A] : memref<2048xi32, #tpu.memory_space<smem>>
    %c0_i32 = arith.constant 0 : i32
    %c0_i32_3 = arith.constant 0 : i32
    return %get3A_2, %c0_i32 : i32, i32
  }
  func.func @transform_1(%arg0: i32, %arg1: memref<2048xi32, #tpu.memory_space<smem>>) -> (i32, i32) {
    %mul3A = arith.constant 8 : i32
    %mul3A_0 = arith.muli %arg0, %mul3A : i32
    %add3A = arith.constant 1 : i32
    %add3A_1 = arith.addi %mul3A_0, %add3A : i32
    %get3A = arith.index_cast %add3A_1 : i32 to index
    %get3A_2 = memref.load %arg1[%get3A] : memref<2048xi32, #tpu.memory_space<smem>>
    %c0_i32 = arith.constant 0 : i32
    %c0_i32_3 = arith.constant 0 : i32
    return %get3A_2, %c0_i32 : i32, i32
  }
  func.func @transform_2(%arg0: i32, %arg1: memref<2048xi32, #tpu.memory_space<smem>>) -> (i32, i32) {
    %mul3A = arith.constant 8 : i32
    %mul3A_0 = arith.muli %arg0, %mul3A : i32
    %add3A = arith.constant 2 : i32
    %add3A_1 = arith.addi %mul3A_0, %add3A : i32
    %get3A = arith.index_cast %add3A_1 : i32 to index
    %get3A_2 = memref.load %arg1[%get3A] : memref<2048xi32, #tpu.memory_space<smem>>
    %c0_i32 = arith.constant 0 : i32
    %c0_i32_3 = arith.constant 0 : i32
    return %get3A_2, %c0_i32 : i32, i32
  }
  func.func @transform_3(%arg0: i32, %arg1: memref<2048xi32, #tpu.memory_space<smem>>) -> (i32, i32) {
    %mul3A = arith.constant 8 : i32
    %mul3A_0 = arith.muli %arg0, %mul3A : i32
    %add3A = arith.constant 3 : i32
    %add3A_1 = arith.addi %mul3A_0, %add3A : i32
    %get3A = arith.index_cast %add3A_1 : i32 to index
    %get3A_2 = memref.load %arg1[%get3A] : memref<2048xi32, #tpu.memory_space<smem>>
    %c0_i32 = arith.constant 0 : i32
    %c0_i32_3 = arith.constant 0 : i32
    return %get3A_2, %c0_i32 : i32, i32
  }
  func.func @transform_4(%arg0: i32, %arg1: memref<2048xi32, #tpu.memory_space<smem>>) -> (i32, i32) {
    %mul3A = arith.constant 8 : i32
    %mul3A_0 = arith.muli %arg0, %mul3A : i32
    %add3A = arith.constant 4 : i32
    %add3A_1 = arith.addi %mul3A_0, %add3A : i32
    %get3A = arith.index_cast %add3A_1 : i32 to index
    %get3A_2 = memref.load %arg1[%get3A] : memref<2048xi32, #tpu.memory_space<smem>>
    %c0_i32 = arith.constant 0 : i32
    %c0_i32_3 = arith.constant 0 : i32
    return %get3A_2, %c0_i32 : i32, i32
  }
  func.func @transform_5(%arg0: i32, %arg1: memref<2048xi32, #tpu.memory_space<smem>>) -> (i32, i32) {
    %mul3A = arith.constant 8 : i32
    %mul3A_0 = arith.muli %arg0, %mul3A : i32
    %add3A = arith.constant 5 : i32
    %add3A_1 = arith.addi %mul3A_0, %add3A : i32
    %get3A = arith.index_cast %add3A_1 : i32 to index
    %get3A_2 = memref.load %arg1[%get3A] : memref<2048xi32, #tpu.memory_space<smem>>
    %c0_i32 = arith.constant 0 : i32
    %c0_i32_3 = arith.constant 0 : i32
    return %get3A_2, %c0_i32 : i32, i32
  }
  func.func @transform_6(%arg0: i32, %arg1: memref<2048xi32, #tpu.memory_space<smem>>) -> (i32, i32) {
    %mul3A = arith.constant 8 : i32
    %mul3A_0 = arith.muli %arg0, %mul3A : i32
    %add3A = arith.constant 6 : i32
    %add3A_1 = arith.addi %mul3A_0, %add3A : i32
    %get3A = arith.index_cast %add3A_1 : i32 to index
    %get3A_2 = memref.load %arg1[%get3A] : memref<2048xi32, #tpu.memory_space<smem>>
    %c0_i32 = arith.constant 0 : i32
    %c0_i32_3 = arith.constant 0 : i32
    return %get3A_2, %c0_i32 : i32, i32
  }
  func.func @transform_7(%arg0: i32, %arg1: memref<2048xi32, #tpu.memory_space<smem>>) -> (i32, i32) {
    %mul3A = arith.constant 8 : i32
    %mul3A_0 = arith.muli %arg0, %mul3A : i32
    %add3A = arith.constant 7 : i32
    %add3A_1 = arith.addi %mul3A_0, %add3A : i32
    %get3A = arith.index_cast %add3A_1 : i32 to index
    %get3A_2 = memref.load %arg1[%get3A] : memref<2048xi32, #tpu.memory_space<smem>>
    %c0_i32 = arith.constant 0 : i32
    %c0_i32_3 = arith.constant 0 : i32
    return %get3A_2, %c0_i32 : i32, i32
  }
  func.func @transform_8(%arg0: i32, %arg1: memref<2048xi32, #tpu.memory_space<smem>>) -> (i32, i32) {
    %c0_i32 = arith.constant 0 : i32
    %c0_i32_0 = arith.constant 0 : i32
    return %arg0, %c0_i32 : i32, i32
  }
  func.func @transform_9(%arg0: i32, %arg1: memref<2048xi32, #tpu.memory_space<smem>>) -> (i32, i32) {
    %c0_i32 = arith.constant 0 : i32
    %c0_i32_0 = arith.constant 0 : i32
    return %arg0, %c0_i32 : i32, i32
  }
  func.func @transform_10(%arg0: i32, %arg1: memref<2048xi32, #tpu.memory_space<smem>>) -> (i32, i32) {
    %c0_i32 = arith.constant 0 : i32
    %c0_i32_0 = arith.constant 0 : i32
    return %arg0, %c0_i32 : i32, i32
  }
  func.func @transform_11(%arg0: i32, %arg1: memref<2048xi32, #tpu.memory_space<smem>>) -> (i32, i32) {
    %c0_i32 = arith.constant 0 : i32
    %c0_i32_0 = arith.constant 0 : i32
    return %arg0, %c0_i32 : i32, i32
  }
}

</mosaic_0001>

<sc_bundles>
// kernel: kernel.5.cloned.1.call-start
scs
__scs_entry_jumppad:
0x0: {  	(pc) =	sbr.rel $0x88, $3  }
0x1: {  	(tag) =	ssettag $0x0;
	lr =	simm.s32 $0x1  }
0x2: {  	[smem:$0x3F9D] =	sst lr;
	_ =	strace $0xD0000000  }
0x3: {  	_ = 	snop  }
0x4: {  	_ = 	snop  }
0x5: {  	_ = 	snop  }
0x6: {  	_ = 	snop  }
0x7: {  	_ = 	snop  }
__scs_overlays_trampoline_lowered:
0x8: {  	[smem:$0x3FAC] =	sst s0  }
0x9: {  	[smem:$0x3FAD] =	sst s1  }
0xa: {  	[smem:$0x3FAE] =	sst s2  }
0xb: {  	[smem:$0x3FAF] =	sst s3  }
0xc: {  	[smem:$0x3FB0] =	sst s4  }
0xd: {  	[smem:$0x3FB1] =	sst s5  }
0xe: {  	[smem:$0x3FB2] =	sst s6  }
0xf: {  	[smem:$0x3FB3] =	sst s7  }
0x10: {  	[smem:$0x3FB4] =	sst s8  }
0x11: {  	[smem:$0x3FB5] =	sst s9;
	s0 =	simm.s32 @!p0 $0x0  }
0x12: {  	s1 =	sld [smem:$0x3F9B];
	s0 =	simm.s32 @p0 $0x1  }
0x13: {  	[smem:$0x3FB6] =	sst s0;
	s0 =	simm.s32 @!p1 $0x0  }
0x14: {  	s2 =	sld [smem:$0x3F9A];
	s0 =	simm.s32 @p1 $0x1  }
0x15: {  	[smem:$0x3FB7] =	sst s0;
	s0 =	simm.s32 @!p2 $0x0  }
0x16: {  	s3 =	sld [smem:$0x3FDB];
	s0 =	simm.s32 @p2 $0x1  }
0x17: {  	s4 =	simm.s32 $0x1BF5;
	[smem:$0x3FB9] =	sst s0  }
0x18: {  	s0 =	sld [smem:$0x3F9C];
	_ =	swait.ge [sflag:s4], $0x0  }
0x19: {  	s7 =	sld [smem:$0x3F9D]  }
0x1a: {  	s8 =	sadd.s32 $0xFFFFE003, lr  }
0x1b: {  	s9 =	sadd.s32 $0xFFFFFEF7, lr;
	s5 =	simm.s32 $0xFFFFFFFF;
	p2 =	slt.u32 s8, $0xFFFFF086  }
0x1c: {  	p1 =	slt.u32 s9, $0xF7A;
	s5 =	simm.s32 @!p2 $0x0  }
0x1d: {  	s5 =	simm.s32 @p1 $0x1;
	p0 =	seq.s32 s7, s2  }
0x1e: {  	s7 =	smul.u32 @!p0 $0xF7A, s2;
	p2 =	seq.s32 @!p0 s5, $0x0  }
0x1f: {  	s9 =	smul.u32 $0xF7A, s1;
	s8 =	simm.s32 @!p0 $0x1BF5;
	p2 =	por !p2, p0  }
0x20: {  	[sflag:s8] =	ssyncset.s32 @!p0 $0xFFFFF086;
	s6 =	sadd.s32 @!p0 s3, s7;
	s7 =	simm.s32 @!p0 $0x108  }
0x21: {  	s3 =	sadd.s32 s3, s9;
	s6 =	sadd.s32 @!p0 $0x88, s6;
	s7 =	simm.s32 @p2 $0x1082  }
0x22: {  	[simem:s7], [sflag:s8] =	dma.local @!p0 [hbm:s6], $0xF7A  }
0x23: {  	s9 =	sor.u32 $0xD0000000, s2;
	s6 =	simm.s32 $0x108;
	_ =	swait.ge @!p0 [sflag:s8], $0x0  }
0x24: {  	s3 =	sadd.s32 $0x88, s3;
	s6 =	simm.s32 @!p1 $0x1082;
	[sflag:s4] =	ssyncset.s32 $0xFFFFF086  }
0x25: {  	[simem:s6], [sflag:s4] =	dma.local [hbm:s3], $0xF7A  }
0x26: {  	[smem:$0x3F9D] =	sst s1;
	(tag) =	ssettag s2;
	_ =	strace s9  }
0x27: {  	s1 =	sld [smem:$0x3FAD]  }
0x28: {  	s2 =	sld [smem:$0x3FAE]  }
0x29: {  	s4 =	sld [smem:$0x3FB0]  }
0x2a: {  	p0 =	seq.s32 s5, $0x0;
	s5 =	sld [smem:$0x3FB1]  }
0x2b: {  	s6 =	sld [smem:$0x3FB2]  }
0x2c: {  	s7 =	sld [smem:$0x3FB3]  }
0x2d: {  	s3 =	simm.s32 $0x108;
	s8 =	sld [smem:$0x3FB4]  }
0x2e: {  	s3 =	simm.s32 @!p0 $0x1082;
	s9 =	sld [smem:$0x3FB5]  }
0x2f: {  	lr =	sadd.s32 s0, s3;
	s0 =	sld [smem:$0x3FAC]  }
0x30: {  	s3 =	sld [smem:$0x3FAF]  }
0x31: {  	[smem:$0x3FB8] =	sst s10  }
0x32: {  	s10 =	sld [smem:$0x3FB6];
	_ =	sdelay $0x3  }
0x33: {  	p0 =	seq.s32 s10, $0x1;
	s10 =	sld [smem:$0x3FB8];
	_ =	sdelay $0x3  }
0x34: {  	[smem:$0x3FB8] =	sst s10  }
0x35: {  	s10 =	sld [smem:$0x3FB7];
	_ =	sdelay $0x3  }
0x36: {  	p1 =	seq.s32 s10, $0x1;
	s10 =	sld [smem:$0x3FB8];
	_ =	sdelay $0x3  }
0x37: {  	[smem:$0x3FB8] =	sst s10  }
0x38: {  	s10 =	sld [smem:$0x3FB9]  }
0x39: {  	_ = 	snop;
	(pc) =	sbr.ind lr, $3  }
0x3a: {  	_ = 	snop  }
0x3b: {  	_ = 	snop  }
0x3c: {  	p2 =	seq.s32 s10, $0x1;
	s10 =	sld [smem:$0x3FB8]  }
0x3d: {  	_ =	shalt  }
0x3e: {  	_ =	shalt  }
0x3f: {  	_ =	shalt  }
0x40: {  	_ =	shalt  }
0x41: {  	_ =	shalt  }
0x42: {  	_ =	shalt  }
0x43: {  	_ =	shalt  }
0x44: {  	_ =	shalt  }
0x45: {  	_ =	shalt  }
0x46: {  	_ =	shalt  }
0x47: {  	_ =	shalt  }
0x48: {  	_ =	shalt  }
0x49: {  	_ =	shalt  }
0x4a: {  	_ =	shalt  }
0x4b: {  	_ =	shalt  }
0x4c: {  	_ =	shalt  }
0x4d: {  	_ =	shalt  }
0x4e: {  	_ =	shalt  }
0x4f: {  	_ =	shalt  }
0x50: {  	_ =	shalt  }
0x51: {  	_ =	shalt  }
0x52: {  	_ =	shalt  }
0x53: {  	_ =	shalt  }
0x54: {  	_ =	shalt  }
0x55: {  	_ =	shalt  }
0x56: {  	_ =	shalt  }
0x57: {  	_ =	shalt  }
0x58: {  	_ =	shalt  }
0x59: {  	_ =	shalt  }
0x5a: {  	_ =	shalt  }
0x5b: {  	_ =	shalt  }
0x5c: {  	_ =	shalt  }
0x5d: {  	_ =	shalt  }
0x5e: {  	_ =	shalt  }
0x5f: {  	_ =	shalt  }
0x60: {  	_ =	shalt  }
0x61: {  	_ =	shalt  }
0x62: {  	_ =	shalt  }
0x63: {  	_ =	shalt  }
0x64: {  	_ =	shalt  }
0x65: {  	_ =	shalt  }
0x66: {  	_ =	shalt  }
0x67: {  	_ =	shalt  }
0x68: {  	_ =	shalt  }
0x69: {  	_ =	shalt  }
0x6a: {  	_ =	shalt  }
0x6b: {  	_ =	shalt  }
0x6c: {  	_ =	shalt  }
0x6d: {  	_ =	shalt  }
0x6e: {  	_ =	shalt  }
0x6f: {  	_ =	shalt  }
0x70: {  	_ =	shalt  }
0x71: {  	_ =	shalt  }
0x72: {  	_ =	shalt  }
0x73: {  	_ =	shalt  }
0x74: {  	_ =	shalt  }
0x75: {  	_ =	shalt  }
0x76: {  	_ =	shalt  }
0x77: {  	_ =	shalt  }
0x78: {  	_ =	shalt  }
0x79: {  	_ =	shalt  }
0x7a: {  	_ =	shalt  }
0x7b: {  	_ =	shalt  }
0x7c: {  	_ =	shalt  }
0x7d: {  	_ =	shalt  }
0x7e: {  	_ =	shalt  }
0x7f: {  	_ =	shalt  }
0x80: {  	_ =	shalt  }
0x81: {  	_ =	shalt  }
0x82: {  	_ =	shalt  }
0x83: {  	_ =	shalt  }
0x84: {  	_ =	shalt  }
0x85: {  	_ =	shalt  }
0x86: {  	_ =	shalt  }
0x87: {  	_ =	shalt  }
.Lfunc_end0:
.L_simem_size_0:
called_computation_lowered:
.L_overlay_start_0:
0x88: {  	s2 =	sld [smem:$0x3FD9]  }
0x89: {  	s3 =	sld [smem:$0x3FFE];
	_ =	sdelay $0x1  }
0x8a: {  	s1 =	srdreg.scid  }
0x8b: {  	s0 =	sand.u32 $0x1, s1  }
0x8c: {  	s14 =	sshll.u32 s0, $0xA;
	s2 =	sadd.s32 s3, s2  }
0x8d: {  	s2 =	sadd.s32 s2, s14  }
0x8e: {  	[smem:$0x3FC4] =	sst s2  }
0x8f: {  	_ = 	snop  }
0x90: {  	s2 =	sld [smem:$0x3FD0];
	_ =	sdelay $0x2  }
0x91: {  	s4 =	simm.s32 $0xA;
	s5 =	simm.s32 $0x10;
	s15 =	sld [smem:$0x3FC6]  }
0x92: {  	[smem:s5], [sflag:s4] =	dma.local [hbm:s2], $0x1  }
0x93: {  	_ =	swait.eq [sflag:s4], $0x1  }
0x94: {  	[sflag:s4] =	ssyncset.done $0x0  }
0x95: {  	[sflag:s4] =	ssyncadd.s32 $0xFFFFFFFF  }
0x96: {  	s16 =	sld [smem:$0x10];
	(tm) =	ssettm $0x1  }
0x97: {  	s17 =	sld [smem:$0x3FFB];
	_ =	sdelay $0x3  }
0x98: {  	_ =	strace s17  }
0x99: {  	s4 =	sld [smem:$0x3FFC];
	_ =	sdelay $0x3  }
0x9a: {  	_ =	strace s4  }
0x9b: {  	s4 =	sld [smem:$0x3FFD];
	_ =	sdelay $0x3  }
0x9c: {  	_ =	strace s4  }
0x9d: {  	_ =	strace $0x8FFFFFFF  }
0x9e: {  	s18 =	sld [smem:$0x3FDB];
	_ =	sdelay $0x1  }
0x9f: {  	s19 =	simm.s32 $_scs_section_size  }
0xa0: {  	s6 =	simm.s32 $_size__tile_overlayer_lowered;
	s7 =	simm.s32 $_tile_overlayer_lowered  }
0xa1: {  	s22 =	simm.s32 $0x1BFF;
	s21 =	sshll.u32 s7, $0x1;
	s4 =	sadd.s32 s19, s18  }
0xa2: {  	s8 =	simm.s32 $0x0;
	s20 =	sshll.u32 s6, $0x1;
	s6 =	sadd.s32 s21, s4  }
0xa3: {  	[timem:s8], [sflag:s22] =	dma.local [hbm:s6], s20  }
0xa4: {  	_ =	swait.ge [sflag:s22], s20  }
0xa5: {  	s5 =	ssub.s32 $0x0, s20;
	[sflag:s22] =	ssyncset.done $0x0  }
0xa6: {  	[sflag:s22] =	ssyncadd.s32 s5;
	_ =	sdelay $0x1  }
0xa7: {  	s23 =	simm.s32 $0x1B8B  }
0xa8: {  	_ =	swait.ge [sflag:s23], $0x1  }
0xa9: {  	[sflag:s23] =	ssyncset.done $0x0  }
0xaa: {  	s25 =	simm.s32 $0x1B8E;
	s24 =	sld [smem:$0x3FFE];
	[sflag:s23] =	ssyncadd.s32 $0xFFFFFFFF  }
0xab: {  	s26 =	simm.s32 $execute0_lowered;
	[smem:$0x3FD2] =	sst s25  }
0xac: {  	s6 =	sshll.u32 s26, $0x1;
	_ =	strace $0x80000046;
	[dreg:$0x1] =	wrdreg $0xFFFFFFFF  }
0xad: {  	s28 =	simm.s32 $_size_execute0_lowered;
	s4 =	sadd.s32 s4, s6;
	[dreg:$0x0] =	wrdreg $0x0  }
0xae: {  	s6 =	sshll.u32 s28, $0x1;
	[dreg:$0x2] =	wrdreg s4  }
0xaf: {  	[dreg:$0x3] =	wrdreg s6  }
0xb0: {  	[dreg:$0x4] =	wrdreg $0xC0  }
0xb1: {  	_ =	task [dreg:s8], $0x5FFFF  }
0xb2: {  	[dreg:$0x1] =	wrdreg $0xFFFFFFFF  }
0xb3: {  	[dreg:$0x0] =	wrdreg $0x60  }
0xb4: {  	[dreg:$0x2] =	wrdreg s15  }
0xb5: {  	[dreg:$0x3] =	wrdreg s24  }
0xb6: {  	[dreg:$0x4] =	wrdreg s16  }
0xb7: {  	[dreg:$0x5] =	wrdreg $0x9  }
0xb8: {  	_ =	task.clear_ibuf [dreg:s8], $0x6FFFF;
	_ =	strace $0x90000046  }
0xb9: {  	s29 =	simm.s32 $0x9;
	_ =	strace $0x80000048  }
0xba: {  	_ =	swait.ge [sflag:s29], $0x1  }
0xbb: {  	[sflag:s29] =	ssyncadd.s32 $0xFFFFFFFF  }
0xbc: {  	_ =	strace $0x90000048  }
0xbd: {  	_ =	sfence  }
0xbe: {  	s30 =	sld [smem:$0x0];
	_ =	sdelay $0x2  }
0xbf: {  	s31 =	sshll.u32 s1, $0xD;
	s1 =	sshrl.u32 s1, $0x2  }
0xc0: {  	s3 =	sand.u32 $0x4000, s31;
	s1 =	sadd.s32 s1, s30  }
0xc1: {  	s0 =	sor.u32 s3, s0;
	s1 =	sshll.u32 s1, $0x11  }
0xc2: {  	s0 =	sor.u32 s1, s0  }
0xc3: {  	s0 =	sadd.s32 $0x8F2B, s0  }
0xc4: {  	[sflag:s0] =	ssyncadd.remote.s32 $0x1  }
0xc5: {  	_ =	sfence.sel $0xFFFF  }
0xc6: {  	[dreg:$0x0] =	wrdreg $0xFFFFFFFF;
	(pc) =	sbr.abs _section_cstart, $3  }
0xc7: {  	[dreg:$0x1] =	wrdreg $0xFFFFFFFF  }
0xc8: {  	_ =	task.clear_ibuf [dreg:s8], $0x2FFFF;
	_ =	strace $0x9FFFFFFF  }
0xc9: {  	(tm) =	ssettm $0x7FFFFFFF  }
tec
execute0_lowered:
.L_overlay_start_1:
0x0: {  	(tag) =	ssettag $0x1  }
0x1: {  	s1 =	rddreg [dreg:$0x0]  }
0x2: {  	s0 =	srdreg.scid;
	s2 =	rddreg [dreg:$0x1]  }
0x3: {  	s3 =	stileid.u32;
	s4 =	rddreg [dreg:$0x2];
	s9 =	simm.s32 $0x3  }
0x4: {  	s19 =	simm.s32 $0x1;
	s20 =	simm.s32 $0xA000;
	s21 =	simm.s32 $0xA800  }
0x5: {  	v2 =	vlaneseq.u32;
	s22 =	simm.s32 $0xB000;
	s5 =	sshll.u32 s3, $0x7;
	s3 =	simm.s32 $0x0  }
0x6: {  	s23 =	simm.s32 $0xB800;
	s24 =	simm.s32 $0xC000;
	v0 =	vshrl.u32 v2, $0x3;
	v1 =	vmul.u32 $0x10, v2;
	v3 =	vand.u32 $0x7, v2;
	[smem:$0x7FF] =	sst s3  }
0x7: {  	s28 =	simm.s32 $0xD800;
	s0 =	sand.u32 $0x1, s0;
	_ =	strace $0x80000047;
	[tilespmem:$0x1FF70] =	vst v3;
	v3 =	vmul.u32 $0x8, v0;
	v0 =	vor.u32 $0x8, v2  }
0x8: {  	s29 =	simm.s32 $0xE000;
	s30 =	simm.s32 $0xE100;
	s6 =	sshll.u32 s0, $0x6;
	v10 =	vor.u32 $0x1, v1;
	[tilespmem:$0x1FF80] =	vst v0  }
0x9: {  	s31 =	simm.s32 $0xE180;
	s0 =	ssub.s32 $0x2, s0;
	s5 =	sor.u32 s6, s5;
	v9 =	vor.u32 $0x2, v1;
	[tilespmem:$0x1FF90] =	vst v10  }
0xa: {  	s26 =	sshrl.u32 s0, $0x1;
	v42 =	vor.u32 $0x3, v1;
	s6 =	sshll.u32 s5, $0x5;
	s7 =	sshll.u32 s5, $0x4;
	[tilespmem:$0x1FFA0] =	vst v9  }
0xb: {  	v43 =	vor.u32 $0x4, v1;
	s8 =	sshrl.u32 s5, $0x3;
	s0 =	ssub.s32 s0, s26;
	s26 =	simm.s32 $0xD000;
	[tilespmem:$0x1FFB0] =	vst v42  }
0xc: {  	v44 =	vor.u32 $0x5, v1;
	[tilespmem:$0x1FFC0] =	vst v43;
	s6 =	sadd.s32 s6, s2;
	s25 =	sadd.s32 s7, s2;
	s2 =	sadd.s32 s8, s2  }
0xd: {  	v45 =	vor.u32 $0x6, v1;
	[tilespmem:$0x1FFD0] =	vst v44;
	s5 =	sadd.s32 $0x22200, s25;
	s7 =	sadd.s32 $0x2A200, s2;
	s25 =	simm.s32 $0xC800  }
0xe: {  	vm0 =	vmmov $0xffff;
	v46 =	vor.u32 $0x7, v1;
	v12 =	vor.u32 $0x8, v1;
	[tilespmem:$0x1FFE0] =	vst v45;
	s2 =	simm.s32 $0x2;
	[dreg:$0x4] =	wrdreg s5;
	s5 =	sadd.s32 $0x11E00, s6  }
0xf: {  	v13 =	vor.u32 $0x9, v1;
	v14 =	vor.u32 $0xA, v1;
	v15 =	vor.u32 $0xB, v1;
	[tilespmem:$0x1FFF0] =	vst v46;
	s6 =	sadd.s32 s4, s8;
	s8 =	smax.u32 s0, $0x1;
	s0 =	simm.s32 $0x0  }
.LBB2_1:
0x10: {  	s4 =	rddreg [dreg:$0x4]  }
0x11: {  	[tilespmem:s3], [sflag:$0x3] =	stream.linear.gather [hbm4b:s4+s3], $0x2000, $0x38;
	[tilespmem:$0xE200] =	vst v63  }
0x12: {  	_ =	swait.ge [sflag:s9], $0x2000  }
0x13: {  	[sflag:s9] =	ssyncset.done $0x0  }
0x14: {  	s10 =	simm.s32 $0x2000;
	[sflag:s9] =	ssyncadd.s32 $0xFFFFE000  }
0x15: {  	[tilespmem:s10], [sflag:$0x3] =	stream.linear.gather [hbm4b:s5+s3], $0x4000, $0x38;
	[tilespmem:$0xE200] =	vst v63  }
0x16: {  	_ =	swait.ge [sflag:s9], $0x4000  }
0x17: {  	[sflag:s9] =	ssyncset.done $0x0  }
0x18: {  	[sflag:s9] =	ssyncadd.s32 $0xFFFFC000  }
0x19: {  	v0 =	vld [tilespmem:$0x0];
	_ =	sdelay $0x2  }
0x1a: {  	v4 =	vld [tilespmem:$0x1FF70];
	_ =	sdelay $0x1  }
0x1b: {  	v5 =	vld [tilespmem:$0x1FF80];
	v2 =	vshll.u32 v0, $0x1  }
0x1c: {  	v0 =	vand.u32 $0x7, v0;
	v2 =	vand.u32 $0xFFFFFFF0, v2  }
0x1d: {  	v0 =	vor.u32 v0, v2  }
0x1e: {  	v2 =	vperm.xlane v0, v4;
	_ =	sdelay $0x1  }
0x1f: {  	v0 =	vperm.xlane v0, v5;
	v2 =	vadd.s32 v3, v2;
	_ =	sdelay $0x1  }
0x20: {  	v0 =	vadd.s32 v3, v0;
	_ =	sdelay $0x1  }
0x21: {  	s11 =	simm.s32 $0x6000  }
0x22: {  	[tilespmem:s11], [sflag:$0x1] =	stream.indirect_vreg.gather [hbm4b:s1+s3], $0x80, v2, vm0, $0xb8;
	[tilespmem:$0xE200] =	vst v63  }
0x23: {  	s12 =	simm.s32 $0x6800  }
0x24: {  	[tilespmem:s12], [sflag:$0x1] =	stream.indirect_vreg.gather [hbm4b:s1+s3], $0x80, v0, vm0, $0xb8;
	[tilespmem:$0xE200] =	vst v63  }
0x25: {  	v0 =	vld [tilespmem:$0x10];
	_ =	sdelay $0x4  }
0x26: {  	v2 =	vshll.u32 v0, $0x1  }
0x27: {  	v0 =	vand.u32 $0x7, v0;
	v2 =	vand.u32 $0xFFFFFFF0, v2  }
0x28: {  	v0 =	vor.u32 v0, v2  }
0x29: {  	v2 =	vperm.xlane v0, v4;
	_ =	sdelay $0x1  }
0x2a: {  	v0 =	vperm.xlane v0, v5;
	v2 =	vadd.s32 v3, v2;
	_ =	sdelay $0x1  }
0x2b: {  	v0 =	vadd.s32 v3, v0;
	_ =	sdelay $0x1  }
0x2c: {  	s13 =	simm.s32 $0x7000  }
0x2d: {  	[tilespmem:s13], [sflag:$0x1] =	stream.indirect_vreg.gather [hbm4b:s1+s3], $0x80, v2, vm0, $0xb8;
	[tilespmem:$0xE200] =	vst v63  }
0x2e: {  	s14 =	simm.s32 $0x7800  }
0x2f: {  	[tilespmem:s14], [sflag:$0x1] =	stream.indirect_vreg.gather [hbm4b:s1+s3], $0x80, v0, vm0, $0xb8;
	[tilespmem:$0xE200] =	vst v63  }
0x30: {  	v0 =	vld [tilespmem:$0x20];
	_ =	sdelay $0x4  }
0x31: {  	v2 =	vshll.u32 v0, $0x1  }
0x32: {  	v0 =	vand.u32 $0x7, v0;
	v2 =	vand.u32 $0xFFFFFFF0, v2  }
0x33: {  	v0 =	vor.u32 v0, v2  }
0x34: {  	v2 =	vperm.xlane v0, v4;
	_ =	sdelay $0x1  }
0x35: {  	v0 =	vperm.xlane v0, v5;
	v2 =	vadd.s32 v3, v2;
	_ =	sdelay $0x1  }
0x36: {  	v0 =	vadd.s32 v3, v0;
	_ =	sdelay $0x1  }
0x37: {  	s15 =	simm.s32 $0x8000  }
0x38: {  	[tilespmem:s15], [sflag:$0x1] =	stream.indirect_vreg.gather [hbm4b:s1+s3], $0x80, v2, vm0, $0xb8;
	[tilespmem:$0xE200] =	vst v63  }
0x39: {  	s16 =	simm.s32 $0x8800  }
0x3a: {  	[tilespmem:s16], [sflag:$0x1] =	stream.indirect_vreg.gather [hbm4b:s1+s3], $0x80, v0, vm0, $0xb8;
	[tilespmem:$0xE200] =	vst v63  }
0x3b: {  	v0 =	vld [tilespmem:$0x30];
	_ =	sdelay $0x4  }
0x3c: {  	v2 =	vshll.u32 v0, $0x1  }
0x3d: {  	v0 =	vand.u32 $0x7, v0;
	v2 =	vand.u32 $0xFFFFFFF0, v2  }
0x3e: {  	v0 =	vor.u32 v0, v2  }
0x3f: {  	v2 =	vperm.xlane v0, v4;
	_ =	sdelay $0x1  }
0x40: {  	v0 =	vperm.xlane v0, v5;
	v2 =	vadd.s32 v3, v2;
	_ =	sdelay $0x1  }
0x41: {  	v0 =	vadd.s32 v3, v0;
	_ =	sdelay $0x1  }
0x42: {  	s17 =	simm.s32 $0x9000  }
0x43: {  	[tilespmem:s17], [sflag:$0x1] =	stream.indirect_vreg.gather [hbm4b:s1+s3], $0x80, v2, vm0, $0xb8;
	[tilespmem:$0xE200] =	vst v63  }
0x44: {  	s18 =	simm.s32 $0x9800;
	s10 =	simm.s32 $0x0  }
0x45: {  	[tilespmem:s18], [sflag:$0x1] =	stream.indirect_vreg.gather [hbm4b:s1+s3], $0x80, v0, vm0, $0xb8;
	[tilespmem:$0xE200] =	vst v63  }
.LBB2_2:
0x46: {  	_ =	swait.ge [sflag:s19], $0x4000;
	s11 =	sshllo.u32 s10, $0x1  }
0x47: {  	[sflag:s19] =	ssyncset.done $0x0;
	s12 =	sshll.u32 s11, $0x7  }
0x48: {  	[sflag:s19] =	ssyncadd.s32 $0xFFFFC000;
	s4 =	sand.u32 $0x3FFFFF80, s12  }
0x49: {  	v0 =	vld [tilespmem:s4+$0x0];
	_ =	sdelay $0x2  }
0x4a: {  	v4 =	vld [tilespmem:$0x1FF70];
	_ =	sdelay $0x1  }
0x4b: {  	v5 =	vld [tilespmem:$0x1FF80];
	v2 =	vshll.u32 v0, $0x1  }
0x4c: {  	v0 =	vand.u32 $0x7, v0;
	v2 =	vand.u32 $0xFFFFFFF0, v2  }
0x4d: {  	v0 =	vor.u32 v0, v2  }
0x4e: {  	v2 =	vperm.xlane v0, v4;
	_ =	sdelay $0x1  }
0x4f: {  	v0 =	vperm.xlane v0, v5;
	v2 =	vadd.s32 v3, v2;
	_ =	sdelay $0x1  }
0x50: {  	v0 =	vadd.s32 v3, v0;
	_ =	sdelay $0x1  }
0x51: {  	s15 =	simm.s32 $0x0  }
0x52: {  	[tilespmem:s20], [sflag:$0x2] =	stream.indirect_vreg.gather [hbm4b:s1+s15], $0x80, v2, vm0, $0xb8;
	[tilespmem:$0xE200] =	vst v63  }
0x53: {  	_ = 	snop  }
0x54: {  	[tilespmem:s21], [sflag:$0x2] =	stream.indirect_vreg.gather [hbm4b:s1+s15], $0x80, v0, vm0, $0xb8;
	[tilespmem:$0xE200] =	vst v63  }
0x55: {  	v0 =	vld [tilespmem:s4+$0x10];
	_ =	sdelay $0x4  }
0x56: {  	v2 =	vshll.u32 v0, $0x1  }
0x57: {  	v0 =	vand.u32 $0x7, v0;
	v2 =	vand.u32 $0xFFFFFFF0, v2  }
0x58: {  	v0 =	vor.u32 v0, v2  }
0x59: {  	v2 =	vperm.xlane v0, v4;
	_ =	sdelay $0x1  }
0x5a: {  	v0 =	vperm.xlane v0, v5;
	v2 =	vadd.s32 v3, v2;
	_ =	sdelay $0x1  }
0x5b: {  	v0 =	vadd.s32 v3, v0;
	_ =	sdelay $0x2  }
0x5c: {  	[tilespmem:s22], [sflag:$0x2] =	stream.indirect_vreg.gather [hbm4b:s1+s15], $0x80, v2, vm0, $0xb8;
	[tilespmem:$0xE200] =	vst v63  }
0x5d: {  	_ = 	snop  }
0x5e: {  	[tilespmem:s23], [sflag:$0x2] =	stream.indirect_vreg.gather [hbm4b:s1+s15], $0x80, v0, vm0, $0xb8;
	[tilespmem:$0xE200] =	vst v63  }
0x5f: {  	v0 =	vld [tilespmem:s4+$0x20];
	_ =	sdelay $0x4  }
0x60: {  	v2 =	vshll.u32 v0, $0x1  }
0x61: {  	v0 =	vand.u32 $0x7, v0;
	v2 =	vand.u32 $0xFFFFFFF0, v2  }
0x62: {  	v0 =	vor.u32 v0, v2  }
0x63: {  	v2 =	vperm.xlane v0, v4;
	_ =	sdelay $0x1  }
0x64: {  	v0 =	vperm.xlane v0, v5;
	v2 =	vadd.s32 v3, v2;
	_ =	sdelay $0x1  }
0x65: {  	v0 =	vadd.s32 v3, v0;
	_ =	sdelay $0x2  }
0x66: {  	[tilespmem:s24], [sflag:$0x2] =	stream.indirect_vreg.gather [hbm4b:s1+s15], $0x80, v2, vm0, $0xb8;
	[tilespmem:$0xE200] =	vst v63  }
0x67: {  	_ = 	snop  }
0x68: {  	[tilespmem:s25], [sflag:$0x2] =	stream.indirect_vreg.gather [hbm4b:s1+s15], $0x80, v0, vm0, $0xb8;
	[tilespmem:$0xE200] =	vst v63  }
0x69: {  	v0 =	vld [tilespmem:s4+$0x30];
	_ =	sdelay $0x4  }
0x6a: {  	v2 =	vshll.u32 v0, $0x1  }
0x6b: {  	v0 =	vand.u32 $0x7, v0;
	v2 =	vand.u32 $0xFFFFFFF0, v2  }
0x6c: {  	v0 =	vor.u32 v0, v2  }
0x6d: {  	v2 =	vperm.xlane v0, v4;
	_ =	sdelay $0x1  }
0x6e: {  	v0 =	vperm.xlane v0, v5;
	v2 =	vadd.s32 v3, v2;
	_ =	sdelay $0x1  }
0x6f: {  	s16 =	sshll.u32 s10, $0x9;
	v0 =	vadd.s32 v3, v0  }
0x70: {  	s13 =	sshll.u32 s10, $0x8;
	s4 =	sand.u32 $0x3800, s16  }
0x71: {  	s14 =	sand.u32 $0x300, s13;
	s13 =	sadd.s32 $0x2000, s4  }
0x72: {  	[tilespmem:s26], [sflag:$0x2] =	stream.indirect_vreg.gather [hbm4b:s1+s15], $0x80, v2, vm0, $0xb8;
	[tilespmem:$0xE200] =	vst v63  }
0x73: {  	s14 =	sor.u32 s14, s13  }
0x74: {  	[tilespmem:s28], [sflag:$0x2] =	stream.indirect_vreg.gather [hbm4b:s1+s15], $0x80, v0, vm0, $0xb8;
	[tilespmem:$0xE200] =	vst v63  }
0x75: {  	s17 =	sand.u32 $0x800, s15;
	s15 =	sand.u32 $0x380, s15;
	v25 =	vld [tilespmem:s14+$0x0]  }
0x76: {  	v29 =	vld [tilespmem:s14+$0x10];
	s15 =	sor.u32 s15, s17  }
0x77: {  	v0 =	vld [tilespmem:s15+$0x6000]  }
0x78: {  	v2 =	vld [tilespmem:s15+$0x6010]  }
0x79: {  	v32 =	vld [tilespmem:s14+$0x20]  }
0x7a: {  	v4 =	vld [tilespmem:s15+$0x6020]  }
0x7b: {  	v27 =	vld [tilespmem:s14+$0x30]  }
0x7c: {  	v5 =	vld [tilespmem:s15+$0x6030]  }
0x7d: {  	v23 =	vld [tilespmem:s14+$0x40];
	v0 =	vsub.f32 v0, v25;
	v2 =	vsub.f32 v2, v29  }
0x7e: {  	v16 =	vld [tilespmem:s15+$0x6040]  }
0x7f: {  	v20 =	vld [tilespmem:s14+$0x50];
	v4 =	vsub.f32 v4, v32;
	v0 =	vmul.f32 v0, v0;
	v2 =	vmul.f32 v2, v2  }
0x80: {  	v17 =	vld [tilespmem:s15+$0x6050]  }
0x81: {  	v21 =	vld [tilespmem:s14+$0x60];
	v0 =	vadd.f32 v2, v0;
	v2 =	vmul.f32 v4, v4;
	v4 =	vsub.f32 v5, v27  }
0x82: {  	v5 =	vld [tilespmem:s15+$0x6060]  }
0x83: {  	v22 =	vld [tilespmem:s14+$0x70];
	v0 =	vadd.f32 v0, v2;
	v2 =	vmul.f32 v4, v4;
	v4 =	vsub.f32 v16, v23  }
0x84: {  	v16 =	vld [tilespmem:s15+$0x6070]  }
0x85: {  	v24 =	vld [tilespmem:s14+$0x400];
	v0 =	vadd.f32 v0, v2;
	v2 =	vmul.f32 v4, v4;
	v4 =	vsub.f32 v17, v20  }
0x86: {  	v17 =	vld [tilespmem:s15+$0x6400]  }
0x87: {  	v26 =	vld [tilespmem:s14+$0x410];
	v0 =	vadd.f32 v0, v2;
	v2 =	vmul.f32 v4, v4;
	v4 =	vsub.f32 v5, v21  }
0x88: {  	v5 =	vld [tilespmem:s15+$0x6410]  }
0x89: {  	v28 =	vld [tilespmem:s14+$0x420];
	v0 =	vadd.f32 v0, v2;
	v2 =	vmul.f32 v4, v4;
	v4 =	vsub.f32 v16, v22  }
0x8a: {  	v16 =	vld [tilespmem:s15+$0x6420]  }
0x8b: {  	v30 =	vld [tilespmem:s14+$0x430];
	v0 =	vadd.f32 v0, v2;
	v2 =	vmul.f32 v4, v4;
	v4 =	vsub.f32 v17, v24  }
0x8c: {  	v17 =	vld [tilespmem:s15+$0x6430]  }
0x8d: {  	v31 =	vld [tilespmem:s14+$0x440];
	v0 =	vadd.f32 v0, v2;
	v2 =	vmul.f32 v4, v4;
	v4 =	vsub.f32 v5, v26  }
0x8e: {  	v5 =	vld [tilespmem:s15+$0x6440]  }
0x8f: {  	v33 =	vld [tilespmem:s14+$0x450];
	v0 =	vadd.f32 v0, v2;
	v2 =	vmul.f32 v4, v4;
	v4 =	vsub.f32 v16, v28  }
0x90: {  	v16 =	vld [tilespmem:s15+$0x6450]  }
0x91: {  	v34 =	vld [tilespmem:s14+$0x460];
	v0 =	vadd.f32 v0, v2;
	v2 =	vmul.f32 v4, v4;
	v4 =	vsub.f32 v17, v30  }
0x92: {  	v17 =	vld [tilespmem:s15+$0x6460]  }
0x93: {  	v35 =	vld [tilespmem:s14+$0x470];
	v0 =	vadd.f32 v0, v2;
	v2 =	vmul.f32 v4, v4;
	v4 =	vsub.f32 v5, v31  }
0x94: {  	v5 =	vld [tilespmem:s15+$0x6470]  }
0x95: {  	v0 =	vadd.f32 v0, v2;
	v2 =	vmul.f32 v4, v4;
	v4 =	vsub.f32 v16, v33;
	_ =	sdelay $0x1  }
0x96: {  	v0 =	vadd.f32 v0, v2;
	v2 =	vmul.f32 v4, v4;
	v4 =	vsub.f32 v17, v34;
	_ =	sdelay $0x1  }
0x97: {  	v0 =	vadd.f32 v0, v2;
	v2 =	vmul.f32 v4, v4;
	v4 =	vsub.f32 v5, v35;
	_ =	sdelay $0x1  }
0x98: {  	v0 =	vadd.f32 v0, v2;
	v2 =	vmul.f32 v4, v4;
	_ =	sdelay $0x1  }
0x99: {  	s18 =	simm.s32 $0x100;
	s17 =	simm.s32 $0x80;
	v0 =	vadd.f32 v0, v2  }
0x9a: {  	s4 =	sand.u32 $0x800, s18;
	s16 =	sand.u32 $0x380, s17;
	s15 =	simm.s32 $0xE000  }
0x9b: {  	s18 =	simm.s32 $0x200;
	s14 =	sshll.u32 s10, $0x1;
	s16 =	sor.u32 s16, s4;
	[tilespmem:s15+$0x0] =	vst v0  }
.LBB2_3:
0x9c: {  	p0 =	sne.s32 s18, $0xF00;
	v0 =	vld [tilespmem:s16+$0x6000]  }
0x9d: {  	v2 =	vld [tilespmem:s16+$0x6010];
	_ =	sdelay $0x1  }
0x9e: {  	v4 =	vld [tilespmem:s16+$0x6020];
	_ =	sdelay $0x1  }
0x9f: {  	v5 =	vld [tilespmem:s16+$0x6030]  }
0xa0: {  	v0 =	vsub.f32 v0, v25;
	v2 =	vsub.f32 v2, v29  }
0xa1: {  	v16 =	vld [tilespmem:s16+$0x6040]  }
0xa2: {  	v0 =	vmul.f32 v0, v0;
	v2 =	vmul.f32 v2, v2;
	v4 =	vsub.f32 v4, v32  }
0xa3: {  	v17 =	vld [tilespmem:s16+$0x6050]  }
0xa4: {  	v0 =	vadd.f32 v2, v0;
	v2 =	vmul.f32 v4, v4;
	v4 =	vsub.f32 v5, v27  }
0xa5: {  	v5 =	vld [tilespmem:s16+$0x6060]  }
0xa6: {  	v0 =	vadd.f32 v0, v2;
	v2 =	vmul.f32 v4, v4;
	v4 =	vsub.f32 v16, v23  }
0xa7: {  	v16 =	vld [tilespmem:s16+$0x6070]  }
0xa8: {  	v0 =	vadd.f32 v0, v2;
	v2 =	vmul.f32 v4, v4;
	v4 =	vsub.f32 v17, v20  }
0xa9: {  	v17 =	vld [tilespmem:s16+$0x6400]  }
0xaa: {  	v0 =	vadd.f32 v0, v2;
	v2 =	vmul.f32 v4, v4;
	v4 =	vsub.f32 v5, v21  }
0xab: {  	v5 =	vld [tilespmem:s16+$0x6410]  }
0xac: {  	v0 =	vadd.f32 v0, v2;
	v2 =	vmul.f32 v4, v4;
	v4 =	vsub.f32 v16, v22  }
0xad: {  	v16 =	vld [tilespmem:s16+$0x6420]  }
0xae: {  	v0 =	vadd.f32 v0, v2;
	v2 =	vmul.f32 v4, v4;
	v4 =	vsub.f32 v17, v24  }
0xaf: {  	v17 =	vld [tilespmem:s16+$0x6430]  }
0xb0: {  	v0 =	vadd.f32 v0, v2;
	v2 =	vmul.f32 v4, v4;
	v4 =	vsub.f32 v5, v26  }
0xb1: {  	v5 =	vld [tilespmem:s16+$0x6440]  }
0xb2: {  	v0 =	vadd.f32 v0, v2;
	v2 =	vmul.f32 v4, v4;
	v4 =	vsub.f32 v16, v28  }
0xb3: {  	v16 =	vld [tilespmem:s16+$0x6450]  }
0xb4: {  	v0 =	vadd.f32 v0, v2;
	v2 =	vmul.f32 v4, v4;
	v4 =	vsub.f32 v17, v30  }
0xb5: {  	v17 =	vld [tilespmem:s16+$0x6460]  }
0xb6: {  	v0 =	vadd.f32 v0, v2;
	v2 =	vmul.f32 v4, v4;
	v4 =	vsub.f32 v5, v31  }
0xb7: {  	v5 =	vld [tilespmem:s16+$0x6470]  }
0xb8: {  	v0 =	vadd.f32 v0, v2;
	v2 =	vmul.f32 v4, v4;
	v4 =	vsub.f32 v16, v33;
	_ =	sdelay $0x1  }
0xb9: {  	v0 =	vadd.f32 v0, v2;
	v2 =	vmul.f32 v4, v4;
	v4 =	vsub.f32 v17, v34;
	_ =	sdelay $0x1  }
0xba: {  	v0 =	vadd.f32 v0, v2;
	v2 =	vmul.f32 v4, v4;
	v4 =	vsub.f32 v5, v35;
	_ =	sdelay $0x1  }
.Ltmp0:
0xbb: {  	v0 =	vadd.f32 v0, v2;
	v2 =	vmul.f32 v4, v4;
	(pc) =	sbr.rel @p0 .LBB2_3-.Ltmp0, $4  }
0xbc: {  	_ = 	snop  }
0xbd: {  	s17 =	sadd.s32 $0x80, s17;
	v0 =	vadd.f32 v0, v2  }
0xbe: {  	s4 =	sand.u32 $0x800, s18;
	s15 =	sadd.s32 $0x10, s15;
	s16 =	sand.u32 $0x380, s17  }
0xbf: {  	s18 =	sadd.s32 $0x100, s18;
	s16 =	sor.u32 s16, s4;
	[tilespmem:s15+$0x0] =	vst v0  }
0xc0: {  	v0 =	vld [tilespmem:s16+$0x6000]  }
0xc1: {  	v2 =	vld [tilespmem:s16+$0x6010];
	_ =	sdelay $0x1  }
0xc2: {  	v4 =	vld [tilespmem:s16+$0x6020];
	_ =	sdelay $0x1  }
0xc3: {  	v5 =	vld [tilespmem:s16+$0x6030]  }
0xc4: {  	v0 =	vsub.f32 v0, v25;
	v2 =	vsub.f32 v2, v29  }
0xc5: {  	v16 =	vld [tilespmem:s16+$0x6040]  }
0xc6: {  	v4 =	vsub.f32 v4, v32;
	v0 =	vmul.f32 v0, v0;
	v2 =	vmul.f32 v2, v2  }
0xc7: {  	v17 =	vld [tilespmem:s16+$0x6050]  }
0xc8: {  	v0 =	vadd.f32 v2, v0;
	v2 =	vmul.f32 v4, v4;
	v4 =	vsub.f32 v5, v27  }
0xc9: {  	v5 =	vld [tilespmem:s16+$0x6060]  }
0xca: {  	v0 =	vadd.f32 v0, v2;
	v2 =	vmul.f32 v4, v4;
	v4 =	vsub.f32 v16, v23  }
0xcb: {  	v16 =	vld [tilespmem:s16+$0x6070]  }
0xcc: {  	v0 =	vadd.f32 v0, v2;
	v2 =	vmul.f32 v4, v4;
	v4 =	vsub.f32 v17, v20  }
0xcd: {  	v17 =	vld [tilespmem:s16+$0x6400]  }
0xce: {  	v0 =	vadd.f32 v0, v2;
	v2 =	vmul.f32 v4, v4;
	v4 =	vsub.f32 v5, v21  }
0xcf: {  	v5 =	vld [tilespmem:s16+$0x6410]  }
0xd0: {  	v0 =	vadd.f32 v0, v2;
	v2 =	vmul.f32 v4, v4;
	v4 =	vsub.f32 v16, v22  }
0xd1: {  	v16 =	vld [tilespmem:s16+$0x6420]  }
0xd2: {  	v0 =	vadd.f32 v0, v2;
	v2 =	vmul.f32 v4, v4;
	v4 =	vsub.f32 v17, v24  }
0xd3: {  	v17 =	vld [tilespmem:s16+$0x6430]  }
0xd4: {  	v0 =	vadd.f32 v0, v2;
	v2 =	vmul.f32 v4, v4;
	v4 =	vsub.f32 v5, v26  }
0xd5: {  	v5 =	vld [tilespmem:s16+$0x6440]  }
0xd6: {  	v0 =	vadd.f32 v0, v2;
	v2 =	vmul.f32 v4, v4;
	v4 =	vsub.f32 v16, v28  }
0xd7: {  	v16 =	vld [tilespmem:s16+$0x6450]  }
0xd8: {  	v0 =	vadd.f32 v0, v2;
	v2 =	vmul.f32 v4, v4;
	v4 =	vsub.f32 v17, v30  }
0xd9: {  	v17 =	vld [tilespmem:s16+$0x6460]  }
0xda: {  	v0 =	vadd.f32 v0, v2;
	v2 =	vmul.f32 v4, v4;
	v4 =	vsub.f32 v5, v31  }
0xdb: {  	v5 =	vld [tilespmem:s16+$0x6470]  }
0xdc: {  	v0 =	vadd.f32 v0, v2;
	v2 =	vmul.f32 v4, v4;
	v4 =	vsub.f32 v16, v33;
	_ =	sdelay $0x1  }
0xdd: {  	v0 =	vadd.f32 v0, v2;
	v2 =	vmul.f32 v4, v4;
	v4 =	vsub.f32 v17, v34;
	_ =	sdelay $0x1  }
0xde: {  	v0 =	vadd.f32 v0, v2;
	v2 =	vmul.f32 v4, v4;
	v4 =	vsub.f32 v5, v35;
	_ =	sdelay $0x1  }
0xdf: {  	v0 =	vadd.f32 v0, v2;
	v2 =	vmul.f32 v4, v4;
	_ =	sdelay $0x1  }
0xe0: {  	s4 =	simm.s32 $0x0;
	v0 =	vadd.f32 v0, v2  }
0xe1: {  	s15 =	sadd.s32 $0x10, s15;
	s18 =	sand.u32 $0x800, s4;
	s17 =	sand.u32 $0x380, s4  }
0xe2: {  	s17 =	sor.u32 s17, s18;
	[tilespmem:s15+$0x0] =	vst v0  }
0xe3: {  	v0 =	vld [tilespmem:s17+$0x7000]  }
0xe4: {  	v2 =	vld [tilespmem:s17+$0x7010];
	_ =	sdelay $0x1  }
0xe5: {  	v4 =	vld [tilespmem:s17+$0x7020];
	_ =	sdelay $0x1  }
0xe6: {  	v5 =	vld [tilespmem:s17+$0x7030]  }
0xe7: {  	v0 =	vsub.f32 v0, v25;
	v2 =	vsub.f32 v2, v29  }
0xe8: {  	v16 =	vld [tilespmem:s17+$0x7040]  }
0xe9: {  	v4 =	vsub.f32 v4, v32;
	v0 =	vmul.f32 v0, v0;
	v2 =	vmul.f32 v2, v2  }
0xea: {  	v17 =	vld [tilespmem:s17+$0x7050]  }
0xeb: {  	v0 =	vadd.f32 v2, v0;
	v2 =	vmul.f32 v4, v4;
	v4 =	vsub.f32 v5, v27  }
0xec: {  	v5 =	vld [tilespmem:s17+$0x7060]  }
0xed: {  	v0 =	vadd.f32 v0, v2;
	v2 =	vmul.f32 v4, v4;
	v4 =	vsub.f32 v16, v23  }
0xee: {  	s4 =	sor.u32 s18, s4;
	s15 =	simm.s32 $0xE000;
	v16 =	vld [tilespmem:s17+$0x7070]  }
0xef: {  	s4 =	sor.u32 $0x1400, s4;
	v6 =	vld.idx.msk [tilespmem:v1+s15+$0x0], $0xffff;
	v0 =	vadd.f32 v0, v2;
	v2 =	vmul.f32 v4, v4;
	v4 =	vsub.f32 v17, v20  }
0xf0: {  	v17 =	vld [tilespmem:s4+$0x6000]  }
0xf1: {  	v54 =	vld.idx.msk [tilespmem:v10+s15+$0x0], $0xffff;
	v0 =	vadd.f32 v0, v2;
	v2 =	vmul.f32 v4, v4;
	v4 =	vsub.f32 v5, v21  }
0xf2: {  	v5 =	vld [tilespmem:s4+$0x6010]  }
0xf3: {  	v55 =	vld.idx.msk [tilespmem:v9+s15+$0x0], $0xffff;
	v0 =	vadd.f32 v0, v2;
	v2 =	vmul.f32 v4, v4;
	v4 =	vsub.f32 v16, v22  }
0xf4: {  	v16 =	vld [tilespmem:s4+$0x6020]  }
0xf5: {  	v56 =	vld.idx.msk [tilespmem:v42+s15+$0x0], $0xffff;
	v0 =	vadd.f32 v0, v2;
	v2 =	vmul.f32 v4, v4;
	v4 =	vsub.f32 v17, v24  }
0xf6: {  	v17 =	vld [tilespmem:s4+$0x6030]  }
0xf7: {  	v57 =	vld.idx.msk [tilespmem:v43+s15+$0x0], $0xffff;
	v0 =	vadd.f32 v0, v2;
	v2 =	vmul.f32 v4, v4;
	v4 =	vsub.f32 v5, v26  }
0xf8: {  	v5 =	vld [tilespmem:s4+$0x6040]  }
0xf9: {  	v18 =	vld [tilespmem:s4+$0x6060];
	v0 =	vadd.f32 v0, v2;
	v2 =	vmul.f32 v4, v4;
	v4 =	vsub.f32 v16, v28  }
0xfa: {  	v16 =	vld [tilespmem:s4+$0x6050]  }
0xfb: {  	v58 =	vld.idx.msk [tilespmem:v44+s15+$0x0], $0xffff;
	v0 =	vadd.f32 v0, v2;
	v2 =	vmul.f32 v4, v4;
	v4 =	vsub.f32 v17, v30  }
0xfc: {  	v59 =	vld.idx.msk [tilespmem:v45+s15+$0x0], $0xffff  }
0xfd: {  	v60 =	vld.idx.msk [tilespmem:v46+s15+$0x0], $0xffff;
	v0 =	vadd.f32 v0, v2;
	v2 =	vmul.f32 v4, v4;
	v4 =	vsub.f32 v5, v31  }
0xfe: {  	v5 =	vld [tilespmem:s4+$0x6070]  }
0xff: {  	[tilespmem:$0x1FE70] =	vst v6;
	v0 =	vadd.f32 v0, v2;
	v2 =	vmul.f32 v4, v4;
	v4 =	vsub.f32 v16, v33  }
0x100: {  	v61 =	vld.idx.msk [tilespmem:v12+s15+$0x0], $0xffff;
	[tilespmem:$0x1FE80] =	vst v54;
	v17 =	vor.u32 $0xD, v1  }
0x101: {  	[tilespmem:$0x1FE90] =	vst v55;
	v0 =	vadd.f32 v0, v2;
	v2 =	vmul.f32 v4, v4;
	v4 =	vsub.f32 v18, v34  }
0x102: {  	v62 =	vld.idx.msk [tilespmem:v13+s15+$0x0], $0xffff;
	[tilespmem:$0x1FEA0] =	vst v56;
	v16 =	vor.u32 $0xF, v1  }
0x103: {  	[tilespmem:$0x1FEB0] =	vst v57;
	v0 =	vadd.f32 v0, v2;
	v2 =	vmul.f32 v4, v4;
	v4 =	vsub.f32 v5, v35  }
0x104: {  	v19 =	vor.u32 $0xC, v1;
	[tilespmem:$0x1FEC0] =	vst v58;
	v5 =	vld.idx.msk [tilespmem:v15+s15+$0x0], $0xffff  }
0x105: {  	[tilespmem:$0x1FED0] =	vst v59;
	v18 =	vor.u32 $0xE, v1;
	v0 =	vadd.f32 v0, v2;
	v2 =	vmul.f32 v4, v4;
	v4 =	vld.idx.msk [tilespmem:v17+s15+$0x0], $0xffff  }
0x106: {  	v63 =	vld.idx.msk [tilespmem:v14+s15+$0x0], $0xffff;
	[tilespmem:$0x1FEE0] =	vst v60  }
0x107: {  	[tilespmem:$0x1FEF0] =	vst v61  }
0x108: {  	[tilespmem:$0x1FF00] =	vst v62;
	v0 =	vadd.f32 v0, v2;
	v2 =	vld.idx.msk [tilespmem:v16+s15+$0x0], $0xffff  }
0x109: {  	[tilespmem:$0x1FF20] =	vst v5;
	v5 =	vld.idx.msk [tilespmem:v19+s15+$0x0], $0xffff  }
0x10a: {  	[tilespmem:$0x1FF40] =	vst v4;
	v4 =	vld.idx.msk [tilespmem:v18+s15+$0x0], $0xffff  }
0x10b: {  	[tilespmem:$0x1FF10] =	vst v63  }
0x10c: {  	[tilespmem:s15+$0x0] =	vst v0  }
0x10d: {  	s18 =	simm.s32 $0x100;
	s16 =	simm.s32 $0x80;
	[tilespmem:$0x1FF60] =	vst v2  }
0x10e: {  	s18 =	sand.u32 $0x800, s18;
	s17 =	sand.u32 $0x380, s16;
	[tilespmem:$0x1FF30] =	vst v5  }
0x10f: {  	s4 =	sor.u32 s17, s18;
	s17 =	simm.s32 $0x200;
	[tilespmem:$0x1FF50] =	vst v4  }
.LBB2_5:
0x110: {  	p0 =	sne.s32 s17, $0xF00;
	v0 =	vld [tilespmem:s4+$0x7000]  }
0x111: {  	v2 =	vld [tilespmem:s4+$0x7010];
	_ =	sdelay $0x1  }
0x112: {  	v4 =	vld [tilespmem:s4+$0x7020];
	_ =	sdelay $0x1  }
0x113: {  	v5 =	vld [tilespmem:s4+$0x7030]  }
0x114: {  	v0 =	vsub.f32 v0, v25;
	v2 =	vsub.f32 v2, v29  }
0x115: {  	v36 =	vld [tilespmem:s4+$0x7040]  }
0x116: {  	v0 =	vmul.f32 v0, v0;
	v2 =	vmul.f32 v2, v2;
	v4 =	vsub.f32 v4, v32  }
0x117: {  	v37 =	vld [tilespmem:s4+$0x7050]  }
0x118: {  	v0 =	vadd.f32 v2, v0;
	v2 =	vmul.f32 v4, v4;
	v4 =	vsub.f32 v5, v27  }
0x119: {  	v5 =	vld [tilespmem:s4+$0x7060]  }
0x11a: {  	v0 =	vadd.f32 v0, v2;
	v2 =	vmul.f32 v4, v4;
	v4 =	vsub.f32 v36, v23  }
0x11b: {  	v36 =	vld [tilespmem:s4+$0x7070];
	s4 =	sor.u32 s18, s16  }
0x11c: {  	v0 =	vadd.f32 v0, v2;
	v2 =	vmul.f32 v4, v4;
	v4 =	vsub.f32 v37, v20;
	s4 =	sor.u32 $0x1400, s4  }
0x11d: {  	v37 =	vld [tilespmem:s4+$0x6000]  }
0x11e: {  	v0 =	vadd.f32 v0, v2;
	v2 =	vmul.f32 v4, v4;
	v4 =	vsub.f32 v5, v21  }
0x11f: {  	v5 =	vld [tilespmem:s4+$0x6010]  }
0x120: {  	v0 =	vadd.f32 v0, v2;
	v2 =	vmul.f32 v4, v4;
	v4 =	vsub.f32 v36, v22  }
0x121: {  	v36 =	vld [tilespmem:s4+$0x6020]  }
0x122: {  	v0 =	vadd.f32 v0, v2;
	v2 =	vmul.f32 v4, v4;
	v4 =	vsub.f32 v37, v24  }
0x123: {  	v37 =	vld [tilespmem:s4+$0x6030]  }
0x124: {  	v0 =	vadd.f32 v0, v2;
	v2 =	vmul.f32 v4, v4;
	v4 =	vsub.f32 v5, v26  }
0x125: {  	v5 =	vld [tilespmem:s4+$0x6040]  }
0x126: {  	v0 =	vadd.f32 v0, v2;
	v2 =	vmul.f32 v4, v4;
	v4 =	vsub.f32 v36, v28  }
0x127: {  	v36 =	vld [tilespmem:s4+$0x6050]  }
0x128: {  	v0 =	vadd.f32 v0, v2;
	v2 =	vmul.f32 v4, v4;
	v4 =	vsub.f32 v37, v30  }
0x129: {  	v37 =	vld [tilespmem:s4+$0x6060]  }
0x12a: {  	v0 =	vadd.f32 v0, v2;
	v2 =	vmul.f32 v4, v4;
	v4 =	vsub.f32 v5, v31  }
0x12b: {  	v5 =	vld [tilespmem:s4+$0x6070]  }
0x12c: {  	v0 =	vadd.f32 v0, v2;
	v2 =	vmul.f32 v4, v4;
	v4 =	vsub.f32 v36, v33;
	_ =	sdelay $0x1  }
0x12d: {  	v0 =	vadd.f32 v0, v2;
	v2 =	vmul.f32 v4, v4;
	v4 =	vsub.f32 v37, v34;
	_ =	sdelay $0x1  }
0x12e: {  	v0 =	vadd.f32 v0, v2;
	v2 =	vmul.f32 v4, v4;
	v4 =	vsub.f32 v5, v35;
	_ =	sdelay $0x1  }
.Ltmp1:
0x12f: {  	v0 =	vadd.f32 v0, v2;
	v2 =	vmul.f32 v4, v4;
	(pc) =	sbr.rel @p0 .LBB2_5-.Ltmp1, $4  }
0x130: {  	_ = 	snop  }
0x131: {  	s16 =	sadd.s32 $0x80, s16;
	v0 =	vadd.f32 v0, v2  }
0x132: {  	s15 =	sadd.s32 $0x10, s15;
	s18 =	sand.u32 $0x800, s17;
	s4 =	sand.u32 $0x380, s16  }
0x133: {  	s17 =	sadd.s32 $0x100, s17;
	s4 =	sor.u32 s4, s18;
	[tilespmem:s15+$0x0] =	vst v0  }
0x134: {  	v0 =	vld [tilespmem:s4+$0x7000]  }
0x135: {  	v2 =	vld [tilespmem:s4+$0x7010];
	_ =	sdelay $0x1  }
0x136: {  	v4 =	vld [tilespmem:s4+$0x7020];
	_ =	sdelay $0x1  }
0x137: {  	v5 =	vld [tilespmem:s4+$0x7030]  }
0x138: {  	v0 =	vsub.f32 v0, v25;
	v2 =	vsub.f32 v2, v29  }
0x139: {  	v36 =	vld [tilespmem:s4+$0x7040]  }
0x13a: {  	v4 =	vsub.f32 v4, v32;
	v0 =	vmul.f32 v0, v0;
	v2 =	vmul.f32 v2, v2  }
0x13b: {  	v37 =	vld [tilespmem:s4+$0x7050]  }
0x13c: {  	v0 =	vadd.f32 v2, v0;
	v2 =	vmul.f32 v4, v4;
	v4 =	vsub.f32 v5, v27  }
0x13d: {  	v5 =	vld [tilespmem:s4+$0x7060]  }
0x13e: {  	v0 =	vadd.f32 v0, v2;
	v2 =	vmul.f32 v4, v4;
	v4 =	vsub.f32 v36, v23  }
0x13f: {  	v48 =	vld [tilespmem:s4+$0x7070];
	s18 =	sor.u32 s18, s16  }
0x140: {  	s4 =	sor.u32 $0x1400, s18;
	v0 =	vadd.f32 v0, v2;
	v2 =	vmul.f32 v4, v4;
	v4 =	vsub.f32 v37, v20  }
0x141: {  	v49 =	vld [tilespmem:s4+$0x6000]  }
0x142: {  	v0 =	vadd.f32 v0, v2;
	v2 =	vmul.f32 v4, v4;
	v4 =	vsub.f32 v5, v21  }
0x143: {  	v5 =	vld [tilespmem:s4+$0x6010]  }
0x144: {  	v0 =	vadd.f32 v0, v2;
	v2 =	vmul.f32 v4, v4;
	v4 =	vsub.f32 v48, v22  }
0x145: {  	v50 =	vld [tilespmem:s4+$0x6020]  }
0x146: {  	v0 =	vadd.f32 v0, v2;
	v2 =	vmul.f32 v4, v4;
	v4 =	vsub.f32 v49, v24  }
0x147: {  	v51 =	vld [tilespmem:s4+$0x6030]  }
0x148: {  	v0 =	vadd.f32 v0, v2;
	v2 =	vmul.f32 v4, v4;
	v4 =	vsub.f32 v5, v26  }
0x149: {  	v5 =	vld [tilespmem:s4+$0x6040]  }
0x14a: {  	v0 =	vadd.f32 v0, v2;
	v2 =	vmul.f32 v4, v4;
	v4 =	vsub.f32 v50, v28  }
0x14b: {  	v52 =	vld [tilespmem:s4+$0x6050]  }
0x14c: {  	v0 =	vadd.f32 v0, v2;
	v2 =	vmul.f32 v4, v4;
	v4 =	vsub.f32 v51, v30  }
0x14d: {  	v53 =	vld [tilespmem:s4+$0x6060]  }
0x14e: {  	v0 =	vadd.f32 v0, v2;
	v2 =	vmul.f32 v4, v4;
	v4 =	vsub.f32 v5, v31  }
0x14f: {  	v5 =	vld [tilespmem:s4+$0x6070]  }
0x150: {  	v0 =	vadd.f32 v0, v2;
	v2 =	vmul.f32 v4, v4;
	v4 =	vsub.f32 v52, v33;
	_ =	sdelay $0x1  }
0x151: {  	v0 =	vadd.f32 v0, v2;
	v2 =	vmul.f32 v4, v4;
	v4 =	vsub.f32 v53, v34;
	_ =	sdelay $0x1  }
0x152: {  	v0 =	vadd.f32 v0, v2;
	v2 =	vmul.f32 v4, v4;
	v4 =	vsub.f32 v5, v35;
	_ =	sdelay $0x1  }
0x153: {  	v0 =	vadd.f32 v0, v2;
	v2 =	vmul.f32 v4, v4;
	_ =	sdelay $0x1  }
0x154: {  	s16 =	simm.s32 $0x0;
	v0 =	vadd.f32 v0, v2  }
0x155: {  	s15 =	sadd.s32 $0x10, s15;
	s17 =	sand.u32 $0x380, s16;
	s18 =	sand.u32 $0x800, s16  }
0x156: {  	s17 =	sor.u32 s17, s18;
	[tilespmem:s15+$0x0] =	vst v0  }
0x157: {  	v0 =	vld [tilespmem:s17+$0x8000]  }
0x158: {  	v2 =	vld [tilespmem:s17+$0x8010];
	_ =	sdelay $0x1  }
0x159: {  	v4 =	vld [tilespmem:s17+$0x8020];
	_ =	sdelay $0x1  }
0x15a: {  	v5 =	vld [tilespmem:s17+$0x8030]  }
0x15b: {  	v0 =	vsub.f32 v0, v25;
	v2 =	vsub.f32 v2, v29  }
0x15c: {  	v54 =	vld [tilespmem:s17+$0x8040]  }
0x15d: {  	v4 =	vsub.f32 v4, v32;
	v0 =	vmul.f32 v0, v0;
	v2 =	vmul.f32 v2, v2  }
0x15e: {  	v55 =	vld [tilespmem:s17+$0x8050]  }
0x15f: {  	v0 =	vadd.f32 v2, v0;
	v2 =	vmul.f32 v4, v4;
	v4 =	vsub.f32 v5, v27  }
0x160: {  	v5 =	vld [tilespmem:s17+$0x8060]  }
0x161: {  	v0 =	vadd.f32 v0, v2;
	v2 =	vmul.f32 v4, v4;
	v4 =	vsub.f32 v54, v23  }
0x162: {  	s4 =	sor.u32 s18, s16;
	v56 =	vld [tilespmem:s17+$0x8070]  }
0x163: {  	s4 =	sor.u32 $0x2400, s4;
	v0 =	vadd.f32 v0, v2;
	v2 =	vmul.f32 v4, v4;
	v4 =	vsub.f32 v55, v20  }
0x164: {  	v57 =	vld [tilespmem:s4+$0x6000]  }
0x165: {  	v0 =	vadd.f32 v0, v2;
	v2 =	vmul.f32 v4, v4;
	v4 =	vsub.f32 v5, v21  }
0x166: {  	v5 =	vld [tilespmem:s4+$0x6010]  }
0x167: {  	v0 =	vadd.f32 v0, v2;
	v2 =	vmul.f32 v4, v4;
	v4 =	vsub.f32 v56, v22  }
0x168: {  	s15 =	simm.s32 $0xE000;
	v58 =	vld [tilespmem:s4+$0x6020]  }
0x169: {  	v60 =	vld.idx.msk [tilespmem:v1+s15+$0x0], $0xffff;
	v37 =	vsub.f32 v57, v24;
	v2 =	vadd.f32 v0, v2;
	v4 =	vmul.f32 v4, v4  }
0x16a: {  	v38 =	vld [tilespmem:s4+$0x6030]  }
0x16b: {  	v61 =	vld.idx.msk [tilespmem:v10+s15+$0x0], $0xffff;
	v37 =	vmul.f32 v37, v37;
	v5 =	vsub.f32 v5, v26;
	v4 =	vadd.f32 v2, v4  }
0x16c: {  	v39 =	vld [tilespmem:s4+$0x6040]  }
0x16d: {  	v59 =	vld [tilespmem:s4+$0x6050];
	v36 =	vsub.f32 v58, v28;
	v5 =	vmul.f32 v5, v5;
	v4 =	vadd.f32 v4, v37  }
0x16e: {  	v63 =	vld.idx.msk [tilespmem:v43+s15+$0x0], $0xffff  }
0x16f: {  	v40 =	vld [tilespmem:s4+$0x6060];
	v38 =	vsub.f32 v38, v30;
	v36 =	vmul.f32 v36, v36;
	v5 =	vadd.f32 v4, v5  }
0x170: {  	v41 =	vld [tilespmem:s4+$0x6070]  }
0x171: {  	v62 =	vld.idx.msk [tilespmem:v46+s15+$0x0], $0xffff;
	v39 =	vsub.f32 v39, v31;
	v38 =	vmul.f32 v38, v38;
	v5 =	vadd.f32 v5, v36  }
0x172: {  	v53 =	vld.idx.msk [tilespmem:v18+s15+$0x0], $0xffff  }
0x173: {  	v37 =	vsub.f32 v59, v33;
	v36 =	vld.idx.msk [tilespmem:v45+s15+$0x0], $0xffff;
	v45 =	vmul.f32 v39, v39;
	v5 =	vadd.f32 v5, v38  }
0x174: {  	v52 =	vld.idx.msk [tilespmem:v16+s15+$0x0], $0xffff  }
0x175: {  	v47 =	vsub.f32 v40, v34;
	v58 =	vld.idx.msk [tilespmem:v13+s15+$0x0], $0xffff;
	v37 =	vmul.f32 v37, v37;
	v5 =	vadd.f32 v5, v45  }
0x176: {  	v57 =	vld.idx.msk [tilespmem:v14+s15+$0x0], $0xffff  }
0x177: {  	v49 =	vsub.f32 v41, v35;
	v48 =	vmul.f32 v47, v47;
	v54 =	vld.idx.msk [tilespmem:v17+s15+$0x0], $0xffff;
	v5 =	vadd.f32 v5, v37  }
0x178: {  	v55 =	vld.idx.msk [tilespmem:v19+s15+$0x0], $0xffff  }
0x179: {  	v50 =	vmul.f32 v49, v49;
	v56 =	vld.idx.msk [tilespmem:v15+s15+$0x0], $0xffff;
	v5 =	vadd.f32 v5, v48  }
0x17a: {  	v0 =	vld.idx.msk [tilespmem:v9+s15+$0x0], $0xffff  }
0x17b: {  	s18 =	simm.s32 $0x100;
	s16 =	simm.s32 $0x80;
	v2 =	vld.idx.msk [tilespmem:v42+s15+$0x0], $0xffff;
	v5 =	vadd.f32 v5, v50  }
0x17c: {  	s18 =	sand.u32 $0x800, s18;
	s17 =	sand.u32 $0x380, s16;
	v59 =	vld.idx.msk [tilespmem:v12+s15+$0x0], $0xffff  }
0x17d: {  	s4 =	sor.u32 s17, s18;
	s17 =	simm.s32 $0x200;
	v4 =	vld.idx.msk [tilespmem:v44+s15+$0x0], $0xffff;
	[tilespmem:s15+$0x0] =	vst v5  }
.LBB2_7:
0x17e: {  	p0 =	sne.s32 s17, $0xF00;
	v5 =	vld [tilespmem:s4+$0x8000]  }
0x17f: {  	v37 =	vld [tilespmem:s4+$0x8010];
	_ =	sdelay $0x1  }
0x180: {  	v38 =	vld [tilespmem:s4+$0x8020];
	_ =	sdelay $0x1  }
0x181: {  	v39 =	vld [tilespmem:s4+$0x8030]  }
0x182: {  	v5 =	vsub.f32 v5, v25;
	v37 =	vsub.f32 v37, v29  }
0x183: {  	v40 =	vld [tilespmem:s4+$0x8040]  }
0x184: {  	v5 =	vmul.f32 v5, v5;
	v37 =	vmul.f32 v37, v37;
	v38 =	vsub.f32 v38, v32  }
0x185: {  	v41 =	vld [tilespmem:s4+$0x8050]  }
0x186: {  	v5 =	vadd.f32 v37, v5;
	v37 =	vmul.f32 v38, v38;
	v38 =	vsub.f32 v39, v27  }
0x187: {  	v39 =	vld [tilespmem:s4+$0x8060]  }
0x188: {  	v5 =	vadd.f32 v5, v37;
	v37 =	vmul.f32 v38, v38;
	v38 =	vsub.f32 v40, v23  }
0x189: {  	v40 =	vld [tilespmem:s4+$0x8070];
	s4 =	sor.u32 s18, s16  }
0x18a: {  	v5 =	vadd.f32 v5, v37;
	v37 =	vmul.f32 v38, v38;
	v38 =	vsub.f32 v41, v20;
	s4 =	sor.u32 $0x2400, s4  }
0x18b: {  	v41 =	vld [tilespmem:s4+$0x6000]  }
0x18c: {  	v5 =	vadd.f32 v5, v37;
	v37 =	vmul.f32 v38, v38;
	v38 =	vsub.f32 v39, v21  }
0x18d: {  	v39 =	vld [tilespmem:s4+$0x6010]  }
0x18e: {  	v5 =	vadd.f32 v5, v37;
	v37 =	vmul.f32 v38, v38;
	v38 =	vsub.f32 v40, v22  }
0x18f: {  	v40 =	vld [tilespmem:s4+$0x6020]  }
0x190: {  	v5 =	vadd.f32 v5, v37;
	v37 =	vmul.f32 v38, v38;
	v38 =	vsub.f32 v41, v24  }
0x191: {  	v41 =	vld [tilespmem:s4+$0x6030]  }
0x192: {  	v5 =	vadd.f32 v5, v37;
	v37 =	vmul.f32 v38, v38;
	v38 =	vsub.f32 v39, v26  }
0x193: {  	v39 =	vld [tilespmem:s4+$0x6040]  }
0x194: {  	v5 =	vadd.f32 v5, v37;
	v37 =	vmul.f32 v38, v38;
	v38 =	vsub.f32 v40, v28  }
0x195: {  	v40 =	vld [tilespmem:s4+$0x6050]  }
0x196: {  	v5 =	vadd.f32 v5, v37;
	v37 =	vmul.f32 v38, v38;
	v38 =	vsub.f32 v41, v30  }
0x197: {  	v41 =	vld [tilespmem:s4+$0x6060]  }
0x198: {  	v5 =	vadd.f32 v5, v37;
	v37 =	vmul.f32 v38, v38;
	v38 =	vsub.f32 v39, v31  }
0x199: {  	v39 =	vld [tilespmem:s4+$0x6070]  }
0x19a: {  	v5 =	vadd.f32 v5, v37;
	v37 =	vmul.f32 v38, v38;
	v38 =	vsub.f32 v40, v33;
	_ =	sdelay $0x1  }
0x19b: {  	v5 =	vadd.f32 v5, v37;
	v37 =	vmul.f32 v38, v38;
	v38 =	vsub.f32 v41, v34;
	_ =	sdelay $0x1  }
0x19c: {  	v5 =	vadd.f32 v5, v37;
	v37 =	vmul.f32 v38, v38;
	v38 =	vsub.f32 v39, v35;
	_ =	sdelay $0x1  }
.Ltmp2:
0x19d: {  	v5 =	vadd.f32 v5, v37;
	v37 =	vmul.f32 v38, v38;
	(pc) =	sbr.rel @p0 .LBB2_7-.Ltmp2, $4  }
0x19e: {  	_ = 	snop  }
0x19f: {  	s16 =	sadd.s32 $0x80, s16;
	v5 =	vadd.f32 v5, v37  }
0x1a0: {  	s15 =	sadd.s32 $0x10, s15;
	s18 =	sand.u32 $0x800, s17;
	s4 =	sand.u32 $0x380, s16  }
0x1a1: {  	s17 =	sadd.s32 $0x100, s17;
	s4 =	sor.u32 s4, s18;
	[tilespmem:s15+$0x0] =	vst v5  }
0x1a2: {  	v5 =	vld [tilespmem:s4+$0x8000]  }
0x1a3: {  	v37 =	vld [tilespmem:s4+$0x8010];
	_ =	sdelay $0x1  }
0x1a4: {  	v38 =	vld [tilespmem:s4+$0x8020];
	_ =	sdelay $0x1  }
0x1a5: {  	v39 =	vld [tilespmem:s4+$0x8030]  }
0x1a6: {  	v5 =	vsub.f32 v5, v25;
	v37 =	vsub.f32 v37, v29  }
0x1a7: {  	v40 =	vld [tilespmem:s4+$0x8040]  }
0x1a8: {  	v38 =	vsub.f32 v38, v32;
	v5 =	vmul.f32 v5, v5;
	v37 =	vmul.f32 v37, v37  }
0x1a9: {  	v41 =	vld [tilespmem:s4+$0x8050]  }
0x1aa: {  	v48 =	vsub.f32 v39, v27;
	v47 =	vmul.f32 v38, v38;
	v5 =	vadd.f32 v37, v5  }
0x1ab: {  	v49 =	vld [tilespmem:s4+$0x8060]  }
0x1ac: {  	v51 =	vsub.f32 v40, v23;
	v50 =	vmul.f32 v48, v48;
	v5 =	vadd.f32 v5, v47  }
0x1ad: {  	v8 =	vld [tilespmem:s4+$0x8070];
	s18 =	sor.u32 s18, s16  }
0x1ae: {  	s4 =	sor.u32 $0x2400, s18;
	v45 =	vsub.f32 v41, v20;
	v11 =	vmul.f32 v51, v51;
	v5 =	vadd.f32 v5, v50  }
0x1af: {  	v47 =	vld [tilespmem:s4+$0x6000]  }
0x1b0: {  	v49 =	vsub.f32 v49, v21;
	v48 =	vmul.f32 v45, v45;
	v5 =	vadd.f32 v5, v11  }
0x1b1: {  	v50 =	vld [tilespmem:s4+$0x6010]  }
0x1b2: {  	v8 =	vsub.f32 v8, v22;
	v51 =	vmul.f32 v49, v49;
	v5 =	vadd.f32 v5, v48  }
0x1b3: {  	v11 =	vld [tilespmem:s4+$0x6020]  }
0x1b4: {  	v45 =	vmul.f32 v8, v8;
	v47 =	vsub.f32 v47, v24;
	v5 =	vadd.f32 v5, v51  }
0x1b5: {  	v48 =	vld [tilespmem:s4+$0x6030]  }
0x1b6: {  	v49 =	vmul.f32 v47, v47;
	v50 =	vsub.f32 v50, v26;
	v5 =	vadd.f32 v5, v45  }
0x1b7: {  	v51 =	vld [tilespmem:s4+$0x6040]  }
0x1b8: {  	v8 =	vmul.f32 v50, v50;
	v11 =	vsub.f32 v11, v28;
	v5 =	vadd.f32 v5, v49  }
0x1b9: {  	v45 =	vld [tilespmem:s4+$0x6050]  }
0x1ba: {  	v47 =	vmul.f32 v11, v11;
	v48 =	vsub.f32 v48, v30;
	v5 =	vadd.f32 v5, v8  }
0x1bb: {  	v49 =	vld [tilespmem:s4+$0x6060]  }
0x1bc: {  	v50 =	vmul.f32 v48, v48;
	v51 =	vsub.f32 v51, v31;
	v5 =	vadd.f32 v5, v47  }
0x1bd: {  	v8 =	vld [tilespmem:s4+$0x6070]  }
0x1be: {  	v11 =	vmul.f32 v51, v51;
	v40 =	vsub.f32 v45, v33;
	v5 =	vadd.f32 v5, v50;
	_ =	sdelay $0x1  }
0x1bf: {  	v45 =	vmul.f32 v40, v40;
	v47 =	vsub.f32 v49, v34;
	v5 =	vadd.f32 v5, v11;
	_ =	sdelay $0x1  }
0x1c0: {  	v48 =	vmul.f32 v47, v47;
	v49 =	vsub.f32 v8, v35;
	v5 =	vadd.f32 v5, v45;
	_ =	sdelay $0x1  }
0x1c1: {  	v50 =	vmul.f32 v49, v49;
	v5 =	vadd.f32 v5, v48;
	_ =	sdelay $0x1  }
0x1c2: {  	s16 =	simm.s32 $0x0;
	v5 =	vadd.f32 v5, v50  }
0x1c3: {  	s15 =	sadd.s32 $0x10, s15;
	s18 =	sand.u32 $0x800, s16;
	s17 =	sand.u32 $0x380, s16  }
0x1c4: {  	s17 =	sor.u32 s17, s18;
	[tilespmem:s15+$0x0] =	vst v5  }
0x1c5: {  	v5 =	vld [tilespmem:s17+$0x9000]  }
0x1c6: {  	v51 =	vld [tilespmem:s17+$0x9010];
	_ =	sdelay $0x1  }
0x1c7: {  	v8 =	vld [tilespmem:s17+$0x9020];
	_ =	sdelay $0x1  }
0x1c8: {  	v11 =	vld [tilespmem:s17+$0x9030]  }
0x1c9: {  	v5 =	vsub.f32 v5, v25;
	v37 =	vsub.f32 v51, v29  }
0x1ca: {  	v45 =	vld [tilespmem:s17+$0x9040]  }
0x1cb: {  	v38 =	vsub.f32 v8, v32;
	v5 =	vmul.f32 v5, v5;
	v37 =	vmul.f32 v37, v37  }
0x1cc: {  	v47 =	vld [tilespmem:s17+$0x9050]  }
0x1cd: {  	v49 =	vsub.f32 v11, v27;
	v48 =	vmul.f32 v38, v38;
	v5 =	vadd.f32 v37, v5  }
0x1ce: {  	v50 =	vld [tilespmem:s17+$0x9060]  }
0x1cf: {  	v8 =	vsub.f32 v45, v23;
	v51 =	vmul.f32 v49, v49;
	v5 =	vadd.f32 v5, v48  }
0x1d0: {  	s4 =	sor.u32 s18, s16;
	v11 =	vld [tilespmem:s17+$0x9070]  }
0x1d1: {  	s4 =	sor.u32 $0x3400, s4;
	v47 =	vsub.f32 v47, v20;
	v45 =	vmul.f32 v8, v8;
	v5 =	vadd.f32 v5, v51  }
0x1d2: {  	v48 =	vld [tilespmem:s4+$0x6000]  }
0x1d3: {  	v50 =	vsub.f32 v50, v21;
	v49 =	vmul.f32 v47, v47;
	v5 =	vadd.f32 v5, v45  }
0x1d4: {  	v39 =	vld [tilespmem:s4+$0x6010]  }
0x1d5: {  	v40 =	vld [tilespmem:s4+$0x6020];
	v8 =	vsub.f32 v11, v22;
	v51 =	vmul.f32 v50, v50;
	v5 =	vadd.f32 v5, v49  }
0x1d6: {  	s15 =	simm.s32 $0xE000;
	v41 =	vld [tilespmem:s4+$0x6030]  }
0x1d7: {  	v47 =	vld.idx.msk [tilespmem:v10+s15+$0x0], $0xffff;
	v10 =	vmul.f32 v8, v8;
	v11 =	vsub.f32 v48, v24;
	v5 =	vadd.f32 v5, v51  }
0x1d8: {  	v6 =	vld [tilespmem:s4+$0x6070]  }
0x1d9: {  	v48 =	vld.idx.msk [tilespmem:v9+s15+$0x0], $0xffff;
	v9 =	vsub.f32 v39, v26;
	v8 =	vmul.f32 v11, v11;
	v5 =	vadd.f32 v5, v10  }
0x1da: {  	v39 =	vld [tilespmem:s4+$0x6040]  }
0x1db: {  	v46 =	vld.idx.msk [tilespmem:v46+s15+$0x0], $0xffff;
	v11 =	vsub.f32 v40, v28;
	v10 =	vmul.f32 v9, v9;
	v5 =	vadd.f32 v5, v8  }
0x1dc: {  	v40 =	vld [tilespmem:s4+$0x6050]  }
0x1dd: {  	v50 =	vld.idx.msk [tilespmem:v43+s15+$0x0], $0xffff;
	v9 =	vsub.f32 v41, v30;
	v8 =	vmul.f32 v11, v11;
	v5 =	vadd.f32 v5, v10  }
0x1de: {  	v10 =	vld [tilespmem:s4+$0x6060]  }
0x1df: {  	v43 =	vld.idx.msk [tilespmem:v13+s15+$0x0], $0xffff;
	v39 =	vsub.f32 v39, v31;
	v38 =	vmul.f32 v9, v9;
	v37 =	vadd.f32 v5, v8  }
0x1e0: {  	v45 =	vld.idx.msk [tilespmem:v1+s15+$0x0], $0xffff  }
0x1e1: {  	v11 =	vmul.f32 v39, v39;
	v5 =	vld [tilespmem:$0x1FFE0];
	v8 =	vsub.f32 v40, v33;
	v37 =	vadd.f32 v37, v38  }
0x1e2: {  	v49 =	vld.idx.msk [tilespmem:v42+s15+$0x0], $0xffff  }
0x1e3: {  	v42 =	vld.idx.msk [tilespmem:v14+s15+$0x0], $0xffff;
	v9 =	vmul.f32 v8, v8;
	v10 =	vsub.f32 v10, v34;
	v37 =	vadd.f32 v37, v11  }
0x1e4: {  	v51 =	vld.idx.msk [tilespmem:v44+s15+$0x0], $0xffff  }
0x1e5: {  	v6 =	vsub.f32 v6, v35;
	v44 =	vld.idx.msk [tilespmem:v12+s15+$0x0], $0xffff;
	v11 =	vmul.f32 v10, v10;
	v37 =	vadd.f32 v37, v9  }
0x1e6: {  	v41 =	vld.idx.msk [tilespmem:v15+s15+$0x0], $0xffff  }
0x1e7: {  	v6 =	vmul.f32 v6, v6;
	v39 =	vld.idx.msk [tilespmem:v17+s15+$0x0], $0xffff;
	v38 =	vadd.f32 v37, v11  }
0x1e8: {  	v40 =	vld.idx.msk [tilespmem:v19+s15+$0x0], $0xffff  }
0x1e9: {  	s18 =	simm.s32 $0x100;
	s16 =	simm.s32 $0x80;
	v5 =	vld.idx.msk [tilespmem:v5+s15+$0x0], $0xffff;
	v6 =	vadd.f32 v38, v6  }
0x1ea: {  	s18 =	sand.u32 $0x800, s18;
	s17 =	sand.u32 $0x380, s16;
	v37 =	vld.idx.msk [tilespmem:v18+s15+$0x0], $0xffff  }
0x1eb: {  	s4 =	sor.u32 s17, s18;
	s17 =	simm.s32 $0x200;
	v38 =	vld.idx.msk [tilespmem:v16+s15+$0x0], $0xffff;
	[tilespmem:s15+$0x0] =	vst v6  }
.LBB2_9:
0x1ec: {  	p0 =	sne.s32 s17, $0xF00;
	v6 =	vld [tilespmem:s4+$0x9000]  }
0x1ed: {  	v7 =	vld [tilespmem:s4+$0x9010];
	_ =	sdelay $0x1  }
0x1ee: {  	v8 =	vld [tilespmem:s4+$0x9020];
	_ =	sdelay $0x1  }
0x1ef: {  	v9 =	vld [tilespmem:s4+$0x9030]  }
0x1f0: {  	v6 =	vsub.f32 v6, v25;
	v7 =	vsub.f32 v7, v29  }
0x1f1: {  	v10 =	vld [tilespmem:s4+$0x9040]  }
0x1f2: {  	v6 =	vmul.f32 v6, v6;
	v7 =	vmul.f32 v7, v7;
	v8 =	vsub.f32 v8, v32  }
0x1f3: {  	v11 =	vld [tilespmem:s4+$0x9050]  }
0x1f4: {  	v6 =	vadd.f32 v7, v6;
	v7 =	vmul.f32 v8, v8;
	v8 =	vsub.f32 v9, v27  }
0x1f5: {  	v9 =	vld [tilespmem:s4+$0x9060]  }
0x1f6: {  	v6 =	vadd.f32 v6, v7;
	v7 =	vmul.f32 v8, v8;
	v8 =	vsub.f32 v10, v23  }
0x1f7: {  	v10 =	vld [tilespmem:s4+$0x9070];
	s4 =	sor.u32 s18, s16  }
0x1f8: {  	v6 =	vadd.f32 v6, v7;
	v7 =	vmul.f32 v8, v8;
	v8 =	vsub.f32 v11, v20;
	s4 =	sor.u32 $0x3400, s4  }
0x1f9: {  	v11 =	vld [tilespmem:s4+$0x6000]  }
0x1fa: {  	v6 =	vadd.f32 v6, v7;
	v7 =	vmul.f32 v8, v8;
	v8 =	vsub.f32 v9, v21  }
0x1fb: {  	v9 =	vld [tilespmem:s4+$0x6010]  }
0x1fc: {  	v6 =	vadd.f32 v6, v7;
	v7 =	vmul.f32 v8, v8;
	v8 =	vsub.f32 v10, v22  }
0x1fd: {  	v10 =	vld [tilespmem:s4+$0x6020]  }
0x1fe: {  	v6 =	vadd.f32 v6, v7;
	v7 =	vmul.f32 v8, v8;
	v8 =	vsub.f32 v11, v24  }
0x1ff: {  	v11 =	vld [tilespmem:s4+$0x6030]  }
0x200: {  	v6 =	vadd.f32 v6, v7;
	v7 =	vmul.f32 v8, v8;
	v8 =	vsub.f32 v9, v26  }
0x201: {  	v9 =	vld [tilespmem:s4+$0x6040]  }
0x202: {  	v6 =	vadd.f32 v6, v7;
	v7 =	vmul.f32 v8, v8;
	v8 =	vsub.f32 v10, v28  }
0x203: {  	v10 =	vld [tilespmem:s4+$0x6050]  }
0x204: {  	v6 =	vadd.f32 v6, v7;
	v7 =	vmul.f32 v8, v8;
	v8 =	vsub.f32 v11, v30  }
0x205: {  	v11 =	vld [tilespmem:s4+$0x6060]  }
0x206: {  	v6 =	vadd.f32 v6, v7;
	v7 =	vmul.f32 v8, v8;
	v8 =	vsub.f32 v9, v31  }
0x207: {  	v9 =	vld [tilespmem:s4+$0x6070]  }
0x208: {  	v6 =	vadd.f32 v6, v7;
	v7 =	vmul.f32 v8, v8;
	v8 =	vsub.f32 v10, v33;
	_ =	sdelay $0x1  }
0x209: {  	v6 =	vadd.f32 v6, v7;
	v7 =	vmul.f32 v8, v8;
	v8 =	vsub.f32 v11, v34;
	_ =	sdelay $0x1  }
0x20a: {  	v6 =	vadd.f32 v6, v7;
	v7 =	vmul.f32 v8, v8;
	v8 =	vsub.f32 v9, v35;
	_ =	sdelay $0x1  }
.Ltmp3:
0x20b: {  	v6 =	vadd.f32 v6, v7;
	v7 =	vmul.f32 v8, v8;
	(pc) =	sbr.rel @p0 .LBB2_9-.Ltmp3, $4  }
0x20c: {  	_ = 	snop  }
0x20d: {  	s16 =	sadd.s32 $0x80, s16;
	v6 =	vadd.f32 v6, v7  }
0x20e: {  	s15 =	sadd.s32 $0x10, s15;
	s18 =	sand.u32 $0x800, s17;
	s4 =	sand.u32 $0x380, s16  }
0x20f: {  	s17 =	sadd.s32 $0x100, s17;
	s4 =	sor.u32 s4, s18;
	[tilespmem:s15+$0x0] =	vst v6  }
0x210: {  	v6 =	vld [tilespmem:s4+$0x9000]  }
0x211: {  	v7 =	vld [tilespmem:s4+$0x9010];
	_ =	sdelay $0x1  }
0x212: {  	v8 =	vld [tilespmem:s4+$0x9020];
	_ =	sdelay $0x1  }
0x213: {  	v9 =	vld [tilespmem:s4+$0x9030]  }
0x214: {  	v6 =	vsub.f32 v6, v25;
	v7 =	vsub.f32 v7, v29  }
0x215: {  	v10 =	vld [tilespmem:s4+$0x9040]  }
0x216: {  	v8 =	vsub.f32 v8, v32;
	v6 =	vmul.f32 v6, v6;
	v7 =	vmul.f32 v7, v7  }
0x217: {  	v11 =	vld [tilespmem:s4+$0x9050]  }
0x218: {  	v32 =	vsub.f32 v9, v27;
	v8 =	vmul.f32 v8, v8;
	v6 =	vadd.f32 v7, v6  }
0x219: {  	v9 =	vld [tilespmem:s4+$0x9060]  }
0x21a: {  	v7 =	vmul.f32 v32, v32;
	v6 =	vadd.f32 v6, v8;
	v8 =	vsub.f32 v10, v23  }
0x21b: {  	s16 =	sor.u32 s18, s16;
	v10 =	vld [tilespmem:s4+$0x9070]  }
0x21c: {  	s17 =	sor.u32 $0x3400, s16;
	v6 =	vadd.f32 v6, v7;
	v32 =	vmul.f32 v8, v8;
	v8 =	vsub.f32 v11, v20  }
0x21d: {  	v11 =	vld [tilespmem:s17+$0x6000]  }
0x21e: {  	v6 =	vadd.f32 v6, v32;
	v32 =	vmul.f32 v8, v8;
	v8 =	vsub.f32 v9, v21  }
0x21f: {  	v9 =	vld [tilespmem:s17+$0x6010]  }
0x220: {  	v6 =	vadd.f32 v6, v32;
	v32 =	vmul.f32 v8, v8;
	v8 =	vsub.f32 v10, v22  }
0x221: {  	v10 =	vld [tilespmem:s17+$0x6020]  }
0x222: {  	v6 =	vadd.f32 v6, v32;
	v32 =	vmul.f32 v8, v8;
	v8 =	vsub.f32 v11, v24  }
0x223: {  	v11 =	vld [tilespmem:s17+$0x6030]  }
0x224: {  	v6 =	vadd.f32 v6, v32;
	v32 =	vmul.f32 v8, v8;
	v8 =	vsub.f32 v9, v26  }
0x225: {  	v9 =	vld [tilespmem:s17+$0x6040]  }
0x226: {  	v6 =	vadd.f32 v6, v32;
	v32 =	vmul.f32 v8, v8;
	v8 =	vsub.f32 v10, v28  }
0x227: {  	v10 =	vld [tilespmem:s17+$0x6050]  }
0x228: {  	v6 =	vadd.f32 v6, v32;
	v32 =	vmul.f32 v8, v8;
	v8 =	vsub.f32 v11, v30  }
0x229: {  	v11 =	vld [tilespmem:s17+$0x6060]  }
0x22a: {  	v6 =	vadd.f32 v6, v32;
	v32 =	vmul.f32 v8, v8;
	v8 =	vsub.f32 v9, v31  }
0x22b: {  	v9 =	vld [tilespmem:s17+$0x6070]  }
0x22c: {  	v6 =	vadd.f32 v6, v32;
	v32 =	vsub.f32 v10, v33;
	v8 =	vmul.f32 v8, v8;
	_ =	sdelay $0x1  }
0x22d: {  	v6 =	vadd.f32 v6, v8;
	v8 =	vsub.f32 v11, v34;
	v7 =	vmul.f32 v32, v32;
	_ =	sdelay $0x1  }
0x22e: {  	v34 =	vld [tilespmem:$0x1FE70];
	v33 =	vsub.f32 v9, v35;
	v6 =	vadd.f32 v6, v7;
	v8 =	vmul.f32 v8, v8  }
0x22f: {  	v11 =	vld [tilespmem:$0x1FF90]  }
0x230: {  	v35 =	vld [tilespmem:$0x1FE80];
	v7 =	vmul.f32 v33, v33;
	v6 =	vadd.f32 v6, v8;
	_ =	sdelay $0x1  }
0x231: {  	v9 =	vld [tilespmem:$0x1FE90];
	v6 =	vadd.f32 v6, v7  }
0x232: {  	s18 =	sadd.s32 $0x10, s15;
	v7 =	vadd.f32 $0.0e+00, v34  }
0x233: {  	v20 =	vld [tilespmem:$0x1FEA0];
	[tilespmem:s18+$0x0] =	vst v6  }
0x234: {  	v6 =	vadd.f32 v35, v7;
	v8 =	vld.idx.msk [tilespmem:v1+s29+$0x0], $0xffff;
	_ =	sdelay $0x1  }
0x235: {  	v6 =	vadd.f32 v9, v6;
	v9 =	vld.idx.msk [tilespmem:v11+s29+$0x0], $0xffff;
	_ =	sdelay $0x1  }
0x236: {  	v60 =	vadd.f32 $0.0e+00, v60  }
0x237: {  	v6 =	vadd.f32 v20, v6;
	v20 =	vld [tilespmem:$0x1FEB0];
	v8 =	vadd.f32 $0.0e+00, v8  }
0x238: {  	v7 =	vadd.f32 v61, v60  }
0x239: {  	v8 =	vadd.f32 v9, v8;
	v9 =	vld [tilespmem:$0x1FEC0]  }
0x23a: {  	v32 =	vld [tilespmem:$0x1FFA0];
	v0 =	vadd.f32 v0, v7;
	_ =	sdelay $0x1  }
0x23b: {  	v0 =	vadd.f32 v2, v0;
	v2 =	vld [tilespmem:$0x1FFB0];
	v6 =	vadd.f32 v20, v6;
	_ =	sdelay $0x1  }
0x23c: {  	v6 =	vadd.f32 v9, v6;
	v9 =	vld [tilespmem:$0x1FFC0];
	_ =	sdelay $0x3  }
0x23d: {  	v7 =	vld.idx.msk [tilespmem:v32+s29+$0x0], $0xffff  }
0x23e: {  	v0 =	vadd.f32 v63, v0  }
0x23f: {  	v2 =	vld.idx.msk [tilespmem:v2+s29+$0x0], $0xffff  }
0x240: {  	v0 =	vadd.f32 v4, v0;
	v4 =	vld [tilespmem:$0x1FFD0]  }
0x241: {  	v9 =	vld.idx.msk [tilespmem:v9+s29+$0x0], $0xffff  }
0x242: {  	v7 =	vadd.f32 v7, v8;
	v8 =	vld [tilespmem:$0x1FED0];
	_ =	sdelay $0x1  }
0x243: {  	v33 =	vld [tilespmem:$0x1FEE0];
	v2 =	vadd.f32 v2, v7;
	_ =	sdelay $0x1  }
0x244: {  	v2 =	vadd.f32 v9, v2;
	v9 =	vld [tilespmem:$0x1FEF0]  }
0x245: {  	v6 =	vadd.f32 v8, v6  }
0x246: {  	v10 =	vadd.f32 $0.0e+00, v45  }
0x247: {  	v45 =	vld [tilespmem:$0x1FFE0];
	v6 =	vadd.f32 v33, v6  }
0x248: {  	v10 =	vadd.f32 v47, v10;
	v4 =	vld.idx.msk [tilespmem:v4+s29+$0x0], $0xffff  }
0x249: {  	v6 =	vadd.f32 v9, v6;
	v9 =	vld [tilespmem:$0x1FFF0]  }
0x24a: {  	v10 =	vadd.f32 v48, v10;
	_ =	sdelay $0x1  }
0x24b: {  	v10 =	vadd.f32 v49, v10;
	_ =	sdelay $0x1  }
0x24c: {  	v8 =	vadd.f32 v50, v10;
	v2 =	vadd.f32 v4, v2;
	v4 =	vld [tilespmem:$0x1FF00]  }
0x24d: {  	v34 =	vld.idx.msk [tilespmem:v45+s29+$0x0], $0xffff  }
0x24e: {  	v0 =	vadd.f32 v36, v0;
	v36 =	vld [tilespmem:$0x1FF10];
	v8 =	vadd.f32 v51, v8  }
0x24f: {  	v9 =	vld.idx.msk [tilespmem:v9+s29+$0x0], $0xffff  }
0x250: {  	v5 =	vadd.f32 v5, v8;
	v8 =	vld [tilespmem:$0x1FF20]  }
0x251: {  	v35 =	vld.idx.msk [tilespmem:v12+s29+$0x0], $0xffff;
	v4 =	vadd.f32 v4, v6  }
0x252: {  	v0 =	vadd.f32 v62, v0;
	v2 =	vadd.f32 v34, v2  }
0x253: {  	v5 =	vadd.f32 v46, v5;
	v46 =	vld.idx.msk [tilespmem:v13+s29+$0x0], $0xffff;
	v4 =	vadd.f32 v36, v4  }
0x254: {  	v0 =	vadd.f32 v59, v0;
	v2 =	vadd.f32 v9, v2  }
0x255: {  	v4 =	vadd.f32 v8, v4;
	v8 =	vld.idx.msk [tilespmem:v14+s29+$0x0], $0xffff  }
0x256: {  	v47 =	vld [tilespmem:$0x1FF30];
	v0 =	vadd.f32 v58, v0;
	v2 =	vadd.f32 v35, v2  }
0x257: {  	v5 =	vadd.f32 v44, v5  }
0x258: {  	v49 =	vld [tilespmem:$0x1FF40];
	v0 =	vadd.f32 v57, v0;
	v2 =	vadd.f32 v46, v2  }
0x259: {  	v5 =	vadd.f32 v43, v5  }
0x25a: {  	v0 =	vadd.f32 v56, v0;
	v2 =	vadd.f32 v8, v2;
	v8 =	vld [tilespmem:$0x1FF50]  }
0x25b: {  	v48 =	vld.idx.msk [tilespmem:v15+s29+$0x0], $0xffff;
	v5 =	vadd.f32 v42, v5;
	v4 =	vadd.f32 v47, v4  }
0x25c: {  	v51 =	vld [tilespmem:$0x1FF60];
	v0 =	vadd.f32 v55, v0  }
0x25d: {  	v50 =	vld.idx.msk [tilespmem:v19+s29+$0x0], $0xffff;
	v5 =	vadd.f32 v41, v5;
	v4 =	vadd.f32 v49, v4  }
0x25e: {  	v0 =	vadd.f32 v54, v0  }
0x25f: {  	v5 =	vadd.f32 v40, v5;
	v4 =	vadd.f32 v8, v4;
	v8 =	vld.idx.msk [tilespmem:v17+s29+$0x0], $0xffff  }
0x260: {  	v0 =	vadd.f32 v53, v0;
	v2 =	vadd.f32 v48, v2  }
0x261: {  	v53 =	vld.idx.msk [tilespmem:v18+s29+$0x0], $0xffff;
	v5 =	vadd.f32 v39, v5;
	v4 =	vadd.f32 v51, v4  }
0x262: {  	v2 =	vadd.f32 v50, v2  }
0x263: {  	v54 =	vld.idx.msk [tilespmem:v16+s29+$0x0], $0xffff;
	v5 =	vadd.f32 v37, v5;
	vm1 =	vlt.f32 v4, $+Inf;
	vm2 =	vgt.f32 v4, $+Inf  }
0x264: {  	v0 =	vadd.f32 v52, v0;
	vm1 =	vmor vm2, vm1;
	v2 =	vadd.f32 v8, v2  }
0x265: {  	v5 =	vadd.f32 v38, v5;
	v4 =	vnsel vm1, $0x7F800000, v4  }
0x266: {  	v8 =	vlaneseq.u32;
	vm2 =	vlt.f32 v0, v4;
	v2 =	vadd.f32 v53, v2  }
0x267: {  	v55 =	vnsel vm1, $0x0, v8;
	v0 =	vsel vm2, v0, v4  }
0x268: {  	v4 =	vor.u32 $0x10, v8;
	vm1 =	vlt.f32 v5, v0;
	v2 =	vadd.f32 v54, v2  }
0x269: {  	[tilespmem:$0x1FE40] =	vst v4;
	v4 =	vsel vm2, v4, v55;
	v0 =	vsel vm1, v5, v0;
	v5 =	vor.u32 $0x20, v8  }
0x26a: {  	[tilespmem:$0x1FE50] =	vst v5;
	v4 =	vsel vm1, v5, v4;
	vm1 =	vlt.f32 v2, v0;
	v5 =	vor.u32 $0x30, v8  }
0x26b: {  	v0 =	vsel vm1, v2, v0;
	v2 =	vsel vm1, v5, v4  }
0x26c: {  	(xrf1) =	vsort.ascd.msk.f32 $0xffff, v0, v2;
	_ =	sdelay $0x3  }
0x26d: {  	v0 =	vmov s14  }
0x26e: {  	v2 =	vshll.u32 v0, $0x7;
	_ =	sdelay $0x4  }
0x26f: {  	v2 =	vld.idx.msk [tilespmem:v2+s3+$0x0], $0xffff;
	_ =	sdelay $0x3  }
0x270: {  	[tilespmem:$0x1FE60] =	vst v5;
	v4, v5, _ =	vpop (xrf1)  }
0x271: {  	v2 =	vadd.s32 v2, v5  }
0x272: {  	[tilespmem:v0+s30+$0x0] =	vst.idx.msk $0x1, v2  }
0x273: {  	[tilespmem:v0+s31+$0x0] =	vst.idx.msk $0x1, v4  }
0x274: {  	p0 =	seq.s32 s10, $0x1F;
	_ =	swait.ge [sflag:s2], $0x4000  }
0x275: {  	s4 =	sshll.u32 @!p0 s10, $0x8;
	[sflag:s2] =	ssyncset.done $0x0  }
0x276: {  	s4 =	sand.u32 @!p0 $0x3FFFFF00, s4;
	[sflag:s2] =	ssyncadd.s32 $0xFFFFC000  }
0x277: {  	v0 =	vld @!p0 [tilespmem:s4+$0x100];
	_ =	sdelay $0x4  }
0x278: {  	v2 =	vshll.u32 @!p0 v0, $0x1  }
0x279: {  	v4 =	vlaneseq.u32 @!p0;
	v0 =	vand.u32 @!p0 $0x7, v0;
	v2 =	vand.u32 @!p0 $0xFFFFFFF0, v2  }
0x27a: {  	v5 =	vshrl.u32 @!p0 v4, $0x3;
	v0 =	vor.u32 @!p0 v0, v2;
	v2 =	vand.u32 @!p0 $0x7, v4  }
0x27b: {  	v5 =	vmul.u32 @!p0 $0x8, v5;
	v6 =	vperm.xlane @!p0 v0, v2  }
0x27c: {  	v4 =	vor.u32 @!p0 $0x8, v4  }
0x27d: {  	v0 =	vperm.xlane @!p0 v0, v4;
	v6 =	vadd.s32 @!p0 v5, v6;
	_ =	sdelay $0x1  }
0x27e: {  	v0 =	vadd.s32 @!p0 v5, v0;
	_ =	sdelay $0x1  }
0x27f: {  	s15 =	simm.s32 @!p0 $0x6000;
	vm1 =	vmmov @!p0 $0xffff;
	s14 =	simm.s32 @!p0 $0x0  }
0x280: {  	[tilespmem:s15], [sflag:$0x1] =	stream.indirect_vreg.gather @!p0 [hbm4b:s1+s14], $0x80, v6, vm1, $0xb8;
	[tilespmem:$0xE200] =	vst v63  }
0x281: {  	s15 =	simm.s32 @!p0 $0x6800  }
0x282: {  	[tilespmem:s15], [sflag:$0x1] =	stream.indirect_vreg.gather @!p0 [hbm4b:s1+s14], $0x80, v0, vm1, $0xb8;
	[tilespmem:$0xE200] =	vst v63  }
0x283: {  	v0 =	vld @!p0 [tilespmem:s4+$0x110];
	_ =	sdelay $0x4  }
0x284: {  	v6 =	vshll.u32 @!p0 v0, $0x1  }
0x285: {  	v0 =	vand.u32 @!p0 $0x7, v0;
	v6 =	vand.u32 @!p0 $0xFFFFFFF0, v6  }
0x286: {  	v0 =	vor.u32 @!p0 v0, v6  }
0x287: {  	v6 =	vperm.xlane @!p0 v0, v2;
	_ =	sdelay $0x1  }
0x288: {  	v0 =	vperm.xlane @!p0 v0, v4;
	v6 =	vadd.s32 @!p0 v5, v6;
	_ =	sdelay $0x1  }
0x289: {  	v0 =	vadd.s32 @!p0 v5, v0;
	_ =	sdelay $0x1  }
0x28a: {  	s15 =	simm.s32 @!p0 $0x7000  }
0x28b: {  	[tilespmem:s15], [sflag:$0x1] =	stream.indirect_vreg.gather @!p0 [hbm4b:s1+s14], $0x80, v6, vm1, $0xb8;
	[tilespmem:$0xE200] =	vst v63  }
0x28c: {  	s15 =	simm.s32 @!p0 $0x7800  }
0x28d: {  	[tilespmem:s15], [sflag:$0x1] =	stream.indirect_vreg.gather @!p0 [hbm4b:s1+s14], $0x80, v0, vm1, $0xb8;
	[tilespmem:$0xE200] =	vst v63  }
0x28e: {  	v0 =	vld @!p0 [tilespmem:s4+$0x120];
	_ =	sdelay $0x4  }
0x28f: {  	v6 =	vshll.u32 @!p0 v0, $0x1  }
0x290: {  	v0 =	vand.u32 @!p0 $0x7, v0;
	v6 =	vand.u32 @!p0 $0xFFFFFFF0, v6  }
0x291: {  	v0 =	vor.u32 @!p0 v0, v6  }
0x292: {  	v6 =	vperm.xlane @!p0 v0, v2;
	_ =	sdelay $0x1  }
0x293: {  	v0 =	vperm.xlane @!p0 v0, v4;
	v6 =	vadd.s32 @!p0 v5, v6;
	_ =	sdelay $0x1  }
0x294: {  	v0 =	vadd.s32 @!p0 v5, v0;
	_ =	sdelay $0x1  }
0x295: {  	s15 =	simm.s32 @!p0 $0x8000  }
0x296: {  	[tilespmem:s15], [sflag:$0x1] =	stream.indirect_vreg.gather @!p0 [hbm4b:s1+s14], $0x80, v6, vm1, $0xb8;
	[tilespmem:$0xE200] =	vst v63  }
0x297: {  	s15 =	simm.s32 @!p0 $0x8800  }
0x298: {  	[tilespmem:s15], [sflag:$0x1] =	stream.indirect_vreg.gather @!p0 [hbm4b:s1+s14], $0x80, v0, vm1, $0xb8;
	[tilespmem:$0xE200] =	vst v63  }
0x299: {  	v0 =	vld @!p0 [tilespmem:s4+$0x130];
	_ =	sdelay $0x4  }
0x29a: {  	v6 =	vshll.u32 @!p0 v0, $0x1  }
0x29b: {  	v0 =	vand.u32 @!p0 $0x7, v0;
	v6 =	vand.u32 @!p0 $0xFFFFFFF0, v6  }
0x29c: {  	v0 =	vor.u32 @!p0 v0, v6  }
0x29d: {  	v2 =	vperm.xlane @!p0 v0, v2;
	_ =	sdelay $0x1  }
0x29e: {  	v0 =	vperm.xlane @!p0 v0, v4;
	v2 =	vadd.s32 @!p0 v5, v2;
	_ =	sdelay $0x1  }
0x29f: {  	v0 =	vadd.s32 @!p0 v5, v0;
	_ =	sdelay $0x1  }
0x2a0: {  	s4 =	simm.s32 @!p0 $0x9000  }
0x2a1: {  	[tilespmem:s4], [sflag:$0x1] =	stream.indirect_vreg.gather @!p0 [hbm4b:s1+s14], $0x80, v2, vm1, $0xb8;
	[tilespmem:$0xE200] =	vst v63  }
0x2a2: {  	s4 =	simm.s32 @!p0 $0x9800  }
0x2a3: {  	[tilespmem:s4], [sflag:$0x1] =	stream.indirect_vreg.gather @!p0 [hbm4b:s1+s14], $0x80, v0, vm1, $0xb8;
	[tilespmem:$0xE200] =	vst v63  }
0x2a4: {  	s14 =	sand.u32 $0x380, s12  }
0x2a5: {  	s15 =	simm.s32 $0x0;
	s12 =	sadd.s32 s14, s13  }
0x2a6: {  	s16 =	sand.u32 $0x800, s15;
	s4 =	sand.u32 $0x380, s15;
	v27 =	vld [tilespmem:s12+$0x0]  }
0x2a7: {  	s13 =	sor.u32 s4, s16;
	v31 =	vld [tilespmem:s12+$0x10]  }
0x2a8: {  	v0 =	vld [tilespmem:s13+$0xA000]  }
0x2a9: {  	v2 =	vld [tilespmem:s13+$0xA010]  }
0x2aa: {  	v35 =	vld [tilespmem:s12+$0x20]  }
0x2ab: {  	v4 =	vld [tilespmem:s13+$0xA020]  }
0x2ac: {  	v29 =	vld [tilespmem:s12+$0x30]  }
0x2ad: {  	v5 =	vld [tilespmem:s13+$0xA030]  }
0x2ae: {  	v25 =	vld [tilespmem:s12+$0x40];
	v0 =	vsub.f32 v0, v27;
	v2 =	vsub.f32 v2, v31  }
0x2af: {  	v56 =	vld [tilespmem:s13+$0xA040]  }
0x2b0: {  	v23 =	vld [tilespmem:s12+$0x50];
	v4 =	vsub.f32 v4, v35;
	v0 =	vmul.f32 v0, v0;
	v2 =	vmul.f32 v2, v2  }
0x2b1: {  	v57 =	vld [tilespmem:s13+$0xA050]  }
0x2b2: {  	v24 =	vld [tilespmem:s12+$0x60];
	v0 =	vadd.f32 v2, v0;
	v2 =	vmul.f32 v4, v4;
	v4 =	vsub.f32 v5, v29  }
0x2b3: {  	v5 =	vld [tilespmem:s13+$0xA060]  }
0x2b4: {  	v26 =	vld [tilespmem:s12+$0x70];
	v0 =	vadd.f32 v0, v2;
	v2 =	vmul.f32 v4, v4;
	v4 =	vsub.f32 v56, v25  }
0x2b5: {  	v58 =	vld [tilespmem:s13+$0xA070]  }
0x2b6: {  	v28 =	vld [tilespmem:s12+$0x400];
	v0 =	vadd.f32 v0, v2;
	v2 =	vmul.f32 v4, v4;
	v4 =	vsub.f32 v57, v23  }
0x2b7: {  	v59 =	vld [tilespmem:s13+$0xA400]  }
0x2b8: {  	v30 =	vld [tilespmem:s12+$0x410];
	v0 =	vadd.f32 v0, v2;
	v2 =	vmul.f32 v4, v4;
	v4 =	vsub.f32 v5, v24  }
0x2b9: {  	v5 =	vld [tilespmem:s13+$0xA410]  }
0x2ba: {  	v32 =	vld [tilespmem:s12+$0x420];
	v0 =	vadd.f32 v0, v2;
	v2 =	vmul.f32 v4, v4;
	v4 =	vsub.f32 v58, v26  }
0x2bb: {  	v60 =	vld [tilespmem:s13+$0xA420]  }
0x2bc: {  	v33 =	vld [tilespmem:s12+$0x430];
	v0 =	vadd.f32 v0, v2;
	v2 =	vmul.f32 v4, v4;
	v4 =	vsub.f32 v59, v28  }
0x2bd: {  	v61 =	vld [tilespmem:s13+$0xA430]  }
0x2be: {  	v34 =	vld [tilespmem:s12+$0x440];
	v0 =	vadd.f32 v0, v2;
	v2 =	vmul.f32 v4, v4;
	v4 =	vsub.f32 v5, v30  }
0x2bf: {  	v5 =	vld [tilespmem:s13+$0xA440]  }
0x2c0: {  	v36 =	vld [tilespmem:s12+$0x450];
	v0 =	vadd.f32 v0, v2;
	v2 =	vmul.f32 v4, v4;
	v4 =	vsub.f32 v60, v32  }
0x2c1: {  	v62 =	vld [tilespmem:s13+$0xA450]  }
0x2c2: {  	v37 =	vld [tilespmem:s12+$0x460];
	v0 =	vadd.f32 v0, v2;
	v2 =	vmul.f32 v4, v4;
	v4 =	vsub.f32 v61, v33  }
0x2c3: {  	v63 =	vld [tilespmem:s13+$0xA460]  }
0x2c4: {  	v38 =	vld [tilespmem:s12+$0x470];
	v0 =	vadd.f32 v0, v2;
	v2 =	vmul.f32 v4, v4;
	v4 =	vsub.f32 v5, v34  }
0x2c5: {  	v5 =	vld [tilespmem:s13+$0xA470]  }
0x2c6: {  	v0 =	vadd.f32 v0, v2;
	v2 =	vmul.f32 v4, v4;
	v4 =	vsub.f32 v62, v36;
	_ =	sdelay $0x1  }
0x2c7: {  	v0 =	vadd.f32 v0, v2;
	v2 =	vmul.f32 v4, v4;
	v4 =	vsub.f32 v63, v37;
	_ =	sdelay $0x1  }
0x2c8: {  	v0 =	vadd.f32 v0, v2;
	v2 =	vmul.f32 v4, v4;
	v4 =	vsub.f32 v5, v38;
	_ =	sdelay $0x1  }
0x2c9: {  	v0 =	vadd.f32 v0, v2;
	v2 =	vmul.f32 v4, v4;
	_ =	sdelay $0x1  }
0x2ca: {  	s17 =	simm.s32 $0x100;
	s14 =	simm.s32 $0x80;
	v0 =	vadd.f32 v0, v2  }
0x2cb: {  	s4 =	sand.u32 $0x800, s17;
	s12 =	simm.s32 $0xE000;
	s18 =	sand.u32 $0x380, s14  }
0x2cc: {  	s15 =	simm.s32 $0x200;
	s13 =	sor.u32 s18, s4;
	[tilespmem:s12+$0x0] =	vst v0  }
.LBB2_11:
0x2cd: {  	p0 =	sne.s32 s15, $0xF00;
	v0 =	vld [tilespmem:s13+$0xA000]  }
0x2ce: {  	v2 =	vld [tilespmem:s13+$0xA010];
	_ =	sdelay $0x1  }
0x2cf: {  	v4 =	vld [tilespmem:s13+$0xA020];
	_ =	sdelay $0x1  }
0x2d0: {  	v5 =	vld [tilespmem:s13+$0xA030]  }
0x2d1: {  	v0 =	vsub.f32 v0, v27;
	v2 =	vsub.f32 v2, v31  }
0x2d2: {  	v6 =	vld [tilespmem:s13+$0xA040]  }
0x2d3: {  	v0 =	vmul.f32 v0, v0;
	v2 =	vmul.f32 v2, v2;
	v4 =	vsub.f32 v4, v35  }
0x2d4: {  	v7 =	vld [tilespmem:s13+$0xA050]  }
0x2d5: {  	v0 =	vadd.f32 v2, v0;
	v2 =	vmul.f32 v4, v4;
	v4 =	vsub.f32 v5, v29  }
0x2d6: {  	v5 =	vld [tilespmem:s13+$0xA060]  }
0x2d7: {  	v0 =	vadd.f32 v0, v2;
	v2 =	vmul.f32 v4, v4;
	v4 =	vsub.f32 v6, v25  }
0x2d8: {  	v6 =	vld [tilespmem:s13+$0xA070]  }
0x2d9: {  	v0 =	vadd.f32 v0, v2;
	v2 =	vmul.f32 v4, v4;
	v4 =	vsub.f32 v7, v23  }
0x2da: {  	v7 =	vld [tilespmem:s13+$0xA400]  }
0x2db: {  	v0 =	vadd.f32 v0, v2;
	v2 =	vmul.f32 v4, v4;
	v4 =	vsub.f32 v5, v24  }
0x2dc: {  	v5 =	vld [tilespmem:s13+$0xA410]  }
0x2dd: {  	v0 =	vadd.f32 v0, v2;
	v2 =	vmul.f32 v4, v4;
	v4 =	vsub.f32 v6, v26  }
0x2de: {  	v6 =	vld [tilespmem:s13+$0xA420]  }
0x2df: {  	v0 =	vadd.f32 v0, v2;
	v2 =	vmul.f32 v4, v4;
	v4 =	vsub.f32 v7, v28  }
0x2e0: {  	v7 =	vld [tilespmem:s13+$0xA430]  }
0x2e1: {  	v0 =	vadd.f32 v0, v2;
	v2 =	vmul.f32 v4, v4;
	v4 =	vsub.f32 v5, v30  }
0x2e2: {  	v5 =	vld [tilespmem:s13+$0xA440]  }
0x2e3: {  	v0 =	vadd.f32 v0, v2;
	v2 =	vmul.f32 v4, v4;
	v4 =	vsub.f32 v6, v32  }
0x2e4: {  	v6 =	vld [tilespmem:s13+$0xA450]  }
0x2e5: {  	v0 =	vadd.f32 v0, v2;
	v2 =	vmul.f32 v4, v4;
	v4 =	vsub.f32 v7, v33  }
0x2e6: {  	v7 =	vld [tilespmem:s13+$0xA460]  }
0x2e7: {  	v0 =	vadd.f32 v0, v2;
	v2 =	vmul.f32 v4, v4;
	v4 =	vsub.f32 v5, v34  }
0x2e8: {  	v5 =	vld [tilespmem:s13+$0xA470]  }
0x2e9: {  	v0 =	vadd.f32 v0, v2;
	v2 =	vmul.f32 v4, v4;
	v4 =	vsub.f32 v6, v36;
	_ =	sdelay $0x1  }
0x2ea: {  	v0 =	vadd.f32 v0, v2;
	v2 =	vmul.f32 v4, v4;
	v4 =	vsub.f32 v7, v37;
	_ =	sdelay $0x1  }
0x2eb: {  	v0 =	vadd.f32 v0, v2;
	v2 =	vmul.f32 v4, v4;
	v4 =	vsub.f32 v5, v38;
	_ =	sdelay $0x1  }
.Ltmp4:
0x2ec: {  	v0 =	vadd.f32 v0, v2;
	v2 =	vmul.f32 v4, v4;
	(pc) =	sbr.rel @p0 .LBB2_11-.Ltmp4, $4  }
0x2ed: {  	_ = 	snop  }
0x2ee: {  	s14 =	sadd.s32 $0x80, s14;
	v0 =	vadd.f32 v0, v2  }
0x2ef: {  	s4 =	sand.u32 $0x800, s15;
	s12 =	sadd.s32 $0x10, s12;
	s13 =	sand.u32 $0x380, s14  }
0x2f0: {  	s15 =	sadd.s32 $0x100, s15;
	s13 =	sor.u32 s13, s4;
	[tilespmem:s12+$0x0] =	vst v0  }
0x2f1: {  	v0 =	vld [tilespmem:s13+$0xA000]  }
0x2f2: {  	v2 =	vld [tilespmem:s13+$0xA010];
	_ =	sdelay $0x1  }
0x2f3: {  	v4 =	vld [tilespmem:s13+$0xA020];
	_ =	sdelay $0x1  }
0x2f4: {  	v5 =	vld [tilespmem:s13+$0xA030]  }
0x2f5: {  	v0 =	vsub.f32 v0, v27;
	v2 =	vsub.f32 v2, v31  }
0x2f6: {  	v6 =	vld [tilespmem:s13+$0xA040]  }
0x2f7: {  	v4 =	vsub.f32 v4, v35;
	v0 =	vmul.f32 v0, v0;
	v2 =	vmul.f32 v2, v2  }
0x2f8: {  	v7 =	vld [tilespmem:s13+$0xA050]  }
0x2f9: {  	v0 =	vadd.f32 v2, v0;
	v2 =	vmul.f32 v4, v4;
	v4 =	vsub.f32 v5, v29  }
0x2fa: {  	v5 =	vld [tilespmem:s13+$0xA060]  }
0x2fb: {  	v0 =	vadd.f32 v0, v2;
	v2 =	vmul.f32 v4, v4;
	v4 =	vsub.f32 v6, v25  }
0x2fc: {  	v46 =	vld [tilespmem:s13+$0xA070]  }
0x2fd: {  	v0 =	vadd.f32 v0, v2;
	v2 =	vmul.f32 v4, v4;
	v4 =	vsub.f32 v7, v23  }
0x2fe: {  	v47 =	vld [tilespmem:s13+$0xA400]  }
0x2ff: {  	v0 =	vadd.f32 v0, v2;
	v2 =	vmul.f32 v4, v4;
	v4 =	vsub.f32 v5, v24  }
0x300: {  	v5 =	vld [tilespmem:s13+$0xA410]  }
0x301: {  	v0 =	vadd.f32 v0, v2;
	v2 =	vmul.f32 v4, v4;
	v4 =	vsub.f32 v46, v26  }
0x302: {  	v48 =	vld [tilespmem:s13+$0xA420]  }
0x303: {  	v0 =	vadd.f32 v0, v2;
	v2 =	vmul.f32 v4, v4;
	v4 =	vsub.f32 v47, v28  }
0x304: {  	v49 =	vld [tilespmem:s13+$0xA430]  }
0x305: {  	v0 =	vadd.f32 v0, v2;
	v2 =	vmul.f32 v4, v4;
	v4 =	vsub.f32 v5, v30  }
0x306: {  	v5 =	vld [tilespmem:s13+$0xA440]  }
0x307: {  	v0 =	vadd.f32 v0, v2;
	v2 =	vmul.f32 v4, v4;
	v4 =	vsub.f32 v48, v32  }
0x308: {  	v50 =	vld [tilespmem:s13+$0xA450]  }
0x309: {  	v0 =	vadd.f32 v0, v2;
	v2 =	vmul.f32 v4, v4;
	v4 =	vsub.f32 v49, v33  }
0x30a: {  	v51 =	vld [tilespmem:s13+$0xA460]  }
0x30b: {  	v0 =	vadd.f32 v0, v2;
	v2 =	vmul.f32 v4, v4;
	v4 =	vsub.f32 v5, v34  }
0x30c: {  	v5 =	vld [tilespmem:s13+$0xA470]  }
0x30d: {  	v0 =	vadd.f32 v0, v2;
	v2 =	vmul.f32 v4, v4;
	v4 =	vsub.f32 v50, v36;
	_ =	sdelay $0x1  }
0x30e: {  	v0 =	vadd.f32 v0, v2;
	v2 =	vmul.f32 v4, v4;
	v4 =	vsub.f32 v51, v37;
	_ =	sdelay $0x1  }
0x30f: {  	v0 =	vadd.f32 v0, v2;
	v2 =	vmul.f32 v4, v4;
	v4 =	vsub.f32 v5, v38;
	_ =	sdelay $0x1  }
0x310: {  	v0 =	vadd.f32 v0, v2;
	v2 =	vmul.f32 v4, v4;
	_ =	sdelay $0x1  }
0x311: {  	s4 =	simm.s32 $0x0;
	v0 =	vadd.f32 v0, v2  }
0x312: {  	s12 =	sadd.s32 $0x10, s12;
	s15 =	sand.u32 $0x800, s4;
	s14 =	sand.u32 $0x380, s4  }
0x313: {  	s16 =	sor.u32 s14, s15;
	[tilespmem:s12+$0x0] =	vst v0  }
0x314: {  	v0 =	vld [tilespmem:s16+$0xB000]  }
0x315: {  	v2 =	vld [tilespmem:s16+$0xB010]  }
0x316: {  	s12 =	simm.s32 $0xE000;
	v4 =	vld [tilespmem:s16+$0xB020]  }
0x317: {  	v8 =	vld.idx.msk [tilespmem:v1+s12+$0x0], $0xffff;
	_ =	sdelay $0x1  }
0x318: {  	v5 =	vld [tilespmem:s16+$0xB030]  }
0x319: {  	v40 =	vld [tilespmem:$0x1FFA0];
	v0 =	vsub.f32 v0, v27;
	v2 =	vsub.f32 v2, v31  }
0x31a: {  	v52 =	vld [tilespmem:s16+$0xB040];
	v4 =	vsub.f32 v4, v35  }
0x31b: {  	[tilespmem:$0x1FD40] =	vst v8;
	v8 =	vld.idx.msk [tilespmem:v11+s12+$0x0], $0xffff;
	v0 =	vmul.f32 v0, v0;
	v2 =	vmul.f32 v2, v2  }
0x31c: {  	v53 =	vld [tilespmem:s16+$0xB050]  }
0x31d: {  	v0 =	vadd.f32 v2, v0;
	v2 =	vmul.f32 v4, v4;
	v4 =	vsub.f32 v5, v29  }
0x31e: {  	v5 =	vld [tilespmem:s16+$0xB060]  }
0x31f: {  	v41 =	vld [tilespmem:$0x1FFB0];
	v0 =	vadd.f32 v0, v2;
	v2 =	vmul.f32 v4, v4;
	v4 =	vsub.f32 v52, v25  }
0x320: {  	s4 =	sor.u32 s15, s4;
	v54 =	vld [tilespmem:s16+$0xB070];
	[tilespmem:$0x1FD50] =	vst v8  }
0x321: {  	s4 =	sor.u32 $0x1400, s4;
	v8 =	vld.idx.msk [tilespmem:v40+s12+$0x0], $0xffff;
	v0 =	vadd.f32 v0, v2;
	v2 =	vmul.f32 v4, v4;
	v4 =	vsub.f32 v53, v23  }
0x322: {  	v55 =	vld [tilespmem:s4+$0xA000]  }
0x323: {  	v0 =	vadd.f32 v0, v2;
	v2 =	vmul.f32 v4, v4;
	v4 =	vsub.f32 v5, v24  }
0x324: {  	v5 =	vld [tilespmem:s4+$0xA010]  }
0x325: {  	v42 =	vld [tilespmem:$0x1FFC0];
	v0 =	vadd.f32 v0, v2;
	v2 =	vmul.f32 v4, v4;
	v4 =	vsub.f32 v54, v26  }
0x326: {  	v56 =	vld [tilespmem:s4+$0xA020];
	[tilespmem:$0x1FD60] =	vst v8  }
0x327: {  	v8 =	vld.idx.msk [tilespmem:v41+s12+$0x0], $0xffff;
	v0 =	vadd.f32 v0, v2;
	v2 =	vmul.f32 v4, v4;
	v4 =	vsub.f32 v55, v28  }
0x328: {  	v57 =	vld [tilespmem:s4+$0xA030]  }
0x329: {  	v44 =	vld [tilespmem:$0x1FFF0];
	v0 =	vadd.f32 v0, v2;
	v2 =	vmul.f32 v4, v4;
	v4 =	vsub.f32 v5, v30  }
0x32a: {  	v5 =	vld [tilespmem:s4+$0xA040]  }
0x32b: {  	v43 =	vld [tilespmem:$0x1FFD0];
	v0 =	vadd.f32 v0, v2;
	v2 =	vmul.f32 v4, v4;
	v4 =	vsub.f32 v56, v32  }
0x32c: {  	v58 =	vld [tilespmem:s4+$0xA050];
	[tilespmem:$0x1FD70] =	vst v8  }
0x32d: {  	v8 =	vld.idx.msk [tilespmem:v42+s12+$0x0], $0xffff;
	v0 =	vadd.f32 v0, v2;
	v2 =	vmul.f32 v4, v4;
	v4 =	vsub.f32 v57, v33  }
0x32e: {  	v59 =	vld [tilespmem:s4+$0xA060]  }
0x32f: {  	v0 =	vadd.f32 v0, v2;
	v2 =	vmul.f32 v4, v4;
	v4 =	vsub.f32 v5, v34  }
0x330: {  	v5 =	vld [tilespmem:s4+$0xA070]  }
0x331: {  	v60 =	vld.idx.msk [tilespmem:v44+s12+$0x0], $0xffff;
	v0 =	vadd.f32 v0, v2;
	v2 =	vmul.f32 v4, v4;
	v4 =	vsub.f32 v58, v36  }
0x332: {  	v61 =	vld.idx.msk [tilespmem:v12+s12+$0x0], $0xffff;
	[tilespmem:$0x1FD80] =	vst v8  }
0x333: {  	v8 =	vld.idx.msk [tilespmem:v43+s12+$0x0], $0xffff;
	v0 =	vadd.f32 v0, v2;
	v2 =	vmul.f32 v4, v4;
	v4 =	vsub.f32 v59, v37  }
0x334: {  	v62 =	vld.idx.msk [tilespmem:v13+s12+$0x0], $0xffff  }
0x335: {  	v63 =	vld.idx.msk [tilespmem:v14+s12+$0x0], $0xffff;
	v0 =	vadd.f32 v0, v2;
	v2 =	vmul.f32 v4, v4;
	v4 =	vsub.f32 v5, v38  }
0x336: {  	[tilespmem:$0x1FDB0] =	vst v60;
	v5 =	vld.idx.msk [tilespmem:v15+s12+$0x0], $0xffff  }
0x337: {  	[tilespmem:$0x1FDC0] =	vst v61;
	v0 =	vadd.f32 v0, v2;
	v2 =	vmul.f32 v4, v4;
	v4 =	vld.idx.msk [tilespmem:v17+s12+$0x0], $0xffff  }
0x338: {  	[tilespmem:$0x1FD90] =	vst v8;
	v8 =	vld.idx.msk [tilespmem:v45+s12+$0x0], $0xffff  }
0x339: {  	[tilespmem:$0x1FDD0] =	vst v62  }
0x33a: {  	[tilespmem:$0x1FDE0] =	vst v63;
	v0 =	vadd.f32 v0, v2;
	v2 =	vld.idx.msk [tilespmem:v16+s12+$0x0], $0xffff  }
0x33b: {  	[tilespmem:$0x1FDF0] =	vst v5;
	v5 =	vld.idx.msk [tilespmem:v19+s12+$0x0], $0xffff  }
0x33c: {  	[tilespmem:$0x1FE10] =	vst v4;
	v4 =	vld.idx.msk [tilespmem:v18+s12+$0x0], $0xffff  }
0x33d: {  	[tilespmem:$0x1FDA0] =	vst v8  }
0x33e: {  	[tilespmem:s12+$0x0] =	vst v0  }
0x33f: {  	s17 =	simm.s32 $0x100;
	s13 =	simm.s32 $0x80;
	[tilespmem:$0x1FE30] =	vst v2  }
0x340: {  	s15 =	sand.u32 $0x800, s17;
	s18 =	sand.u32 $0x380, s13;
	[tilespmem:$0x1FE00] =	vst v5  }
0x341: {  	s14 =	simm.s32 $0x200;
	s4 =	sor.u32 s18, s15;
	[tilespmem:$0x1FE20] =	vst v4  }
.LBB2_13:
0x342: {  	p0 =	sne.s32 s14, $0xF00;
	v0 =	vld [tilespmem:s4+$0xB000]  }
0x343: {  	v2 =	vld [tilespmem:s4+$0xB010];
	_ =	sdelay $0x1  }
0x344: {  	v4 =	vld [tilespmem:s4+$0xB020];
	_ =	sdelay $0x1  }
0x345: {  	v5 =	vld [tilespmem:s4+$0xB030]  }
0x346: {  	v0 =	vsub.f32 v0, v27;
	v2 =	vsub.f32 v2, v31  }
0x347: {  	v6 =	vld [tilespmem:s4+$0xB040]  }
0x348: {  	v0 =	vmul.f32 v0, v0;
	v2 =	vmul.f32 v2, v2;
	v4 =	vsub.f32 v4, v35  }
0x349: {  	v7 =	vld [tilespmem:s4+$0xB050]  }
0x34a: {  	v0 =	vadd.f32 v2, v0;
	v2 =	vmul.f32 v4, v4;
	v4 =	vsub.f32 v5, v29  }
0x34b: {  	v5 =	vld [tilespmem:s4+$0xB060]  }
0x34c: {  	v0 =	vadd.f32 v0, v2;
	v2 =	vmul.f32 v4, v4;
	v4 =	vsub.f32 v6, v25  }
0x34d: {  	v6 =	vld [tilespmem:s4+$0xB070];
	s4 =	sor.u32 s15, s13  }
0x34e: {  	v0 =	vadd.f32 v0, v2;
	v2 =	vmul.f32 v4, v4;
	v4 =	vsub.f32 v7, v23;
	s4 =	sor.u32 $0x1400, s4  }
0x34f: {  	v7 =	vld [tilespmem:s4+$0xA000]  }
0x350: {  	v0 =	vadd.f32 v0, v2;
	v2 =	vmul.f32 v4, v4;
	v4 =	vsub.f32 v5, v24  }
0x351: {  	v5 =	vld [tilespmem:s4+$0xA010]  }
0x352: {  	v0 =	vadd.f32 v0, v2;
	v2 =	vmul.f32 v4, v4;
	v4 =	vsub.f32 v6, v26  }
0x353: {  	v6 =	vld [tilespmem:s4+$0xA020]  }
0x354: {  	v0 =	vadd.f32 v0, v2;
	v2 =	vmul.f32 v4, v4;
	v4 =	vsub.f32 v7, v28  }
0x355: {  	v7 =	vld [tilespmem:s4+$0xA030]  }
0x356: {  	v0 =	vadd.f32 v0, v2;
	v2 =	vmul.f32 v4, v4;
	v4 =	vsub.f32 v5, v30  }
0x357: {  	v5 =	vld [tilespmem:s4+$0xA040]  }
0x358: {  	v0 =	vadd.f32 v0, v2;
	v2 =	vmul.f32 v4, v4;
	v4 =	vsub.f32 v6, v32  }
0x359: {  	v6 =	vld [tilespmem:s4+$0xA050]  }
0x35a: {  	v0 =	vadd.f32 v0, v2;
	v2 =	vmul.f32 v4, v4;
	v4 =	vsub.f32 v7, v33  }
0x35b: {  	v7 =	vld [tilespmem:s4+$0xA060]  }
0x35c: {  	v0 =	vadd.f32 v0, v2;
	v2 =	vmul.f32 v4, v4;
	v4 =	vsub.f32 v5, v34  }
0x35d: {  	v5 =	vld [tilespmem:s4+$0xA070]  }
0x35e: {  	v0 =	vadd.f32 v0, v2;
	v2 =	vmul.f32 v4, v4;
	v4 =	vsub.f32 v6, v36;
	_ =	sdelay $0x1  }
0x35f: {  	v0 =	vadd.f32 v0, v2;
	v2 =	vmul.f32 v4, v4;
	v4 =	vsub.f32 v7, v37;
	_ =	sdelay $0x1  }
0x360: {  	v0 =	vadd.f32 v0, v2;
	v2 =	vmul.f32 v4, v4;
	v4 =	vsub.f32 v5, v38;
	_ =	sdelay $0x1  }
.Ltmp5:
0x361: {  	v0 =	vadd.f32 v0, v2;
	v2 =	vmul.f32 v4, v4;
	(pc) =	sbr.rel @p0 .LBB2_13-.Ltmp5, $4  }
0x362: {  	_ = 	snop  }
0x363: {  	s13 =	sadd.s32 $0x80, s13;
	v0 =	vadd.f32 v0, v2  }
0x364: {  	s12 =	sadd.s32 $0x10, s12;
	s15 =	sand.u32 $0x800, s14;
	s4 =	sand.u32 $0x380, s13  }
0x365: {  	s14 =	sadd.s32 $0x100, s14;
	s4 =	sor.u32 s4, s15;
	[tilespmem:s12+$0x0] =	vst v0  }
0x366: {  	v0 =	vld [tilespmem:s4+$0xB000]  }
0x367: {  	v2 =	vld [tilespmem:s4+$0xB010];
	_ =	sdelay $0x1  }
0x368: {  	v4 =	vld [tilespmem:s4+$0xB020];
	_ =	sdelay $0x1  }
0x369: {  	v5 =	vld [tilespmem:s4+$0xB030]  }
0x36a: {  	v0 =	vsub.f32 v0, v27;
	v2 =	vsub.f32 v2, v31  }
0x36b: {  	v6 =	vld [tilespmem:s4+$0xB040]  }
0x36c: {  	v4 =	vsub.f32 v4, v35;
	v0 =	vmul.f32 v0, v0;
	v2 =	vmul.f32 v2, v2  }
0x36d: {  	v7 =	vld [tilespmem:s4+$0xB050]  }
0x36e: {  	v0 =	vadd.f32 v2, v0;
	v2 =	vmul.f32 v4, v4;
	v4 =	vsub.f32 v5, v29  }
0x36f: {  	v5 =	vld [tilespmem:s4+$0xB060]  }
0x370: {  	v0 =	vadd.f32 v0, v2;
	v2 =	vmul.f32 v4, v4;
	v4 =	vsub.f32 v6, v25  }
0x371: {  	s18 =	sor.u32 s15, s13;
	v6 =	vld [tilespmem:s4+$0xB070]  }
0x372: {  	s4 =	sor.u32 $0x1400, s18;
	v0 =	vadd.f32 v0, v2;
	v2 =	vmul.f32 v4, v4;
	v4 =	vsub.f32 v7, v23  }
0x373: {  	v7 =	vld [tilespmem:s4+$0xA000]  }
0x374: {  	v0 =	vadd.f32 v0, v2;
	v2 =	vmul.f32 v4, v4;
	v4 =	vsub.f32 v5, v24  }
0x375: {  	v5 =	vld [tilespmem:s4+$0xA010]  }
0x376: {  	v0 =	vadd.f32 v0, v2;
	v2 =	vmul.f32 v4, v4;
	v4 =	vsub.f32 v6, v26  }
0x377: {  	v6 =	vld [tilespmem:s4+$0xA020]  }
0x378: {  	v0 =	vadd.f32 v0, v2;
	v2 =	vmul.f32 v4, v4;
	v4 =	vsub.f32 v7, v28  }
0x379: {  	v7 =	vld [tilespmem:s4+$0xA030]  }
0x37a: {  	v0 =	vadd.f32 v0, v2;
	v2 =	vmul.f32 v4, v4;
	v4 =	vsub.f32 v5, v30  }
0x37b: {  	v5 =	vld [tilespmem:s4+$0xA040]  }
0x37c: {  	v0 =	vadd.f32 v0, v2;
	v2 =	vmul.f32 v4, v4;
	v4 =	vsub.f32 v6, v32  }
0x37d: {  	v6 =	vld [tilespmem:s4+$0xA050]  }
0x37e: {  	v0 =	vadd.f32 v0, v2;
	v2 =	vmul.f32 v4, v4;
	v4 =	vsub.f32 v7, v33  }
0x37f: {  	v7 =	vld [tilespmem:s4+$0xA060]  }
0x380: {  	v0 =	vadd.f32 v0, v2;
	v2 =	vmul.f32 v4, v4;
	v4 =	vsub.f32 v5, v34  }
0x381: {  	v5 =	vld [tilespmem:s4+$0xA070]  }
0x382: {  	v0 =	vadd.f32 v0, v2;
	v2 =	vmul.f32 v4, v4;
	v4 =	vsub.f32 v6, v36;
	_ =	sdelay $0x1  }
0x383: {  	v0 =	vadd.f32 v0, v2;
	v2 =	vmul.f32 v4, v4;
	v4 =	vsub.f32 v7, v37;
	_ =	sdelay $0x1  }
0x384: {  	v0 =	vadd.f32 v0, v2;
	v2 =	vmul.f32 v4, v4;
	v4 =	vsub.f32 v5, v38;
	_ =	sdelay $0x1  }
0x385: {  	v0 =	vadd.f32 v0, v2;
	v2 =	vmul.f32 v4, v4;
	_ =	sdelay $0x1  }
0x386: {  	s13 =	simm.s32 $0x0;
	v0 =	vadd.f32 v0, v2  }
0x387: {  	s12 =	sadd.s32 $0x10, s12;
	s15 =	sand.u32 $0x800, s13;
	s14 =	sand.u32 $0x380, s13  }
0x388: {  	s16 =	sor.u32 s14, s15;
	[tilespmem:s12+$0x0] =	vst v0  }
0x389: {  	v0 =	vld [tilespmem:s16+$0xC000]  }
0x38a: {  	v2 =	vld [tilespmem:s16+$0xC010];
	_ =	sdelay $0x1  }
0x38b: {  	v4 =	vld [tilespmem:s16+$0xC020];
	_ =	sdelay $0x1  }
0x38c: {  	v5 =	vld [tilespmem:s16+$0xC030]  }
0x38d: {  	v0 =	vsub.f32 v0, v27;
	v2 =	vsub.f32 v2, v31  }
0x38e: {  	v6 =	vld [tilespmem:s16+$0xC040]  }
0x38f: {  	v4 =	vsub.f32 v4, v35;
	v0 =	vmul.f32 v0, v0;
	v2 =	vmul.f32 v2, v2  }
0x390: {  	v7 =	vld [tilespmem:s16+$0xC050]  }
0x391: {  	v0 =	vadd.f32 v2, v0;
	v2 =	vmul.f32 v4, v4;
	v4 =	vsub.f32 v5, v29  }
0x392: {  	v5 =	vld [tilespmem:s16+$0xC060]  }
0x393: {  	v0 =	vadd.f32 v0, v2;
	v2 =	vmul.f32 v4, v4;
	v4 =	vsub.f32 v6, v25  }
0x394: {  	s4 =	sor.u32 s15, s13;
	v6 =	vld [tilespmem:s16+$0xC070]  }
0x395: {  	s4 =	sor.u32 $0x2400, s4;
	v0 =	vadd.f32 v0, v2;
	v2 =	vmul.f32 v4, v4;
	v4 =	vsub.f32 v7, v23  }
0x396: {  	v7 =	vld [tilespmem:s4+$0xA000]  }
0x397: {  	v0 =	vadd.f32 v0, v2;
	v2 =	vmul.f32 v4, v4;
	v4 =	vsub.f32 v5, v24  }
0x398: {  	v5 =	vld [tilespmem:s4+$0xA010]  }
0x399: {  	v6 =	vsub.f32 v6, v26;
	v2 =	vadd.f32 v0, v2;
	v4 =	vmul.f32 v4, v4  }
0x39a: {  	s12 =	simm.s32 $0xE000;
	v8 =	vld [tilespmem:s4+$0xA020]  }
0x39b: {  	v63 =	vld.idx.msk [tilespmem:v1+s12+$0x0], $0xffff;
	v6 =	vmul.f32 v6, v6;
	v7 =	vsub.f32 v7, v28;
	v2 =	vadd.f32 v2, v4  }
0x39c: {  	v9 =	vld [tilespmem:s4+$0xA030]  }
0x39d: {  	v20 =	vld.idx.msk [tilespmem:v41+s12+$0x0], $0xffff;
	v5 =	vsub.f32 v5, v30;
	v2 =	vadd.f32 v2, v6;
	v6 =	vmul.f32 v7, v7  }
0x39e: {  	v7 =	vld [tilespmem:s4+$0xA040]  }
0x39f: {  	v57 =	vld [tilespmem:s4+$0xA050];
	v5 =	vmul.f32 v5, v5;
	v2 =	vadd.f32 v2, v6;
	v6 =	vsub.f32 v8, v32  }
0x3a0: {  	v21 =	vld.idx.msk [tilespmem:v42+s12+$0x0], $0xffff  }
0x3a1: {  	v58 =	vld [tilespmem:s4+$0xA060];
	v2 =	vadd.f32 v2, v5;
	v5 =	vmul.f32 v6, v6;
	v6 =	vsub.f32 v9, v33  }
0x3a2: {  	v22 =	vld.idx.msk [tilespmem:v43+s12+$0x0], $0xffff  }
0x3a3: {  	v39 =	vld.idx.msk [tilespmem:v45+s12+$0x0], $0xffff;
	v2 =	vadd.f32 v2, v5;
	v5 =	vmul.f32 v6, v6;
	v6 =	vsub.f32 v7, v34  }
0x3a4: {  	v7 =	vld [tilespmem:s4+$0xA070]  }
0x3a5: {  	v62 =	vld.idx.msk [tilespmem:v12+s12+$0x0], $0xffff;
	v8 =	vsub.f32 v57, v36;
	v5 =	vadd.f32 v2, v5;
	v6 =	vmul.f32 v6, v6  }
0x3a6: {  	v61 =	vld.idx.msk [tilespmem:v13+s12+$0x0], $0xffff  }
0x3a7: {  	v60 =	vld.idx.msk [tilespmem:v14+s12+$0x0], $0xffff;
	v59 =	vsub.f32 v58, v37;
	v5 =	vadd.f32 v5, v6;
	v6 =	vmul.f32 v8, v8  }
0x3a8: {  	v55 =	vld.idx.msk [tilespmem:v18+s12+$0x0], $0xffff  }
0x3a9: {  	v56 =	vld.idx.msk [tilespmem:v16+s12+$0x0], $0xffff;
	v7 =	vsub.f32 v7, v38;
	v5 =	vadd.f32 v5, v6;
	v6 =	vmul.f32 v59, v59  }
0x3aa: {  	v58 =	vld.idx.msk [tilespmem:v19+s12+$0x0], $0xffff  }
0x3ab: {  	v0 =	vld.idx.msk [tilespmem:v11+s12+$0x0], $0xffff;
	v5 =	vadd.f32 v5, v6;
	v6 =	vmul.f32 v7, v7  }
0x3ac: {  	v4 =	vld.idx.msk [tilespmem:v40+s12+$0x0], $0xffff  }
0x3ad: {  	s17 =	simm.s32 $0x100;
	s13 =	simm.s32 $0x80;
	v57 =	vld.idx.msk [tilespmem:v17+s12+$0x0], $0xffff;
	v5 =	vadd.f32 v5, v6  }
0x3ae: {  	s15 =	sand.u32 $0x800, s17;
	s18 =	sand.u32 $0x380, s13;
	v2 =	vld.idx.msk [tilespmem:v44+s12+$0x0], $0xffff  }
0x3af: {  	s14 =	simm.s32 $0x200;
	s4 =	sor.u32 s18, s15;
	v59 =	vld.idx.msk [tilespmem:v15+s12+$0x0], $0xffff;
	[tilespmem:s12+$0x0] =	vst v5  }
.LBB2_15:
0x3b0: {  	p0 =	sne.s32 s14, $0xF00;
	v5 =	vld [tilespmem:s4+$0xC000]  }
0x3b1: {  	v6 =	vld [tilespmem:s4+$0xC010];
	_ =	sdelay $0x1  }
0x3b2: {  	v7 =	vld [tilespmem:s4+$0xC020];
	_ =	sdelay $0x1  }
0x3b3: {  	v8 =	vld [tilespmem:s4+$0xC030]  }
0x3b4: {  	v5 =	vsub.f32 v5, v27;
	v6 =	vsub.f32 v6, v31  }
0x3b5: {  	v9 =	vld [tilespmem:s4+$0xC040]  }
0x3b6: {  	v5 =	vmul.f32 v5, v5;
	v6 =	vmul.f32 v6, v6;
	v7 =	vsub.f32 v7, v35  }
0x3b7: {  	v10 =	vld [tilespmem:s4+$0xC050]  }
0x3b8: {  	v5 =	vadd.f32 v6, v5;
	v6 =	vmul.f32 v7, v7;
	v7 =	vsub.f32 v8, v29  }
0x3b9: {  	v8 =	vld [tilespmem:s4+$0xC060]  }
0x3ba: {  	v5 =	vadd.f32 v5, v6;
	v6 =	vmul.f32 v7, v7;
	v7 =	vsub.f32 v9, v25  }
0x3bb: {  	v9 =	vld [tilespmem:s4+$0xC070];
	s4 =	sor.u32 s15, s13  }
0x3bc: {  	v5 =	vadd.f32 v5, v6;
	v6 =	vmul.f32 v7, v7;
	v7 =	vsub.f32 v10, v23;
	s4 =	sor.u32 $0x2400, s4  }
0x3bd: {  	v10 =	vld [tilespmem:s4+$0xA000]  }
0x3be: {  	v5 =	vadd.f32 v5, v6;
	v6 =	vmul.f32 v7, v7;
	v7 =	vsub.f32 v8, v24  }
0x3bf: {  	v8 =	vld [tilespmem:s4+$0xA010]  }
0x3c0: {  	v5 =	vadd.f32 v5, v6;
	v6 =	vmul.f32 v7, v7;
	v7 =	vsub.f32 v9, v26  }
0x3c1: {  	v9 =	vld [tilespmem:s4+$0xA020]  }
0x3c2: {  	v5 =	vadd.f32 v5, v6;
	v6 =	vmul.f32 v7, v7;
	v7 =	vsub.f32 v10, v28  }
0x3c3: {  	v10 =	vld [tilespmem:s4+$0xA030]  }
0x3c4: {  	v5 =	vadd.f32 v5, v6;
	v6 =	vmul.f32 v7, v7;
	v7 =	vsub.f32 v8, v30  }
0x3c5: {  	v8 =	vld [tilespmem:s4+$0xA040]  }
0x3c6: {  	v5 =	vadd.f32 v5, v6;
	v6 =	vmul.f32 v7, v7;
	v7 =	vsub.f32 v9, v32  }
0x3c7: {  	v9 =	vld [tilespmem:s4+$0xA050]  }
0x3c8: {  	v5 =	vadd.f32 v5, v6;
	v6 =	vmul.f32 v7, v7;
	v7 =	vsub.f32 v10, v33  }
0x3c9: {  	v10 =	vld [tilespmem:s4+$0xA060]  }
0x3ca: {  	v5 =	vadd.f32 v5, v6;
	v6 =	vmul.f32 v7, v7;
	v7 =	vsub.f32 v8, v34  }
0x3cb: {  	v8 =	vld [tilespmem:s4+$0xA070]  }
0x3cc: {  	v5 =	vadd.f32 v5, v6;
	v6 =	vmul.f32 v7, v7;
	v7 =	vsub.f32 v9, v36;
	_ =	sdelay $0x1  }
0x3cd: {  	v5 =	vadd.f32 v5, v6;
	v6 =	vmul.f32 v7, v7;
	v7 =	vsub.f32 v10, v37;
	_ =	sdelay $0x1  }
0x3ce: {  	v5 =	vadd.f32 v5, v6;
	v6 =	vmul.f32 v7, v7;
	v7 =	vsub.f32 v8, v38;
	_ =	sdelay $0x1  }
.Ltmp6:
0x3cf: {  	v5 =	vadd.f32 v5, v6;
	v6 =	vmul.f32 v7, v7;
	(pc) =	sbr.rel @p0 .LBB2_15-.Ltmp6, $4  }
0x3d0: {  	_ = 	snop  }
0x3d1: {  	s13 =	sadd.s32 $0x80, s13;
	v5 =	vadd.f32 v5, v6  }
0x3d2: {  	s12 =	sadd.s32 $0x10, s12;
	s15 =	sand.u32 $0x800, s14;
	s4 =	sand.u32 $0x380, s13  }
0x3d3: {  	s14 =	sadd.s32 $0x100, s14;
	s4 =	sor.u32 s4, s15;
	[tilespmem:s12+$0x0] =	vst v5  }
0x3d4: {  	v5 =	vld [tilespmem:s4+$0xC000]  }
0x3d5: {  	v6 =	vld [tilespmem:s4+$0xC010];
	_ =	sdelay $0x1  }
0x3d6: {  	v7 =	vld [tilespmem:s4+$0xC020];
	_ =	sdelay $0x1  }
0x3d7: {  	v8 =	vld [tilespmem:s4+$0xC030]  }
0x3d8: {  	v5 =	vsub.f32 v5, v27;
	v6 =	vsub.f32 v6, v31  }
0x3d9: {  	v9 =	vld [tilespmem:s4+$0xC040]  }
0x3da: {  	v7 =	vsub.f32 v7, v35;
	v5 =	vmul.f32 v5, v5;
	v6 =	vmul.f32 v6, v6  }
0x3db: {  	v10 =	vld [tilespmem:s4+$0xC050]  }
0x3dc: {  	v5 =	vadd.f32 v6, v5;
	v6 =	vmul.f32 v7, v7;
	v7 =	vsub.f32 v8, v29  }
0x3dd: {  	v51 =	vld [tilespmem:s4+$0xC060]  }
0x3de: {  	v5 =	vadd.f32 v5, v6;
	v6 =	vmul.f32 v7, v7;
	v7 =	vsub.f32 v9, v25  }
0x3df: {  	v52 =	vld [tilespmem:s4+$0xC070];
	s18 =	sor.u32 s15, s13  }
0x3e0: {  	s4 =	sor.u32 $0x2400, s18;
	v5 =	vadd.f32 v5, v6;
	v6 =	vmul.f32 v7, v7;
	v7 =	vsub.f32 v10, v23  }
0x3e1: {  	v53 =	vld [tilespmem:s4+$0xA000]  }
0x3e2: {  	v5 =	vadd.f32 v5, v6;
	v6 =	vmul.f32 v7, v7;
	v7 =	vsub.f32 v51, v24  }
0x3e3: {  	v54 =	vld [tilespmem:s4+$0xA010]  }
0x3e4: {  	v5 =	vadd.f32 v5, v6;
	v6 =	vmul.f32 v7, v7;
	v7 =	vsub.f32 v52, v26  }
0x3e5: {  	v46 =	vld [tilespmem:s4+$0xA020]  }
0x3e6: {  	v5 =	vadd.f32 v5, v6;
	v6 =	vmul.f32 v7, v7;
	v7 =	vsub.f32 v53, v28  }
0x3e7: {  	v47 =	vld [tilespmem:s4+$0xA030]  }
0x3e8: {  	v5 =	vadd.f32 v5, v6;
	v6 =	vmul.f32 v7, v7;
	v7 =	vsub.f32 v54, v30  }
0x3e9: {  	v48 =	vld [tilespmem:s4+$0xA040]  }
0x3ea: {  	v5 =	vadd.f32 v5, v6;
	v6 =	vmul.f32 v7, v7;
	v7 =	vsub.f32 v46, v32  }
0x3eb: {  	v49 =	vld [tilespmem:s4+$0xA050]  }
0x3ec: {  	v5 =	vadd.f32 v5, v6;
	v6 =	vmul.f32 v7, v7;
	v7 =	vsub.f32 v47, v33  }
0x3ed: {  	v50 =	vld [tilespmem:s4+$0xA060]  }
0x3ee: {  	v5 =	vadd.f32 v5, v6;
	v6 =	vmul.f32 v7, v7;
	v7 =	vsub.f32 v48, v34  }
0x3ef: {  	v51 =	vld [tilespmem:s4+$0xA070]  }
0x3f0: {  	v5 =	vadd.f32 v5, v6;
	v6 =	vmul.f32 v7, v7;
	v7 =	vsub.f32 v49, v36;
	_ =	sdelay $0x1  }
0x3f1: {  	v5 =	vadd.f32 v5, v6;
	v6 =	vmul.f32 v7, v7;
	v7 =	vsub.f32 v50, v37;
	_ =	sdelay $0x1  }
0x3f2: {  	v5 =	vadd.f32 v5, v6;
	v6 =	vmul.f32 v7, v7;
	v7 =	vsub.f32 v51, v38;
	_ =	sdelay $0x1  }
0x3f3: {  	v5 =	vadd.f32 v5, v6;
	v6 =	vmul.f32 v7, v7;
	_ =	sdelay $0x1  }
0x3f4: {  	s13 =	simm.s32 $0x0;
	v5 =	vadd.f32 v5, v6  }
0x3f5: {  	s12 =	sadd.s32 $0x10, s12;
	s15 =	sand.u32 $0x800, s13;
	s14 =	sand.u32 $0x380, s13  }
0x3f6: {  	s16 =	sor.u32 s14, s15;
	[tilespmem:s12+$0x0] =	vst v5  }
0x3f7: {  	v5 =	vld [tilespmem:s16+$0xD000]  }
0x3f8: {  	v6 =	vld [tilespmem:s16+$0xD010];
	_ =	sdelay $0x1  }
0x3f9: {  	v7 =	vld [tilespmem:s16+$0xD020];
	_ =	sdelay $0x1  }
0x3fa: {  	v52 =	vld [tilespmem:s16+$0xD030]  }
0x3fb: {  	v5 =	vsub.f32 v5, v27;
	v6 =	vsub.f32 v6, v31  }
0x3fc: {  	v53 =	vld [tilespmem:s16+$0xD040]  }
0x3fd: {  	v7 =	vsub.f32 v7, v35;
	v5 =	vmul.f32 v5, v5;
	v6 =	vmul.f32 v6, v6  }
0x3fe: {  	v54 =	vld [tilespmem:s16+$0xD050]  }
0x3ff: {  	v5 =	vadd.f32 v6, v5;
	v6 =	vmul.f32 v7, v7;
	v7 =	vsub.f32 v52, v29  }
0x400: {  	v46 =	vld [tilespmem:s16+$0xD060]  }
0x401: {  	v5 =	vadd.f32 v5, v6;
	v6 =	vmul.f32 v7, v7;
	v7 =	vsub.f32 v53, v25  }
0x402: {  	s4 =	sor.u32 s15, s13;
	v47 =	vld [tilespmem:s16+$0xD070]  }
0x403: {  	s4 =	sor.u32 $0x3400, s4;
	v5 =	vadd.f32 v5, v6;
	v6 =	vmul.f32 v7, v7;
	v7 =	vsub.f32 v54, v23  }
0x404: {  	v52 =	vld [tilespmem:s4+$0xA000]  }
0x405: {  	v5 =	vadd.f32 v5, v6;
	v6 =	vmul.f32 v7, v7;
	v7 =	vsub.f32 v46, v24  }
0x406: {  	s12 =	simm.s32 $0xE000;
	v53 =	vld [tilespmem:s4+$0xA010]  }
0x407: {  	v48 =	vld.idx.msk [tilespmem:v1+s12+$0x0], $0xffff;
	v9 =	vsub.f32 v47, v26;
	v6 =	vadd.f32 v5, v6;
	v7 =	vmul.f32 v7, v7  }
0x408: {  	v11 =	vld [tilespmem:s4+$0xA020]  }
0x409: {  	v10 =	vld [tilespmem:s4+$0xA030];
	v54 =	vsub.f32 v52, v28;
	v6 =	vadd.f32 v6, v7;
	v7 =	vmul.f32 v9, v9  }
0x40a: {  	v50 =	vld.idx.msk [tilespmem:v40+s12+$0x0], $0xffff  }
0x40b: {  	v40 =	vld [tilespmem:s4+$0xA040];
	v8 =	vsub.f32 v53, v30;
	v6 =	vadd.f32 v6, v7;
	v7 =	vmul.f32 v54, v54  }
0x40c: {  	v51 =	vld.idx.msk [tilespmem:v41+s12+$0x0], $0xffff  }
0x40d: {  	v47 =	vld [tilespmem:s4+$0xA050];
	v46 =	vsub.f32 v11, v32;
	v6 =	vadd.f32 v6, v7;
	v7 =	vmul.f32 v8, v8  }
0x40e: {  	v41 =	vld [tilespmem:s4+$0xA070]  }
0x40f: {  	v49 =	vsub.f32 v10, v33;
	v5 =	vld [tilespmem:$0x1FF90];
	v6 =	vadd.f32 v6, v7;
	v7 =	vmul.f32 v46, v46  }
0x410: {  	v10 =	vld [tilespmem:s4+$0xA060]  }
0x411: {  	v40 =	vsub.f32 v40, v34;
	v52 =	vld.idx.msk [tilespmem:v42+s12+$0x0], $0xffff;
	v6 =	vadd.f32 v6, v7;
	v7 =	vmul.f32 v49, v49  }
0x412: {  	v42 =	vsub.f32 v47, v36;
	v47 =	vld.idx.msk [tilespmem:v12+s12+$0x0], $0xffff  }
0x413: {  	v53 =	vld.idx.msk [tilespmem:v43+s12+$0x0], $0xffff;
	v6 =	vadd.f32 v6, v7;
	v7 =	vmul.f32 v40, v40  }
0x414: {  	v54 =	vld.idx.msk [tilespmem:v45+s12+$0x0], $0xffff  }
0x415: {  	v43 =	vsub.f32 v10, v37;
	v45 =	vld.idx.msk [tilespmem:v14+s12+$0x0], $0xffff;
	v6 =	vadd.f32 v6, v7;
	v7 =	vmul.f32 v42, v42  }
0x416: {  	v8 =	vsub.f32 v41, v38;
	v41 =	vld.idx.msk [tilespmem:v16+s12+$0x0], $0xffff  }
0x417: {  	v5 =	vld.idx.msk [tilespmem:v5+s12+$0x0], $0xffff;
	v6 =	vadd.f32 v6, v7;
	v7 =	vmul.f32 v43, v43  }
0x418: {  	v46 =	vld.idx.msk [tilespmem:v13+s12+$0x0], $0xffff  }
0x419: {  	v49 =	vld.idx.msk [tilespmem:v44+s12+$0x0], $0xffff;
	v6 =	vadd.f32 v6, v7;
	v7 =	vmul.f32 v8, v8  }
0x41a: {  	v44 =	vld.idx.msk [tilespmem:v15+s12+$0x0], $0xffff  }
0x41b: {  	s17 =	simm.s32 $0x100;
	s13 =	simm.s32 $0x80;
	v40 =	vld.idx.msk [tilespmem:v18+s12+$0x0], $0xffff;
	v6 =	vadd.f32 v6, v7  }
0x41c: {  	s15 =	sand.u32 $0x800, s17;
	s18 =	sand.u32 $0x380, s13;
	v42 =	vld.idx.msk [tilespmem:v17+s12+$0x0], $0xffff  }
0x41d: {  	s14 =	simm.s32 $0x200;
	s4 =	sor.u32 s18, s15;
	v43 =	vld.idx.msk [tilespmem:v19+s12+$0x0], $0xffff;
	[tilespmem:s12+$0x0] =	vst v6  }
.LBB2_17:
0x41e: {  	p0 =	sne.s32 s14, $0xF00;
	v6 =	vld [tilespmem:s4+$0xD000]  }
0x41f: {  	v7 =	vld [tilespmem:s4+$0xD010];
	_ =	sdelay $0x1  }
0x420: {  	v8 =	vld [tilespmem:s4+$0xD020];
	_ =	sdelay $0x1  }
0x421: {  	v9 =	vld [tilespmem:s4+$0xD030]  }
0x422: {  	v6 =	vsub.f32 v6, v27;
	v7 =	vsub.f32 v7, v31  }
0x423: {  	v10 =	vld [tilespmem:s4+$0xD040]  }
0x424: {  	v6 =	vmul.f32 v6, v6;
	v7 =	vmul.f32 v7, v7;
	v8 =	vsub.f32 v8, v35  }
0x425: {  	v11 =	vld [tilespmem:s4+$0xD050]  }
0x426: {  	v6 =	vadd.f32 v7, v6;
	v7 =	vmul.f32 v8, v8;
	v8 =	vsub.f32 v9, v29  }
0x427: {  	v9 =	vld [tilespmem:s4+$0xD060]  }
0x428: {  	v6 =	vadd.f32 v6, v7;
	v7 =	vmul.f32 v8, v8;
	v8 =	vsub.f32 v10, v25  }
0x429: {  	v10 =	vld [tilespmem:s4+$0xD070];
	s4 =	sor.u32 s15, s13  }
0x42a: {  	v6 =	vadd.f32 v6, v7;
	v7 =	vmul.f32 v8, v8;
	v8 =	vsub.f32 v11, v23;
	s4 =	sor.u32 $0x3400, s4  }
0x42b: {  	v11 =	vld [tilespmem:s4+$0xA000]  }
0x42c: {  	v6 =	vadd.f32 v6, v7;
	v7 =	vmul.f32 v8, v8;
	v8 =	vsub.f32 v9, v24  }
0x42d: {  	v9 =	vld [tilespmem:s4+$0xA010]  }
0x42e: {  	v6 =	vadd.f32 v6, v7;
	v7 =	vmul.f32 v8, v8;
	v8 =	vsub.f32 v10, v26  }
0x42f: {  	v10 =	vld [tilespmem:s4+$0xA020]  }
0x430: {  	v6 =	vadd.f32 v6, v7;
	v7 =	vmul.f32 v8, v8;
	v8 =	vsub.f32 v11, v28  }
0x431: {  	v11 =	vld [tilespmem:s4+$0xA030]  }
0x432: {  	v6 =	vadd.f32 v6, v7;
	v7 =	vmul.f32 v8, v8;
	v8 =	vsub.f32 v9, v30  }
0x433: {  	v9 =	vld [tilespmem:s4+$0xA040]  }
0x434: {  	v6 =	vadd.f32 v6, v7;
	v7 =	vmul.f32 v8, v8;
	v8 =	vsub.f32 v10, v32  }
0x435: {  	v10 =	vld [tilespmem:s4+$0xA050]  }
0x436: {  	v6 =	vadd.f32 v6, v7;
	v7 =	vmul.f32 v8, v8;
	v8 =	vsub.f32 v11, v33  }
0x437: {  	v11 =	vld [tilespmem:s4+$0xA060]  }
0x438: {  	v6 =	vadd.f32 v6, v7;
	v7 =	vmul.f32 v8, v8;
	v8 =	vsub.f32 v9, v34  }
0x439: {  	v9 =	vld [tilespmem:s4+$0xA070]  }
0x43a: {  	v6 =	vadd.f32 v6, v7;
	v7 =	vmul.f32 v8, v8;
	v8 =	vsub.f32 v10, v36;
	_ =	sdelay $0x1  }
0x43b: {  	v6 =	vadd.f32 v6, v7;
	v7 =	vmul.f32 v8, v8;
	v8 =	vsub.f32 v11, v37;
	_ =	sdelay $0x1  }
0x43c: {  	v6 =	vadd.f32 v6, v7;
	v7 =	vmul.f32 v8, v8;
	v8 =	vsub.f32 v9, v38;
	_ =	sdelay $0x1  }
.Ltmp7:
0x43d: {  	v6 =	vadd.f32 v6, v7;
	v7 =	vmul.f32 v8, v8;
	(pc) =	sbr.rel @p0 .LBB2_17-.Ltmp7, $4  }
0x43e: {  	_ = 	snop  }
0x43f: {  	s13 =	sadd.s32 $0x80, s13;
	v6 =	vadd.f32 v6, v7  }
0x440: {  	s12 =	sadd.s32 $0x10, s12;
	s15 =	sand.u32 $0x800, s14;
	s4 =	sand.u32 $0x380, s13  }
0x441: {  	s14 =	sadd.s32 $0x100, s14;
	s4 =	sor.u32 s4, s15;
	[tilespmem:s12+$0x0] =	vst v6  }
0x442: {  	v6 =	vld [tilespmem:s4+$0xD000]  }
0x443: {  	v7 =	vld [tilespmem:s4+$0xD010];
	_ =	sdelay $0x1  }
0x444: {  	v8 =	vld [tilespmem:s4+$0xD020];
	_ =	sdelay $0x1  }
0x445: {  	v9 =	vld [tilespmem:s4+$0xD030]  }
0x446: {  	v6 =	vsub.f32 v6, v27;
	v7 =	vsub.f32 v7, v31  }
0x447: {  	v10 =	vld [tilespmem:s4+$0xD040]  }
0x448: {  	v8 =	vsub.f32 v8, v35;
	v6 =	vmul.f32 v6, v6;
	v7 =	vmul.f32 v7, v7  }
0x449: {  	v11 =	vld [tilespmem:s4+$0xD050]  }
0x44a: {  	v35 =	vsub.f32 v9, v29;
	v8 =	vmul.f32 v8, v8;
	v6 =	vadd.f32 v7, v6  }
0x44b: {  	v9 =	vld [tilespmem:s4+$0xD060]  }
0x44c: {  	v7 =	vmul.f32 v35, v35;
	v6 =	vadd.f32 v6, v8;
	v8 =	vsub.f32 v10, v25  }
0x44d: {  	s13 =	sor.u32 s15, s13;
	v10 =	vld [tilespmem:s4+$0xD070]  }
0x44e: {  	s17 =	sor.u32 $0x3400, s13;
	v23 =	vsub.f32 v11, v23;
	v6 =	vadd.f32 v6, v7;
	v8 =	vmul.f32 v8, v8  }
0x44f: {  	v11 =	vld [tilespmem:s17+$0xA000]  }
0x450: {  	v7 =	vmul.f32 v23, v23;
	v6 =	vadd.f32 v6, v8;
	v8 =	vsub.f32 v9, v24  }
0x451: {  	v9 =	vld [tilespmem:s17+$0xA010]  }
0x452: {  	v25 =	vsub.f32 v10, v26;
	v6 =	vadd.f32 v6, v7;
	v8 =	vmul.f32 v8, v8  }
0x453: {  	v10 =	vld [tilespmem:s17+$0xA020]  }
0x454: {  	v7 =	vmul.f32 v25, v25;
	v6 =	vadd.f32 v6, v8;
	v8 =	vsub.f32 v11, v28  }
0x455: {  	v11 =	vld [tilespmem:s17+$0xA030]  }
0x456: {  	v26 =	vsub.f32 v9, v30;
	v6 =	vadd.f32 v6, v7;
	v8 =	vmul.f32 v8, v8  }
0x457: {  	v9 =	vld [tilespmem:s17+$0xA040]  }
0x458: {  	v7 =	vmul.f32 v26, v26;
	v6 =	vadd.f32 v6, v8;
	v8 =	vsub.f32 v10, v32  }
0x459: {  	v10 =	vld [tilespmem:s17+$0xA050]  }
0x45a: {  	v27 =	vsub.f32 v11, v33;
	v6 =	vadd.f32 v6, v7;
	v8 =	vmul.f32 v8, v8  }
0x45b: {  	v11 =	vld [tilespmem:s17+$0xA060]  }
0x45c: {  	v7 =	vmul.f32 v27, v27;
	v6 =	vadd.f32 v6, v8;
	v8 =	vsub.f32 v9, v34  }
0x45d: {  	v9 =	vld [tilespmem:s17+$0xA070]  }
0x45e: {  	v28 =	vsub.f32 v10, v36;
	v6 =	vadd.f32 v6, v7;
	v8 =	vmul.f32 v8, v8;
	_ =	sdelay $0x1  }
0x45f: {  	v7 =	vmul.f32 v28, v28;
	v6 =	vadd.f32 v6, v8;
	v8 =	vsub.f32 v11, v37  }
0x460: {  	v30 =	vld [tilespmem:$0x1FD40]  }
0x461: {  	v29 =	vsub.f32 v9, v38;
	v6 =	vadd.f32 v6, v7;
	v8 =	vmul.f32 v8, v8  }
0x462: {  	v31 =	vld [tilespmem:$0x1FD50]  }
0x463: {  	v7 =	vmul.f32 v29, v29;
	v6 =	vadd.f32 v6, v8  }
0x464: {  	v9 =	vld [tilespmem:$0x1FD60]  }
0x465: {  	v10 =	vld [tilespmem:$0x1FF90];
	v6 =	vadd.f32 v6, v7;
	v7 =	vadd.f32 $0.0e+00, v30  }
0x466: {  	s18 =	sadd.s32 $0x10, s12;
	v11 =	vld [tilespmem:$0x1FD70]  }
0x467: {  	[tilespmem:s18+$0x0] =	vst v6;
	v6 =	vadd.f32 v31, v7;
	_ =	sdelay $0x1  }
0x468: {  	v6 =	vadd.f32 v9, v6  }
0x469: {  	v8 =	vld.idx.msk [tilespmem:v1+s29+$0x0], $0xffff  }
0x46a: {  	v32 =	vadd.f32 $0.0e+00, v63;
	v6 =	vadd.f32 v11, v6;
	v11 =	vld [tilespmem:$0x1FFA0]  }
0x46b: {  	v34 =	vld [tilespmem:$0x1FFB0]  }
0x46c: {  	v0 =	vadd.f32 v0, v32;
	v33 =	vld.idx.msk [tilespmem:v10+s29+$0x0], $0xffff  }
0x46d: {  	v9 =	vadd.f32 $0.0e+00, v48  }
0x46e: {  	v35 =	vld [tilespmem:$0x1FFC0];
	v0 =	vadd.f32 v4, v0  }
0x46f: {  	v5 =	vadd.f32 v5, v9;
	v9 =	vld [tilespmem:$0x1FD80];
	v8 =	vadd.f32 $0.0e+00, v8;
	_ =	sdelay $0x1  }
0x470: {  	v0 =	vadd.f32 v20, v0;
	v7 =	vadd.f32 v33, v8;
	v8 =	vld [tilespmem:$0x1FD90]  }
0x471: {  	v4 =	vld.idx.msk [tilespmem:v11+s29+$0x0], $0xffff  }
0x472: {  	v36 =	vld [tilespmem:$0x1FDA0];
	v0 =	vadd.f32 v21, v0  }
0x473: {  	v6 =	vadd.f32 v9, v6;
	v9 =	vld.idx.msk [tilespmem:v34+s29+$0x0], $0xffff  }
0x474: {  	v37 =	vld [tilespmem:$0x1FFD0];
	v0 =	vadd.f32 v22, v0  }
0x475: {  	v6 =	vadd.f32 v8, v6;
	v8 =	vld.idx.msk [tilespmem:v35+s29+$0x0], $0xffff  }
0x476: {  	v0 =	vadd.f32 v39, v0;
	v39 =	vld [tilespmem:$0x1FFE0];
	v4 =	vadd.f32 v4, v7  }
0x477: {  	v48 =	vld [tilespmem:$0x1FFF0]  }
0x478: {  	v4 =	vadd.f32 v9, v4;
	v9 =	vld [tilespmem:$0x1FDB0];
	_ =	sdelay $0x1  }
0x479: {  	v4 =	vadd.f32 v8, v4;
	v8 =	vld [tilespmem:$0x1FDC0]  }
0x47a: {  	v6 =	vadd.f32 v36, v6  }
0x47b: {  	v38 =	vld.idx.msk [tilespmem:v37+s29+$0x0], $0xffff  }
0x47c: {  	v5 =	vadd.f32 v50, v5;
	v50 =	vld [tilespmem:$0x1FDD0];
	v6 =	vadd.f32 v9, v6  }
0x47d: {  	v9 =	vld.idx.msk [tilespmem:v39+s29+$0x0], $0xffff  }
0x47e: {  	v5 =	vadd.f32 v51, v5;
	v6 =	vadd.f32 v8, v6;
	v8 =	vld [tilespmem:$0x1FDE0]  }
0x47f: {  	v0 =	vadd.f32 v2, v0;
	v2 =	vld.idx.msk [tilespmem:v48+s29+$0x0], $0xffff  }
0x480: {  	v5 =	vadd.f32 v52, v5;
	v4 =	vadd.f32 v38, v4  }
0x481: {  	v51 =	vld.idx.msk [tilespmem:v12+s29+$0x0], $0xffff;
	v6 =	vadd.f32 v50, v6  }
0x482: {  	v5 =	vadd.f32 v53, v5;
	v4 =	vadd.f32 v9, v4  }
0x483: {  	v0 =	vadd.f32 v62, v0;
	v6 =	vadd.f32 v8, v6;
	v8 =	vld.idx.msk [tilespmem:v13+s29+$0x0], $0xffff  }
0x484: {  	v5 =	vadd.f32 v54, v5;
	v2 =	vadd.f32 v2, v4;
	v4 =	vld [tilespmem:$0x1FDF0]  }
0x485: {  	v0 =	vadd.f32 v61, v0  }
0x486: {  	v53 =	vld [tilespmem:$0x1FE00];
	v5 =	vadd.f32 v49, v5;
	v2 =	vadd.f32 v51, v2  }
0x487: {  	v0 =	vadd.f32 v60, v0  }
0x488: {  	v5 =	vadd.f32 v47, v5;
	v2 =	vadd.f32 v8, v2;
	v8 =	vld [tilespmem:$0x1FE10]  }
0x489: {  	v4 =	vadd.f32 v4, v6  }
0x48a: {  	v0 =	vadd.f32 v59, v0;
	v59 =	vld [tilespmem:$0x1FE20];
	v5 =	vadd.f32 v46, v5  }
0x48b: {  	v4 =	vadd.f32 v53, v4  }
0x48c: {  	v61 =	vld [tilespmem:$0x1FE30];
	v5 =	vadd.f32 v45, v5  }
0x48d: {  	v0 =	vadd.f32 v58, v0;
	v52 =	vld.idx.msk [tilespmem:v14+s29+$0x0], $0xffff;
	v4 =	vadd.f32 v8, v4  }
0x48e: {  	v5 =	vadd.f32 v44, v5  }
0x48f: {  	v0 =	vadd.f32 v57, v0;
	v54 =	vld.idx.msk [tilespmem:v15+s29+$0x0], $0xffff;
	v4 =	vadd.f32 v59, v4  }
0x490: {  	v5 =	vadd.f32 v43, v5  }
0x491: {  	v0 =	vadd.f32 v55, v0;
	v8 =	vld.idx.msk [tilespmem:v19+s29+$0x0], $0xffff;
	v4 =	vadd.f32 v61, v4  }
0x492: {  	v5 =	vadd.f32 v42, v5;
	v2 =	vadd.f32 v52, v2  }
0x493: {  	v60 =	vld.idx.msk [tilespmem:v17+s29+$0x0], $0xffff;
	v0 =	vadd.f32 v56, v0;
	vm1 =	vlt.f32 v4, $+Inf;
	vm2 =	vgt.f32 v4, $+Inf  }
0x494: {  	v5 =	vadd.f32 v40, v5;
	v2 =	vadd.f32 v54, v2;
	vm1 =	vmor vm2, vm1  }
0x495: {  	v62 =	vld.idx.msk [tilespmem:v18+s29+$0x0], $0xffff;
	v4 =	vnsel vm1, $0x7F800000, v4  }
0x496: {  	v5 =	vadd.f32 v41, v5;
	v2 =	vadd.f32 v8, v2;
	vm2 =	vlt.f32 v0, v4  }
0x497: {  	v8 =	vld.idx.msk [tilespmem:v16+s29+$0x0], $0xffff;
	v0 =	vsel vm2, v0, v4;
	v4 =	vlaneseq.u32  }
0x498: {  	v63 =	vld [tilespmem:$0x1FE40];
	v2 =	vadd.f32 v60, v2;
	v4 =	vnsel vm1, $0x0, v4;
	vm1 =	vlt.f32 v5, v0  }
0x499: {  	v0 =	vsel vm1, v5, v0;
	v5 =	vld [tilespmem:$0x1FE50]  }
0x49a: {  	v2 =	vadd.f32 v62, v2;
	_ =	sdelay $0x1  }
0x49b: {  	v2 =	vadd.f32 v8, v2  }
0x49c: {  	v4 =	vsel vm2, v63, v4  }
0x49d: {  	v4 =	vsel vm1, v5, v4;
	vm1 =	vlt.f32 v2, v0  }
0x49e: {  	v0 =	vsel vm1, v2, v0;
	v2 =	vld [tilespmem:$0x1FE60];
	_ =	sdelay $0x4  }
0x49f: {  	v2 =	vsel vm1, v2, v4  }
0x4a0: {  	(xrf1) =	vsort.ascd.msk.f32 $0xffff, v0, v2;
	_ =	sdelay $0x3  }
0x4a1: {  	v0 =	vmov s11  }
0x4a2: {  	v2 =	vshll.u32 v0, $0x7;
	_ =	sdelay $0x4  }
0x4a3: {  	v2 =	vld.idx.msk [tilespmem:v2+s3+$0x0], $0xffff  }
0x4a4: {  	s10 =	sadd.s32 $0x1, s10  }
0x4a5: {  	p0 =	sne.s32 s10, $0x20  }
.Ltmp8:
0x4a6: {  	_ = 	snop;
	(pc) =	sbr.rel @p0 .LBB2_2-.Ltmp8, $4  }
0x4a7: {  	v4, v5, _ =	vpop (xrf1)  }
0x4a8: {  	v2 =	vadd.s32 v2, v5  }
0x4a9: {  	v46 =	vmov v48;
	[tilespmem:v0+s30+$0x0] =	vst.idx.msk $0x1, v2  }
0x4aa: {  	v45 =	vmovc v39;
	v44 =	vmovc v37;
	v43 =	vmov v35;
	v42 =	vmov v34;
	v9 =	vmov v11;
	[tilespmem:v0+s31+$0x0] =	vst.idx.msk $0x1, v4  }
0x4ab: {  	[hbm4b:s6+s3] =	stream.linear.scatter [tilespmem:s30], [sflag:$0x3], $0x40, $0x38;
	[tilespmem:$0xE200] =	vst v63  }
0x4ac: {  	s0 =	sadd.s32 $0x1, s0;
	_ =	swait.ge [sflag:s9], $0x40  }
0x4ad: {  	p0 =	sne.s32 s0, s8;
	[sflag:s9] =	ssyncset.done $0x0  }
.Ltmp9:
0x4ae: {  	[sflag:s9] =	ssyncadd.s32 $0xFFFFFFC0;
	(pc) =	sbr.rel @p0 .LBB2_1-.Ltmp9, $4  }
0x4af: {  	[hbm4b:s7+s3] =	stream.linear.scatter [tilespmem:s31], [sflag:$0x3], $0x40, $0x38;
	[tilespmem:$0xE200] =	vst v63  }
0x4b0: {  	_ =	swait.ge [sflag:s9], $0x40  }
0x4b1: {  	[sflag:s9] =	ssyncset.done $0x0  }
0x4b2: {  	[sflag:s9] =	ssyncadd.s32 $0xFFFFFFC0  }
0x4b3: {  	_ =	sfence.sel $0x180000  }
0x4b4: {  	[bflag:$0x0] =	sbarrier.arrive $0xFFFF  }
0x4b5: {  	_ =	strace $0x90000047  }
0x4b6: {  	s0 =	stileid.u32;
	[bflag:$0x2] =	sbarrier.arrive $0xFFFF  }
0x4b7: {  	p0 =	sne.s32 s0, $0x0;
	s0 =	rddreg [dreg:$0x3]  }
0x4b8: {  	s0 =	sadd.s32 @!p0 $0x100000, s0  }
0x4b9: {  	[sflag:s0] =	ssyncadd.tile.s32 @!p0 $0x1;
	_ =	shalt  }
.Lfunc_end2:
_tile_overlayer_lowered:
.L_overlay_start_2:
0x4ba: {  	(tag) =	ssettag $0x2  }
0x4bb: {  	s0 =	rddreg [dreg:$0x0];
	s2 =	stileid.u32  }
0x4bc: {  	s1 =	rddreg [dreg:$0x1];
	p0 =	sne.s32 s2, $0x0  }
0x4bd: {  	s3 =	rddreg [dreg:$0x2];
	[bflag:$0x3] =	sbarrier.arrive $0xFFFF;
	s2 =	simm.s32 @!p0 $0x1C03  }
0x4be: {  	[timem:s3], [sflag:s2] =	dma.local @!p0 [hbm:s0], s1  }
0x4bf: {  	s0 =	simm.s32 @!p0 $0x3  }
0x4c0: {  	_ =	swait.ge @!p0 [sflag:s0], s1  }
0x4c1: {  	s1 =	ssub.s32 @!p0 $0x0, s1;
	[sflag:s0] =	ssyncset.done @!p0 $0x0  }
0x4c2: {  	[sflag:s0] =	ssyncadd.s32 @!p0 s1  }
0x4c3: {  	[bflag:$0x3] =	sbarrier.arrive $0xFFFF  }
0x4c4: {  	_ =	shalt  }

</sc_bundles>
